<compile_context>
chip_gen: v7x
topology: tpu7x:2x2x1
jax: 0.10.2.dev20260603
libtpu: 0.0.44.dev20260713+nightly
codegen_flags: <defaults>
</compile_context>

<pallas_src>
import jax
import jax.numpy as jnp
from jax import lax
from jax.experimental import pallas as pl
from jax.experimental.pallas import tpu as pltpu
from jax.experimental.pallas import tpu_sc as plsc

N = 10000
NP = 10240
E = 320000
D = 128
G = 100

NC = 2
NS = 16
NW = NC * NS
EPT = E // NW
K = 80
NCHUNK = EPT // K
BPT = NP // NW
NBCH = BPT // K
ROWS_PT = NP // NS
CNT_PAD = 256
SP_PAD = (G + 1) * NP
SP_SLICE = SP_PAD // NS
RB = NP // 8
NBLK = NP // RB


def _sc_mesh():
  return plsc.VectorSubcoreMesh(
      core_axis_name="c", subcore_axis_name="s", num_cores=NC, num_subcores=NS)


def _sc_params():
  return pltpu.CompilerParams(needs_layout_passes=False)


def _sc_hist_body(dst3, batch3, z640, z256, deg_out, cnt_out,
                  deg_sh, cnt_sh, dst_v, b_v, ones_v, sem):
  c = lax.axis_index("c")
  s = lax.axis_index("s")
  w = c * NS + s

  pltpu.sync_copy(z640, deg_sh.at[pl.ds(s * 640, 640)])

  @pl.when(s == 0)
  def _():
    pltpu.sync_copy(z256, cnt_sh)

  pltpu.sync_copy(dst3.at[w], dst_v)
  pltpu.sync_copy(batch3.at[w], b_v)
  for k in range(K // 16):
    ones_v[pl.ds(k * 16, 16)] = jnp.ones((16,), jnp.float32)

  plsc.subcore_barrier()

  @pl.loop(0, NCHUNK)
  def _(j):
    pltpu.async_copy(ones_v, deg_sh.at[dst_v.at[j]], sem, add=True)

  @pl.loop(0, NBCH)
  def _(j):
    pltpu.async_copy(ones_v, cnt_sh.at[b_v.at[j]], sem, add=True)

  @pl.loop(0, NCHUNK)
  def _(j):
    pltpu.make_async_copy(ones_v, deg_sh.at[dst_v.at[j]], sem).wait()

  @pl.loop(0, NBCH)
  def _(j):
    pltpu.make_async_copy(ones_v, cnt_sh.at[b_v.at[j]], sem).wait()

  plsc.subcore_barrier()

  pltpu.sync_copy(deg_sh.at[pl.ds(s * 640, 640)],
                  deg_out.at[c, pl.ds(s * 640, 640)])

  @pl.when(s == 0)
  def _():
    pltpu.sync_copy(cnt_sh, cnt_out.at[c])


def _sc_hist(dst3, batch3, z640, z256):
  return pl.kernel(
      _sc_hist_body,
      out_type=[
          jax.ShapeDtypeStruct((NC, NP), jnp.float32),
          jax.ShapeDtypeStruct((NC, CNT_PAD), jnp.float32),
      ],
      mesh=_sc_mesh(),
      scratch_types=[
          pltpu.VMEM_SHARED((NP,), jnp.float32),
          pltpu.VMEM_SHARED((CNT_PAD,), jnp.float32),
          pltpu.VMEM((NCHUNK, K), jnp.int32),
          pltpu.VMEM((NBCH, K), jnp.int32),
          pltpu.VMEM((K,), jnp.float32),
          pltpu.SemaphoreType.DMA,
      ],
      compiler_params=_sc_params(),
      name="sc_hist",
  )(dst3, batch3, z640, z256)


NCHB = 128
PH = 64


def _db_run(u, acc_sh, src_v, dst_v, rows_a, rows_b, sem_a, sem_b, count):
  pltpu.async_copy(u.at[src_v.at[0]], rows_a, sem_a)
  npairs = (count - 2) // 2

  @pl.loop(0, npairs)
  def _(i):
    j0 = 2 * i
    pltpu.async_copy(u.at[src_v.at[j0 + 1]], rows_b, sem_b)
    pltpu.make_async_copy(u.at[src_v.at[j0]], rows_a, sem_a).wait()
    pltpu.sync_copy(rows_a, acc_sh.at[dst_v.at[j0]], add=True)
    pltpu.async_copy(u.at[src_v.at[j0 + 2]], rows_a, sem_a)
    pltpu.make_async_copy(u.at[src_v.at[j0 + 1]], rows_b, sem_b).wait()
    pltpu.sync_copy(rows_b, acc_sh.at[dst_v.at[j0 + 1]], add=True)

  if count % 2 == 0:
    pltpu.async_copy(u.at[src_v.at[count - 1]], rows_b, sem_b)
    pltpu.make_async_copy(u.at[src_v.at[count - 2]], rows_a, sem_a).wait()
    pltpu.sync_copy(rows_a, acc_sh.at[dst_v.at[count - 2]], add=True)
    pltpu.make_async_copy(u.at[src_v.at[count - 1]], rows_b, sem_b).wait()
    pltpu.sync_copy(rows_b, acc_sh.at[dst_v.at[count - 1]], add=True)
  else:
    pltpu.async_copy(u.at[src_v.at[count - 2]], rows_b, sem_b)
    pltpu.make_async_copy(u.at[src_v.at[count - 3]], rows_a, sem_a).wait()
    pltpu.sync_copy(rows_a, acc_sh.at[dst_v.at[count - 3]], add=True)
    pltpu.async_copy(u.at[src_v.at[count - 1]], rows_a, sem_a)
    pltpu.make_async_copy(u.at[src_v.at[count - 2]], rows_b, sem_b).wait()
    pltpu.sync_copy(rows_b, acc_sh.at[dst_v.at[count - 2]], add=True)
    pltpu.make_async_copy(u.at[src_v.at[count - 1]], rows_a, sem_a).wait()
    pltpu.sync_copy(rows_a, acc_sh.at[dst_v.at[count - 1]], add=True)


def _sc_edge_agg_body(src3, dst3, u, acc_out,
                      acc_sh, src_v, dst_v, rows_a, rows_b, sem_a, sem_b):
  c = lax.axis_index("c")
  s = lax.axis_index("s")
  w = c * NS + s

  @pl.loop(0, K)
  def _(q):
    for l in range(D // 16):
      rows_a[q, pl.ds(l * 16, 16)] = jnp.zeros((16,), jnp.float32)

  for q in range(ROWS_PT // K):
    pltpu.sync_copy(rows_a, acc_sh.at[pl.ds(s * ROWS_PT + q * K, K)])

  pltpu.sync_copy(src3.at[w, pl.ds(0, PH)], src_v)
  pltpu.sync_copy(dst3.at[w, pl.ds(0, PH)], dst_v)

  plsc.subcore_barrier()

  _db_run(u, acc_sh, src_v, dst_v, rows_a, rows_b, sem_a, sem_b, PH)

  pltpu.sync_copy(src3.at[w, pl.ds(PH, PH)], src_v)
  pltpu.sync_copy(dst3.at[w, pl.ds(PH, PH)], dst_v)
  _db_run(u, acc_sh, src_v, dst_v, rows_a, rows_b, sem_a, sem_b, PH)

  plsc.subcore_barrier()

  for q in range(ROWS_PT // K):
    pltpu.sync_copy(acc_sh.at[pl.ds(s * ROWS_PT + q * K, K)], rows_a)
    pltpu.sync_copy(rows_a, acc_out.at[c, pl.ds(s * ROWS_PT + q * K, K)])


def _sc_edge_agg(src3, dst3, u):
  return pl.kernel(
      _sc_edge_agg_body,
      out_type=jax.ShapeDtypeStruct((NC, NP, D), jnp.float32),
      mesh=_sc_mesh(),
      scratch_types=[
          pltpu.VMEM_SHARED((NP, D), jnp.float32),
          pltpu.VMEM((PH, K), jnp.int32),
          pltpu.VMEM((PH, K), jnp.int32),
          pltpu.VMEM((K, D), jnp.float32),
          pltpu.VMEM((K, D), jnp.float32),
          pltpu.SemaphoreType.DMA,
          pltpu.SemaphoreType.DMA,
      ],
      compiler_params=_sc_params(),
      name="sc_edge_agg",
  )(src3, dst3, u)


PC = 32
NPC = NCHB // PC


def _sc_sp_body(src3, dst3, fb_h, c2_h, dinv_h, zsp, sp_out,
                sp_sh, src_v, dst_v, fb_v, c2_v, dinv_v,
                fbig0, vbig0, fbig1, vbig1, sem0, sem1):
  c = lax.axis_index("c")
  s = lax.axis_index("s")
  w = c * NS + s

  pltpu.sync_copy(zsp, sp_sh.at[pl.ds(s * SP_SLICE, SP_SLICE)])
  pltpu.sync_copy(fb_h, fb_v)
  pltpu.sync_copy(c2_h, c2_v)
  pltpu.sync_copy(dinv_h, dinv_v)

  plsc.subcore_barrier()

  bufs = [(fbig0, vbig0, sem0), (fbig1, vbig1, sem1)]
  for p in range(NPC):
    fbig, vbig, sem = bufs[p % 2]
    if p >= 2:
      @pl.loop(0, PC)
      def _(j):
        pltpu.make_async_copy(vbig.at[j], sp_sh.at[fbig.at[j]], sem).wait()

    pltpu.sync_copy(src3.at[w, pl.ds(p * PC, PC)], src_v)
    pltpu.sync_copy(dst3.at[w, pl.ds(p * PC, PC)], dst_v)

    @pl.loop(0, PC)
    def _(j):
      for k in range(K // 16):
        sv = src_v[j, pl.ds(k * 16, 16)]
        dv = dst_v[j, pl.ds(k * 16, 16)]
        val = plsc.load_gather(dinv_v, [sv]) * plsc.load_gather(c2_v, [dv])
        vbig[j, pl.ds(k * 16, 16)] = val
        fbig[j, pl.ds(k * 16, 16)] = plsc.load_gather(fb_v, [dv]) + sv

    @pl.loop(0, PC)
    def _(j):
      pltpu.async_copy(vbig.at[j], sp_sh.at[fbig.at[j]], sem, add=True)

  for p in (NPC - 2, NPC - 1):
    fbig, vbig, sem = bufs[p % 2]

    @pl.loop(0, PC)
    def _(j):
      pltpu.make_async_copy(vbig.at[j], sp_sh.at[fbig.at[j]], sem).wait()

  plsc.subcore_barrier()

  pltpu.sync_copy(sp_sh.at[pl.ds(s * SP_SLICE, SP_SLICE)],
                  sp_out.at[c, pl.ds(s * SP_SLICE, SP_SLICE)])


def _sc_sp(src3b, dst3b, fb_h, c2_h, dinv_h, zsp):
  return pl.kernel(
      _sc_sp_body,
      out_type=jax.ShapeDtypeStruct((NC, SP_PAD), jnp.float32),
      mesh=_sc_mesh(),
      scratch_types=[
          pltpu.VMEM_SHARED((SP_PAD,), jnp.float32),
          pltpu.VMEM((PC, K), jnp.int32),
          pltpu.VMEM((PC, K), jnp.int32),
          pltpu.VMEM((NP,), jnp.int32),
          pltpu.VMEM((NP,), jnp.float32),
          pltpu.VMEM((NP,), jnp.float32),
          pltpu.VMEM((PC, K), jnp.int32),
          pltpu.VMEM((PC, K), jnp.float32),
          pltpu.VMEM((PC, K), jnp.int32),
          pltpu.VMEM((PC, K), jnp.float32),
          pltpu.SemaphoreType.DMA,
          pltpu.SemaphoreType.DMA,
      ],
      compiler_params=_sc_params(),
      name="sc_sp",
  )(src3b, dst3b, fb_h, c2_h, dinv_h, zsp)


def _tc_prep_body(x_ref, w1_ref, deg_ref, cnt_ref, batch_ref,
                  u_ref, dinv_ref, ac_ref, fb_ref, c2_ref):
  deg = deg_ref[0, 0, 0, :] + deg_ref[1, 0, 0, :] + 1.0
  dinv = lax.rsqrt(deg)
  xw = jnp.dot(x_ref[...], w1_ref[...],
               preferred_element_type=jnp.float32)
  u_ref[...] = dinv[:, None] * xw
  dinv_ref[0, 0, :] = dinv

  cntsum = cnt_ref[0, :] + cnt_ref[1, :]
  cntinv = 1.0 / jnp.maximum(cntsum, 1.0)

  oh = (batch_ref[0, 0, :][:, None]
        == lax.broadcasted_iota(jnp.int32, (RB, CNT_PAD), 1))
  cpn = jnp.dot(oh.astype(jnp.float32), cntinv[:, None],
                preferred_element_type=jnp.float32)[:, 0]
  c2 = dinv * cpn
  c2_ref[0, 0, :] = c2
  ac_ref[0, 0, :] = dinv * c2
  fb_ref[0, 0, :] = batch_ref[0, 0, :] * NP


def _tc_prep(xp, W1, deg4, cnt, batch3d):
  return pl.pallas_call(
      _tc_prep_body,
      grid=(NBLK,),
      in_specs=[
          pl.BlockSpec((RB, D), lambda i: (i, 0)),
          pl.BlockSpec((D, D), lambda i: (0, 0)),
          pl.BlockSpec((NC, 1, 1, RB), lambda i: (0, i, 0, 0)),
          pl.BlockSpec((NC, CNT_PAD), lambda i: (0, 0)),
          pl.BlockSpec((1, 1, RB), lambda i: (i, 0, 0)),
      ],
      out_specs=[
          pl.BlockSpec((RB, D), lambda i: (i, 0)),
          pl.BlockSpec((1, 1, RB), lambda i: (i, 0, 0)),
          pl.BlockSpec((1, 1, RB), lambda i: (i, 0, 0)),
          pl.BlockSpec((1, 1, RB), lambda i: (i, 0, 0)),
          pl.BlockSpec((1, 1, RB), lambda i: (i, 0, 0)),
      ],
      out_shape=[
          jax.ShapeDtypeStruct((NP, D), jnp.float32),
          jax.ShapeDtypeStruct((NBLK, 1, RB), jnp.float32),
          jax.ShapeDtypeStruct((NBLK, 1, RB), jnp.float32),
          jax.ShapeDtypeStruct((NBLK, 1, RB), jnp.int32),
          jax.ShapeDtypeStruct((NBLK, 1, RB), jnp.float32),
      ],
      name="tc_prep",
  )(xp, W1, deg4, cnt, batch3d)


def _tc_pool_body(acc_ref, u_ref, dinv_ref, ac_ref, batch_ref, sp_ref,
                  cnt_ref, b1_ref, w2_ref, b2_ref, out_ref, accum):
  i = pl.program_id(0)
  accs = acc_ref[0] + acc_ref[1] + u_ref[...]
  h1 = jnp.maximum(dinv_ref[0, 0, :][:, None] * accs
                   + b1_ref[0, :][None, :], 0.0)
  iota_g = lax.broadcasted_iota(jnp.int32, (G, RB), 0)
  spb = sp_ref[0] + sp_ref[1] + jnp.where(
      batch_ref[0, 0, :][None, :] == iota_g,
      ac_ref[0, 0, :][None, :], 0.0)
  part = jnp.dot(spb, h1, preferred_element_type=jnp.float32)

  @pl.when(i == 0)
  def _():
    accum[...] = jnp.zeros_like(accum)

  accum[...] += part

  @pl.when(i == pl.num_programs(0) - 1)
  def _():
    cntsum = cnt_ref[0, :G] + cnt_ref[1, :G]
    mask = (cntsum > 0.0).astype(jnp.float32)[:, None]
    out_ref[...] = (jnp.dot(accum[...], w2_ref[...],
                            preferred_element_type=jnp.float32)
                    + mask * b2_ref[0, :][None, :])


def _tc_pool(acc_pb, u, dinv3, ac3, batch3d, sp3, cnt, b1r, W2, b2r):
  return pl.pallas_call(
      _tc_pool_body,
      grid=(NBLK,),
      in_specs=[
          pl.BlockSpec((NC, RB, D), lambda i: (0, i, 0)),
          pl.BlockSpec((RB, D), lambda i: (i, 0)),
          pl.BlockSpec((1, 1, RB), lambda i: (i, 0, 0)),
          pl.BlockSpec((1, 1, RB), lambda i: (i, 0, 0)),
          pl.BlockSpec((1, 1, RB), lambda i: (i, 0, 0)),
          pl.BlockSpec((NC, G, RB), lambda i: (0, 0, i)),
          pl.BlockSpec((NC, CNT_PAD), lambda i: (0, 0)),
          pl.BlockSpec((1, D), lambda i: (0, 0)),
          pl.BlockSpec((D, D), lambda i: (0, 0)),
          pl.BlockSpec((1, D), lambda i: (0, 0)),
      ],
      out_specs=pl.BlockSpec((G, D), lambda i: (0, 0)),
      out_shape=jax.ShapeDtypeStruct((G, D), jnp.float32),
      scratch_shapes=[pltpu.VMEM((G, D), jnp.float32)],
      name="tc_pool",
  )(acc_pb, u, dinv3, ac3, batch3d, sp3, cnt, b1r, W2, b2r)


def kernel(x, edge_index, batch, W1, b1, W2, b2):
  src = edge_index[0]
  dst = edge_index[1]
  src3 = src.reshape(NW, NCHUNK, K)
  dst3 = dst.reshape(NW, NCHUNK, K)
  npad = NW * NCHB * K - E
  pad_idx = N + jnp.arange(npad, dtype=jnp.int32) % (NP - N)
  srcb = jnp.concatenate([src, pad_idx])
  dstb = jnp.concatenate([dst, pad_idx])
  src3b = srcb.reshape(NW, NCHB, K)
  dst3b = dstb.reshape(NW, NCHB, K)
  batch_p = jnp.concatenate([batch, jnp.full((NP - N,), G, jnp.int32)])
  batch3 = batch_p.reshape(NW, NBCH, K)
  batch3d = batch_p.reshape(NBLK, 1, RB)
  xp = jnp.concatenate([x, jnp.zeros((NP - N, D), jnp.float32)], axis=0)

  z640 = jnp.zeros((640,), jnp.float32)
  z256 = jnp.zeros((CNT_PAD,), jnp.float32)
  zsp = jnp.zeros((SP_SLICE,), jnp.float32)

  deg_pb, cnt_pb = _sc_hist(dst3, batch3, z640, z256)
  deg4 = deg_pb.reshape(NC, NBLK, 1, RB)

  u, dinv3, ac3, fb3, c23 = _tc_prep(xp, W1, deg4, cnt_pb, batch3d)

  acc_pb = _sc_edge_agg(src3b, dst3b, u)
  sp_pb = _sc_sp(src3b, dst3b, fb3.reshape(NP), c23.reshape(NP),
                 dinv3.reshape(NP), zsp)
  sp3 = sp_pb[:, :G * NP].reshape(NC, G, NP)

  return _tc_pool(acc_pb, u, dinv3, ac3, batch3d, sp3, cnt_pb,
                  b1.reshape(1, D), W2, b2.reshape(1, D))

# --- scband reference (transcript-rebuilt; emitter-appended) ---
"""Pipeline reference for scband-custom-embedding-net-gnn-5626407157843 (READ-ONLY COPY).

The authoritative reference and input builder live on the scoring server;
editing this copy changes nothing except your own understanding.
"""

import jax, jax.numpy as jnp
import numpy as np

N_NODES = 10000
N_EDGES = 320000
D_IN = 128
D_HID = 128
D_OUT = 128
NUM_GRAPHS = 100


def gcn_conv(x, src, dst, W, b, num_nodes):
    # GCNConv: x' = D^{-1/2} (A + I) D^{-1/2} X W + b  (symmetric norm, self-loops)
    xw = x @ W
    loop = jnp.arange(num_nodes, dtype=src.dtype)
    src2 = jnp.concatenate([src, loop])
    dst2 = jnp.concatenate([dst, loop])
    deg = jnp.zeros((num_nodes,), x.dtype).at[dst2].add(1.0)
    dinv = jax.lax.rsqrt(jnp.maximum(deg, 1.0))
    norm = dinv[src2] * dinv[dst2]
    msg = xw[src2] * norm[:, None]
    out = jnp.zeros((num_nodes, W.shape[1]), x.dtype).at[dst2].add(msg)
    return out + b


def setup_inputs(seed: int = 0) -> dict:
    key = jax.random.key(seed)
    k1, k2, k3, k4, k5, k6, k7 = jax.random.split(key, 7)
    x = jax.random.normal(k1, (N_NODES, D_IN), dtype=jnp.float32)
    edge_index = jax.random.randint(k2, (2, N_EDGES), 0, N_NODES, dtype=jnp.int32)
    batch = jnp.sort(jax.random.randint(k3, (N_NODES,), 0, NUM_GRAPHS, dtype=jnp.int32))
    W1 = jax.random.normal(k4, (D_IN, D_HID), dtype=jnp.float32) * 0.05
    b1 = jax.random.normal(k5, (D_HID,), dtype=jnp.float32) * 0.05
    W2 = jax.random.normal(k6, (D_HID, D_OUT), dtype=jnp.float32) * 0.05
    b2 = jax.random.normal(k7, (D_OUT,), dtype=jnp.float32) * 0.05
    return {"x": x, "edge_index": edge_index, "batch": batch, "W1": W1, "b1": b1, "W2": W2, "b2": b2}


def reference(x, edge_index, batch, W1, b1, W2, b2):
    src, dst = edge_index[0], edge_index[1]
    h = gcn_conv(x, src, dst, W1, b1, N_NODES)
    h = jax.nn.relu(h)
    h = gcn_conv(h, src, dst, W2, b2, N_NODES)
    # per-graph mean pooling (equivalent to cat of per-graph means over unique batch ids)
    sums = jax.ops.segment_sum(h, batch, num_segments=NUM_GRAPHS)
    counts = jax.ops.segment_sum(jnp.ones((N_NODES, 1), h.dtype), batch, num_segments=NUM_GRAPHS)
    return sums / jnp.maximum(counts, 1.0)

if __name__ == "__main__":
    import jax
    _d = setup_inputs()
    print(jax.jit(kernel)(*tuple(_d.values())))

</pallas_src>

<mosaic_0001>
#map = affine_map<(d0, d1) -> (0, 0, 0)>
#map1 = affine_map<(d0, d1) -> (0)>
#map2 = affine_map<(d0, d1) -> (0, 0)>
module attributes {stable_mosaic.version = 14 : i64} {
  func.func @sc_hist(%arg0: i32, %arg1: i32, %arg2: memref<32x125x80xi32, #tpu.memory_space<hbm>>, %arg3: memref<32x4x80xi32, #tpu.memory_space<hbm>>, %arg4: memref<640xf32, #tpu.memory_space<hbm>>, %arg5: memref<256xf32, #tpu.memory_space<hbm>>, %arg6: memref<2x10240xf32, #tpu.memory_space<hbm>>, %arg7: memref<2x256xf32, #tpu.memory_space<hbm>>, %arg8: memref<10240xf32, #tpu.memory_space<vmem_shared>>, %arg9: memref<256xf32, #tpu.memory_space<vmem_shared>>, %arg10: memref<125x80xi32, #tpu.memory_space<vmem>>, %arg11: memref<4x80xi32, #tpu.memory_space<vmem>>, %arg12: memref<80xf32, #tpu.memory_space<vmem>>, %arg13: memref<!tpu.dma_semaphore, #tpu.memory_space<semaphore_mem>>) attributes {dimension_semantics = [#tpu.dimension_semantics<core_parallel>, #tpu.dimension_semantics<subcore_parallel>], iteration_bounds = array<i64: 2, 16>, scalar_prefetch = 0 : i64, scratch_operands = 6 : i64, tpu.core_type = #tpu.core_type<sc_vector_subcore>, window_params = [{transform_indices = #map}, {transform_indices = #map}, {transform_indices = #map1}, {transform_indices = #map1}, {transform_indices = #map2}, {transform_indices = #map2}]} {
    %mul3A = arith.constant 16 : i32
    %mul3A_0 = arith.muli %arg0, %mul3A : i32
    %add3A = arith.addi %mul3A_0, %arg1 : i32
    %mul3A_1 = arith.constant 640 : i32
    %mul3A_2 = arith.muli %arg1, %mul3A_1 : i32
    "tpu.region"() ({
      %run_scoped3A = tpu.sem_alloc : memref<!tpu.dma_semaphore, #tpu.memory_space<semaphore_mem>>
      %dma_start3A = tpu.memref_slice %arg8[%mul3A_2] : memref<10240xf32, #tpu.memory_space<vmem_shared>> -> memref<640xf32, #tpu.memory_space<vmem_shared>>
      tpu.enqueue_dma source(%arg4 : memref<640xf32, #tpu.memory_space<hbm>>) target(%dma_start3A : memref<640xf32, #tpu.memory_space<vmem_shared>>) target_semaphore(%run_scoped3A : memref<!tpu.dma_semaphore, #tpu.memory_space<semaphore_mem>>)
      %dma_wait3A = tpu.memref_slice %arg8[%mul3A_2] : memref<10240xf32, #tpu.memory_space<vmem_shared>> -> memref<640xf32, #tpu.memory_space<vmem_shared>>
      tpu.wait_dma2 semaphore(%run_scoped3A : memref<!tpu.dma_semaphore, #tpu.memory_space<semaphore_mem>>) src(%arg4 : memref<640xf32, #tpu.memory_space<hbm>>) dst(%dma_wait3A : memref<640xf32, #tpu.memory_space<vmem_shared>>)
      tpu.yield
    }) : () -> ()
    %eq3A = arith.constant 0 : i32
    %eq3A_3 = arith.cmpi eq, %arg1, %eq3A : i32
    %convert_element_type3A = arith.extui %eq3A_3 : i1 to i32
    %cond3A = arith.constant 0 : i32
    %cond3A_4 = arith.cmpi ne, %convert_element_type3A, %cond3A : i32
    scf.if %cond3A_4 {
      "tpu.region"() ({
        %run_scoped3A = tpu.sem_alloc : memref<!tpu.dma_semaphore, #tpu.memory_space<semaphore_mem>>
        tpu.enqueue_dma source(%arg5 : memref<256xf32, #tpu.memory_space<hbm>>) target(%arg9 : memref<256xf32, #tpu.memory_space<vmem_shared>>) target_semaphore(%run_scoped3A : memref<!tpu.dma_semaphore, #tpu.memory_space<semaphore_mem>>)
        tpu.wait_dma2 semaphore(%run_scoped3A : memref<!tpu.dma_semaphore, #tpu.memory_space<semaphore_mem>>) src(%arg5 : memref<256xf32, #tpu.memory_space<hbm>>) dst(%arg9 : memref<256xf32, #tpu.memory_space<vmem_shared>>)
        tpu.yield
      }) : () -> ()
    } else {
    }
    "tpu.region"() ({
      %run_scoped3A = tpu.sem_alloc : memref<!tpu.dma_semaphore, #tpu.memory_space<semaphore_mem>>
      %dma_start3A = arith.constant 0 : i32
      %dma_start3A_52 = arith.constant 0 : i32
      %dma_start3A_53 = tpu.memref_slice %arg2[%add3A, %dma_start3A, %dma_start3A_52] : memref<32x125x80xi32, #tpu.memory_space<hbm>> -> memref<1x125x80xi32, #tpu.memory_space<hbm>>
      %dma_start3A_54 = tpu.memref_squeeze %dma_start3A_53 : memref<1x125x80xi32, #tpu.memory_space<hbm>> -> memref<125x80xi32, #tpu.memory_space<hbm>>
      %dma_start3A_55 = arith.constant 0 : i32
      %dma_start3A_56 = arith.constant 0 : i32
      %dma_start3A_57 = tpu.memref_slice %arg2[%add3A, %dma_start3A_55, %dma_start3A_56] : memref<32x125x80xi32, #tpu.memory_space<hbm>> -> memref<1x125x80xi32, #tpu.memory_space<hbm>>
      %dma_start3A_58 = tpu.memref_squeeze %dma_start3A_57 : memref<1x125x80xi32, #tpu.memory_space<hbm>> -> memref<125x80xi32, #tpu.memory_space<hbm>>
      tpu.enqueue_dma source(%dma_start3A_58 : memref<125x80xi32, #tpu.memory_space<hbm>>) target(%arg10 : memref<125x80xi32, #tpu.memory_space<vmem>>) target_semaphore(%run_scoped3A : memref<!tpu.dma_semaphore, #tpu.memory_space<semaphore_mem>>)
      %dma_wait3A = arith.constant 0 : i32
      %dma_wait3A_59 = arith.constant 0 : i32
      %dma_wait3A_60 = tpu.memref_slice %arg2[%add3A, %dma_wait3A, %dma_wait3A_59] : memref<32x125x80xi32, #tpu.memory_space<hbm>> -> memref<1x125x80xi32, #tpu.memory_space<hbm>>
      %dma_wait3A_61 = tpu.memref_squeeze %dma_wait3A_60 : memref<1x125x80xi32, #tpu.memory_space<hbm>> -> memref<125x80xi32, #tpu.memory_space<hbm>>
      %dma_wait3A_62 = arith.constant 0 : i32
      %dma_wait3A_63 = arith.constant 0 : i32
      %dma_wait3A_64 = tpu.memref_slice %arg2[%add3A, %dma_wait3A_62, %dma_wait3A_63] : memref<32x125x80xi32, #tpu.memory_space<hbm>> -> memref<1x125x80xi32, #tpu.memory_space<hbm>>
      %dma_wait3A_65 = tpu.memref_squeeze %dma_wait3A_64 : memref<1x125x80xi32, #tpu.memory_space<hbm>> -> memref<125x80xi32, #tpu.memory_space<hbm>>
      tpu.wait_dma2 semaphore(%run_scoped3A : memref<!tpu.dma_semaphore, #tpu.memory_space<semaphore_mem>>) src(%dma_wait3A_65 : memref<125x80xi32, #tpu.memory_space<hbm>>) dst(%arg10 : memref<125x80xi32, #tpu.memory_space<vmem>>)
      tpu.yield
    }) : () -> ()
    "tpu.region"() ({
      %run_scoped3A = tpu.sem_alloc : memref<!tpu.dma_semaphore, #tpu.memory_space<semaphore_mem>>
      %dma_start3A = arith.constant 0 : i32
      %dma_start3A_52 = arith.constant 0 : i32
      %dma_start3A_53 = tpu.memref_slice %arg3[%add3A, %dma_start3A, %dma_start3A_52] : memref<32x4x80xi32, #tpu.memory_space<hbm>> -> memref<1x4x80xi32, #tpu.memory_space<hbm>>
      %dma_start3A_54 = tpu.memref_squeeze %dma_start3A_53 : memref<1x4x80xi32, #tpu.memory_space<hbm>> -> memref<4x80xi32, #tpu.memory_space<hbm>>
      %dma_start3A_55 = arith.constant 0 : i32
      %dma_start3A_56 = arith.constant 0 : i32
      %dma_start3A_57 = tpu.memref_slice %arg3[%add3A, %dma_start3A_55, %dma_start3A_56] : memref<32x4x80xi32, #tpu.memory_space<hbm>> -> memref<1x4x80xi32, #tpu.memory_space<hbm>>
      %dma_start3A_58 = tpu.memref_squeeze %dma_start3A_57 : memref<1x4x80xi32, #tpu.memory_space<hbm>> -> memref<4x80xi32, #tpu.memory_space<hbm>>
      tpu.enqueue_dma source(%dma_start3A_58 : memref<4x80xi32, #tpu.memory_space<hbm>>) target(%arg11 : memref<4x80xi32, #tpu.memory_space<vmem>>) target_semaphore(%run_scoped3A : memref<!tpu.dma_semaphore, #tpu.memory_space<semaphore_mem>>)
      %dma_wait3A = arith.constant 0 : i32
      %dma_wait3A_59 = arith.constant 0 : i32
      %dma_wait3A_60 = tpu.memref_slice %arg3[%add3A, %dma_wait3A, %dma_wait3A_59] : memref<32x4x80xi32, #tpu.memory_space<hbm>> -> memref<1x4x80xi32, #tpu.memory_space<hbm>>
      %dma_wait3A_61 = tpu.memref_squeeze %dma_wait3A_60 : memref<1x4x80xi32, #tpu.memory_space<hbm>> -> memref<4x80xi32, #tpu.memory_space<hbm>>
      %dma_wait3A_62 = arith.constant 0 : i32
      %dma_wait3A_63 = arith.constant 0 : i32
      %dma_wait3A_64 = tpu.memref_slice %arg3[%add3A, %dma_wait3A_62, %dma_wait3A_63] : memref<32x4x80xi32, #tpu.memory_space<hbm>> -> memref<1x4x80xi32, #tpu.memory_space<hbm>>
      %dma_wait3A_65 = tpu.memref_squeeze %dma_wait3A_64 : memref<1x4x80xi32, #tpu.memory_space<hbm>> -> memref<4x80xi32, #tpu.memory_space<hbm>>
      tpu.wait_dma2 semaphore(%run_scoped3A : memref<!tpu.dma_semaphore, #tpu.memory_space<semaphore_mem>>) src(%dma_wait3A_65 : memref<4x80xi32, #tpu.memory_space<hbm>>) dst(%arg11 : memref<4x80xi32, #tpu.memory_space<vmem>>)
      tpu.yield
    }) : () -> ()
    %broadcast_in_dim3A = arith.constant 1.000000e+00 : f32
    %broadcast_in_dim3A_5 = vector.broadcast %broadcast_in_dim3A : f32 to vector<16xf32>
    %swap3A = arith.constant 0 : index
    %swap3A_6 = tpu.vector_load %arg12[%swap3A] {strides = array<i32>} : memref<80xf32, #tpu.memory_space<vmem>>, vector<16xf32>,
    tpu.vector_store %arg12[%swap3A], %broadcast_in_dim3A_5 {strides = array<i32>} : memref<80xf32, #tpu.memory_space<vmem>>, vector<16xf32>,
    %broadcast_in_dim3A_7 = arith.constant 1.000000e+00 : f32
    %broadcast_in_dim3A_8 = vector.broadcast %broadcast_in_dim3A_7 : f32 to vector<16xf32>
    %swap3A_9 = arith.constant 16 : index
    %swap3A_10 = tpu.vector_load %arg12[%swap3A_9] {strides = array<i32>} : memref<80xf32, #tpu.memory_space<vmem>>, vector<16xf32>,
    tpu.vector_store %arg12[%swap3A_9], %broadcast_in_dim3A_8 {strides = array<i32>} : memref<80xf32, #tpu.memory_space<vmem>>, vector<16xf32>,
    %broadcast_in_dim3A_11 = arith.constant 1.000000e+00 : f32
    %broadcast_in_dim3A_12 = vector.broadcast %broadcast_in_dim3A_11 : f32 to vector<16xf32>
    %swap3A_13 = arith.constant 32 : index
    %swap3A_14 = tpu.vector_load %arg12[%swap3A_13] {strides = array<i32>} : memref<80xf32, #tpu.memory_space<vmem>>, vector<16xf32>,
    tpu.vector_store %arg12[%swap3A_13], %broadcast_in_dim3A_12 {strides = array<i32>} : memref<80xf32, #tpu.memory_space<vmem>>, vector<16xf32>,
    %broadcast_in_dim3A_15 = arith.constant 1.000000e+00 : f32
    %broadcast_in_dim3A_16 = vector.broadcast %broadcast_in_dim3A_15 : f32 to vector<16xf32>
    %swap3A_17 = arith.constant 48 : index
    %swap3A_18 = tpu.vector_load %arg12[%swap3A_17] {strides = array<i32>} : memref<80xf32, #tpu.memory_space<vmem>>, vector<16xf32>,
    tpu.vector_store %arg12[%swap3A_17], %broadcast_in_dim3A_16 {strides = array<i32>} : memref<80xf32, #tpu.memory_space<vmem>>, vector<16xf32>,
    %broadcast_in_dim3A_19 = arith.constant 1.000000e+00 : f32
    %broadcast_in_dim3A_20 = vector.broadcast %broadcast_in_dim3A_19 : f32 to vector<16xf32>
    %swap3A_21 = arith.constant 64 : index
    %swap3A_22 = tpu.vector_load %arg12[%swap3A_21] {strides = array<i32>} : memref<80xf32, #tpu.memory_space<vmem>>, vector<16xf32>,
    tpu.vector_store %arg12[%swap3A_21], %broadcast_in_dim3A_20 {strides = array<i32>} : memref<80xf32, #tpu.memory_space<vmem>>, vector<16xf32>,
    %barrier3A = arith.constant 0 : index
    tpu.barrier barrier_id(%barrier3A)
    %scan3A = arith.constant 0 : i32
    %scan3A_23 = arith.constant 125 : i32
    %scan3A_24 = arith.addi %scan3A, %scan3A_23 : i32
    %scan3A_25 = arith.constant 1 : i32
    scf.for %scan3A_52 = %scan3A to %scan3A_24 step %scan3A_25  : i32 {
      %mul3A_53 = arith.constant 1 : i32
      %mul3A_54 = arith.muli %scan3A_52, %mul3A_53 : i32
      %add3A_55 = arith.constant 0 : i32
      %add3A_56 = arith.addi %add3A_55, %mul3A_54 : i32
      %dma_start3A = arith.constant 0 : i32
      %dma_start3A_57 = tpu.memref_slice %arg10[%add3A_56, %dma_start3A] : memref<125x80xi32, #tpu.memory_space<vmem>> -> memref<1x80xi32, #tpu.memory_space<vmem>>
      %dma_start3A_58 = tpu.memref_squeeze %dma_start3A_57 : memref<1x80xi32, #tpu.memory_space<vmem>> -> memref<80xi32, #tpu.memory_space<vmem>>
      %dma_start3A_59 = arith.constant 0 : i32
      %dma_start3A_60 = tpu.memref_slice %arg8[%dma_start3A_59] : memref<10240xf32, #tpu.memory_space<vmem_shared>> -> memref<10240xf32, #tpu.memory_space<vmem_shared>>
      tpu.enqueue_indirect_dma source(%arg12 : memref<80xf32, #tpu.memory_space<vmem>>) target(%dma_start3A_60 : memref<10240xf32, #tpu.memory_space<vmem_shared>>) offsets(%dma_start3A_58 : memref<80xi32, #tpu.memory_space<vmem>>) semaphore(%arg13 : memref<!tpu.dma_semaphore, #tpu.memory_space<semaphore_mem>>) {add = true}
    }
    %scan3A_26 = arith.constant 125 : i32
    %scan3A_27 = arith.constant 0 : i32
    %scan3A_28 = arith.constant 4 : i32
    %scan3A_29 = arith.addi %scan3A_27, %scan3A_28 : i32
    %scan3A_30 = arith.constant 1 : i32
    scf.for %scan3A_52 = %scan3A_27 to %scan3A_29 step %scan3A_30  : i32 {
      %mul3A_53 = arith.constant 1 : i32
      %mul3A_54 = arith.muli %scan3A_52, %mul3A_53 : i32
      %add3A_55 = arith.constant 0 : i32
      %add3A_56 = arith.addi %add3A_55, %mul3A_54 : i32
      %dma_start3A = arith.constant 0 : i32
      %dma_start3A_57 = tpu.memref_slice %arg11[%add3A_56, %dma_start3A] : memref<4x80xi32, #tpu.memory_space<vmem>> -> memref<1x80xi32, #tpu.memory_space<vmem>>
      %dma_start3A_58 = tpu.memref_squeeze %dma_start3A_57 : memref<1x80xi32, #tpu.memory_space<vmem>> -> memref<80xi32, #tpu.memory_space<vmem>>
      %dma_start3A_59 = arith.constant 0 : i32
      %dma_start3A_60 = tpu.memref_slice %arg9[%dma_start3A_59] : memref<256xf32, #tpu.memory_space<vmem_shared>> -> memref<256xf32, #tpu.memory_space<vmem_shared>>
      tpu.enqueue_indirect_dma source(%arg12 : memref<80xf32, #tpu.memory_space<vmem>>) target(%dma_start3A_60 : memref<256xf32, #tpu.memory_space<vmem_shared>>) offsets(%dma_start3A_58 : memref<80xi32, #tpu.memory_space<vmem>>) semaphore(%arg13 : memref<!tpu.dma_semaphore, #tpu.memory_space<semaphore_mem>>) {add = true}
    }
    %scan3A_31 = arith.constant 4 : i32
    %scan3A_32 = arith.constant 0 : i32
    %scan3A_33 = arith.constant 125 : i32
    %scan3A_34 = arith.addi %scan3A_32, %scan3A_33 : i32
    %scan3A_35 = arith.constant 1 : i32
    scf.for %scan3A_52 = %scan3A_32 to %scan3A_34 step %scan3A_35  : i32 {
      %mul3A_53 = arith.constant 1 : i32
      %mul3A_54 = arith.muli %scan3A_52, %mul3A_53 : i32
      %add3A_55 = arith.constant 0 : i32
      %add3A_56 = arith.addi %add3A_55, %mul3A_54 : i32
      %dma_wait3A = arith.constant 0 : i32
      %dma_wait3A_57 = tpu.memref_slice %arg10[%add3A_56, %dma_wait3A] : memref<125x80xi32, #tpu.memory_space<vmem>> -> memref<1x80xi32, #tpu.memory_space<vmem>>
      %dma_wait3A_58 = tpu.memref_squeeze %dma_wait3A_57 : memref<1x80xi32, #tpu.memory_space<vmem>> -> memref<80xi32, #tpu.memory_space<vmem>>
      %dma_wait3A_59 = arith.constant 0 : i32
      %dma_wait3A_60 = tpu.memref_slice %arg8[%dma_wait3A_59] : memref<10240xf32, #tpu.memory_space<vmem_shared>> -> memref<10240xf32, #tpu.memory_space<vmem_shared>>
      tpu.wait_indirect_dma semaphore(%arg13 : memref<!tpu.dma_semaphore, #tpu.memory_space<semaphore_mem>>) src(%arg12 : memref<80xf32, #tpu.memory_space<vmem>>) dst(%dma_wait3A_60 : memref<10240xf32, #tpu.memory_space<vmem_shared>>)
    }
    %scan3A_36 = arith.constant 125 : i32
    %scan3A_37 = arith.constant 0 : i32
    %scan3A_38 = arith.constant 4 : i32
    %scan3A_39 = arith.addi %scan3A_37, %scan3A_38 : i32
    %scan3A_40 = arith.constant 1 : i32
    scf.for %scan3A_52 = %scan3A_37 to %scan3A_39 step %scan3A_40  : i32 {
      %mul3A_53 = arith.constant 1 : i32
      %mul3A_54 = arith.muli %scan3A_52, %mul3A_53 : i32
      %add3A_55 = arith.constant 0 : i32
      %add3A_56 = arith.addi %add3A_55, %mul3A_54 : i32
      %dma_wait3A = arith.constant 0 : i32
      %dma_wait3A_57 = tpu.memref_slice %arg11[%add3A_56, %dma_wait3A] : memref<4x80xi32, #tpu.memory_space<vmem>> -> memref<1x80xi32, #tpu.memory_space<vmem>>
      %dma_wait3A_58 = tpu.memref_squeeze %dma_wait3A_57 : memref<1x80xi32, #tpu.memory_space<vmem>> -> memref<80xi32, #tpu.memory_space<vmem>>
      %dma_wait3A_59 = arith.constant 0 : i32
      %dma_wait3A_60 = tpu.memref_slice %arg9[%dma_wait3A_59] : memref<256xf32, #tpu.memory_space<vmem_shared>> -> memref<256xf32, #tpu.memory_space<vmem_shared>>
      tpu.wait_indirect_dma semaphore(%arg13 : memref<!tpu.dma_semaphore, #tpu.memory_space<semaphore_mem>>) src(%arg12 : memref<80xf32, #tpu.memory_space<vmem>>) dst(%dma_wait3A_60 : memref<256xf32, #tpu.memory_space<vmem_shared>>)
    }
    %scan3A_41 = arith.constant 4 : i32
    %barrier3A_42 = arith.constant 0 : index
    tpu.barrier barrier_id(%barrier3A_42)
    %mul3A_43 = arith.constant 640 : i32
    %mul3A_44 = arith.muli %arg1, %mul3A_43 : i32
    %mul3A_45 = arith.constant 640 : i32
    %mul3A_46 = arith.muli %arg1, %mul3A_45 : i32
    "tpu.region"() ({
      %run_scoped3A = tpu.sem_alloc : memref<!tpu.dma_semaphore, #tpu.memory_space<semaphore_mem>>
      %dma_start3A = tpu.memref_slice %arg6[%arg0, %mul3A_46] : memref<2x10240xf32, #tpu.memory_space<hbm>> -> memref<1x640xf32, #tpu.memory_space<hbm>>
      %dma_start3A_52 = tpu.memref_squeeze %dma_start3A : memref<1x640xf32, #tpu.memory_space<hbm>> -> memref<640xf32, #tpu.memory_space<hbm>>
      %dma_start3A_53 = tpu.memref_slice %arg8[%mul3A_44] : memref<10240xf32, #tpu.memory_space<vmem_shared>> -> memref<640xf32, #tpu.memory_space<vmem_shared>>
      tpu.enqueue_dma source(%dma_start3A_53 : memref<640xf32, #tpu.memory_space<vmem_shared>>) target(%dma_start3A_52 : memref<640xf32, #tpu.memory_space<hbm>>) target_semaphore(%run_scoped3A : memref<!tpu.dma_semaphore, #tpu.memory_space<semaphore_mem>>)
      %dma_wait3A = tpu.memref_slice %arg6[%arg0, %mul3A_46] : memref<2x10240xf32, #tpu.memory_space<hbm>> -> memref<1x640xf32, #tpu.memory_space<hbm>>
      %dma_wait3A_54 = tpu.memref_squeeze %dma_wait3A : memref<1x640xf32, #tpu.memory_space<hbm>> -> memref<640xf32, #tpu.memory_space<hbm>>
      %dma_wait3A_55 = tpu.memref_slice %arg8[%mul3A_44] : memref<10240xf32, #tpu.memory_space<vmem_shared>> -> memref<640xf32, #tpu.memory_space<vmem_shared>>
      tpu.wait_dma2 semaphore(%run_scoped3A : memref<!tpu.dma_semaphore, #tpu.memory_space<semaphore_mem>>) src(%dma_wait3A_55 : memref<640xf32, #tpu.memory_space<vmem_shared>>) dst(%dma_wait3A_54 : memref<640xf32, #tpu.memory_space<hbm>>)
      tpu.yield
    }) : () -> ()
    %eq3A_47 = arith.constant 0 : i32
    %eq3A_48 = arith.cmpi eq, %arg1, %eq3A_47 : i32
    %convert_element_type3A_49 = arith.extui %eq3A_48 : i1 to i32
    %cond3A_50 = arith.constant 0 : i32
    %cond3A_51 = arith.cmpi ne, %convert_element_type3A_49, %cond3A_50 : i32
    scf.if %cond3A_51 {
      "tpu.region"() ({
        %run_scoped3A = tpu.sem_alloc : memref<!tpu.dma_semaphore, #tpu.memory_space<semaphore_mem>>
        %dma_start3A = arith.constant 0 : i32
        %dma_start3A_52 = tpu.memref_slice %arg7[%arg0, %dma_start3A] : memref<2x256xf32, #tpu.memory_space<hbm>> -> memref<1x256xf32, #tpu.memory_space<hbm>>
        %dma_start3A_53 = tpu.memref_squeeze %dma_start3A_52 : memref<1x256xf32, #tpu.memory_space<hbm>> -> memref<256xf32, #tpu.memory_space<hbm>>
        tpu.enqueue_dma source(%arg9 : memref<256xf32, #tpu.memory_space<vmem_shared>>) target(%dma_start3A_53 : memref<256xf32, #tpu.memory_space<hbm>>) target_semaphore(%run_scoped3A : memref<!tpu.dma_semaphore, #tpu.memory_space<semaphore_mem>>)
        %dma_wait3A = arith.constant 0 : i32
        %dma_wait3A_54 = tpu.memref_slice %arg7[%arg0, %dma_wait3A] : memref<2x256xf32, #tpu.memory_space<hbm>> -> memref<1x256xf32, #tpu.memory_space<hbm>>
        %dma_wait3A_55 = tpu.memref_squeeze %dma_wait3A_54 : memref<1x256xf32, #tpu.memory_space<hbm>> -> memref<256xf32, #tpu.memory_space<hbm>>
        tpu.wait_dma2 semaphore(%run_scoped3A : memref<!tpu.dma_semaphore, #tpu.memory_space<semaphore_mem>>) src(%arg9 : memref<256xf32, #tpu.memory_space<vmem_shared>>) dst(%dma_wait3A_55 : memref<256xf32, #tpu.memory_space<hbm>>)
        tpu.yield
      }) : () -> ()
    } else {
    }
    return
  }
}

#map = affine_map<(d0, d1) -> (0, 0, 0)>
#map1 = affine_map<(d0, d1) -> (0, 0)>
module attributes {stable_mosaic.version = 14 : i64} {
  func.func @sc_edge_agg(%arg0: i32, %arg1: i32, %arg2: memref<32x128x80xi32, #tpu.memory_space<hbm>>, %arg3: memref<32x128x80xi32, #tpu.memory_space<hbm>>, %arg4: memref<10240x128xf32, #tpu.memory_space<hbm>>, %arg5: memref<2x10240x128xf32, #tpu.memory_space<hbm>>, %arg6: memref<10240x128xf32, #tpu.memory_space<vmem_shared>>, %arg7: memref<64x80xi32, #tpu.memory_space<vmem>>, %arg8: memref<64x80xi32, #tpu.memory_space<vmem>>, %arg9: memref<80x128xf32, #tpu.memory_space<vmem>>, %arg10: memref<80x128xf32, #tpu.memory_space<vmem>>, %arg11: memref<!tpu.dma_semaphore, #tpu.memory_space<semaphore_mem>>, %arg12: memref<!tpu.dma_semaphore, #tpu.memory_space<semaphore_mem>>) attributes {dimension_semantics = [#tpu.dimension_semantics<core_parallel>, #tpu.dimension_semantics<subcore_parallel>], iteration_bounds = array<i64: 2, 16>, scalar_prefetch = 0 : i64, scratch_operands = 7 : i64, tpu.core_type = #tpu.core_type<sc_vector_subcore>, window_params = [{transform_indices = #map}, {transform_indices = #map}, {transform_indices = #map1}, {transform_indices = #map}]} {
    %mul3A = arith.constant 16 : i32
    %mul3A_0 = arith.muli %arg0, %mul3A : i32
    %add3A = arith.addi %mul3A_0, %arg1 : i32
    %scan3A = arith.constant 0 : i32
    %scan3A_1 = arith.constant 80 : i32
    %scan3A_2 = arith.addi %scan3A, %scan3A_1 : i32
    %scan3A_3 = arith.constant 1 : i32
    scf.for %scan3A_169 = %scan3A to %scan3A_2 step %scan3A_3  : i32 {
      %mul3A_170 = arith.constant 1 : i32
      %mul3A_171 = arith.muli %scan3A_169, %mul3A_170 : i32
      %add3A_172 = arith.constant 0 : i32
      %add3A_173 = arith.addi %add3A_172, %mul3A_171 : i32
      %broadcast_in_dim3A = arith.constant 0.000000e+00 : f32
      %broadcast_in_dim3A_174 = vector.broadcast %broadcast_in_dim3A : f32 to vector<16xf32>
      %swap3A = arith.index_cast %add3A_173 : i32 to index
      %swap3A_175 = arith.constant 0 : index
      %swap3A_176 = tpu.vector_load %arg9[%swap3A, %swap3A_175] {strides = array<i32>} : memref<80x128xf32, #tpu.memory_space<vmem>>, vector<16xf32>,
      tpu.vector_store %arg9[%swap3A, %swap3A_175], %broadcast_in_dim3A_174 {strides = array<i32>} : memref<80x128xf32, #tpu.memory_space<vmem>>, vector<16xf32>,
      %broadcast_in_dim3A_177 = arith.constant 0.000000e+00 : f32
      %broadcast_in_dim3A_178 = vector.broadcast %broadcast_in_dim3A_177 : f32 to vector<16xf32>
      %swap3A_179 = arith.index_cast %add3A_173 : i32 to index
      %swap3A_180 = arith.constant 16 : index
      %swap3A_181 = tpu.vector_load %arg9[%swap3A_179, %swap3A_180] {strides = array<i32>} : memref<80x128xf32, #tpu.memory_space<vmem>>, vector<16xf32>,
      tpu.vector_store %arg9[%swap3A_179, %swap3A_180], %broadcast_in_dim3A_178 {strides = array<i32>} : memref<80x128xf32, #tpu.memory_space<vmem>>, vector<16xf32>,
      %broadcast_in_dim3A_182 = arith.constant 0.000000e+00 : f32
      %broadcast_in_dim3A_183 = vector.broadcast %broadcast_in_dim3A_182 : f32 to vector<16xf32>
      %swap3A_184 = arith.index_cast %add3A_173 : i32 to index
      %swap3A_185 = arith.constant 32 : index
      %swap3A_186 = tpu.vector_load %arg9[%swap3A_184, %swap3A_185] {strides = array<i32>} : memref<80x128xf32, #tpu.memory_space<vmem>>, vector<16xf32>,
      tpu.vector_store %arg9[%swap3A_184, %swap3A_185], %broadcast_in_dim3A_183 {strides = array<i32>} : memref<80x128xf32, #tpu.memory_space<vmem>>, vector<16xf32>,
      %broadcast_in_dim3A_187 = arith.constant 0.000000e+00 : f32
      %broadcast_in_dim3A_188 = vector.broadcast %broadcast_in_dim3A_187 : f32 to vector<16xf32>
      %swap3A_189 = arith.index_cast %add3A_173 : i32 to index
      %swap3A_190 = arith.constant 48 : index
      %swap3A_191 = tpu.vector_load %arg9[%swap3A_189, %swap3A_190] {strides = array<i32>} : memref<80x128xf32, #tpu.memory_space<vmem>>, vector<16xf32>,
      tpu.vector_store %arg9[%swap3A_189, %swap3A_190], %broadcast_in_dim3A_188 {strides = array<i32>} : memref<80x128xf32, #tpu.memory_space<vmem>>, vector<16xf32>,
      %broadcast_in_dim3A_192 = arith.constant 0.000000e+00 : f32
      %broadcast_in_dim3A_193 = vector.broadcast %broadcast_in_dim3A_192 : f32 to vector<16xf32>
      %swap3A_194 = arith.index_cast %add3A_173 : i32 to index
      %swap3A_195 = arith.constant 64 : index
      %swap3A_196 = tpu.vector_load %arg9[%swap3A_194, %swap3A_195] {strides = array<i32>} : memref<80x128xf32, #tpu.memory_space<vmem>>, vector<16xf32>,
      tpu.vector_store %arg9[%swap3A_194, %swap3A_195], %broadcast_in_dim3A_193 {strides = array<i32>} : memref<80x128xf32, #tpu.memory_space<vmem>>, vector<16xf32>,
      %broadcast_in_dim3A_197 = arith.constant 0.000000e+00 : f32
      %broadcast_in_dim3A_198 = vector.broadcast %broadcast_in_dim3A_197 : f32 to vector<16xf32>
      %swap3A_199 = arith.index_cast %add3A_173 : i32 to index
      %swap3A_200 = arith.constant 80 : index
      %swap3A_201 = tpu.vector_load %arg9[%swap3A_199, %swap3A_200] {strides = array<i32>} : memref<80x128xf32, #tpu.memory_space<vmem>>, vector<16xf32>,
      tpu.vector_store %arg9[%swap3A_199, %swap3A_200], %broadcast_in_dim3A_198 {strides = array<i32>} : memref<80x128xf32, #tpu.memory_space<vmem>>, vector<16xf32>,
      %broadcast_in_dim3A_202 = arith.constant 0.000000e+00 : f32
      %broadcast_in_dim3A_203 = vector.broadcast %broadcast_in_dim3A_202 : f32 to vector<16xf32>
      %swap3A_204 = arith.index_cast %add3A_173 : i32 to index
      %swap3A_205 = arith.constant 96 : index
      %swap3A_206 = tpu.vector_load %arg9[%swap3A_204, %swap3A_205] {strides = array<i32>} : memref<80x128xf32, #tpu.memory_space<vmem>>, vector<16xf32>,
      tpu.vector_store %arg9[%swap3A_204, %swap3A_205], %broadcast_in_dim3A_203 {strides = array<i32>} : memref<80x128xf32, #tpu.memory_space<vmem>>, vector<16xf32>,
      %broadcast_in_dim3A_207 = arith.constant 0.000000e+00 : f32
      %broadcast_in_dim3A_208 = vector.broadcast %broadcast_in_dim3A_207 : f32 to vector<16xf32>
      %swap3A_209 = arith.index_cast %add3A_173 : i32 to index
      %swap3A_210 = arith.constant 112 : index
      %swap3A_211 = tpu.vector_load %arg9[%swap3A_209, %swap3A_210] {strides = array<i32>} : memref<80x128xf32, #tpu.memory_space<vmem>>, vector<16xf32>,
      tpu.vector_store %arg9[%swap3A_209, %swap3A_210], %broadcast_in_dim3A_208 {strides = array<i32>} : memref<80x128xf32, #tpu.memory_space<vmem>>, vector<16xf32>,
    }
    %scan3A_4 = arith.constant 80 : i32
    %mul3A_5 = arith.constant 640 : i32
    %mul3A_6 = arith.muli %arg1, %mul3A_5 : i32
    %add3A_7 = arith.constant 0 : i32
    %add3A_8 = arith.addi %mul3A_6, %add3A_7 : i32
    "tpu.region"() ({
      %run_scoped3A_169 = tpu.sem_alloc : memref<!tpu.dma_semaphore, #tpu.memory_space<semaphore_mem>>
      %dma_start3A_170 = arith.constant 0 : i32
      %dma_start3A_171 = tpu.memref_slice %arg6[%add3A_8, %dma_start3A_170] : memref<10240x128xf32, #tpu.memory_space<vmem_shared>> -> memref<80x128xf32, #tpu.memory_space<vmem_shared>>
      %dma_start3A_172 = arith.constant 0 : i32
      %dma_start3A_173 = tpu.memref_slice %arg6[%add3A_8, %dma_start3A_172] : memref<10240x128xf32, #tpu.memory_space<vmem_shared>> -> memref<80x128xf32, #tpu.memory_space<vmem_shared>>
      tpu.enqueue_dma source(%arg9 : memref<80x128xf32, #tpu.memory_space<vmem>>) target(%dma_start3A_173 : memref<80x128xf32, #tpu.memory_space<vmem_shared>>) target_semaphore(%run_scoped3A_169 : memref<!tpu.dma_semaphore, #tpu.memory_space<semaphore_mem>>)
      %dma_wait3A_174 = arith.constant 0 : i32
      %dma_wait3A_175 = tpu.memref_slice %arg6[%add3A_8, %dma_wait3A_174] : memref<10240x128xf32, #tpu.memory_space<vmem_shared>> -> memref<80x128xf32, #tpu.memory_space<vmem_shared>>
      %dma_wait3A_176 = arith.constant 0 : i32
      %dma_wait3A_177 = tpu.memref_slice %arg6[%add3A_8, %dma_wait3A_176] : memref<10240x128xf32, #tpu.memory_space<vmem_shared>> -> memref<80x128xf32, #tpu.memory_space<vmem_shared>>
      tpu.wait_dma2 semaphore(%run_scoped3A_169 : memref<!tpu.dma_semaphore, #tpu.memory_space<semaphore_mem>>) src(%arg9 : memref<80x128xf32, #tpu.memory_space<vmem>>) dst(%dma_wait3A_177 : memref<80x128xf32, #tpu.memory_space<vmem_shared>>)
      tpu.yield
    }) : () -> ()
    %mul3A_9 = arith.constant 640 : i32
    %mul3A_10 = arith.muli %arg1, %mul3A_9 : i32
    %add3A_11 = arith.constant 80 : i32
    %add3A_12 = arith.addi %mul3A_10, %add3A_11 : i32
    "tpu.region"() ({
      %run_scoped3A_169 = tpu.sem_alloc : memref<!tpu.dma_semaphore, #tpu.memory_space<semaphore_mem>>
      %dma_start3A_170 = arith.constant 0 : i32
      %dma_start3A_171 = tpu.memref_slice %arg6[%add3A_12, %dma_start3A_170] : memref<10240x128xf32, #tpu.memory_space<vmem_shared>> -> memref<80x128xf32, #tpu.memory_space<vmem_shared>>
      %dma_start3A_172 = arith.constant 0 : i32
      %dma_start3A_173 = tpu.memref_slice %arg6[%add3A_12, %dma_start3A_172] : memref<10240x128xf32, #tpu.memory_space<vmem_shared>> -> memref<80x128xf32, #tpu.memory_space<vmem_shared>>
      tpu.enqueue_dma source(%arg9 : memref<80x128xf32, #tpu.memory_space<vmem>>) target(%dma_start3A_173 : memref<80x128xf32, #tpu.memory_space<vmem_shared>>) target_semaphore(%run_scoped3A_169 : memref<!tpu.dma_semaphore, #tpu.memory_space<semaphore_mem>>)
      %dma_wait3A_174 = arith.constant 0 : i32
      %dma_wait3A_175 = tpu.memref_slice %arg6[%add3A_12, %dma_wait3A_174] : memref<10240x128xf32, #tpu.memory_space<vmem_shared>> -> memref<80x128xf32, #tpu.memory_space<vmem_shared>>
      %dma_wait3A_176 = arith.constant 0 : i32
      %dma_wait3A_177 = tpu.memref_slice %arg6[%add3A_12, %dma_wait3A_176] : memref<10240x128xf32, #tpu.memory_space<vmem_shared>> -> memref<80x128xf32, #tpu.memory_space<vmem_shared>>
      tpu.wait_dma2 semaphore(%run_scoped3A_169 : memref<!tpu.dma_semaphore, #tpu.memory_space<semaphore_mem>>) src(%arg9 : memref<80x128xf32, #tpu.memory_space<vmem>>) dst(%dma_wait3A_177 : memref<80x128xf32, #tpu.memory_space<vmem_shared>>)
      tpu.yield
    }) : () -> ()
    %mul3A_13 = arith.constant 640 : i32
    %mul3A_14 = arith.muli %arg1, %mul3A_13 : i32
    %add3A_15 = arith.constant 160 : i32
    %add3A_16 = arith.addi %mul3A_14, %add3A_15 : i32
    "tpu.region"() ({
      %run_scoped3A_169 = tpu.sem_alloc : memref<!tpu.dma_semaphore, #tpu.memory_space<semaphore_mem>>
      %dma_start3A_170 = arith.constant 0 : i32
      %dma_start3A_171 = tpu.memref_slice %arg6[%add3A_16, %dma_start3A_170] : memref<10240x128xf32, #tpu.memory_space<vmem_shared>> -> memref<80x128xf32, #tpu.memory_space<vmem_shared>>
      %dma_start3A_172 = arith.constant 0 : i32
      %dma_start3A_173 = tpu.memref_slice %arg6[%add3A_16, %dma_start3A_172] : memref<10240x128xf32, #tpu.memory_space<vmem_shared>> -> memref<80x128xf32, #tpu.memory_space<vmem_shared>>
      tpu.enqueue_dma source(%arg9 : memref<80x128xf32, #tpu.memory_space<vmem>>) target(%dma_start3A_173 : memref<80x128xf32, #tpu.memory_space<vmem_shared>>) target_semaphore(%run_scoped3A_169 : memref<!tpu.dma_semaphore, #tpu.memory_space<semaphore_mem>>)
      %dma_wait3A_174 = arith.constant 0 : i32
      %dma_wait3A_175 = tpu.memref_slice %arg6[%add3A_16, %dma_wait3A_174] : memref<10240x128xf32, #tpu.memory_space<vmem_shared>> -> memref<80x128xf32, #tpu.memory_space<vmem_shared>>
      %dma_wait3A_176 = arith.constant 0 : i32
      %dma_wait3A_177 = tpu.memref_slice %arg6[%add3A_16, %dma_wait3A_176] : memref<10240x128xf32, #tpu.memory_space<vmem_shared>> -> memref<80x128xf32, #tpu.memory_space<vmem_shared>>
      tpu.wait_dma2 semaphore(%run_scoped3A_169 : memref<!tpu.dma_semaphore, #tpu.memory_space<semaphore_mem>>) src(%arg9 : memref<80x128xf32, #tpu.memory_space<vmem>>) dst(%dma_wait3A_177 : memref<80x128xf32, #tpu.memory_space<vmem_shared>>)
      tpu.yield
    }) : () -> ()
    %mul3A_17 = arith.constant 640 : i32
    %mul3A_18 = arith.muli %arg1, %mul3A_17 : i32
    %add3A_19 = arith.constant 240 : i32
    %add3A_20 = arith.addi %mul3A_18, %add3A_19 : i32
    "tpu.region"() ({
      %run_scoped3A_169 = tpu.sem_alloc : memref<!tpu.dma_semaphore, #tpu.memory_space<semaphore_mem>>
      %dma_start3A_170 = arith.constant 0 : i32
      %dma_start3A_171 = tpu.memref_slice %arg6[%add3A_20, %dma_start3A_170] : memref<10240x128xf32, #tpu.memory_space<vmem_shared>> -> memref<80x128xf32, #tpu.memory_space<vmem_shared>>
      %dma_start3A_172 = arith.constant 0 : i32
      %dma_start3A_173 = tpu.memref_slice %arg6[%add3A_20, %dma_start3A_172] : memref<10240x128xf32, #tpu.memory_space<vmem_shared>> -> memref<80x128xf32, #tpu.memory_space<vmem_shared>>
      tpu.enqueue_dma source(%arg9 : memref<80x128xf32, #tpu.memory_space<vmem>>) target(%dma_start3A_173 : memref<80x128xf32, #tpu.memory_space<vmem_shared>>) target_semaphore(%run_scoped3A_169 : memref<!tpu.dma_semaphore, #tpu.memory_space<semaphore_mem>>)
      %dma_wait3A_174 = arith.constant 0 : i32
      %dma_wait3A_175 = tpu.memref_slice %arg6[%add3A_20, %dma_wait3A_174] : memref<10240x128xf32, #tpu.memory_space<vmem_shared>> -> memref<80x128xf32, #tpu.memory_space<vmem_shared>>
      %dma_wait3A_176 = arith.constant 0 : i32
      %dma_wait3A_177 = tpu.memref_slice %arg6[%add3A_20, %dma_wait3A_176] : memref<10240x128xf32, #tpu.memory_space<vmem_shared>> -> memref<80x128xf32, #tpu.memory_space<vmem_shared>>
      tpu.wait_dma2 semaphore(%run_scoped3A_169 : memref<!tpu.dma_semaphore, #tpu.memory_space<semaphore_mem>>) src(%arg9 : memref<80x128xf32, #tpu.memory_space<vmem>>) dst(%dma_wait3A_177 : memref<80x128xf32, #tpu.memory_space<vmem_shared>>)
      tpu.yield
    }) : () -> ()
    %mul3A_21 = arith.constant 640 : i32
    %mul3A_22 = arith.muli %arg1, %mul3A_21 : i32
    %add3A_23 = arith.constant 320 : i32
    %add3A_24 = arith.addi %mul3A_22, %add3A_23 : i32
    "tpu.region"() ({
      %run_scoped3A_169 = tpu.sem_alloc : memref<!tpu.dma_semaphore, #tpu.memory_space<semaphore_mem>>
      %dma_start3A_170 = arith.constant 0 : i32
      %dma_start3A_171 = tpu.memref_slice %arg6[%add3A_24, %dma_start3A_170] : memref<10240x128xf32, #tpu.memory_space<vmem_shared>> -> memref<80x128xf32, #tpu.memory_space<vmem_shared>>
      %dma_start3A_172 = arith.constant 0 : i32
      %dma_start3A_173 = tpu.memref_slice %arg6[%add3A_24, %dma_start3A_172] : memref<10240x128xf32, #tpu.memory_space<vmem_shared>> -> memref<80x128xf32, #tpu.memory_space<vmem_shared>>
      tpu.enqueue_dma source(%arg9 : memref<80x128xf32, #tpu.memory_space<vmem>>) target(%dma_start3A_173 : memref<80x128xf32, #tpu.memory_space<vmem_shared>>) target_semaphore(%run_scoped3A_169 : memref<!tpu.dma_semaphore, #tpu.memory_space<semaphore_mem>>)
      %dma_wait3A_174 = arith.constant 0 : i32
      %dma_wait3A_175 = tpu.memref_slice %arg6[%add3A_24, %dma_wait3A_174] : memref<10240x128xf32, #tpu.memory_space<vmem_shared>> -> memref<80x128xf32, #tpu.memory_space<vmem_shared>>
      %dma_wait3A_176 = arith.constant 0 : i32
      %dma_wait3A_177 = tpu.memref_slice %arg6[%add3A_24, %dma_wait3A_176] : memref<10240x128xf32, #tpu.memory_space<vmem_shared>> -> memref<80x128xf32, #tpu.memory_space<vmem_shared>>
      tpu.wait_dma2 semaphore(%run_scoped3A_169 : memref<!tpu.dma_semaphore, #tpu.memory_space<semaphore_mem>>) src(%arg9 : memref<80x128xf32, #tpu.memory_space<vmem>>) dst(%dma_wait3A_177 : memref<80x128xf32, #tpu.memory_space<vmem_shared>>)
      tpu.yield
    }) : () -> ()
    %mul3A_25 = arith.constant 640 : i32
    %mul3A_26 = arith.muli %arg1, %mul3A_25 : i32
    %add3A_27 = arith.constant 400 : i32
    %add3A_28 = arith.addi %mul3A_26, %add3A_27 : i32
    "tpu.region"() ({
      %run_scoped3A_169 = tpu.sem_alloc : memref<!tpu.dma_semaphore, #tpu.memory_space<semaphore_mem>>
      %dma_start3A_170 = arith.constant 0 : i32
      %dma_start3A_171 = tpu.memref_slice %arg6[%add3A_28, %dma_start3A_170] : memref<10240x128xf32, #tpu.memory_space<vmem_shared>> -> memref<80x128xf32, #tpu.memory_space<vmem_shared>>
      %dma_start3A_172 = arith.constant 0 : i32
      %dma_start3A_173 = tpu.memref_slice %arg6[%add3A_28, %dma_start3A_172] : memref<10240x128xf32, #tpu.memory_space<vmem_shared>> -> memref<80x128xf32, #tpu.memory_space<vmem_shared>>
      tpu.enqueue_dma source(%arg9 : memref<80x128xf32, #tpu.memory_space<vmem>>) target(%dma_start3A_173 : memref<80x128xf32, #tpu.memory_space<vmem_shared>>) target_semaphore(%run_scoped3A_169 : memref<!tpu.dma_semaphore, #tpu.memory_space<semaphore_mem>>)
      %dma_wait3A_174 = arith.constant 0 : i32
      %dma_wait3A_175 = tpu.memref_slice %arg6[%add3A_28, %dma_wait3A_174] : memref<10240x128xf32, #tpu.memory_space<vmem_shared>> -> memref<80x128xf32, #tpu.memory_space<vmem_shared>>
      %dma_wait3A_176 = arith.constant 0 : i32
      %dma_wait3A_177 = tpu.memref_slice %arg6[%add3A_28, %dma_wait3A_176] : memref<10240x128xf32, #tpu.memory_space<vmem_shared>> -> memref<80x128xf32, #tpu.memory_space<vmem_shared>>
      tpu.wait_dma2 semaphore(%run_scoped3A_169 : memref<!tpu.dma_semaphore, #tpu.memory_space<semaphore_mem>>) src(%arg9 : memref<80x128xf32, #tpu.memory_space<vmem>>) dst(%dma_wait3A_177 : memref<80x128xf32, #tpu.memory_space<vmem_shared>>)
      tpu.yield
    }) : () -> ()
    %mul3A_29 = arith.constant 640 : i32
    %mul3A_30 = arith.muli %arg1, %mul3A_29 : i32
    %add3A_31 = arith.constant 480 : i32
    %add3A_32 = arith.addi %mul3A_30, %add3A_31 : i32
    "tpu.region"() ({
      %run_scoped3A_169 = tpu.sem_alloc : memref<!tpu.dma_semaphore, #tpu.memory_space<semaphore_mem>>
      %dma_start3A_170 = arith.constant 0 : i32
      %dma_start3A_171 = tpu.memref_slice %arg6[%add3A_32, %dma_start3A_170] : memref<10240x128xf32, #tpu.memory_space<vmem_shared>> -> memref<80x128xf32, #tpu.memory_space<vmem_shared>>
      %dma_start3A_172 = arith.constant 0 : i32
      %dma_start3A_173 = tpu.memref_slice %arg6[%add3A_32, %dma_start3A_172] : memref<10240x128xf32, #tpu.memory_space<vmem_shared>> -> memref<80x128xf32, #tpu.memory_space<vmem_shared>>
      tpu.enqueue_dma source(%arg9 : memref<80x128xf32, #tpu.memory_space<vmem>>) target(%dma_start3A_173 : memref<80x128xf32, #tpu.memory_space<vmem_shared>>) target_semaphore(%run_scoped3A_169 : memref<!tpu.dma_semaphore, #tpu.memory_space<semaphore_mem>>)
      %dma_wait3A_174 = arith.constant 0 : i32
      %dma_wait3A_175 = tpu.memref_slice %arg6[%add3A_32, %dma_wait3A_174] : memref<10240x128xf32, #tpu.memory_space<vmem_shared>> -> memref<80x128xf32, #tpu.memory_space<vmem_shared>>
      %dma_wait3A_176 = arith.constant 0 : i32
      %dma_wait3A_177 = tpu.memref_slice %arg6[%add3A_32, %dma_wait3A_176] : memref<10240x128xf32, #tpu.memory_space<vmem_shared>> -> memref<80x128xf32, #tpu.memory_space<vmem_shared>>
      tpu.wait_dma2 semaphore(%run_scoped3A_169 : memref<!tpu.dma_semaphore, #tpu.memory_space<semaphore_mem>>) src(%arg9 : memref<80x128xf32, #tpu.memory_space<vmem>>) dst(%dma_wait3A_177 : memref<80x128xf32, #tpu.memory_space<vmem_shared>>)
      tpu.yield
    }) : () -> ()
    %mul3A_33 = arith.constant 640 : i32
    %mul3A_34 = arith.muli %arg1, %mul3A_33 : i32
    %add3A_35 = arith.constant 560 : i32
    %add3A_36 = arith.addi %mul3A_34, %add3A_35 : i32
    "tpu.region"() ({
      %run_scoped3A_169 = tpu.sem_alloc : memref<!tpu.dma_semaphore, #tpu.memory_space<semaphore_mem>>
      %dma_start3A_170 = arith.constant 0 : i32
      %dma_start3A_171 = tpu.memref_slice %arg6[%add3A_36, %dma_start3A_170] : memref<10240x128xf32, #tpu.memory_space<vmem_shared>> -> memref<80x128xf32, #tpu.memory_space<vmem_shared>>
      %dma_start3A_172 = arith.constant 0 : i32
      %dma_start3A_173 = tpu.memref_slice %arg6[%add3A_36, %dma_start3A_172] : memref<10240x128xf32, #tpu.memory_space<vmem_shared>> -> memref<80x128xf32, #tpu.memory_space<vmem_shared>>
      tpu.enqueue_dma source(%arg9 : memref<80x128xf32, #tpu.memory_space<vmem>>) target(%dma_start3A_173 : memref<80x128xf32, #tpu.memory_space<vmem_shared>>) target_semaphore(%run_scoped3A_169 : memref<!tpu.dma_semaphore, #tpu.memory_space<semaphore_mem>>)
      %dma_wait3A_174 = arith.constant 0 : i32
      %dma_wait3A_175 = tpu.memref_slice %arg6[%add3A_36, %dma_wait3A_174] : memref<10240x128xf32, #tpu.memory_space<vmem_shared>> -> memref<80x128xf32, #tpu.memory_space<vmem_shared>>
      %dma_wait3A_176 = arith.constant 0 : i32
      %dma_wait3A_177 = tpu.memref_slice %arg6[%add3A_36, %dma_wait3A_176] : memref<10240x128xf32, #tpu.memory_space<vmem_shared>> -> memref<80x128xf32, #tpu.memory_space<vmem_shared>>
      tpu.wait_dma2 semaphore(%run_scoped3A_169 : memref<!tpu.dma_semaphore, #tpu.memory_space<semaphore_mem>>) src(%arg9 : memref<80x128xf32, #tpu.memory_space<vmem>>) dst(%dma_wait3A_177 : memref<80x128xf32, #tpu.memory_space<vmem_shared>>)
      tpu.yield
    }) : () -> ()
    "tpu.region"() ({
      %run_scoped3A_169 = tpu.sem_alloc : memref<!tpu.dma_semaphore, #tpu.memory_space<semaphore_mem>>
      %dma_start3A_170 = arith.constant 0 : i32
      %dma_start3A_171 = arith.constant 0 : i32
      %dma_start3A_172 = tpu.memref_slice %arg2[%add3A, %dma_start3A_170, %dma_start3A_171] : memref<32x128x80xi32, #tpu.memory_space<hbm>> -> memref<1x64x80xi32, #tpu.memory_space<hbm>>
      %dma_start3A_173 = tpu.memref_squeeze %dma_start3A_172 : memref<1x64x80xi32, #tpu.memory_space<hbm>> -> memref<64x80xi32, #tpu.memory_space<hbm>>
      %dma_start3A_174 = arith.constant 0 : i32
      %dma_start3A_175 = arith.constant 0 : i32
      %dma_start3A_176 = tpu.memref_slice %arg2[%add3A, %dma_start3A_174, %dma_start3A_175] : memref<32x128x80xi32, #tpu.memory_space<hbm>> -> memref<1x64x80xi32, #tpu.memory_space<hbm>>
      %dma_start3A_177 = tpu.memref_squeeze %dma_start3A_176 : memref<1x64x80xi32, #tpu.memory_space<hbm>> -> memref<64x80xi32, #tpu.memory_space<hbm>>
      tpu.enqueue_dma source(%dma_start3A_177 : memref<64x80xi32, #tpu.memory_space<hbm>>) target(%arg7 : memref<64x80xi32, #tpu.memory_space<vmem>>) target_semaphore(%run_scoped3A_169 : memref<!tpu.dma_semaphore, #tpu.memory_space<semaphore_mem>>)
      %dma_wait3A_178 = arith.constant 0 : i32
      %dma_wait3A_179 = arith.constant 0 : i32
      %dma_wait3A_180 = tpu.memref_slice %arg2[%add3A, %dma_wait3A_178, %dma_wait3A_179] : memref<32x128x80xi32, #tpu.memory_space<hbm>> -> memref<1x64x80xi32, #tpu.memory_space<hbm>>
      %dma_wait3A_181 = tpu.memref_squeeze %dma_wait3A_180 : memref<1x64x80xi32, #tpu.memory_space<hbm>> -> memref<64x80xi32, #tpu.memory_space<hbm>>
      %dma_wait3A_182 = arith.constant 0 : i32
      %dma_wait3A_183 = arith.constant 0 : i32
      %dma_wait3A_184 = tpu.memref_slice %arg2[%add3A, %dma_wait3A_182, %dma_wait3A_183] : memref<32x128x80xi32, #tpu.memory_space<hbm>> -> memref<1x64x80xi32, #tpu.memory_space<hbm>>
      %dma_wait3A_185 = tpu.memref_squeeze %dma_wait3A_184 : memref<1x64x80xi32, #tpu.memory_space<hbm>> -> memref<64x80xi32, #tpu.memory_space<hbm>>
      tpu.wait_dma2 semaphore(%run_scoped3A_169 : memref<!tpu.dma_semaphore, #tpu.memory_space<semaphore_mem>>) src(%dma_wait3A_185 : memref<64x80xi32, #tpu.memory_space<hbm>>) dst(%arg7 : memref<64x80xi32, #tpu.memory_space<vmem>>)
      tpu.yield
    }) : () -> ()
    "tpu.region"() ({
      %run_scoped3A_169 = tpu.sem_alloc : memref<!tpu.dma_semaphore, #tpu.memory_space<semaphore_mem>>
      %dma_start3A_170 = arith.constant 0 : i32
      %dma_start3A_171 = arith.constant 0 : i32
      %dma_start3A_172 = tpu.memref_slice %arg3[%add3A, %dma_start3A_170, %dma_start3A_171] : memref<32x128x80xi32, #tpu.memory_space<hbm>> -> memref<1x64x80xi32, #tpu.memory_space<hbm>>
      %dma_start3A_173 = tpu.memref_squeeze %dma_start3A_172 : memref<1x64x80xi32, #tpu.memory_space<hbm>> -> memref<64x80xi32, #tpu.memory_space<hbm>>
      %dma_start3A_174 = arith.constant 0 : i32
      %dma_start3A_175 = arith.constant 0 : i32
      %dma_start3A_176 = tpu.memref_slice %arg3[%add3A, %dma_start3A_174, %dma_start3A_175] : memref<32x128x80xi32, #tpu.memory_space<hbm>> -> memref<1x64x80xi32, #tpu.memory_space<hbm>>
      %dma_start3A_177 = tpu.memref_squeeze %dma_start3A_176 : memref<1x64x80xi32, #tpu.memory_space<hbm>> -> memref<64x80xi32, #tpu.memory_space<hbm>>
      tpu.enqueue_dma source(%dma_start3A_177 : memref<64x80xi32, #tpu.memory_space<hbm>>) target(%arg8 : memref<64x80xi32, #tpu.memory_space<vmem>>) target_semaphore(%run_scoped3A_169 : memref<!tpu.dma_semaphore, #tpu.memory_space<semaphore_mem>>)
      %dma_wait3A_178 = arith.constant 0 : i32
      %dma_wait3A_179 = arith.constant 0 : i32
      %dma_wait3A_180 = tpu.memref_slice %arg3[%add3A, %dma_wait3A_178, %dma_wait3A_179] : memref<32x128x80xi32, #tpu.memory_space<hbm>> -> memref<1x64x80xi32, #tpu.memory_space<hbm>>
      %dma_wait3A_181 = tpu.memref_squeeze %dma_wait3A_180 : memref<1x64x80xi32, #tpu.memory_space<hbm>> -> memref<64x80xi32, #tpu.memory_space<hbm>>
      %dma_wait3A_182 = arith.constant 0 : i32
      %dma_wait3A_183 = arith.constant 0 : i32
      %dma_wait3A_184 = tpu.memref_slice %arg3[%add3A, %dma_wait3A_182, %dma_wait3A_183] : memref<32x128x80xi32, #tpu.memory_space<hbm>> -> memref<1x64x80xi32, #tpu.memory_space<hbm>>
      %dma_wait3A_185 = tpu.memref_squeeze %dma_wait3A_184 : memref<1x64x80xi32, #tpu.memory_space<hbm>> -> memref<64x80xi32, #tpu.memory_space<hbm>>
      tpu.wait_dma2 semaphore(%run_scoped3A_169 : memref<!tpu.dma_semaphore, #tpu.memory_space<semaphore_mem>>) src(%dma_wait3A_185 : memref<64x80xi32, #tpu.memory_space<hbm>>) dst(%arg8 : memref<64x80xi32, #tpu.memory_space<vmem>>)
      tpu.yield
    }) : () -> ()
    %barrier3A = arith.constant 0 : index
    tpu.barrier barrier_id(%barrier3A)
    %dma_start3A = arith.constant 0 : i32
    %dma_start3A_37 = arith.constant 0 : i32
    %dma_start3A_38 = tpu.memref_slice %arg7[%dma_start3A, %dma_start3A_37] : memref<64x80xi32, #tpu.memory_space<vmem>> -> memref<1x80xi32, #tpu.memory_space<vmem>>
    %dma_start3A_39 = tpu.memref_squeeze %dma_start3A_38 : memref<1x80xi32, #tpu.memory_space<vmem>> -> memref<80xi32, #tpu.memory_space<vmem>>
    %dma_start3A_40 = arith.constant 0 : i32
    %dma_start3A_41 = arith.constant 0 : i32
    %dma_start3A_42 = tpu.memref_slice %arg4[%dma_start3A_40, %dma_start3A_41] : memref<10240x128xf32, #tpu.memory_space<hbm>> -> memref<10240x128xf32, #tpu.memory_space<hbm>>
    tpu.enqueue_indirect_dma source(%dma_start3A_42 : memref<10240x128xf32, #tpu.memory_space<hbm>>) target(%arg9 : memref<80x128xf32, #tpu.memory_space<vmem>>) offsets(%dma_start3A_39 : memref<80xi32, #tpu.memory_space<vmem>>) semaphore(%arg11 : memref<!tpu.dma_semaphore, #tpu.memory_space<semaphore_mem>>)
    %scan3A_43 = arith.constant 0 : i32
    %scan3A_44 = arith.constant 31 : i32
    %scan3A_45 = arith.addi %scan3A_43, %scan3A_44 : i32
    %scan3A_46 = arith.constant 1 : i32
    scf.for %scan3A_169 = %scan3A_43 to %scan3A_45 step %scan3A_46  : i32 {
      %mul3A_170 = arith.constant 1 : i32
      %mul3A_171 = arith.muli %scan3A_169, %mul3A_170 : i32
      %add3A_172 = arith.constant 0 : i32
      %add3A_173 = arith.addi %add3A_172, %mul3A_171 : i32
      %mul3A_174 = arith.constant 2 : i32
      %mul3A_175 = arith.muli %mul3A_174, %add3A_173 : i32
      %add3A_176 = arith.constant 1 : i32
      %add3A_177 = arith.addi %mul3A_175, %add3A_176 : i32
      %dma_start3A_178 = arith.constant 0 : i32
      %dma_start3A_179 = tpu.memref_slice %arg7[%add3A_177, %dma_start3A_178] : memref<64x80xi32, #tpu.memory_space<vmem>> -> memref<1x80xi32, #tpu.memory_space<vmem>>
      %dma_start3A_180 = tpu.memref_squeeze %dma_start3A_179 : memref<1x80xi32, #tpu.memory_space<vmem>> -> memref<80xi32, #tpu.memory_space<vmem>>
      %dma_start3A_181 = arith.constant 0 : i32
      %dma_start3A_182 = arith.constant 0 : i32
      %dma_start3A_183 = tpu.memref_slice %arg4[%dma_start3A_181, %dma_start3A_182] : memref<10240x128xf32, #tpu.memory_space<hbm>> -> memref<10240x128xf32, #tpu.memory_space<hbm>>
      tpu.enqueue_indirect_dma source(%dma_start3A_183 : memref<10240x128xf32, #tpu.memory_space<hbm>>) target(%arg10 : memref<80x128xf32, #tpu.memory_space<vmem>>) offsets(%dma_start3A_180 : memref<80xi32, #tpu.memory_space<vmem>>) semaphore(%arg12 : memref<!tpu.dma_semaphore, #tpu.memory_space<semaphore_mem>>)
      %dma_wait3A_184 = arith.constant 0 : i32
      %dma_wait3A_185 = tpu.memref_slice %arg7[%mul3A_175, %dma_wait3A_184] : memref<64x80xi32, #tpu.memory_space<vmem>> -> memref<1x80xi32, #tpu.memory_space<vmem>>
      %dma_wait3A_186 = tpu.memref_squeeze %dma_wait3A_185 : memref<1x80xi32, #tpu.memory_space<vmem>> -> memref<80xi32, #tpu.memory_space<vmem>>
      %dma_wait3A_187 = arith.constant 0 : i32
      %dma_wait3A_188 = arith.constant 0 : i32
      %dma_wait3A_189 = tpu.memref_slice %arg4[%dma_wait3A_187, %dma_wait3A_188] : memref<10240x128xf32, #tpu.memory_space<hbm>> -> memref<10240x128xf32, #tpu.memory_space<hbm>>
      tpu.wait_indirect_dma semaphore(%arg11 : memref<!tpu.dma_semaphore, #tpu.memory_space<semaphore_mem>>) src(%dma_wait3A_189 : memref<10240x128xf32, #tpu.memory_space<hbm>>) dst(%arg9 : memref<80x128xf32, #tpu.memory_space<vmem>>)
      "tpu.region"() ({
        %run_scoped3A_208 = tpu.sem_alloc : memref<!tpu.dma_semaphore, #tpu.memory_space<semaphore_mem>>
        %dma_start3A_209 = arith.constant 0 : i32
        %dma_start3A_210 = tpu.memref_slice %arg8[%mul3A_175, %dma_start3A_209] : memref<64x80xi32, #tpu.memory_space<vmem>> -> memref<1x80xi32, #tpu.memory_space<vmem>>
        %dma_start3A_211 = tpu.memref_squeeze %dma_start3A_210 : memref<1x80xi32, #tpu.memory_space<vmem>> -> memref<80xi32, #tpu.memory_space<vmem>>
        %dma_start3A_212 = arith.constant 0 : i32
        %dma_start3A_213 = arith.constant 0 : i32
        %dma_start3A_214 = tpu.memref_slice %arg6[%dma_start3A_212, %dma_start3A_213] : memref<10240x128xf32, #tpu.memory_space<vmem_shared>> -> memref<10240x128xf32, #tpu.memory_space<vmem_shared>>
        tpu.enqueue_indirect_dma source(%arg9 : memref<80x128xf32, #tpu.memory_space<vmem>>) target(%dma_start3A_214 : memref<10240x128xf32, #tpu.memory_space<vmem_shared>>) offsets(%dma_start3A_211 : memref<80xi32, #tpu.memory_space<vmem>>) semaphore(%run_scoped3A_208 : memref<!tpu.dma_semaphore, #tpu.memory_space<semaphore_mem>>) {add = true}
        %dma_wait3A_215 = arith.constant 0 : i32
        %dma_wait3A_216 = tpu.memref_slice %arg8[%mul3A_175, %dma_wait3A_215] : memref<64x80xi32, #tpu.memory_space<vmem>> -> memref<1x80xi32, #tpu.memory_space<vmem>>
        %dma_wait3A_217 = tpu.memref_squeeze %dma_wait3A_216 : memref<1x80xi32, #tpu.memory_space<vmem>> -> memref<80xi32, #tpu.memory_space<vmem>>
        %dma_wait3A_218 = arith.constant 0 : i32
        %dma_wait3A_219 = arith.constant 0 : i32
        %dma_wait3A_220 = tpu.memref_slice %arg6[%dma_wait3A_218, %dma_wait3A_219] : memref<10240x128xf32, #tpu.memory_space<vmem_shared>> -> memref<10240x128xf32, #tpu.memory_space<vmem_shared>>
        tpu.wait_indirect_dma semaphore(%run_scoped3A_208 : memref<!tpu.dma_semaphore, #tpu.memory_space<semaphore_mem>>) src(%arg9 : memref<80x128xf32, #tpu.memory_space<vmem>>) dst(%dma_wait3A_220 : memref<10240x128xf32, #tpu.memory_space<vmem_shared>>)
        tpu.yield
      }) : () -> ()
      %add3A_190 = arith.constant 2 : i32
      %add3A_191 = arith.addi %mul3A_175, %add3A_190 : i32
      %dma_start3A_192 = arith.constant 0 : i32
      %dma_start3A_193 = tpu.memref_slice %arg7[%add3A_191, %dma_start3A_192] : memref<64x80xi32, #tpu.memory_space<vmem>> -> memref<1x80xi32, #tpu.memory_space<vmem>>
      %dma_start3A_194 = tpu.memref_squeeze %dma_start3A_193 : memref<1x80xi32, #tpu.memory_space<vmem>> -> memref<80xi32, #tpu.memory_space<vmem>>
      %dma_start3A_195 = arith.constant 0 : i32
      %dma_start3A_196 = arith.constant 0 : i32
      %dma_start3A_197 = tpu.memref_slice %arg4[%dma_start3A_195, %dma_start3A_196] : memref<10240x128xf32, #tpu.memory_space<hbm>> -> memref<10240x128xf32, #tpu.memory_space<hbm>>
      tpu.enqueue_indirect_dma source(%dma_start3A_197 : memref<10240x128xf32, #tpu.memory_space<hbm>>) target(%arg9 : memref<80x128xf32, #tpu.memory_space<vmem>>) offsets(%dma_start3A_194 : memref<80xi32, #tpu.memory_space<vmem>>) semaphore(%arg11 : memref<!tpu.dma_semaphore, #tpu.memory_space<semaphore_mem>>)
      %add3A_198 = arith.constant 1 : i32
      %add3A_199 = arith.addi %mul3A_175, %add3A_198 : i32
      %dma_wait3A_200 = arith.constant 0 : i32
      %dma_wait3A_201 = tpu.memref_slice %arg7[%add3A_199, %dma_wait3A_200] : memref<64x80xi32, #tpu.memory_space<vmem>> -> memref<1x80xi32, #tpu.memory_space<vmem>>
      %dma_wait3A_202 = tpu.memref_squeeze %dma_wait3A_201 : memref<1x80xi32, #tpu.memory_space<vmem>> -> memref<80xi32, #tpu.memory_space<vmem>>
      %dma_wait3A_203 = arith.constant 0 : i32
      %dma_wait3A_204 = arith.constant 0 : i32
      %dma_wait3A_205 = tpu.memref_slice %arg4[%dma_wait3A_203, %dma_wait3A_204] : memref<10240x128xf32, #tpu.memory_space<hbm>> -> memref<10240x128xf32, #tpu.memory_space<hbm>>
      tpu.wait_indirect_dma semaphore(%arg12 : memref<!tpu.dma_semaphore, #tpu.memory_space<semaphore_mem>>) src(%dma_wait3A_205 : memref<10240x128xf32, #tpu.memory_space<hbm>>) dst(%arg10 : memref<80x128xf32, #tpu.memory_space<vmem>>)
      %add3A_206 = arith.constant 1 : i32
      %add3A_207 = arith.addi %mul3A_175, %add3A_206 : i32
      "tpu.region"() ({
        %run_scoped3A_208 = tpu.sem_alloc : memref<!tpu.dma_semaphore, #tpu.memory_space<semaphore_mem>>
        %dma_start3A_209 = arith.constant 0 : i32
        %dma_start3A_210 = tpu.memref_slice %arg8[%add3A_207, %dma_start3A_209] : memref<64x80xi32, #tpu.memory_space<vmem>> -> memref<1x80xi32, #tpu.memory_space<vmem>>
        %dma_start3A_211 = tpu.memref_squeeze %dma_start3A_210 : memref<1x80xi32, #tpu.memory_space<vmem>> -> memref<80xi32, #tpu.memory_space<vmem>>
        %dma_start3A_212 = arith.constant 0 : i32
        %dma_start3A_213 = arith.constant 0 : i32
        %dma_start3A_214 = tpu.memref_slice %arg6[%dma_start3A_212, %dma_start3A_213] : memref<10240x128xf32, #tpu.memory_space<vmem_shared>> -> memref<10240x128xf32, #tpu.memory_space<vmem_shared>>
        tpu.enqueue_indirect_dma source(%arg10 : memref<80x128xf32, #tpu.memory_space<vmem>>) target(%dma_start3A_214 : memref<10240x128xf32, #tpu.memory_space<vmem_shared>>) offsets(%dma_start3A_211 : memref<80xi32, #tpu.memory_space<vmem>>) semaphore(%run_scoped3A_208 : memref<!tpu.dma_semaphore, #tpu.memory_space<semaphore_mem>>) {add = true}
        %dma_wait3A_215 = arith.constant 0 : i32
        %dma_wait3A_216 = tpu.memref_slice %arg8[%add3A_207, %dma_wait3A_215] : memref<64x80xi32, #tpu.memory_space<vmem>> -> memref<1x80xi32, #tpu.memory_space<vmem>>
        %dma_wait3A_217 = tpu.memref_squeeze %dma_wait3A_216 : memref<1x80xi32, #tpu.memory_space<vmem>> -> memref<80xi32, #tpu.memory_space<vmem>>
        %dma_wait3A_218 = arith.constant 0 : i32
        %dma_wait3A_219 = arith.constant 0 : i32
        %dma_wait3A_220 = tpu.memref_slice %arg6[%dma_wait3A_218, %dma_wait3A_219] : memref<10240x128xf32, #tpu.memory_space<vmem_shared>> -> memref<10240x128xf32, #tpu.memory_space<vmem_shared>>
        tpu.wait_indirect_dma semaphore(%run_scoped3A_208 : memref<!tpu.dma_semaphore, #tpu.memory_space<semaphore_mem>>) src(%arg10 : memref<80x128xf32, #tpu.memory_space<vmem>>) dst(%dma_wait3A_220 : memref<10240x128xf32, #tpu.memory_space<vmem_shared>>)
        tpu.yield
      }) : () -> ()
    }
    %scan3A_47 = arith.constant 31 : i32
    %dma_start3A_48 = arith.constant 63 : i32
    %dma_start3A_49 = arith.constant 0 : i32
    %dma_start3A_50 = tpu.memref_slice %arg7[%dma_start3A_48, %dma_start3A_49] : memref<64x80xi32, #tpu.memory_space<vmem>> -> memref<1x80xi32, #tpu.memory_space<vmem>>
    %dma_start3A_51 = tpu.memref_squeeze %dma_start3A_50 : memref<1x80xi32, #tpu.memory_space<vmem>> -> memref<80xi32, #tpu.memory_space<vmem>>
    %dma_start3A_52 = arith.constant 0 : i32
    %dma_start3A_53 = arith.constant 0 : i32
    %dma_start3A_54 = tpu.memref_slice %arg4[%dma_start3A_52, %dma_start3A_53] : memref<10240x128xf32, #tpu.memory_space<hbm>> -> memref<10240x128xf32, #tpu.memory_space<hbm>>
    tpu.enqueue_indirect_dma source(%dma_start3A_54 : memref<10240x128xf32, #tpu.memory_space<hbm>>) target(%arg10 : memref<80x128xf32, #tpu.memory_space<vmem>>) offsets(%dma_start3A_51 : memref<80xi32, #tpu.memory_space<vmem>>) semaphore(%arg12 : memref<!tpu.dma_semaphore, #tpu.memory_space<semaphore_mem>>)
    %dma_wait3A = arith.constant 62 : i32
    %dma_wait3A_55 = arith.constant 0 : i32
    %dma_wait3A_56 = tpu.memref_slice %arg7[%dma_wait3A, %dma_wait3A_55] : memref<64x80xi32, #tpu.memory_space<vmem>> -> memref<1x80xi32, #tpu.memory_space<vmem>>
    %dma_wait3A_57 = tpu.memref_squeeze %dma_wait3A_56 : memref<1x80xi32, #tpu.memory_space<vmem>> -> memref<80xi32, #tpu.memory_space<vmem>>
    %dma_wait3A_58 = arith.constant 0 : i32
    %dma_wait3A_59 = arith.constant 0 : i32
    %dma_wait3A_60 = tpu.memref_slice %arg4[%dma_wait3A_58, %dma_wait3A_59] : memref<10240x128xf32, #tpu.memory_space<hbm>> -> memref<10240x128xf32, #tpu.memory_space<hbm>>
    tpu.wait_indirect_dma semaphore(%arg11 : memref<!tpu.dma_semaphore, #tpu.memory_space<semaphore_mem>>) src(%dma_wait3A_60 : memref<10240x128xf32, #tpu.memory_space<hbm>>) dst(%arg9 : memref<80x128xf32, #tpu.memory_space<vmem>>)
    %run_scoped3A = arith.constant 62 : i32
    "tpu.region"() ({
      %run_scoped3A_169 = tpu.sem_alloc : memref<!tpu.dma_semaphore, #tpu.memory_space<semaphore_mem>>
      %dma_start3A_170 = arith.constant 0 : i32
      %dma_start3A_171 = tpu.memref_slice %arg8[%run_scoped3A, %dma_start3A_170] : memref<64x80xi32, #tpu.memory_space<vmem>> -> memref<1x80xi32, #tpu.memory_space<vmem>>
      %dma_start3A_172 = tpu.memref_squeeze %dma_start3A_171 : memref<1x80xi32, #tpu.memory_space<vmem>> -> memref<80xi32, #tpu.memory_space<vmem>>
      %dma_start3A_173 = arith.constant 0 : i32
      %dma_start3A_174 = arith.constant 0 : i32
      %dma_start3A_175 = tpu.memref_slice %arg6[%dma_start3A_173, %dma_start3A_174] : memref<10240x128xf32, #tpu.memory_space<vmem_shared>> -> memref<10240x128xf32, #tpu.memory_space<vmem_shared>>
      tpu.enqueue_indirect_dma source(%arg9 : memref<80x128xf32, #tpu.memory_space<vmem>>) target(%dma_start3A_175 : memref<10240x128xf32, #tpu.memory_space<vmem_shared>>) offsets(%dma_start3A_172 : memref<80xi32, #tpu.memory_space<vmem>>) semaphore(%run_scoped3A_169 : memref<!tpu.dma_semaphore, #tpu.memory_space<semaphore_mem>>) {add = true}
      %dma_wait3A_176 = arith.constant 0 : i32
      %dma_wait3A_177 = tpu.memref_slice %arg8[%run_scoped3A, %dma_wait3A_176] : memref<64x80xi32, #tpu.memory_space<vmem>> -> memref<1x80xi32, #tpu.memory_space<vmem>>
      %dma_wait3A_178 = tpu.memref_squeeze %dma_wait3A_177 : memref<1x80xi32, #tpu.memory_space<vmem>> -> memref<80xi32, #tpu.memory_space<vmem>>
      %dma_wait3A_179 = arith.constant 0 : i32
      %dma_wait3A_180 = arith.constant 0 : i32
      %dma_wait3A_181 = tpu.memref_slice %arg6[%dma_wait3A_179, %dma_wait3A_180] : memref<10240x128xf32, #tpu.memory_space<vmem_shared>> -> memref<10240x128xf32, #tpu.memory_space<vmem_shared>>
      tpu.wait_indirect_dma semaphore(%run_scoped3A_169 : memref<!tpu.dma_semaphore, #tpu.memory_space<semaphore_mem>>) src(%arg9 : memref<80x128xf32, #tpu.memory_space<vmem>>) dst(%dma_wait3A_181 : memref<10240x128xf32, #tpu.memory_space<vmem_shared>>)
      tpu.yield
    }) : () -> ()
    %dma_wait3A_61 = arith.constant 63 : i32
    %dma_wait3A_62 = arith.constant 0 : i32
    %dma_wait3A_63 = tpu.memref_slice %arg7[%dma_wait3A_61, %dma_wait3A_62] : memref<64x80xi32, #tpu.memory_space<vmem>> -> memref<1x80xi32, #tpu.memory_space<vmem>>
    %dma_wait3A_64 = tpu.memref_squeeze %dma_wait3A_63 : memref<1x80xi32, #tpu.memory_space<vmem>> -> memref<80xi32, #tpu.memory_space<vmem>>
    %dma_wait3A_65 = arith.constant 0 : i32
    %dma_wait3A_66 = arith.constant 0 : i32
    %dma_wait3A_67 = tpu.memref_slice %arg4[%dma_wait3A_65, %dma_wait3A_66] : memref<10240x128xf32, #tpu.memory_space<hbm>> -> memref<10240x128xf32, #tpu.memory_space<hbm>>
    tpu.wait_indirect_dma semaphore(%arg12 : memref<!tpu.dma_semaphore, #tpu.memory_space<semaphore_mem>>) src(%dma_wait3A_67 : memref<10240x128xf32, #tpu.memory_space<hbm>>) dst(%arg10 : memref<80x128xf32, #tpu.memory_space<vmem>>)
    %run_scoped3A_68 = arith.constant 63 : i32
    "tpu.region"() ({
      %run_scoped3A_169 = tpu.sem_alloc : memref<!tpu.dma_semaphore, #tpu.memory_space<semaphore_mem>>
      %dma_start3A_170 = arith.constant 0 : i32
      %dma_start3A_171 = tpu.memref_slice %arg8[%run_scoped3A_68, %dma_start3A_170] : memref<64x80xi32, #tpu.memory_space<vmem>> -> memref<1x80xi32, #tpu.memory_space<vmem>>
      %dma_start3A_172 = tpu.memref_squeeze %dma_start3A_171 : memref<1x80xi32, #tpu.memory_space<vmem>> -> memref<80xi32, #tpu.memory_space<vmem>>
      %dma_start3A_173 = arith.constant 0 : i32
      %dma_start3A_174 = arith.constant 0 : i32
      %dma_start3A_175 = tpu.memref_slice %arg6[%dma_start3A_173, %dma_start3A_174] : memref<10240x128xf32, #tpu.memory_space<vmem_shared>> -> memref<10240x128xf32, #tpu.memory_space<vmem_shared>>
      tpu.enqueue_indirect_dma source(%arg10 : memref<80x128xf32, #tpu.memory_space<vmem>>) target(%dma_start3A_175 : memref<10240x128xf32, #tpu.memory_space<vmem_shared>>) offsets(%dma_start3A_172 : memref<80xi32, #tpu.memory_space<vmem>>) semaphore(%run_scoped3A_169 : memref<!tpu.dma_semaphore, #tpu.memory_space<semaphore_mem>>) {add = true}
      %dma_wait3A_176 = arith.constant 0 : i32
      %dma_wait3A_177 = tpu.memref_slice %arg8[%run_scoped3A_68, %dma_wait3A_176] : memref<64x80xi32, #tpu.memory_space<vmem>> -> memref<1x80xi32, #tpu.memory_space<vmem>>
      %dma_wait3A_178 = tpu.memref_squeeze %dma_wait3A_177 : memref<1x80xi32, #tpu.memory_space<vmem>> -> memref<80xi32, #tpu.memory_space<vmem>>
      %dma_wait3A_179 = arith.constant 0 : i32
      %dma_wait3A_180 = arith.constant 0 : i32
      %dma_wait3A_181 = tpu.memref_slice %arg6[%dma_wait3A_179, %dma_wait3A_180] : memref<10240x128xf32, #tpu.memory_space<vmem_shared>> -> memref<10240x128xf32, #tpu.memory_space<vmem_shared>>
      tpu.wait_indirect_dma semaphore(%run_scoped3A_169 : memref<!tpu.dma_semaphore, #tpu.memory_space<semaphore_mem>>) src(%arg10 : memref<80x128xf32, #tpu.memory_space<vmem>>) dst(%dma_wait3A_181 : memref<10240x128xf32, #tpu.memory_space<vmem_shared>>)
      tpu.yield
    }) : () -> ()
    "tpu.region"() ({
      %run_scoped3A_169 = tpu.sem_alloc : memref<!tpu.dma_semaphore, #tpu.memory_space<semaphore_mem>>
      %dma_start3A_170 = arith.constant 64 : i32
      %dma_start3A_171 = arith.constant 0 : i32
      %dma_start3A_172 = tpu.memref_slice %arg2[%add3A, %dma_start3A_170, %dma_start3A_171] : memref<32x128x80xi32, #tpu.memory_space<hbm>> -> memref<1x64x80xi32, #tpu.memory_space<hbm>>
      %dma_start3A_173 = tpu.memref_squeeze %dma_start3A_172 : memref<1x64x80xi32, #tpu.memory_space<hbm>> -> memref<64x80xi32, #tpu.memory_space<hbm>>
      %dma_start3A_174 = arith.constant 64 : i32
      %dma_start3A_175 = arith.constant 0 : i32
      %dma_start3A_176 = tpu.memref_slice %arg2[%add3A, %dma_start3A_174, %dma_start3A_175] : memref<32x128x80xi32, #tpu.memory_space<hbm>> -> memref<1x64x80xi32, #tpu.memory_space<hbm>>
      %dma_start3A_177 = tpu.memref_squeeze %dma_start3A_176 : memref<1x64x80xi32, #tpu.memory_space<hbm>> -> memref<64x80xi32, #tpu.memory_space<hbm>>
      tpu.enqueue_dma source(%dma_start3A_177 : memref<64x80xi32, #tpu.memory_space<hbm>>) target(%arg7 : memref<64x80xi32, #tpu.memory_space<vmem>>) target_semaphore(%run_scoped3A_169 : memref<!tpu.dma_semaphore, #tpu.memory_space<semaphore_mem>>)
      %dma_wait3A_178 = arith.constant 64 : i32
      %dma_wait3A_179 = arith.constant 0 : i32
      %dma_wait3A_180 = tpu.memref_slice %arg2[%add3A, %dma_wait3A_178, %dma_wait3A_179] : memref<32x128x80xi32, #tpu.memory_space<hbm>> -> memref<1x64x80xi32, #tpu.memory_space<hbm>>
      %dma_wait3A_181 = tpu.memref_squeeze %dma_wait3A_180 : memref<1x64x80xi32, #tpu.memory_space<hbm>> -> memref<64x80xi32, #tpu.memory_space<hbm>>
      %dma_wait3A_182 = arith.constant 64 : i32
      %dma_wait3A_183 = arith.constant 0 : i32
      %dma_wait3A_184 = tpu.memref_slice %arg2[%add3A, %dma_wait3A_182, %dma_wait3A_183] : memref<32x128x80xi32, #tpu.memory_space<hbm>> -> memref<1x64x80xi32, #tpu.memory_space<hbm>>
      %dma_wait3A_185 = tpu.memref_squeeze %dma_wait3A_184 : memref<1x64x80xi32, #tpu.memory_space<hbm>> -> memref<64x80xi32, #tpu.memory_space<hbm>>
      tpu.wait_dma2 semaphore(%run_scoped3A_169 : memref<!tpu.dma_semaphore, #tpu.memory_space<semaphore_mem>>) src(%dma_wait3A_185 : memref<64x80xi32, #tpu.memory_space<hbm>>) dst(%arg7 : memref<64x80xi32, #tpu.memory_space<vmem>>)
      tpu.yield
    }) : () -> ()
    "tpu.region"() ({
      %run_scoped3A_169 = tpu.sem_alloc : memref<!tpu.dma_semaphore, #tpu.memory_space<semaphore_mem>>
      %dma_start3A_170 = arith.constant 64 : i32
      %dma_start3A_171 = arith.constant 0 : i32
      %dma_start3A_172 = tpu.memref_slice %arg3[%add3A, %dma_start3A_170, %dma_start3A_171] : memref<32x128x80xi32, #tpu.memory_space<hbm>> -> memref<1x64x80xi32, #tpu.memory_space<hbm>>
      %dma_start3A_173 = tpu.memref_squeeze %dma_start3A_172 : memref<1x64x80xi32, #tpu.memory_space<hbm>> -> memref<64x80xi32, #tpu.memory_space<hbm>>
      %dma_start3A_174 = arith.constant 64 : i32
      %dma_start3A_175 = arith.constant 0 : i32
      %dma_start3A_176 = tpu.memref_slice %arg3[%add3A, %dma_start3A_174, %dma_start3A_175] : memref<32x128x80xi32, #tpu.memory_space<hbm>> -> memref<1x64x80xi32, #tpu.memory_space<hbm>>
      %dma_start3A_177 = tpu.memref_squeeze %dma_start3A_176 : memref<1x64x80xi32, #tpu.memory_space<hbm>> -> memref<64x80xi32, #tpu.memory_space<hbm>>
      tpu.enqueue_dma source(%dma_start3A_177 : memref<64x80xi32, #tpu.memory_space<hbm>>) target(%arg8 : memref<64x80xi32, #tpu.memory_space<vmem>>) target_semaphore(%run_scoped3A_169 : memref<!tpu.dma_semaphore, #tpu.memory_space<semaphore_mem>>)
      %dma_wait3A_178 = arith.constant 64 : i32
      %dma_wait3A_179 = arith.constant 0 : i32
      %dma_wait3A_180 = tpu.memref_slice %arg3[%add3A, %dma_wait3A_178, %dma_wait3A_179] : memref<32x128x80xi32, #tpu.memory_space<hbm>> -> memref<1x64x80xi32, #tpu.memory_space<hbm>>
      %dma_wait3A_181 = tpu.memref_squeeze %dma_wait3A_180 : memref<1x64x80xi32, #tpu.memory_space<hbm>> -> memref<64x80xi32, #tpu.memory_space<hbm>>
      %dma_wait3A_182 = arith.constant 64 : i32
      %dma_wait3A_183 = arith.constant 0 : i32
      %dma_wait3A_184 = tpu.memref_slice %arg3[%add3A, %dma_wait3A_182, %dma_wait3A_183] : memref<32x128x80xi32, #tpu.memory_space<hbm>> -> memref<1x64x80xi32, #tpu.memory_space<hbm>>
      %dma_wait3A_185 = tpu.memref_squeeze %dma_wait3A_184 : memref<1x64x80xi32, #tpu.memory_space<hbm>> -> memref<64x80xi32, #tpu.memory_space<hbm>>
      tpu.wait_dma2 semaphore(%run_scoped3A_169 : memref<!tpu.dma_semaphore, #tpu.memory_space<semaphore_mem>>) src(%dma_wait3A_185 : memref<64x80xi32, #tpu.memory_space<hbm>>) dst(%arg8 : memref<64x80xi32, #tpu.memory_space<vmem>>)
      tpu.yield
    }) : () -> ()
    %dma_start3A_69 = arith.constant 0 : i32
    %dma_start3A_70 = arith.constant 0 : i32
    %dma_start3A_71 = tpu.memref_slice %arg7[%dma_start3A_69, %dma_start3A_70] : memref<64x80xi32, #tpu.memory_space<vmem>> -> memref<1x80xi32, #tpu.memory_space<vmem>>
    %dma_start3A_72 = tpu.memref_squeeze %dma_start3A_71 : memref<1x80xi32, #tpu.memory_space<vmem>> -> memref<80xi32, #tpu.memory_space<vmem>>
    %dma_start3A_73 = arith.constant 0 : i32
    %dma_start3A_74 = arith.constant 0 : i32
    %dma_start3A_75 = tpu.memref_slice %arg4[%dma_start3A_73, %dma_start3A_74] : memref<10240x128xf32, #tpu.memory_space<hbm>> -> memref<10240x128xf32, #tpu.memory_space<hbm>>
    tpu.enqueue_indirect_dma source(%dma_start3A_75 : memref<10240x128xf32, #tpu.memory_space<hbm>>) target(%arg9 : memref<80x128xf32, #tpu.memory_space<vmem>>) offsets(%dma_start3A_72 : memref<80xi32, #tpu.memory_space<vmem>>) semaphore(%arg11 : memref<!tpu.dma_semaphore, #tpu.memory_space<semaphore_mem>>)
    %scan3A_76 = arith.constant 0 : i32
    %scan3A_77 = arith.constant 31 : i32
    %scan3A_78 = arith.addi %scan3A_76, %scan3A_77 : i32
    %scan3A_79 = arith.constant 1 : i32
    scf.for %scan3A_169 = %scan3A_76 to %scan3A_78 step %scan3A_79  : i32 {
      %mul3A_170 = arith.constant 1 : i32
      %mul3A_171 = arith.muli %scan3A_169, %mul3A_170 : i32
      %add3A_172 = arith.constant 0 : i32
      %add3A_173 = arith.addi %add3A_172, %mul3A_171 : i32
      %mul3A_174 = arith.constant 2 : i32
      %mul3A_175 = arith.muli %mul3A_174, %add3A_173 : i32
      %add3A_176 = arith.constant 1 : i32
      %add3A_177 = arith.addi %mul3A_175, %add3A_176 : i32
      %dma_start3A_178 = arith.constant 0 : i32
      %dma_start3A_179 = tpu.memref_slice %arg7[%add3A_177, %dma_start3A_178] : memref<64x80xi32, #tpu.memory_space<vmem>> -> memref<1x80xi32, #tpu.memory_space<vmem>>
      %dma_start3A_180 = tpu.memref_squeeze %dma_start3A_179 : memref<1x80xi32, #tpu.memory_space<vmem>> -> memref<80xi32, #tpu.memory_space<vmem>>
      %dma_start3A_181 = arith.constant 0 : i32
      %dma_start3A_182 = arith.constant 0 : i32
      %dma_start3A_183 = tpu.memref_slice %arg4[%dma_start3A_181, %dma_start3A_182] : memref<10240x128xf32, #tpu.memory_space<hbm>> -> memref<10240x128xf32, #tpu.memory_space<hbm>>
      tpu.enqueue_indirect_dma source(%dma_start3A_183 : memref<10240x128xf32, #tpu.memory_space<hbm>>) target(%arg10 : memref<80x128xf32, #tpu.memory_space<vmem>>) offsets(%dma_start3A_180 : memref<80xi32, #tpu.memory_space<vmem>>) semaphore(%arg12 : memref<!tpu.dma_semaphore, #tpu.memory_space<semaphore_mem>>)
      %dma_wait3A_184 = arith.constant 0 : i32
      %dma_wait3A_185 = tpu.memref_slice %arg7[%mul3A_175, %dma_wait3A_184] : memref<64x80xi32, #tpu.memory_space<vmem>> -> memref<1x80xi32, #tpu.memory_space<vmem>>
      %dma_wait3A_186 = tpu.memref_squeeze %dma_wait3A_185 : memref<1x80xi32, #tpu.memory_space<vmem>> -> memref<80xi32, #tpu.memory_space<vmem>>
      %dma_wait3A_187 = arith.constant 0 : i32
      %dma_wait3A_188 = arith.constant 0 : i32
      %dma_wait3A_189 = tpu.memref_slice %arg4[%dma_wait3A_187, %dma_wait3A_188] : memref<10240x128xf32, #tpu.memory_space<hbm>> -> memref<10240x128xf32, #tpu.memory_space<hbm>>
      tpu.wait_indirect_dma semaphore(%arg11 : memref<!tpu.dma_semaphore, #tpu.memory_space<semaphore_mem>>) src(%dma_wait3A_189 : memref<10240x128xf32, #tpu.memory_space<hbm>>) dst(%arg9 : memref<80x128xf32, #tpu.memory_space<vmem>>)
      "tpu.region"() ({
        %run_scoped3A_208 = tpu.sem_alloc : memref<!tpu.dma_semaphore, #tpu.memory_space<semaphore_mem>>
        %dma_start3A_209 = arith.constant 0 : i32
        %dma_start3A_210 = tpu.memref_slice %arg8[%mul3A_175, %dma_start3A_209] : memref<64x80xi32, #tpu.memory_space<vmem>> -> memref<1x80xi32, #tpu.memory_space<vmem>>
        %dma_start3A_211 = tpu.memref_squeeze %dma_start3A_210 : memref<1x80xi32, #tpu.memory_space<vmem>> -> memref<80xi32, #tpu.memory_space<vmem>>
        %dma_start3A_212 = arith.constant 0 : i32
        %dma_start3A_213 = arith.constant 0 : i32
        %dma_start3A_214 = tpu.memref_slice %arg6[%dma_start3A_212, %dma_start3A_213] : memref<10240x128xf32, #tpu.memory_space<vmem_shared>> -> memref<10240x128xf32, #tpu.memory_space<vmem_shared>>
        tpu.enqueue_indirect_dma source(%arg9 : memref<80x128xf32, #tpu.memory_space<vmem>>) target(%dma_start3A_214 : memref<10240x128xf32, #tpu.memory_space<vmem_shared>>) offsets(%dma_start3A_211 : memref<80xi32, #tpu.memory_space<vmem>>) semaphore(%run_scoped3A_208 : memref<!tpu.dma_semaphore, #tpu.memory_space<semaphore_mem>>) {add = true}
        %dma_wait3A_215 = arith.constant 0 : i32
        %dma_wait3A_216 = tpu.memref_slice %arg8[%mul3A_175, %dma_wait3A_215] : memref<64x80xi32, #tpu.memory_space<vmem>> -> memref<1x80xi32, #tpu.memory_space<vmem>>
        %dma_wait3A_217 = tpu.memref_squeeze %dma_wait3A_216 : memref<1x80xi32, #tpu.memory_space<vmem>> -> memref<80xi32, #tpu.memory_space<vmem>>
        %dma_wait3A_218 = arith.constant 0 : i32
        %dma_wait3A_219 = arith.constant 0 : i32
        %dma_wait3A_220 = tpu.memref_slice %arg6[%dma_wait3A_218, %dma_wait3A_219] : memref<10240x128xf32, #tpu.memory_space<vmem_shared>> -> memref<10240x128xf32, #tpu.memory_space<vmem_shared>>
        tpu.wait_indirect_dma semaphore(%run_scoped3A_208 : memref<!tpu.dma_semaphore, #tpu.memory_space<semaphore_mem>>) src(%arg9 : memref<80x128xf32, #tpu.memory_space<vmem>>) dst(%dma_wait3A_220 : memref<10240x128xf32, #tpu.memory_space<vmem_shared>>)
        tpu.yield
      }) : () -> ()
      %add3A_190 = arith.constant 2 : i32
      %add3A_191 = arith.addi %mul3A_175, %add3A_190 : i32
      %dma_start3A_192 = arith.constant 0 : i32
      %dma_start3A_193 = tpu.memref_slice %arg7[%add3A_191, %dma_start3A_192] : memref<64x80xi32, #tpu.memory_space<vmem>> -> memref<1x80xi32, #tpu.memory_space<vmem>>
      %dma_start3A_194 = tpu.memref_squeeze %dma_start3A_193 : memref<1x80xi32, #tpu.memory_space<vmem>> -> memref<80xi32, #tpu.memory_space<vmem>>
      %dma_start3A_195 = arith.constant 0 : i32
      %dma_start3A_196 = arith.constant 0 : i32
      %dma_start3A_197 = tpu.memref_slice %arg4[%dma_start3A_195, %dma_start3A_196] : memref<10240x128xf32, #tpu.memory_space<hbm>> -> memref<10240x128xf32, #tpu.memory_space<hbm>>
      tpu.enqueue_indirect_dma source(%dma_start3A_197 : memref<10240x128xf32, #tpu.memory_space<hbm>>) target(%arg9 : memref<80x128xf32, #tpu.memory_space<vmem>>) offsets(%dma_start3A_194 : memref<80xi32, #tpu.memory_space<vmem>>) semaphore(%arg11 : memref<!tpu.dma_semaphore, #tpu.memory_space<semaphore_mem>>)
      %add3A_198 = arith.constant 1 : i32
      %add3A_199 = arith.addi %mul3A_175, %add3A_198 : i32
      %dma_wait3A_200 = arith.constant 0 : i32
      %dma_wait3A_201 = tpu.memref_slice %arg7[%add3A_199, %dma_wait3A_200] : memref<64x80xi32, #tpu.memory_space<vmem>> -> memref<1x80xi32, #tpu.memory_space<vmem>>
      %dma_wait3A_202 = tpu.memref_squeeze %dma_wait3A_201 : memref<1x80xi32, #tpu.memory_space<vmem>> -> memref<80xi32, #tpu.memory_space<vmem>>
      %dma_wait3A_203 = arith.constant 0 : i32
      %dma_wait3A_204 = arith.constant 0 : i32
      %dma_wait3A_205 = tpu.memref_slice %arg4[%dma_wait3A_203, %dma_wait3A_204] : memref<10240x128xf32, #tpu.memory_space<hbm>> -> memref<10240x128xf32, #tpu.memory_space<hbm>>
      tpu.wait_indirect_dma semaphore(%arg12 : memref<!tpu.dma_semaphore, #tpu.memory_space<semaphore_mem>>) src(%dma_wait3A_205 : memref<10240x128xf32, #tpu.memory_space<hbm>>) dst(%arg10 : memref<80x128xf32, #tpu.memory_space<vmem>>)
      %add3A_206 = arith.constant 1 : i32
      %add3A_207 = arith.addi %mul3A_175, %add3A_206 : i32
      "tpu.region"() ({
        %run_scoped3A_208 = tpu.sem_alloc : memref<!tpu.dma_semaphore, #tpu.memory_space<semaphore_mem>>
        %dma_start3A_209 = arith.constant 0 : i32
        %dma_start3A_210 = tpu.memref_slice %arg8[%add3A_207, %dma_start3A_209] : memref<64x80xi32, #tpu.memory_space<vmem>> -> memref<1x80xi32, #tpu.memory_space<vmem>>
        %dma_start3A_211 = tpu.memref_squeeze %dma_start3A_210 : memref<1x80xi32, #tpu.memory_space<vmem>> -> memref<80xi32, #tpu.memory_space<vmem>>
        %dma_start3A_212 = arith.constant 0 : i32
        %dma_start3A_213 = arith.constant 0 : i32
        %dma_start3A_214 = tpu.memref_slice %arg6[%dma_start3A_212, %dma_start3A_213] : memref<10240x128xf32, #tpu.memory_space<vmem_shared>> -> memref<10240x128xf32, #tpu.memory_space<vmem_shared>>
        tpu.enqueue_indirect_dma source(%arg10 : memref<80x128xf32, #tpu.memory_space<vmem>>) target(%dma_start3A_214 : memref<10240x128xf32, #tpu.memory_space<vmem_shared>>) offsets(%dma_start3A_211 : memref<80xi32, #tpu.memory_space<vmem>>) semaphore(%run_scoped3A_208 : memref<!tpu.dma_semaphore, #tpu.memory_space<semaphore_mem>>) {add = true}
        %dma_wait3A_215 = arith.constant 0 : i32
        %dma_wait3A_216 = tpu.memref_slice %arg8[%add3A_207, %dma_wait3A_215] : memref<64x80xi32, #tpu.memory_space<vmem>> -> memref<1x80xi32, #tpu.memory_space<vmem>>
        %dma_wait3A_217 = tpu.memref_squeeze %dma_wait3A_216 : memref<1x80xi32, #tpu.memory_space<vmem>> -> memref<80xi32, #tpu.memory_space<vmem>>
        %dma_wait3A_218 = arith.constant 0 : i32
        %dma_wait3A_219 = arith.constant 0 : i32
        %dma_wait3A_220 = tpu.memref_slice %arg6[%dma_wait3A_218, %dma_wait3A_219] : memref<10240x128xf32, #tpu.memory_space<vmem_shared>> -> memref<10240x128xf32, #tpu.memory_space<vmem_shared>>
        tpu.wait_indirect_dma semaphore(%run_scoped3A_208 : memref<!tpu.dma_semaphore, #tpu.memory_space<semaphore_mem>>) src(%arg10 : memref<80x128xf32, #tpu.memory_space<vmem>>) dst(%dma_wait3A_220 : memref<10240x128xf32, #tpu.memory_space<vmem_shared>>)
        tpu.yield
      }) : () -> ()
    }
    %scan3A_80 = arith.constant 31 : i32
    %dma_start3A_81 = arith.constant 63 : i32
    %dma_start3A_82 = arith.constant 0 : i32
    %dma_start3A_83 = tpu.memref_slice %arg7[%dma_start3A_81, %dma_start3A_82] : memref<64x80xi32, #tpu.memory_space<vmem>> -> memref<1x80xi32, #tpu.memory_space<vmem>>
    %dma_start3A_84 = tpu.memref_squeeze %dma_start3A_83 : memref<1x80xi32, #tpu.memory_space<vmem>> -> memref<80xi32, #tpu.memory_space<vmem>>
    %dma_start3A_85 = arith.constant 0 : i32
    %dma_start3A_86 = arith.constant 0 : i32
    %dma_start3A_87 = tpu.memref_slice %arg4[%dma_start3A_85, %dma_start3A_86] : memref<10240x128xf32, #tpu.memory_space<hbm>> -> memref<10240x128xf32, #tpu.memory_space<hbm>>
    tpu.enqueue_indirect_dma source(%dma_start3A_87 : memref<10240x128xf32, #tpu.memory_space<hbm>>) target(%arg10 : memref<80x128xf32, #tpu.memory_space<vmem>>) offsets(%dma_start3A_84 : memref<80xi32, #tpu.memory_space<vmem>>) semaphore(%arg12 : memref<!tpu.dma_semaphore, #tpu.memory_space<semaphore_mem>>)
    %dma_wait3A_88 = arith.constant 62 : i32
    %dma_wait3A_89 = arith.constant 0 : i32
    %dma_wait3A_90 = tpu.memref_slice %arg7[%dma_wait3A_88, %dma_wait3A_89] : memref<64x80xi32, #tpu.memory_space<vmem>> -> memref<1x80xi32, #tpu.memory_space<vmem>>
    %dma_wait3A_91 = tpu.memref_squeeze %dma_wait3A_90 : memref<1x80xi32, #tpu.memory_space<vmem>> -> memref<80xi32, #tpu.memory_space<vmem>>
    %dma_wait3A_92 = arith.constant 0 : i32
    %dma_wait3A_93 = arith.constant 0 : i32
    %dma_wait3A_94 = tpu.memref_slice %arg4[%dma_wait3A_92, %dma_wait3A_93] : memref<10240x128xf32, #tpu.memory_space<hbm>> -> memref<10240x128xf32, #tpu.memory_space<hbm>>
    tpu.wait_indirect_dma semaphore(%arg11 : memref<!tpu.dma_semaphore, #tpu.memory_space<semaphore_mem>>) src(%dma_wait3A_94 : memref<10240x128xf32, #tpu.memory_space<hbm>>) dst(%arg9 : memref<80x128xf32, #tpu.memory_space<vmem>>)
    %run_scoped3A_95 = arith.constant 62 : i32
    "tpu.region"() ({
      %run_scoped3A_169 = tpu.sem_alloc : memref<!tpu.dma_semaphore, #tpu.memory_space<semaphore_mem>>
      %dma_start3A_170 = arith.constant 0 : i32
      %dma_start3A_171 = tpu.memref_slice %arg8[%run_scoped3A_95, %dma_start3A_170] : memref<64x80xi32, #tpu.memory_space<vmem>> -> memref<1x80xi32, #tpu.memory_space<vmem>>
      %dma_start3A_172 = tpu.memref_squeeze %dma_start3A_171 : memref<1x80xi32, #tpu.memory_space<vmem>> -> memref<80xi32, #tpu.memory_space<vmem>>
      %dma_start3A_173 = arith.constant 0 : i32
      %dma_start3A_174 = arith.constant 0 : i32
      %dma_start3A_175 = tpu.memref_slice %arg6[%dma_start3A_173, %dma_start3A_174] : memref<10240x128xf32, #tpu.memory_space<vmem_shared>> -> memref<10240x128xf32, #tpu.memory_space<vmem_shared>>
      tpu.enqueue_indirect_dma source(%arg9 : memref<80x128xf32, #tpu.memory_space<vmem>>) target(%dma_start3A_175 : memref<10240x128xf32, #tpu.memory_space<vmem_shared>>) offsets(%dma_start3A_172 : memref<80xi32, #tpu.memory_space<vmem>>) semaphore(%run_scoped3A_169 : memref<!tpu.dma_semaphore, #tpu.memory_space<semaphore_mem>>) {add = true}
      %dma_wait3A_176 = arith.constant 0 : i32
      %dma_wait3A_177 = tpu.memref_slice %arg8[%run_scoped3A_95, %dma_wait3A_176] : memref<64x80xi32, #tpu.memory_space<vmem>> -> memref<1x80xi32, #tpu.memory_space<vmem>>
      %dma_wait3A_178 = tpu.memref_squeeze %dma_wait3A_177 : memref<1x80xi32, #tpu.memory_space<vmem>> -> memref<80xi32, #tpu.memory_space<vmem>>
      %dma_wait3A_179 = arith.constant 0 : i32
      %dma_wait3A_180 = arith.constant 0 : i32
      %dma_wait3A_181 = tpu.memref_slice %arg6[%dma_wait3A_179, %dma_wait3A_180] : memref<10240x128xf32, #tpu.memory_space<vmem_shared>> -> memref<10240x128xf32, #tpu.memory_space<vmem_shared>>
      tpu.wait_indirect_dma semaphore(%run_scoped3A_169 : memref<!tpu.dma_semaphore, #tpu.memory_space<semaphore_mem>>) src(%arg9 : memref<80x128xf32, #tpu.memory_space<vmem>>) dst(%dma_wait3A_181 : memref<10240x128xf32, #tpu.memory_space<vmem_shared>>)
      tpu.yield
    }) : () -> ()
    %dma_wait3A_96 = arith.constant 63 : i32
    %dma_wait3A_97 = arith.constant 0 : i32
    %dma_wait3A_98 = tpu.memref_slice %arg7[%dma_wait3A_96, %dma_wait3A_97] : memref<64x80xi32, #tpu.memory_space<vmem>> -> memref<1x80xi32, #tpu.memory_space<vmem>>
    %dma_wait3A_99 = tpu.memref_squeeze %dma_wait3A_98 : memref<1x80xi32, #tpu.memory_space<vmem>> -> memref<80xi32, #tpu.memory_space<vmem>>
    %dma_wait3A_100 = arith.constant 0 : i32
    %dma_wait3A_101 = arith.constant 0 : i32
    %dma_wait3A_102 = tpu.memref_slice %arg4[%dma_wait3A_100, %dma_wait3A_101] : memref<10240x128xf32, #tpu.memory_space<hbm>> -> memref<10240x128xf32, #tpu.memory_space<hbm>>
    tpu.wait_indirect_dma semaphore(%arg12 : memref<!tpu.dma_semaphore, #tpu.memory_space<semaphore_mem>>) src(%dma_wait3A_102 : memref<10240x128xf32, #tpu.memory_space<hbm>>) dst(%arg10 : memref<80x128xf32, #tpu.memory_space<vmem>>)
    %run_scoped3A_103 = arith.constant 63 : i32
    "tpu.region"() ({
      %run_scoped3A_169 = tpu.sem_alloc : memref<!tpu.dma_semaphore, #tpu.memory_space<semaphore_mem>>
      %dma_start3A_170 = arith.constant 0 : i32
      %dma_start3A_171 = tpu.memref_slice %arg8[%run_scoped3A_103, %dma_start3A_170] : memref<64x80xi32, #tpu.memory_space<vmem>> -> memref<1x80xi32, #tpu.memory_space<vmem>>
      %dma_start3A_172 = tpu.memref_squeeze %dma_start3A_171 : memref<1x80xi32, #tpu.memory_space<vmem>> -> memref<80xi32, #tpu.memory_space<vmem>>
      %dma_start3A_173 = arith.constant 0 : i32
      %dma_start3A_174 = arith.constant 0 : i32
      %dma_start3A_175 = tpu.memref_slice %arg6[%dma_start3A_173, %dma_start3A_174] : memref<10240x128xf32, #tpu.memory_space<vmem_shared>> -> memref<10240x128xf32, #tpu.memory_space<vmem_shared>>
      tpu.enqueue_indirect_dma source(%arg10 : memref<80x128xf32, #tpu.memory_space<vmem>>) target(%dma_start3A_175 : memref<10240x128xf32, #tpu.memory_space<vmem_shared>>) offsets(%dma_start3A_172 : memref<80xi32, #tpu.memory_space<vmem>>) semaphore(%run_scoped3A_169 : memref<!tpu.dma_semaphore, #tpu.memory_space<semaphore_mem>>) {add = true}
      %dma_wait3A_176 = arith.constant 0 : i32
      %dma_wait3A_177 = tpu.memref_slice %arg8[%run_scoped3A_103, %dma_wait3A_176] : memref<64x80xi32, #tpu.memory_space<vmem>> -> memref<1x80xi32, #tpu.memory_space<vmem>>
      %dma_wait3A_178 = tpu.memref_squeeze %dma_wait3A_177 : memref<1x80xi32, #tpu.memory_space<vmem>> -> memref<80xi32, #tpu.memory_space<vmem>>
      %dma_wait3A_179 = arith.constant 0 : i32
      %dma_wait3A_180 = arith.constant 0 : i32
      %dma_wait3A_181 = tpu.memref_slice %arg6[%dma_wait3A_179, %dma_wait3A_180] : memref<10240x128xf32, #tpu.memory_space<vmem_shared>> -> memref<10240x128xf32, #tpu.memory_space<vmem_shared>>
      tpu.wait_indirect_dma semaphore(%run_scoped3A_169 : memref<!tpu.dma_semaphore, #tpu.memory_space<semaphore_mem>>) src(%arg10 : memref<80x128xf32, #tpu.memory_space<vmem>>) dst(%dma_wait3A_181 : memref<10240x128xf32, #tpu.memory_space<vmem_shared>>)
      tpu.yield
    }) : () -> ()
    %barrier3A_104 = arith.constant 0 : index
    tpu.barrier barrier_id(%barrier3A_104)
    %mul3A_105 = arith.constant 640 : i32
    %mul3A_106 = arith.muli %arg1, %mul3A_105 : i32
    %add3A_107 = arith.constant 0 : i32
    %add3A_108 = arith.addi %mul3A_106, %add3A_107 : i32
    "tpu.region"() ({
      %run_scoped3A_169 = tpu.sem_alloc : memref<!tpu.dma_semaphore, #tpu.memory_space<semaphore_mem>>
      %dma_start3A_170 = arith.constant 0 : i32
      %dma_start3A_171 = tpu.memref_slice %arg6[%add3A_108, %dma_start3A_170] : memref<10240x128xf32, #tpu.memory_space<vmem_shared>> -> memref<80x128xf32, #tpu.memory_space<vmem_shared>>
      %dma_start3A_172 = arith.constant 0 : i32
      %dma_start3A_173 = tpu.memref_slice %arg6[%add3A_108, %dma_start3A_172] : memref<10240x128xf32, #tpu.memory_space<vmem_shared>> -> memref<80x128xf32, #tpu.memory_space<vmem_shared>>
      tpu.enqueue_dma source(%dma_start3A_173 : memref<80x128xf32, #tpu.memory_space<vmem_shared>>) target(%arg9 : memref<80x128xf32, #tpu.memory_space<vmem>>) target_semaphore(%run_scoped3A_169 : memref<!tpu.dma_semaphore, #tpu.memory_space<semaphore_mem>>)
      %dma_wait3A_174 = arith.constant 0 : i32
      %dma_wait3A_175 = tpu.memref_slice %arg6[%add3A_108, %dma_wait3A_174] : memref<10240x128xf32, #tpu.memory_space<vmem_shared>> -> memref<80x128xf32, #tpu.memory_space<vmem_shared>>
      %dma_wait3A_176 = arith.constant 0 : i32
      %dma_wait3A_177 = tpu.memref_slice %arg6[%add3A_108, %dma_wait3A_176] : memref<10240x128xf32, #tpu.memory_space<vmem_shared>> -> memref<80x128xf32, #tpu.memory_space<vmem_shared>>
      tpu.wait_dma2 semaphore(%run_scoped3A_169 : memref<!tpu.dma_semaphore, #tpu.memory_space<semaphore_mem>>) src(%dma_wait3A_177 : memref<80x128xf32, #tpu.memory_space<vmem_shared>>) dst(%arg9 : memref<80x128xf32, #tpu.memory_space<vmem>>)
      tpu.yield
    }) : () -> ()
    %mul3A_109 = arith.constant 640 : i32
    %mul3A_110 = arith.muli %arg1, %mul3A_109 : i32
    %add3A_111 = arith.constant 0 : i32
    %add3A_112 = arith.addi %mul3A_110, %add3A_111 : i32
    "tpu.region"() ({
      %run_scoped3A_169 = tpu.sem_alloc : memref<!tpu.dma_semaphore, #tpu.memory_space<semaphore_mem>>
      %dma_start3A_170 = arith.constant 0 : i32
      %dma_start3A_171 = tpu.memref_slice %arg5[%arg0, %add3A_112, %dma_start3A_170] : memref<2x10240x128xf32, #tpu.memory_space<hbm>> -> memref<1x80x128xf32, #tpu.memory_space<hbm>>
      %dma_start3A_172 = tpu.memref_squeeze %dma_start3A_171 : memref<1x80x128xf32, #tpu.memory_space<hbm>> -> memref<80x128xf32, #tpu.memory_space<hbm>>
      %dma_start3A_173 = arith.constant 0 : i32
      %dma_start3A_174 = tpu.memref_slice %arg5[%arg0, %add3A_112, %dma_start3A_173] : memref<2x10240x128xf32, #tpu.memory_space<hbm>> -> memref<1x80x128xf32, #tpu.memory_space<hbm>>
      %dma_start3A_175 = tpu.memref_squeeze %dma_start3A_174 : memref<1x80x128xf32, #tpu.memory_space<hbm>> -> memref<80x128xf32, #tpu.memory_space<hbm>>
      tpu.enqueue_dma source(%arg9 : memref<80x128xf32, #tpu.memory_space<vmem>>) target(%dma_start3A_175 : memref<80x128xf32, #tpu.memory_space<hbm>>) target_semaphore(%run_scoped3A_169 : memref<!tpu.dma_semaphore, #tpu.memory_space<semaphore_mem>>)
      %dma_wait3A_176 = arith.constant 0 : i32
      %dma_wait3A_177 = tpu.memref_slice %arg5[%arg0, %add3A_112, %dma_wait3A_176] : memref<2x10240x128xf32, #tpu.memory_space<hbm>> -> memref<1x80x128xf32, #tpu.memory_space<hbm>>
      %dma_wait3A_178 = tpu.memref_squeeze %dma_wait3A_177 : memref<1x80x128xf32, #tpu.memory_space<hbm>> -> memref<80x128xf32, #tpu.memory_space<hbm>>
      %dma_wait3A_179 = arith.constant 0 : i32
      %dma_wait3A_180 = tpu.memref_slice %arg5[%arg0, %add3A_112, %dma_wait3A_179] : memref<2x10240x128xf32, #tpu.memory_space<hbm>> -> memref<1x80x128xf32, #tpu.memory_space<hbm>>
      %dma_wait3A_181 = tpu.memref_squeeze %dma_wait3A_180 : memref<1x80x128xf32, #tpu.memory_space<hbm>> -> memref<80x128xf32, #tpu.memory_space<hbm>>
      tpu.wait_dma2 semaphore(%run_scoped3A_169 : memref<!tpu.dma_semaphore, #tpu.memory_space<semaphore_mem>>) src(%arg9 : memref<80x128xf32, #tpu.memory_space<vmem>>) dst(%dma_wait3A_181 : memref<80x128xf32, #tpu.memory_space<hbm>>)
      tpu.yield
    }) : () -> ()
    %mul3A_113 = arith.constant 640 : i32
    %mul3A_114 = arith.muli %arg1, %mul3A_113 : i32
    %add3A_115 = arith.constant 80 : i32
    %add3A_116 = arith.addi %mul3A_114, %add3A_115 : i32
    "tpu.region"() ({
      %run_scoped3A_169 = tpu.sem_alloc : memref<!tpu.dma_semaphore, #tpu.memory_space<semaphore_mem>>
      %dma_start3A_170 = arith.constant 0 : i32
      %dma_start3A_171 = tpu.memref_slice %arg6[%add3A_116, %dma_start3A_170] : memref<10240x128xf32, #tpu.memory_space<vmem_shared>> -> memref<80x128xf32, #tpu.memory_space<vmem_shared>>
      %dma_start3A_172 = arith.constant 0 : i32
      %dma_start3A_173 = tpu.memref_slice %arg6[%add3A_116, %dma_start3A_172] : memref<10240x128xf32, #tpu.memory_space<vmem_shared>> -> memref<80x128xf32, #tpu.memory_space<vmem_shared>>
      tpu.enqueue_dma source(%dma_start3A_173 : memref<80x128xf32, #tpu.memory_space<vmem_shared>>) target(%arg9 : memref<80x128xf32, #tpu.memory_space<vmem>>) target_semaphore(%run_scoped3A_169 : memref<!tpu.dma_semaphore, #tpu.memory_space<semaphore_mem>>)
      %dma_wait3A_174 = arith.constant 0 : i32
      %dma_wait3A_175 = tpu.memref_slice %arg6[%add3A_116, %dma_wait3A_174] : memref<10240x128xf32, #tpu.memory_space<vmem_shared>> -> memref<80x128xf32, #tpu.memory_space<vmem_shared>>
      %dma_wait3A_176 = arith.constant 0 : i32
      %dma_wait3A_177 = tpu.memref_slice %arg6[%add3A_116, %dma_wait3A_176] : memref<10240x128xf32, #tpu.memory_space<vmem_shared>> -> memref<80x128xf32, #tpu.memory_space<vmem_shared>>
      tpu.wait_dma2 semaphore(%run_scoped3A_169 : memref<!tpu.dma_semaphore, #tpu.memory_space<semaphore_mem>>) src(%dma_wait3A_177 : memref<80x128xf32, #tpu.memory_space<vmem_shared>>) dst(%arg9 : memref<80x128xf32, #tpu.memory_space<vmem>>)
      tpu.yield
    }) : () -> ()
    %mul3A_117 = arith.constant 640 : i32
    %mul3A_118 = arith.muli %arg1, %mul3A_117 : i32
    %add3A_119 = arith.constant 80 : i32
    %add3A_120 = arith.addi %mul3A_118, %add3A_119 : i32
    "tpu.region"() ({
      %run_scoped3A_169 = tpu.sem_alloc : memref<!tpu.dma_semaphore, #tpu.memory_space<semaphore_mem>>
      %dma_start3A_170 = arith.constant 0 : i32
      %dma_start3A_171 = tpu.memref_slice %arg5[%arg0, %add3A_120, %dma_start3A_170] : memref<2x10240x128xf32, #tpu.memory_space<hbm>> -> memref<1x80x128xf32, #tpu.memory_space<hbm>>
      %dma_start3A_172 = tpu.memref_squeeze %dma_start3A_171 : memref<1x80x128xf32, #tpu.memory_space<hbm>> -> memref<80x128xf32, #tpu.memory_space<hbm>>
      %dma_start3A_173 = arith.constant 0 : i32
      %dma_start3A_174 = tpu.memref_slice %arg5[%arg0, %add3A_120, %dma_start3A_173] : memref<2x10240x128xf32, #tpu.memory_space<hbm>> -> memref<1x80x128xf32, #tpu.memory_space<hbm>>
      %dma_start3A_175 = tpu.memref_squeeze %dma_start3A_174 : memref<1x80x128xf32, #tpu.memory_space<hbm>> -> memref<80x128xf32, #tpu.memory_space<hbm>>
      tpu.enqueue_dma source(%arg9 : memref<80x128xf32, #tpu.memory_space<vmem>>) target(%dma_start3A_175 : memref<80x128xf32, #tpu.memory_space<hbm>>) target_semaphore(%run_scoped3A_169 : memref<!tpu.dma_semaphore, #tpu.memory_space<semaphore_mem>>)
      %dma_wait3A_176 = arith.constant 0 : i32
      %dma_wait3A_177 = tpu.memref_slice %arg5[%arg0, %add3A_120, %dma_wait3A_176] : memref<2x10240x128xf32, #tpu.memory_space<hbm>> -> memref<1x80x128xf32, #tpu.memory_space<hbm>>
      %dma_wait3A_178 = tpu.memref_squeeze %dma_wait3A_177 : memref<1x80x128xf32, #tpu.memory_space<hbm>> -> memref<80x128xf32, #tpu.memory_space<hbm>>
      %dma_wait3A_179 = arith.constant 0 : i32
      %dma_wait3A_180 = tpu.memref_slice %arg5[%arg0, %add3A_120, %dma_wait3A_179] : memref<2x10240x128xf32, #tpu.memory_space<hbm>> -> memref<1x80x128xf32, #tpu.memory_space<hbm>>
      %dma_wait3A_181 = tpu.memref_squeeze %dma_wait3A_180 : memref<1x80x128xf32, #tpu.memory_space<hbm>> -> memref<80x128xf32, #tpu.memory_space<hbm>>
      tpu.wait_dma2 semaphore(%run_scoped3A_169 : memref<!tpu.dma_semaphore, #tpu.memory_space<semaphore_mem>>) src(%arg9 : memref<80x128xf32, #tpu.memory_space<vmem>>) dst(%dma_wait3A_181 : memref<80x128xf32, #tpu.memory_space<hbm>>)
      tpu.yield
    }) : () -> ()
    %mul3A_121 = arith.constant 640 : i32
    %mul3A_122 = arith.muli %arg1, %mul3A_121 : i32
    %add3A_123 = arith.constant 160 : i32
    %add3A_124 = arith.addi %mul3A_122, %add3A_123 : i32
    "tpu.region"() ({
      %run_scoped3A_169 = tpu.sem_alloc : memref<!tpu.dma_semaphore, #tpu.memory_space<semaphore_mem>>
      %dma_start3A_170 = arith.constant 0 : i32
      %dma_start3A_171 = tpu.memref_slice %arg6[%add3A_124, %dma_start3A_170] : memref<10240x128xf32, #tpu.memory_space<vmem_shared>> -> memref<80x128xf32, #tpu.memory_space<vmem_shared>>
      %dma_start3A_172 = arith.constant 0 : i32
      %dma_start3A_173 = tpu.memref_slice %arg6[%add3A_124, %dma_start3A_172] : memref<10240x128xf32, #tpu.memory_space<vmem_shared>> -> memref<80x128xf32, #tpu.memory_space<vmem_shared>>
      tpu.enqueue_dma source(%dma_start3A_173 : memref<80x128xf32, #tpu.memory_space<vmem_shared>>) target(%arg9 : memref<80x128xf32, #tpu.memory_space<vmem>>) target_semaphore(%run_scoped3A_169 : memref<!tpu.dma_semaphore, #tpu.memory_space<semaphore_mem>>)
      %dma_wait3A_174 = arith.constant 0 : i32
      %dma_wait3A_175 = tpu.memref_slice %arg6[%add3A_124, %dma_wait3A_174] : memref<10240x128xf32, #tpu.memory_space<vmem_shared>> -> memref<80x128xf32, #tpu.memory_space<vmem_shared>>
      %dma_wait3A_176 = arith.constant 0 : i32
      %dma_wait3A_177 = tpu.memref_slice %arg6[%add3A_124, %dma_wait3A_176] : memref<10240x128xf32, #tpu.memory_space<vmem_shared>> -> memref<80x128xf32, #tpu.memory_space<vmem_shared>>
      tpu.wait_dma2 semaphore(%run_scoped3A_169 : memref<!tpu.dma_semaphore, #tpu.memory_space<semaphore_mem>>) src(%dma_wait3A_177 : memref<80x128xf32, #tpu.memory_space<vmem_shared>>) dst(%arg9 : memref<80x128xf32, #tpu.memory_space<vmem>>)
      tpu.yield
    }) : () -> ()
    %mul3A_125 = arith.constant 640 : i32
    %mul3A_126 = arith.muli %arg1, %mul3A_125 : i32
    %add3A_127 = arith.constant 160 : i32
    %add3A_128 = arith.addi %mul3A_126, %add3A_127 : i32
    "tpu.region"() ({
      %run_scoped3A_169 = tpu.sem_alloc : memref<!tpu.dma_semaphore, #tpu.memory_space<semaphore_mem>>
      %dma_start3A_170 = arith.constant 0 : i32
      %dma_start3A_171 = tpu.memref_slice %arg5[%arg0, %add3A_128, %dma_start3A_170] : memref<2x10240x128xf32, #tpu.memory_space<hbm>> -> memref<1x80x128xf32, #tpu.memory_space<hbm>>
      %dma_start3A_172 = tpu.memref_squeeze %dma_start3A_171 : memref<1x80x128xf32, #tpu.memory_space<hbm>> -> memref<80x128xf32, #tpu.memory_space<hbm>>
      %dma_start3A_173 = arith.constant 0 : i32
      %dma_start3A_174 = tpu.memref_slice %arg5[%arg0, %add3A_128, %dma_start3A_173] : memref<2x10240x128xf32, #tpu.memory_space<hbm>> -> memref<1x80x128xf32, #tpu.memory_space<hbm>>
      %dma_start3A_175 = tpu.memref_squeeze %dma_start3A_174 : memref<1x80x128xf32, #tpu.memory_space<hbm>> -> memref<80x128xf32, #tpu.memory_space<hbm>>
      tpu.enqueue_dma source(%arg9 : memref<80x128xf32, #tpu.memory_space<vmem>>) target(%dma_start3A_175 : memref<80x128xf32, #tpu.memory_space<hbm>>) target_semaphore(%run_scoped3A_169 : memref<!tpu.dma_semaphore, #tpu.memory_space<semaphore_mem>>)
      %dma_wait3A_176 = arith.constant 0 : i32
      %dma_wait3A_177 = tpu.memref_slice %arg5[%arg0, %add3A_128, %dma_wait3A_176] : memref<2x10240x128xf32, #tpu.memory_space<hbm>> -> memref<1x80x128xf32, #tpu.memory_space<hbm>>
      %dma_wait3A_178 = tpu.memref_squeeze %dma_wait3A_177 : memref<1x80x128xf32, #tpu.memory_space<hbm>> -> memref<80x128xf32, #tpu.memory_space<hbm>>
      %dma_wait3A_179 = arith.constant 0 : i32
      %dma_wait3A_180 = tpu.memref_slice %arg5[%arg0, %add3A_128, %dma_wait3A_179] : memref<2x10240x128xf32, #tpu.memory_space<hbm>> -> memref<1x80x128xf32, #tpu.memory_space<hbm>>
      %dma_wait3A_181 = tpu.memref_squeeze %dma_wait3A_180 : memref<1x80x128xf32, #tpu.memory_space<hbm>> -> memref<80x128xf32, #tpu.memory_space<hbm>>
      tpu.wait_dma2 semaphore(%run_scoped3A_169 : memref<!tpu.dma_semaphore, #tpu.memory_space<semaphore_mem>>) src(%arg9 : memref<80x128xf32, #tpu.memory_space<vmem>>) dst(%dma_wait3A_181 : memref<80x128xf32, #tpu.memory_space<hbm>>)
      tpu.yield
    }) : () -> ()
    %mul3A_129 = arith.constant 640 : i32
    %mul3A_130 = arith.muli %arg1, %mul3A_129 : i32
    %add3A_131 = arith.constant 240 : i32
    %add3A_132 = arith.addi %mul3A_130, %add3A_131 : i32
    "tpu.region"() ({
      %run_scoped3A_169 = tpu.sem_alloc : memref<!tpu.dma_semaphore, #tpu.memory_space<semaphore_mem>>
      %dma_start3A_170 = arith.constant 0 : i32
      %dma_start3A_171 = tpu.memref_slice %arg6[%add3A_132, %dma_start3A_170] : memref<10240x128xf32, #tpu.memory_space<vmem_shared>> -> memref<80x128xf32, #tpu.memory_space<vmem_shared>>
      %dma_start3A_172 = arith.constant 0 : i32
      %dma_start3A_173 = tpu.memref_slice %arg6[%add3A_132, %dma_start3A_172] : memref<10240x128xf32, #tpu.memory_space<vmem_shared>> -> memref<80x128xf32, #tpu.memory_space<vmem_shared>>
      tpu.enqueue_dma source(%dma_start3A_173 : memref<80x128xf32, #tpu.memory_space<vmem_shared>>) target(%arg9 : memref<80x128xf32, #tpu.memory_space<vmem>>) target_semaphore(%run_scoped3A_169 : memref<!tpu.dma_semaphore, #tpu.memory_space<semaphore_mem>>)
      %dma_wait3A_174 = arith.constant 0 : i32
      %dma_wait3A_175 = tpu.memref_slice %arg6[%add3A_132, %dma_wait3A_174] : memref<10240x128xf32, #tpu.memory_space<vmem_shared>> -> memref<80x128xf32, #tpu.memory_space<vmem_shared>>
      %dma_wait3A_176 = arith.constant 0 : i32
      %dma_wait3A_177 = tpu.memref_slice %arg6[%add3A_132, %dma_wait3A_176] : memref<10240x128xf32, #tpu.memory_space<vmem_shared>> -> memref<80x128xf32, #tpu.memory_space<vmem_shared>>
      tpu.wait_dma2 semaphore(%run_scoped3A_169 : memref<!tpu.dma_semaphore, #tpu.memory_space<semaphore_mem>>) src(%dma_wait3A_177 : memref<80x128xf32, #tpu.memory_space<vmem_shared>>) dst(%arg9 : memref<80x128xf32, #tpu.memory_space<vmem>>)
      tpu.yield
    }) : () -> ()
    %mul3A_133 = arith.constant 640 : i32
    %mul3A_134 = arith.muli %arg1, %mul3A_133 : i32
    %add3A_135 = arith.constant 240 : i32
    %add3A_136 = arith.addi %mul3A_134, %add3A_135 : i32
    "tpu.region"() ({
      %run_scoped3A_169 = tpu.sem_alloc : memref<!tpu.dma_semaphore, #tpu.memory_space<semaphore_mem>>
      %dma_start3A_170 = arith.constant 0 : i32
      %dma_start3A_171 = tpu.memref_slice %arg5[%arg0, %add3A_136, %dma_start3A_170] : memref<2x10240x128xf32, #tpu.memory_space<hbm>> -> memref<1x80x128xf32, #tpu.memory_space<hbm>>
      %dma_start3A_172 = tpu.memref_squeeze %dma_start3A_171 : memref<1x80x128xf32, #tpu.memory_space<hbm>> -> memref<80x128xf32, #tpu.memory_space<hbm>>
      %dma_start3A_173 = arith.constant 0 : i32
      %dma_start3A_174 = tpu.memref_slice %arg5[%arg0, %add3A_136, %dma_start3A_173] : memref<2x10240x128xf32, #tpu.memory_space<hbm>> -> memref<1x80x128xf32, #tpu.memory_space<hbm>>
      %dma_start3A_175 = tpu.memref_squeeze %dma_start3A_174 : memref<1x80x128xf32, #tpu.memory_space<hbm>> -> memref<80x128xf32, #tpu.memory_space<hbm>>
      tpu.enqueue_dma source(%arg9 : memref<80x128xf32, #tpu.memory_space<vmem>>) target(%dma_start3A_175 : memref<80x128xf32, #tpu.memory_space<hbm>>) target_semaphore(%run_scoped3A_169 : memref<!tpu.dma_semaphore, #tpu.memory_space<semaphore_mem>>)
      %dma_wait3A_176 = arith.constant 0 : i32
      %dma_wait3A_177 = tpu.memref_slice %arg5[%arg0, %add3A_136, %dma_wait3A_176] : memref<2x10240x128xf32, #tpu.memory_space<hbm>> -> memref<1x80x128xf32, #tpu.memory_space<hbm>>
      %dma_wait3A_178 = tpu.memref_squeeze %dma_wait3A_177 : memref<1x80x128xf32, #tpu.memory_space<hbm>> -> memref<80x128xf32, #tpu.memory_space<hbm>>
      %dma_wait3A_179 = arith.constant 0 : i32
      %dma_wait3A_180 = tpu.memref_slice %arg5[%arg0, %add3A_136, %dma_wait3A_179] : memref<2x10240x128xf32, #tpu.memory_space<hbm>> -> memref<1x80x128xf32, #tpu.memory_space<hbm>>
      %dma_wait3A_181 = tpu.memref_squeeze %dma_wait3A_180 : memref<1x80x128xf32, #tpu.memory_space<hbm>> -> memref<80x128xf32, #tpu.memory_space<hbm>>
      tpu.wait_dma2 semaphore(%run_scoped3A_169 : memref<!tpu.dma_semaphore, #tpu.memory_space<semaphore_mem>>) src(%arg9 : memref<80x128xf32, #tpu.memory_space<vmem>>) dst(%dma_wait3A_181 : memref<80x128xf32, #tpu.memory_space<hbm>>)
      tpu.yield
    }) : () -> ()
    %mul3A_137 = arith.constant 640 : i32
    %mul3A_138 = arith.muli %arg1, %mul3A_137 : i32
    %add3A_139 = arith.constant 320 : i32
    %add3A_140 = arith.addi %mul3A_138, %add3A_139 : i32
    "tpu.region"() ({
      %run_scoped3A_169 = tpu.sem_alloc : memref<!tpu.dma_semaphore, #tpu.memory_space<semaphore_mem>>
      %dma_start3A_170 = arith.constant 0 : i32
      %dma_start3A_171 = tpu.memref_slice %arg6[%add3A_140, %dma_start3A_170] : memref<10240x128xf32, #tpu.memory_space<vmem_shared>> -> memref<80x128xf32, #tpu.memory_space<vmem_shared>>
      %dma_start3A_172 = arith.constant 0 : i32
      %dma_start3A_173 = tpu.memref_slice %arg6[%add3A_140, %dma_start3A_172] : memref<10240x128xf32, #tpu.memory_space<vmem_shared>> -> memref<80x128xf32, #tpu.memory_space<vmem_shared>>
      tpu.enqueue_dma source(%dma_start3A_173 : memref<80x128xf32, #tpu.memory_space<vmem_shared>>) target(%arg9 : memref<80x128xf32, #tpu.memory_space<vmem>>) target_semaphore(%run_scoped3A_169 : memref<!tpu.dma_semaphore, #tpu.memory_space<semaphore_mem>>)
      %dma_wait3A_174 = arith.constant 0 : i32
      %dma_wait3A_175 = tpu.memref_slice %arg6[%add3A_140, %dma_wait3A_174] : memref<10240x128xf32, #tpu.memory_space<vmem_shared>> -> memref<80x128xf32, #tpu.memory_space<vmem_shared>>
      %dma_wait3A_176 = arith.constant 0 : i32
      %dma_wait3A_177 = tpu.memref_slice %arg6[%add3A_140, %dma_wait3A_176] : memref<10240x128xf32, #tpu.memory_space<vmem_shared>> -> memref<80x128xf32, #tpu.memory_space<vmem_shared>>
      tpu.wait_dma2 semaphore(%run_scoped3A_169 : memref<!tpu.dma_semaphore, #tpu.memory_space<semaphore_mem>>) src(%dma_wait3A_177 : memref<80x128xf32, #tpu.memory_space<vmem_shared>>) dst(%arg9 : memref<80x128xf32, #tpu.memory_space<vmem>>)
      tpu.yield
    }) : () -> ()
    %mul3A_141 = arith.constant 640 : i32
    %mul3A_142 = arith.muli %arg1, %mul3A_141 : i32
    %add3A_143 = arith.constant 320 : i32
    %add3A_144 = arith.addi %mul3A_142, %add3A_143 : i32
    "tpu.region"() ({
      %run_scoped3A_169 = tpu.sem_alloc : memref<!tpu.dma_semaphore, #tpu.memory_space<semaphore_mem>>
      %dma_start3A_170 = arith.constant 0 : i32
      %dma_start3A_171 = tpu.memref_slice %arg5[%arg0, %add3A_144, %dma_start3A_170] : memref<2x10240x128xf32, #tpu.memory_space<hbm>> -> memref<1x80x128xf32, #tpu.memory_space<hbm>>
      %dma_start3A_172 = tpu.memref_squeeze %dma_start3A_171 : memref<1x80x128xf32, #tpu.memory_space<hbm>> -> memref<80x128xf32, #tpu.memory_space<hbm>>
      %dma_start3A_173 = arith.constant 0 : i32
      %dma_start3A_174 = tpu.memref_slice %arg5[%arg0, %add3A_144, %dma_start3A_173] : memref<2x10240x128xf32, #tpu.memory_space<hbm>> -> memref<1x80x128xf32, #tpu.memory_space<hbm>>
      %dma_start3A_175 = tpu.memref_squeeze %dma_start3A_174 : memref<1x80x128xf32, #tpu.memory_space<hbm>> -> memref<80x128xf32, #tpu.memory_space<hbm>>
      tpu.enqueue_dma source(%arg9 : memref<80x128xf32, #tpu.memory_space<vmem>>) target(%dma_start3A_175 : memref<80x128xf32, #tpu.memory_space<hbm>>) target_semaphore(%run_scoped3A_169 : memref<!tpu.dma_semaphore, #tpu.memory_space<semaphore_mem>>)
      %dma_wait3A_176 = arith.constant 0 : i32
      %dma_wait3A_177 = tpu.memref_slice %arg5[%arg0, %add3A_144, %dma_wait3A_176] : memref<2x10240x128xf32, #tpu.memory_space<hbm>> -> memref<1x80x128xf32, #tpu.memory_space<hbm>>
      %dma_wait3A_178 = tpu.memref_squeeze %dma_wait3A_177 : memref<1x80x128xf32, #tpu.memory_space<hbm>> -> memref<80x128xf32, #tpu.memory_space<hbm>>
      %dma_wait3A_179 = arith.constant 0 : i32
      %dma_wait3A_180 = tpu.memref_slice %arg5[%arg0, %add3A_144, %dma_wait3A_179] : memref<2x10240x128xf32, #tpu.memory_space<hbm>> -> memref<1x80x128xf32, #tpu.memory_space<hbm>>
      %dma_wait3A_181 = tpu.memref_squeeze %dma_wait3A_180 : memref<1x80x128xf32, #tpu.memory_space<hbm>> -> memref<80x128xf32, #tpu.memory_space<hbm>>
      tpu.wait_dma2 semaphore(%run_scoped3A_169 : memref<!tpu.dma_semaphore, #tpu.memory_space<semaphore_mem>>) src(%arg9 : memref<80x128xf32, #tpu.memory_space<vmem>>) dst(%dma_wait3A_181 : memref<80x128xf32, #tpu.memory_space<hbm>>)
      tpu.yield
    }) : () -> ()
    %mul3A_145 = arith.constant 640 : i32
    %mul3A_146 = arith.muli %arg1, %mul3A_145 : i32
    %add3A_147 = arith.constant 400 : i32
    %add3A_148 = arith.addi %mul3A_146, %add3A_147 : i32
    "tpu.region"() ({
      %run_scoped3A_169 = tpu.sem_alloc : memref<!tpu.dma_semaphore, #tpu.memory_space<semaphore_mem>>
      %dma_start3A_170 = arith.constant 0 : i32
      %dma_start3A_171 = tpu.memref_slice %arg6[%add3A_148, %dma_start3A_170] : memref<10240x128xf32, #tpu.memory_space<vmem_shared>> -> memref<80x128xf32, #tpu.memory_space<vmem_shared>>
      %dma_start3A_172 = arith.constant 0 : i32
      %dma_start3A_173 = tpu.memref_slice %arg6[%add3A_148, %dma_start3A_172] : memref<10240x128xf32, #tpu.memory_space<vmem_shared>> -> memref<80x128xf32, #tpu.memory_space<vmem_shared>>
      tpu.enqueue_dma source(%dma_start3A_173 : memref<80x128xf32, #tpu.memory_space<vmem_shared>>) target(%arg9 : memref<80x128xf32, #tpu.memory_space<vmem>>) target_semaphore(%run_scoped3A_169 : memref<!tpu.dma_semaphore, #tpu.memory_space<semaphore_mem>>)
      %dma_wait3A_174 = arith.constant 0 : i32
      %dma_wait3A_175 = tpu.memref_slice %arg6[%add3A_148, %dma_wait3A_174] : memref<10240x128xf32, #tpu.memory_space<vmem_shared>> -> memref<80x128xf32, #tpu.memory_space<vmem_shared>>
      %dma_wait3A_176 = arith.constant 0 : i32
      %dma_wait3A_177 = tpu.memref_slice %arg6[%add3A_148, %dma_wait3A_176] : memref<10240x128xf32, #tpu.memory_space<vmem_shared>> -> memref<80x128xf32, #tpu.memory_space<vmem_shared>>
      tpu.wait_dma2 semaphore(%run_scoped3A_169 : memref<!tpu.dma_semaphore, #tpu.memory_space<semaphore_mem>>) src(%dma_wait3A_177 : memref<80x128xf32, #tpu.memory_space<vmem_shared>>) dst(%arg9 : memref<80x128xf32, #tpu.memory_space<vmem>>)
      tpu.yield
    }) : () -> ()
    %mul3A_149 = arith.constant 640 : i32
    %mul3A_150 = arith.muli %arg1, %mul3A_149 : i32
    %add3A_151 = arith.constant 400 : i32
    %add3A_152 = arith.addi %mul3A_150, %add3A_151 : i32
    "tpu.region"() ({
      %run_scoped3A_169 = tpu.sem_alloc : memref<!tpu.dma_semaphore, #tpu.memory_space<semaphore_mem>>
      %dma_start3A_170 = arith.constant 0 : i32
      %dma_start3A_171 = tpu.memref_slice %arg5[%arg0, %add3A_152, %dma_start3A_170] : memref<2x10240x128xf32, #tpu.memory_space<hbm>> -> memref<1x80x128xf32, #tpu.memory_space<hbm>>
      %dma_start3A_172 = tpu.memref_squeeze %dma_start3A_171 : memref<1x80x128xf32, #tpu.memory_space<hbm>> -> memref<80x128xf32, #tpu.memory_space<hbm>>
      %dma_start3A_173 = arith.constant 0 : i32
      %dma_start3A_174 = tpu.memref_slice %arg5[%arg0, %add3A_152, %dma_start3A_173] : memref<2x10240x128xf32, #tpu.memory_space<hbm>> -> memref<1x80x128xf32, #tpu.memory_space<hbm>>
      %dma_start3A_175 = tpu.memref_squeeze %dma_start3A_174 : memref<1x80x128xf32, #tpu.memory_space<hbm>> -> memref<80x128xf32, #tpu.memory_space<hbm>>
      tpu.enqueue_dma source(%arg9 : memref<80x128xf32, #tpu.memory_space<vmem>>) target(%dma_start3A_175 : memref<80x128xf32, #tpu.memory_space<hbm>>) target_semaphore(%run_scoped3A_169 : memref<!tpu.dma_semaphore, #tpu.memory_space<semaphore_mem>>)
      %dma_wait3A_176 = arith.constant 0 : i32
      %dma_wait3A_177 = tpu.memref_slice %arg5[%arg0, %add3A_152, %dma_wait3A_176] : memref<2x10240x128xf32, #tpu.memory_space<hbm>> -> memref<1x80x128xf32, #tpu.memory_space<hbm>>
      %dma_wait3A_178 = tpu.memref_squeeze %dma_wait3A_177 : memref<1x80x128xf32, #tpu.memory_space<hbm>> -> memref<80x128xf32, #tpu.memory_space<hbm>>
      %dma_wait3A_179 = arith.constant 0 : i32
      %dma_wait3A_180 = tpu.memref_slice %arg5[%arg0, %add3A_152, %dma_wait3A_179] : memref<2x10240x128xf32, #tpu.memory_space<hbm>> -> memref<1x80x128xf32, #tpu.memory_space<hbm>>
      %dma_wait3A_181 = tpu.memref_squeeze %dma_wait3A_180 : memref<1x80x128xf32, #tpu.memory_space<hbm>> -> memref<80x128xf32, #tpu.memory_space<hbm>>
      tpu.wait_dma2 semaphore(%run_scoped3A_169 : memref<!tpu.dma_semaphore, #tpu.memory_space<semaphore_mem>>) src(%arg9 : memref<80x128xf32, #tpu.memory_space<vmem>>) dst(%dma_wait3A_181 : memref<80x128xf32, #tpu.memory_space<hbm>>)
      tpu.yield
    }) : () -> ()
    %mul3A_153 = arith.constant 640 : i32
    %mul3A_154 = arith.muli %arg1, %mul3A_153 : i32
    %add3A_155 = arith.constant 480 : i32
    %add3A_156 = arith.addi %mul3A_154, %add3A_155 : i32
    "tpu.region"() ({
      %run_scoped3A_169 = tpu.sem_alloc : memref<!tpu.dma_semaphore, #tpu.memory_space<semaphore_mem>>
      %dma_start3A_170 = arith.constant 0 : i32
      %dma_start3A_171 = tpu.memref_slice %arg6[%add3A_156, %dma_start3A_170] : memref<10240x128xf32, #tpu.memory_space<vmem_shared>> -> memref<80x128xf32, #tpu.memory_space<vmem_shared>>
      %dma_start3A_172 = arith.constant 0 : i32
      %dma_start3A_173 = tpu.memref_slice %arg6[%add3A_156, %dma_start3A_172] : memref<10240x128xf32, #tpu.memory_space<vmem_shared>> -> memref<80x128xf32, #tpu.memory_space<vmem_shared>>
      tpu.enqueue_dma source(%dma_start3A_173 : memref<80x128xf32, #tpu.memory_space<vmem_shared>>) target(%arg9 : memref<80x128xf32, #tpu.memory_space<vmem>>) target_semaphore(%run_scoped3A_169 : memref<!tpu.dma_semaphore, #tpu.memory_space<semaphore_mem>>)
      %dma_wait3A_174 = arith.constant 0 : i32
      %dma_wait3A_175 = tpu.memref_slice %arg6[%add3A_156, %dma_wait3A_174] : memref<10240x128xf32, #tpu.memory_space<vmem_shared>> -> memref<80x128xf32, #tpu.memory_space<vmem_shared>>
      %dma_wait3A_176 = arith.constant 0 : i32
      %dma_wait3A_177 = tpu.memref_slice %arg6[%add3A_156, %dma_wait3A_176] : memref<10240x128xf32, #tpu.memory_space<vmem_shared>> -> memref<80x128xf32, #tpu.memory_space<vmem_shared>>
      tpu.wait_dma2 semaphore(%run_scoped3A_169 : memref<!tpu.dma_semaphore, #tpu.memory_space<semaphore_mem>>) src(%dma_wait3A_177 : memref<80x128xf32, #tpu.memory_space<vmem_shared>>) dst(%arg9 : memref<80x128xf32, #tpu.memory_space<vmem>>)
      tpu.yield
    }) : () -> ()
    %mul3A_157 = arith.constant 640 : i32
    %mul3A_158 = arith.muli %arg1, %mul3A_157 : i32
    %add3A_159 = arith.constant 480 : i32
    %add3A_160 = arith.addi %mul3A_158, %add3A_159 : i32
    "tpu.region"() ({
      %run_scoped3A_169 = tpu.sem_alloc : memref<!tpu.dma_semaphore, #tpu.memory_space<semaphore_mem>>
      %dma_start3A_170 = arith.constant 0 : i32
      %dma_start3A_171 = tpu.memref_slice %arg5[%arg0, %add3A_160, %dma_start3A_170] : memref<2x10240x128xf32, #tpu.memory_space<hbm>> -> memref<1x80x128xf32, #tpu.memory_space<hbm>>
      %dma_start3A_172 = tpu.memref_squeeze %dma_start3A_171 : memref<1x80x128xf32, #tpu.memory_space<hbm>> -> memref<80x128xf32, #tpu.memory_space<hbm>>
      %dma_start3A_173 = arith.constant 0 : i32
      %dma_start3A_174 = tpu.memref_slice %arg5[%arg0, %add3A_160, %dma_start3A_173] : memref<2x10240x128xf32, #tpu.memory_space<hbm>> -> memref<1x80x128xf32, #tpu.memory_space<hbm>>
      %dma_start3A_175 = tpu.memref_squeeze %dma_start3A_174 : memref<1x80x128xf32, #tpu.memory_space<hbm>> -> memref<80x128xf32, #tpu.memory_space<hbm>>
      tpu.enqueue_dma source(%arg9 : memref<80x128xf32, #tpu.memory_space<vmem>>) target(%dma_start3A_175 : memref<80x128xf32, #tpu.memory_space<hbm>>) target_semaphore(%run_scoped3A_169 : memref<!tpu.dma_semaphore, #tpu.memory_space<semaphore_mem>>)
      %dma_wait3A_176 = arith.constant 0 : i32
      %dma_wait3A_177 = tpu.memref_slice %arg5[%arg0, %add3A_160, %dma_wait3A_176] : memref<2x10240x128xf32, #tpu.memory_space<hbm>> -> memref<1x80x128xf32, #tpu.memory_space<hbm>>
      %dma_wait3A_178 = tpu.memref_squeeze %dma_wait3A_177 : memref<1x80x128xf32, #tpu.memory_space<hbm>> -> memref<80x128xf32, #tpu.memory_space<hbm>>
      %dma_wait3A_179 = arith.constant 0 : i32
      %dma_wait3A_180 = tpu.memref_slice %arg5[%arg0, %add3A_160, %dma_wait3A_179] : memref<2x10240x128xf32, #tpu.memory_space<hbm>> -> memref<1x80x128xf32, #tpu.memory_space<hbm>>
      %dma_wait3A_181 = tpu.memref_squeeze %dma_wait3A_180 : memref<1x80x128xf32, #tpu.memory_space<hbm>> -> memref<80x128xf32, #tpu.memory_space<hbm>>
      tpu.wait_dma2 semaphore(%run_scoped3A_169 : memref<!tpu.dma_semaphore, #tpu.memory_space<semaphore_mem>>) src(%arg9 : memref<80x128xf32, #tpu.memory_space<vmem>>) dst(%dma_wait3A_181 : memref<80x128xf32, #tpu.memory_space<hbm>>)
      tpu.yield
    }) : () -> ()
    %mul3A_161 = arith.constant 640 : i32
    %mul3A_162 = arith.muli %arg1, %mul3A_161 : i32
    %add3A_163 = arith.constant 560 : i32
    %add3A_164 = arith.addi %mul3A_162, %add3A_163 : i32
    "tpu.region"() ({
      %run_scoped3A_169 = tpu.sem_alloc : memref<!tpu.dma_semaphore, #tpu.memory_space<semaphore_mem>>
      %dma_start3A_170 = arith.constant 0 : i32
      %dma_start3A_171 = tpu.memref_slice %arg6[%add3A_164, %dma_start3A_170] : memref<10240x128xf32, #tpu.memory_space<vmem_shared>> -> memref<80x128xf32, #tpu.memory_space<vmem_shared>>
      %dma_start3A_172 = arith.constant 0 : i32
      %dma_start3A_173 = tpu.memref_slice %arg6[%add3A_164, %dma_start3A_172] : memref<10240x128xf32, #tpu.memory_space<vmem_shared>> -> memref<80x128xf32, #tpu.memory_space<vmem_shared>>
      tpu.enqueue_dma source(%dma_start3A_173 : memref<80x128xf32, #tpu.memory_space<vmem_shared>>) target(%arg9 : memref<80x128xf32, #tpu.memory_space<vmem>>) target_semaphore(%run_scoped3A_169 : memref<!tpu.dma_semaphore, #tpu.memory_space<semaphore_mem>>)
      %dma_wait3A_174 = arith.constant 0 : i32
      %dma_wait3A_175 = tpu.memref_slice %arg6[%add3A_164, %dma_wait3A_174] : memref<10240x128xf32, #tpu.memory_space<vmem_shared>> -> memref<80x128xf32, #tpu.memory_space<vmem_shared>>
      %dma_wait3A_176 = arith.constant 0 : i32
      %dma_wait3A_177 = tpu.memref_slice %arg6[%add3A_164, %dma_wait3A_176] : memref<10240x128xf32, #tpu.memory_space<vmem_shared>> -> memref<80x128xf32, #tpu.memory_space<vmem_shared>>
      tpu.wait_dma2 semaphore(%run_scoped3A_169 : memref<!tpu.dma_semaphore, #tpu.memory_space<semaphore_mem>>) src(%dma_wait3A_177 : memref<80x128xf32, #tpu.memory_space<vmem_shared>>) dst(%arg9 : memref<80x128xf32, #tpu.memory_space<vmem>>)
      tpu.yield
    }) : () -> ()
    %mul3A_165 = arith.constant 640 : i32
    %mul3A_166 = arith.muli %arg1, %mul3A_165 : i32
    %add3A_167 = arith.constant 560 : i32
    %add3A_168 = arith.addi %mul3A_166, %add3A_167 : i32
    "tpu.region"() ({
      %run_scoped3A_169 = tpu.sem_alloc : memref<!tpu.dma_semaphore, #tpu.memory_space<semaphore_mem>>
      %dma_start3A_170 = arith.constant 0 : i32
      %dma_start3A_171 = tpu.memref_slice %arg5[%arg0, %add3A_168, %dma_start3A_170] : memref<2x10240x128xf32, #tpu.memory_space<hbm>> -> memref<1x80x128xf32, #tpu.memory_space<hbm>>
      %dma_start3A_172 = tpu.memref_squeeze %dma_start3A_171 : memref<1x80x128xf32, #tpu.memory_space<hbm>> -> memref<80x128xf32, #tpu.memory_space<hbm>>
      %dma_start3A_173 = arith.constant 0 : i32
      %dma_start3A_174 = tpu.memref_slice %arg5[%arg0, %add3A_168, %dma_start3A_173] : memref<2x10240x128xf32, #tpu.memory_space<hbm>> -> memref<1x80x128xf32, #tpu.memory_space<hbm>>
      %dma_start3A_175 = tpu.memref_squeeze %dma_start3A_174 : memref<1x80x128xf32, #tpu.memory_space<hbm>> -> memref<80x128xf32, #tpu.memory_space<hbm>>
      tpu.enqueue_dma source(%arg9 : memref<80x128xf32, #tpu.memory_space<vmem>>) target(%dma_start3A_175 : memref<80x128xf32, #tpu.memory_space<hbm>>) target_semaphore(%run_scoped3A_169 : memref<!tpu.dma_semaphore, #tpu.memory_space<semaphore_mem>>)
      %dma_wait3A_176 = arith.constant 0 : i32
      %dma_wait3A_177 = tpu.memref_slice %arg5[%arg0, %add3A_168, %dma_wait3A_176] : memref<2x10240x128xf32, #tpu.memory_space<hbm>> -> memref<1x80x128xf32, #tpu.memory_space<hbm>>
      %dma_wait3A_178 = tpu.memref_squeeze %dma_wait3A_177 : memref<1x80x128xf32, #tpu.memory_space<hbm>> -> memref<80x128xf32, #tpu.memory_space<hbm>>
      %dma_wait3A_179 = arith.constant 0 : i32
      %dma_wait3A_180 = tpu.memref_slice %arg5[%arg0, %add3A_168, %dma_wait3A_179] : memref<2x10240x128xf32, #tpu.memory_space<hbm>> -> memref<1x80x128xf32, #tpu.memory_space<hbm>>
      %dma_wait3A_181 = tpu.memref_squeeze %dma_wait3A_180 : memref<1x80x128xf32, #tpu.memory_space<hbm>> -> memref<80x128xf32, #tpu.memory_space<hbm>>
      tpu.wait_dma2 semaphore(%run_scoped3A_169 : memref<!tpu.dma_semaphore, #tpu.memory_space<semaphore_mem>>) src(%arg9 : memref<80x128xf32, #tpu.memory_space<vmem>>) dst(%dma_wait3A_181 : memref<80x128xf32, #tpu.memory_space<hbm>>)
      tpu.yield
    }) : () -> ()
    return
  }
}

#map = affine_map<(d0, d1) -> (0, 0, 0)>
#map1 = affine_map<(d0, d1) -> (0)>
#map2 = affine_map<(d0, d1) -> (0, 0)>
module attributes {stable_mosaic.version = 14 : i64} {
  func.func @sc_sp(%arg0: i32, %arg1: i32, %arg2: memref<32x128x80xi32, #tpu.memory_space<hbm>>, %arg3: memref<32x128x80xi32, #tpu.memory_space<hbm>>, %arg4: memref<10240xi32, #tpu.memory_space<hbm>>, %arg5: memref<10240xf32, #tpu.memory_space<hbm>>, %arg6: memref<10240xf32, #tpu.memory_space<hbm>>, %arg7: memref<64640xf32, #tpu.memory_space<hbm>>, %arg8: memref<2x1034240xf32, #tpu.memory_space<hbm>>, %arg9: memref<1034240xf32, #tpu.memory_space<vmem_shared>>, %arg10: memref<32x80xi32, #tpu.memory_space<vmem>>, %arg11: memref<32x80xi32, #tpu.memory_space<vmem>>, %arg12: memref<10240xi32, #tpu.memory_space<vmem>>, %arg13: memref<10240xf32, #tpu.memory_space<vmem>>, %arg14: memref<10240xf32, #tpu.memory_space<vmem>>, %arg15: memref<32x80xi32, #tpu.memory_space<vmem>>, %arg16: memref<32x80xf32, #tpu.memory_space<vmem>>, %arg17: memref<32x80xi32, #tpu.memory_space<vmem>>, %arg18: memref<32x80xf32, #tpu.memory_space<vmem>>, %arg19: memref<!tpu.dma_semaphore, #tpu.memory_space<semaphore_mem>>, %arg20: memref<!tpu.dma_semaphore, #tpu.memory_space<semaphore_mem>>) attributes {dimension_semantics = [#tpu.dimension_semantics<core_parallel>, #tpu.dimension_semantics<subcore_parallel>], iteration_bounds = array<i64: 2, 16>, scalar_prefetch = 0 : i64, scratch_operands = 12 : i64, tpu.core_type = #tpu.core_type<sc_vector_subcore>, window_params = [{transform_indices = #map}, {transform_indices = #map}, {transform_indices = #map1}, {transform_indices = #map1}, {transform_indices = #map1}, {transform_indices = #map1}, {transform_indices = #map2}]} {
    %mul3A = arith.constant 16 : i32
    %mul3A_0 = arith.muli %arg0, %mul3A : i32
    %add3A = arith.addi %mul3A_0, %arg1 : i32
    %mul3A_1 = arith.constant 64640 : i32
    %mul3A_2 = arith.muli %arg1, %mul3A_1 : i32
    "tpu.region"() ({
      %run_scoped3A = tpu.sem_alloc : memref<!tpu.dma_semaphore, #tpu.memory_space<semaphore_mem>>
      %dma_start3A = tpu.memref_slice %arg9[%mul3A_2] : memref<1034240xf32, #tpu.memory_space<vmem_shared>> -> memref<64640xf32, #tpu.memory_space<vmem_shared>>
      tpu.enqueue_dma source(%arg7 : memref<64640xf32, #tpu.memory_space<hbm>>) target(%dma_start3A : memref<64640xf32, #tpu.memory_space<vmem_shared>>) target_semaphore(%run_scoped3A : memref<!tpu.dma_semaphore, #tpu.memory_space<semaphore_mem>>)
      %dma_wait3A = tpu.memref_slice %arg9[%mul3A_2] : memref<1034240xf32, #tpu.memory_space<vmem_shared>> -> memref<64640xf32, #tpu.memory_space<vmem_shared>>
      tpu.wait_dma2 semaphore(%run_scoped3A : memref<!tpu.dma_semaphore, #tpu.memory_space<semaphore_mem>>) src(%arg7 : memref<64640xf32, #tpu.memory_space<hbm>>) dst(%dma_wait3A : memref<64640xf32, #tpu.memory_space<vmem_shared>>)
      tpu.yield
    }) : () -> ()
    "tpu.region"() ({
      %run_scoped3A = tpu.sem_alloc : memref<!tpu.dma_semaphore, #tpu.memory_space<semaphore_mem>>
      tpu.enqueue_dma source(%arg4 : memref<10240xi32, #tpu.memory_space<hbm>>) target(%arg12 : memref<10240xi32, #tpu.memory_space<vmem>>) target_semaphore(%run_scoped3A : memref<!tpu.dma_semaphore, #tpu.memory_space<semaphore_mem>>)
      tpu.wait_dma2 semaphore(%run_scoped3A : memref<!tpu.dma_semaphore, #tpu.memory_space<semaphore_mem>>) src(%arg4 : memref<10240xi32, #tpu.memory_space<hbm>>) dst(%arg12 : memref<10240xi32, #tpu.memory_space<vmem>>)
      tpu.yield
    }) : () -> ()
    "tpu.region"() ({
      %run_scoped3A = tpu.sem_alloc : memref<!tpu.dma_semaphore, #tpu.memory_space<semaphore_mem>>
      tpu.enqueue_dma source(%arg5 : memref<10240xf32, #tpu.memory_space<hbm>>) target(%arg13 : memref<10240xf32, #tpu.memory_space<vmem>>) target_semaphore(%run_scoped3A : memref<!tpu.dma_semaphore, #tpu.memory_space<semaphore_mem>>)
      tpu.wait_dma2 semaphore(%run_scoped3A : memref<!tpu.dma_semaphore, #tpu.memory_space<semaphore_mem>>) src(%arg5 : memref<10240xf32, #tpu.memory_space<hbm>>) dst(%arg13 : memref<10240xf32, #tpu.memory_space<vmem>>)
      tpu.yield
    }) : () -> ()
    "tpu.region"() ({
      %run_scoped3A = tpu.sem_alloc : memref<!tpu.dma_semaphore, #tpu.memory_space<semaphore_mem>>
      tpu.enqueue_dma source(%arg6 : memref<10240xf32, #tpu.memory_space<hbm>>) target(%arg14 : memref<10240xf32, #tpu.memory_space<vmem>>) target_semaphore(%run_scoped3A : memref<!tpu.dma_semaphore, #tpu.memory_space<semaphore_mem>>)
      tpu.wait_dma2 semaphore(%run_scoped3A : memref<!tpu.dma_semaphore, #tpu.memory_space<semaphore_mem>>) src(%arg6 : memref<10240xf32, #tpu.memory_space<hbm>>) dst(%arg14 : memref<10240xf32, #tpu.memory_space<vmem>>)
      tpu.yield
    }) : () -> ()
    %barrier3A = arith.constant 0 : index
    tpu.barrier barrier_id(%barrier3A)
    "tpu.region"() ({
      %run_scoped3A = tpu.sem_alloc : memref<!tpu.dma_semaphore, #tpu.memory_space<semaphore_mem>>
      %dma_start3A = arith.constant 0 : i32
      %dma_start3A_67 = arith.constant 0 : i32
      %dma_start3A_68 = tpu.memref_slice %arg2[%add3A, %dma_start3A, %dma_start3A_67] : memref<32x128x80xi32, #tpu.memory_space<hbm>> -> memref<1x32x80xi32, #tpu.memory_space<hbm>>
      %dma_start3A_69 = tpu.memref_squeeze %dma_start3A_68 : memref<1x32x80xi32, #tpu.memory_space<hbm>> -> memref<32x80xi32, #tpu.memory_space<hbm>>
      %dma_start3A_70 = arith.constant 0 : i32
      %dma_start3A_71 = arith.constant 0 : i32
      %dma_start3A_72 = tpu.memref_slice %arg2[%add3A, %dma_start3A_70, %dma_start3A_71] : memref<32x128x80xi32, #tpu.memory_space<hbm>> -> memref<1x32x80xi32, #tpu.memory_space<hbm>>
      %dma_start3A_73 = tpu.memref_squeeze %dma_start3A_72 : memref<1x32x80xi32, #tpu.memory_space<hbm>> -> memref<32x80xi32, #tpu.memory_space<hbm>>
      tpu.enqueue_dma source(%dma_start3A_73 : memref<32x80xi32, #tpu.memory_space<hbm>>) target(%arg10 : memref<32x80xi32, #tpu.memory_space<vmem>>) target_semaphore(%run_scoped3A : memref<!tpu.dma_semaphore, #tpu.memory_space<semaphore_mem>>)
      %dma_wait3A = arith.constant 0 : i32
      %dma_wait3A_74 = arith.constant 0 : i32
      %dma_wait3A_75 = tpu.memref_slice %arg2[%add3A, %dma_wait3A, %dma_wait3A_74] : memref<32x128x80xi32, #tpu.memory_space<hbm>> -> memref<1x32x80xi32, #tpu.memory_space<hbm>>
      %dma_wait3A_76 = tpu.memref_squeeze %dma_wait3A_75 : memref<1x32x80xi32, #tpu.memory_space<hbm>> -> memref<32x80xi32, #tpu.memory_space<hbm>>
      %dma_wait3A_77 = arith.constant 0 : i32
      %dma_wait3A_78 = arith.constant 0 : i32
      %dma_wait3A_79 = tpu.memref_slice %arg2[%add3A, %dma_wait3A_77, %dma_wait3A_78] : memref<32x128x80xi32, #tpu.memory_space<hbm>> -> memref<1x32x80xi32, #tpu.memory_space<hbm>>
      %dma_wait3A_80 = tpu.memref_squeeze %dma_wait3A_79 : memref<1x32x80xi32, #tpu.memory_space<hbm>> -> memref<32x80xi32, #tpu.memory_space<hbm>>
      tpu.wait_dma2 semaphore(%run_scoped3A : memref<!tpu.dma_semaphore, #tpu.memory_space<semaphore_mem>>) src(%dma_wait3A_80 : memref<32x80xi32, #tpu.memory_space<hbm>>) dst(%arg10 : memref<32x80xi32, #tpu.memory_space<vmem>>)
      tpu.yield
    }) : () -> ()
    "tpu.region"() ({
      %run_scoped3A = tpu.sem_alloc : memref<!tpu.dma_semaphore, #tpu.memory_space<semaphore_mem>>
      %dma_start3A = arith.constant 0 : i32
      %dma_start3A_67 = arith.constant 0 : i32
      %dma_start3A_68 = tpu.memref_slice %arg3[%add3A, %dma_start3A, %dma_start3A_67] : memref<32x128x80xi32, #tpu.memory_space<hbm>> -> memref<1x32x80xi32, #tpu.memory_space<hbm>>
      %dma_start3A_69 = tpu.memref_squeeze %dma_start3A_68 : memref<1x32x80xi32, #tpu.memory_space<hbm>> -> memref<32x80xi32, #tpu.memory_space<hbm>>
      %dma_start3A_70 = arith.constant 0 : i32
      %dma_start3A_71 = arith.constant 0 : i32
      %dma_start3A_72 = tpu.memref_slice %arg3[%add3A, %dma_start3A_70, %dma_start3A_71] : memref<32x128x80xi32, #tpu.memory_space<hbm>> -> memref<1x32x80xi32, #tpu.memory_space<hbm>>
      %dma_start3A_73 = tpu.memref_squeeze %dma_start3A_72 : memref<1x32x80xi32, #tpu.memory_space<hbm>> -> memref<32x80xi32, #tpu.memory_space<hbm>>
      tpu.enqueue_dma source(%dma_start3A_73 : memref<32x80xi32, #tpu.memory_space<hbm>>) target(%arg11 : memref<32x80xi32, #tpu.memory_space<vmem>>) target_semaphore(%run_scoped3A : memref<!tpu.dma_semaphore, #tpu.memory_space<semaphore_mem>>)
      %dma_wait3A = arith.constant 0 : i32
      %dma_wait3A_74 = arith.constant 0 : i32
      %dma_wait3A_75 = tpu.memref_slice %arg3[%add3A, %dma_wait3A, %dma_wait3A_74] : memref<32x128x80xi32, #tpu.memory_space<hbm>> -> memref<1x32x80xi32, #tpu.memory_space<hbm>>
      %dma_wait3A_76 = tpu.memref_squeeze %dma_wait3A_75 : memref<1x32x80xi32, #tpu.memory_space<hbm>> -> memref<32x80xi32, #tpu.memory_space<hbm>>
      %dma_wait3A_77 = arith.constant 0 : i32
      %dma_wait3A_78 = arith.constant 0 : i32
      %dma_wait3A_79 = tpu.memref_slice %arg3[%add3A, %dma_wait3A_77, %dma_wait3A_78] : memref<32x128x80xi32, #tpu.memory_space<hbm>> -> memref<1x32x80xi32, #tpu.memory_space<hbm>>
      %dma_wait3A_80 = tpu.memref_squeeze %dma_wait3A_79 : memref<1x32x80xi32, #tpu.memory_space<hbm>> -> memref<32x80xi32, #tpu.memory_space<hbm>>
      tpu.wait_dma2 semaphore(%run_scoped3A : memref<!tpu.dma_semaphore, #tpu.memory_space<semaphore_mem>>) src(%dma_wait3A_80 : memref<32x80xi32, #tpu.memory_space<hbm>>) dst(%arg11 : memref<32x80xi32, #tpu.memory_space<vmem>>)
      tpu.yield
    }) : () -> ()
    %scan3A = arith.constant 0 : i32
    %scan3A_3 = arith.constant 32 : i32
    %scan3A_4 = arith.addi %scan3A, %scan3A_3 : i32
    %scan3A_5 = arith.constant 1 : i32
    scf.for %scan3A_67 = %scan3A to %scan3A_4 step %scan3A_5  : i32 {
      %mul3A_68 = arith.constant 1 : i32
      %mul3A_69 = arith.muli %scan3A_67, %mul3A_68 : i32
      %add3A_70 = arith.constant 0 : i32
      %add3A_71 = arith.addi %add3A_70, %mul3A_69 : i32
      %get3A = arith.index_cast %add3A_71 : i32 to index
      %get3A_72 = arith.constant 0 : index
      %get3A_73 = tpu.vector_load %arg10[%get3A, %get3A_72] {strides = array<i32>} : memref<32x80xi32, #tpu.memory_space<vmem>>, vector<16xi32>,
      %get3A_74 = arith.index_cast %add3A_71 : i32 to index
      %get3A_75 = arith.constant 0 : index
      %get3A_76 = tpu.vector_load %arg11[%get3A_74, %get3A_75] {strides = array<i32>} : memref<32x80xi32, #tpu.memory_space<vmem>>, vector<16xi32>,
      %gather3A = tpu.vector_load_idx %arg14[%get3A_73] : memref<10240xf32, #tpu.memory_space<vmem>>[vector<16xi32>], vector<16xf32>,
      %gather3A_77 = tpu.vector_load_idx %arg13[%get3A_76] : memref<10240xf32, #tpu.memory_space<vmem>>[vector<16xi32>], vector<16xf32>,
      %mul3A_78 = arith.mulf %gather3A, %gather3A_77 : vector<16xf32>
      %swap3A = arith.index_cast %add3A_71 : i32 to index
      %swap3A_79 = arith.constant 0 : index
      %swap3A_80 = tpu.vector_load %arg16[%swap3A, %swap3A_79] {strides = array<i32>} : memref<32x80xf32, #tpu.memory_space<vmem>>, vector<16xf32>,
      tpu.vector_store %arg16[%swap3A, %swap3A_79], %mul3A_78 {strides = array<i32>} : memref<32x80xf32, #tpu.memory_space<vmem>>, vector<16xf32>,
      %gather3A_81 = tpu.vector_load_idx %arg12[%get3A_76] : memref<10240xi32, #tpu.memory_space<vmem>>[vector<16xi32>], vector<16xi32>,
      %add3A_82 = arith.addi %gather3A_81, %get3A_73 : vector<16xi32>
      %swap3A_83 = arith.index_cast %add3A_71 : i32 to index
      %swap3A_84 = arith.constant 0 : index
      %swap3A_85 = tpu.vector_load %arg15[%swap3A_83, %swap3A_84] {strides = array<i32>} : memref<32x80xi32, #tpu.memory_space<vmem>>, vector<16xi32>,
      tpu.vector_store %arg15[%swap3A_83, %swap3A_84], %add3A_82 {strides = array<i32>} : memref<32x80xi32, #tpu.memory_space<vmem>>, vector<16xi32>,
      %get3A_86 = arith.index_cast %add3A_71 : i32 to index
      %get3A_87 = arith.constant 16 : index
      %get3A_88 = tpu.vector_load %arg10[%get3A_86, %get3A_87] {strides = array<i32>} : memref<32x80xi32, #tpu.memory_space<vmem>>, vector<16xi32>,
      %get3A_89 = arith.index_cast %add3A_71 : i32 to index
      %get3A_90 = arith.constant 16 : index
      %get3A_91 = tpu.vector_load %arg11[%get3A_89, %get3A_90] {strides = array<i32>} : memref<32x80xi32, #tpu.memory_space<vmem>>, vector<16xi32>,
      %gather3A_92 = tpu.vector_load_idx %arg14[%get3A_88] : memref<10240xf32, #tpu.memory_space<vmem>>[vector<16xi32>], vector<16xf32>,
      %gather3A_93 = tpu.vector_load_idx %arg13[%get3A_91] : memref<10240xf32, #tpu.memory_space<vmem>>[vector<16xi32>], vector<16xf32>,
      %mul3A_94 = arith.mulf %gather3A_92, %gather3A_93 : vector<16xf32>
      %swap3A_95 = arith.index_cast %add3A_71 : i32 to index
      %swap3A_96 = arith.constant 16 : index
      %swap3A_97 = tpu.vector_load %arg16[%swap3A_95, %swap3A_96] {strides = array<i32>} : memref<32x80xf32, #tpu.memory_space<vmem>>, vector<16xf32>,
      tpu.vector_store %arg16[%swap3A_95, %swap3A_96], %mul3A_94 {strides = array<i32>} : memref<32x80xf32, #tpu.memory_space<vmem>>, vector<16xf32>,
      %gather3A_98 = tpu.vector_load_idx %arg12[%get3A_91] : memref<10240xi32, #tpu.memory_space<vmem>>[vector<16xi32>], vector<16xi32>,
      %add3A_99 = arith.addi %gather3A_98, %get3A_88 : vector<16xi32>
      %swap3A_100 = arith.index_cast %add3A_71 : i32 to index
      %swap3A_101 = arith.constant 16 : index
      %swap3A_102 = tpu.vector_load %arg15[%swap3A_100, %swap3A_101] {strides = array<i32>} : memref<32x80xi32, #tpu.memory_space<vmem>>, vector<16xi32>,
      tpu.vector_store %arg15[%swap3A_100, %swap3A_101], %add3A_99 {strides = array<i32>} : memref<32x80xi32, #tpu.memory_space<vmem>>, vector<16xi32>,
      %get3A_103 = arith.index_cast %add3A_71 : i32 to index
      %get3A_104 = arith.constant 32 : index
      %get3A_105 = tpu.vector_load %arg10[%get3A_103, %get3A_104] {strides = array<i32>} : memref<32x80xi32, #tpu.memory_space<vmem>>, vector<16xi32>,
      %get3A_106 = arith.index_cast %add3A_71 : i32 to index
      %get3A_107 = arith.constant 32 : index
      %get3A_108 = tpu.vector_load %arg11[%get3A_106, %get3A_107] {strides = array<i32>} : memref<32x80xi32, #tpu.memory_space<vmem>>, vector<16xi32>,
      %gather3A_109 = tpu.vector_load_idx %arg14[%get3A_105] : memref<10240xf32, #tpu.memory_space<vmem>>[vector<16xi32>], vector<16xf32>,
      %gather3A_110 = tpu.vector_load_idx %arg13[%get3A_108] : memref<10240xf32, #tpu.memory_space<vmem>>[vector<16xi32>], vector<16xf32>,
      %mul3A_111 = arith.mulf %gather3A_109, %gather3A_110 : vector<16xf32>
      %swap3A_112 = arith.index_cast %add3A_71 : i32 to index
      %swap3A_113 = arith.constant 32 : index
      %swap3A_114 = tpu.vector_load %arg16[%swap3A_112, %swap3A_113] {strides = array<i32>} : memref<32x80xf32, #tpu.memory_space<vmem>>, vector<16xf32>,
      tpu.vector_store %arg16[%swap3A_112, %swap3A_113], %mul3A_111 {strides = array<i32>} : memref<32x80xf32, #tpu.memory_space<vmem>>, vector<16xf32>,
      %gather3A_115 = tpu.vector_load_idx %arg12[%get3A_108] : memref<10240xi32, #tpu.memory_space<vmem>>[vector<16xi32>], vector<16xi32>,
      %add3A_116 = arith.addi %gather3A_115, %get3A_105 : vector<16xi32>
      %swap3A_117 = arith.index_cast %add3A_71 : i32 to index
      %swap3A_118 = arith.constant 32 : index
      %swap3A_119 = tpu.vector_load %arg15[%swap3A_117, %swap3A_118] {strides = array<i32>} : memref<32x80xi32, #tpu.memory_space<vmem>>, vector<16xi32>,
      tpu.vector_store %arg15[%swap3A_117, %swap3A_118], %add3A_116 {strides = array<i32>} : memref<32x80xi32, #tpu.memory_space<vmem>>, vector<16xi32>,
      %get3A_120 = arith.index_cast %add3A_71 : i32 to index
      %get3A_121 = arith.constant 48 : index
      %get3A_122 = tpu.vector_load %arg10[%get3A_120, %get3A_121] {strides = array<i32>} : memref<32x80xi32, #tpu.memory_space<vmem>>, vector<16xi32>,
      %get3A_123 = arith.index_cast %add3A_71 : i32 to index
      %get3A_124 = arith.constant 48 : index
      %get3A_125 = tpu.vector_load %arg11[%get3A_123, %get3A_124] {strides = array<i32>} : memref<32x80xi32, #tpu.memory_space<vmem>>, vector<16xi32>,
      %gather3A_126 = tpu.vector_load_idx %arg14[%get3A_122] : memref<10240xf32, #tpu.memory_space<vmem>>[vector<16xi32>], vector<16xf32>,
      %gather3A_127 = tpu.vector_load_idx %arg13[%get3A_125] : memref<10240xf32, #tpu.memory_space<vmem>>[vector<16xi32>], vector<16xf32>,
      %mul3A_128 = arith.mulf %gather3A_126, %gather3A_127 : vector<16xf32>
      %swap3A_129 = arith.index_cast %add3A_71 : i32 to index
      %swap3A_130 = arith.constant 48 : index
      %swap3A_131 = tpu.vector_load %arg16[%swap3A_129, %swap3A_130] {strides = array<i32>} : memref<32x80xf32, #tpu.memory_space<vmem>>, vector<16xf32>,
      tpu.vector_store %arg16[%swap3A_129, %swap3A_130], %mul3A_128 {strides = array<i32>} : memref<32x80xf32, #tpu.memory_space<vmem>>, vector<16xf32>,
      %gather3A_132 = tpu.vector_load_idx %arg12[%get3A_125] : memref<10240xi32, #tpu.memory_space<vmem>>[vector<16xi32>], vector<16xi32>,
      %add3A_133 = arith.addi %gather3A_132, %get3A_122 : vector<16xi32>
      %swap3A_134 = arith.index_cast %add3A_71 : i32 to index
      %swap3A_135 = arith.constant 48 : index
      %swap3A_136 = tpu.vector_load %arg15[%swap3A_134, %swap3A_135] {strides = array<i32>} : memref<32x80xi32, #tpu.memory_space<vmem>>, vector<16xi32>,
      tpu.vector_store %arg15[%swap3A_134, %swap3A_135], %add3A_133 {strides = array<i32>} : memref<32x80xi32, #tpu.memory_space<vmem>>, vector<16xi32>,
      %get3A_137 = arith.index_cast %add3A_71 : i32 to index
      %get3A_138 = arith.constant 64 : index
      %get3A_139 = tpu.vector_load %arg10[%get3A_137, %get3A_138] {strides = array<i32>} : memref<32x80xi32, #tpu.memory_space<vmem>>, vector<16xi32>,
      %get3A_140 = arith.index_cast %add3A_71 : i32 to index
      %get3A_141 = arith.constant 64 : index
      %get3A_142 = tpu.vector_load %arg11[%get3A_140, %get3A_141] {strides = array<i32>} : memref<32x80xi32, #tpu.memory_space<vmem>>, vector<16xi32>,
      %gather3A_143 = tpu.vector_load_idx %arg14[%get3A_139] : memref<10240xf32, #tpu.memory_space<vmem>>[vector<16xi32>], vector<16xf32>,
      %gather3A_144 = tpu.vector_load_idx %arg13[%get3A_142] : memref<10240xf32, #tpu.memory_space<vmem>>[vector<16xi32>], vector<16xf32>,
      %mul3A_145 = arith.mulf %gather3A_143, %gather3A_144 : vector<16xf32>
      %swap3A_146 = arith.index_cast %add3A_71 : i32 to index
      %swap3A_147 = arith.constant 64 : index
      %swap3A_148 = tpu.vector_load %arg16[%swap3A_146, %swap3A_147] {strides = array<i32>} : memref<32x80xf32, #tpu.memory_space<vmem>>, vector<16xf32>,
      tpu.vector_store %arg16[%swap3A_146, %swap3A_147], %mul3A_145 {strides = array<i32>} : memref<32x80xf32, #tpu.memory_space<vmem>>, vector<16xf32>,
      %gather3A_149 = tpu.vector_load_idx %arg12[%get3A_142] : memref<10240xi32, #tpu.memory_space<vmem>>[vector<16xi32>], vector<16xi32>,
      %add3A_150 = arith.addi %gather3A_149, %get3A_139 : vector<16xi32>
      %swap3A_151 = arith.index_cast %add3A_71 : i32 to index
      %swap3A_152 = arith.constant 64 : index
      %swap3A_153 = tpu.vector_load %arg15[%swap3A_151, %swap3A_152] {strides = array<i32>} : memref<32x80xi32, #tpu.memory_space<vmem>>, vector<16xi32>,
      tpu.vector_store %arg15[%swap3A_151, %swap3A_152], %add3A_150 {strides = array<i32>} : memref<32x80xi32, #tpu.memory_space<vmem>>, vector<16xi32>,
    }
    %scan3A_6 = arith.constant 32 : i32
    %scan3A_7 = arith.constant 0 : i32
    %scan3A_8 = arith.constant 32 : i32
    %scan3A_9 = arith.addi %scan3A_7, %scan3A_8 : i32
    %scan3A_10 = arith.constant 1 : i32
    scf.for %scan3A_67 = %scan3A_7 to %scan3A_9 step %scan3A_10  : i32 {
      %mul3A_68 = arith.constant 1 : i32
      %mul3A_69 = arith.muli %scan3A_67, %mul3A_68 : i32
      %add3A_70 = arith.constant 0 : i32
      %add3A_71 = arith.addi %add3A_70, %mul3A_69 : i32
      %dma_start3A = arith.constant 0 : i32
      %dma_start3A_72 = tpu.memref_slice %arg16[%add3A_71, %dma_start3A] : memref<32x80xf32, #tpu.memory_space<vmem>> -> memref<1x80xf32, #tpu.memory_space<vmem>>
      %dma_start3A_73 = tpu.memref_squeeze %dma_start3A_72 : memref<1x80xf32, #tpu.memory_space<vmem>> -> memref<80xf32, #tpu.memory_space<vmem>>
      %dma_start3A_74 = arith.constant 0 : i32
      %dma_start3A_75 = tpu.memref_slice %arg15[%add3A_71, %dma_start3A_74] : memref<32x80xi32, #tpu.memory_space<vmem>> -> memref<1x80xi32, #tpu.memory_space<vmem>>
      %dma_start3A_76 = tpu.memref_squeeze %dma_start3A_75 : memref<1x80xi32, #tpu.memory_space<vmem>> -> memref<80xi32, #tpu.memory_space<vmem>>
      %dma_start3A_77 = arith.constant 0 : i32
      %dma_start3A_78 = tpu.memref_slice %arg9[%dma_start3A_77] : memref<1034240xf32, #tpu.memory_space<vmem_shared>> -> memref<1034240xf32, #tpu.memory_space<vmem_shared>>
      tpu.enqueue_indirect_dma source(%dma_start3A_73 : memref<80xf32, #tpu.memory_space<vmem>>) target(%dma_start3A_78 : memref<1034240xf32, #tpu.memory_space<vmem_shared>>) offsets(%dma_start3A_76 : memref<80xi32, #tpu.memory_space<vmem>>) semaphore(%arg19 : memref<!tpu.dma_semaphore, #tpu.memory_space<semaphore_mem>>) {add = true}
    }
    %scan3A_11 = arith.constant 32 : i32
    "tpu.region"() ({
      %run_scoped3A = tpu.sem_alloc : memref<!tpu.dma_semaphore, #tpu.memory_space<semaphore_mem>>
      %dma_start3A = arith.constant 32 : i32
      %dma_start3A_67 = arith.constant 0 : i32
      %dma_start3A_68 = tpu.memref_slice %arg2[%add3A, %dma_start3A, %dma_start3A_67] : memref<32x128x80xi32, #tpu.memory_space<hbm>> -> memref<1x32x80xi32, #tpu.memory_space<hbm>>
      %dma_start3A_69 = tpu.memref_squeeze %dma_start3A_68 : memref<1x32x80xi32, #tpu.memory_space<hbm>> -> memref<32x80xi32, #tpu.memory_space<hbm>>
      %dma_start3A_70 = arith.constant 32 : i32
      %dma_start3A_71 = arith.constant 0 : i32
      %dma_start3A_72 = tpu.memref_slice %arg2[%add3A, %dma_start3A_70, %dma_start3A_71] : memref<32x128x80xi32, #tpu.memory_space<hbm>> -> memref<1x32x80xi32, #tpu.memory_space<hbm>>
      %dma_start3A_73 = tpu.memref_squeeze %dma_start3A_72 : memref<1x32x80xi32, #tpu.memory_space<hbm>> -> memref<32x80xi32, #tpu.memory_space<hbm>>
      tpu.enqueue_dma source(%dma_start3A_73 : memref<32x80xi32, #tpu.memory_space<hbm>>) target(%arg10 : memref<32x80xi32, #tpu.memory_space<vmem>>) target_semaphore(%run_scoped3A : memref<!tpu.dma_semaphore, #tpu.memory_space<semaphore_mem>>)
      %dma_wait3A = arith.constant 32 : i32
      %dma_wait3A_74 = arith.constant 0 : i32
      %dma_wait3A_75 = tpu.memref_slice %arg2[%add3A, %dma_wait3A, %dma_wait3A_74] : memref<32x128x80xi32, #tpu.memory_space<hbm>> -> memref<1x32x80xi32, #tpu.memory_space<hbm>>
      %dma_wait3A_76 = tpu.memref_squeeze %dma_wait3A_75 : memref<1x32x80xi32, #tpu.memory_space<hbm>> -> memref<32x80xi32, #tpu.memory_space<hbm>>
      %dma_wait3A_77 = arith.constant 32 : i32
      %dma_wait3A_78 = arith.constant 0 : i32
      %dma_wait3A_79 = tpu.memref_slice %arg2[%add3A, %dma_wait3A_77, %dma_wait3A_78] : memref<32x128x80xi32, #tpu.memory_space<hbm>> -> memref<1x32x80xi32, #tpu.memory_space<hbm>>
      %dma_wait3A_80 = tpu.memref_squeeze %dma_wait3A_79 : memref<1x32x80xi32, #tpu.memory_space<hbm>> -> memref<32x80xi32, #tpu.memory_space<hbm>>
      tpu.wait_dma2 semaphore(%run_scoped3A : memref<!tpu.dma_semaphore, #tpu.memory_space<semaphore_mem>>) src(%dma_wait3A_80 : memref<32x80xi32, #tpu.memory_space<hbm>>) dst(%arg10 : memref<32x80xi32, #tpu.memory_space<vmem>>)
      tpu.yield
    }) : () -> ()
    "tpu.region"() ({
      %run_scoped3A = tpu.sem_alloc : memref<!tpu.dma_semaphore, #tpu.memory_space<semaphore_mem>>
      %dma_start3A = arith.constant 32 : i32
      %dma_start3A_67 = arith.constant 0 : i32
      %dma_start3A_68 = tpu.memref_slice %arg3[%add3A, %dma_start3A, %dma_start3A_67] : memref<32x128x80xi32, #tpu.memory_space<hbm>> -> memref<1x32x80xi32, #tpu.memory_space<hbm>>
      %dma_start3A_69 = tpu.memref_squeeze %dma_start3A_68 : memref<1x32x80xi32, #tpu.memory_space<hbm>> -> memref<32x80xi32, #tpu.memory_space<hbm>>
      %dma_start3A_70 = arith.constant 32 : i32
      %dma_start3A_71 = arith.constant 0 : i32
      %dma_start3A_72 = tpu.memref_slice %arg3[%add3A, %dma_start3A_70, %dma_start3A_71] : memref<32x128x80xi32, #tpu.memory_space<hbm>> -> memref<1x32x80xi32, #tpu.memory_space<hbm>>
      %dma_start3A_73 = tpu.memref_squeeze %dma_start3A_72 : memref<1x32x80xi32, #tpu.memory_space<hbm>> -> memref<32x80xi32, #tpu.memory_space<hbm>>
      tpu.enqueue_dma source(%dma_start3A_73 : memref<32x80xi32, #tpu.memory_space<hbm>>) target(%arg11 : memref<32x80xi32, #tpu.memory_space<vmem>>) target_semaphore(%run_scoped3A : memref<!tpu.dma_semaphore, #tpu.memory_space<semaphore_mem>>)
      %dma_wait3A = arith.constant 32 : i32
      %dma_wait3A_74 = arith.constant 0 : i32
      %dma_wait3A_75 = tpu.memref_slice %arg3[%add3A, %dma_wait3A, %dma_wait3A_74] : memref<32x128x80xi32, #tpu.memory_space<hbm>> -> memref<1x32x80xi32, #tpu.memory_space<hbm>>
      %dma_wait3A_76 = tpu.memref_squeeze %dma_wait3A_75 : memref<1x32x80xi32, #tpu.memory_space<hbm>> -> memref<32x80xi32, #tpu.memory_space<hbm>>
      %dma_wait3A_77 = arith.constant 32 : i32
      %dma_wait3A_78 = arith.constant 0 : i32
      %dma_wait3A_79 = tpu.memref_slice %arg3[%add3A, %dma_wait3A_77, %dma_wait3A_78] : memref<32x128x80xi32, #tpu.memory_space<hbm>> -> memref<1x32x80xi32, #tpu.memory_space<hbm>>
      %dma_wait3A_80 = tpu.memref_squeeze %dma_wait3A_79 : memref<1x32x80xi32, #tpu.memory_space<hbm>> -> memref<32x80xi32, #tpu.memory_space<hbm>>
      tpu.wait_dma2 semaphore(%run_scoped3A : memref<!tpu.dma_semaphore, #tpu.memory_space<semaphore_mem>>) src(%dma_wait3A_80 : memref<32x80xi32, #tpu.memory_space<hbm>>) dst(%arg11 : memref<32x80xi32, #tpu.memory_space<vmem>>)
      tpu.yield
    }) : () -> ()
    %scan3A_12 = arith.constant 0 : i32
    %scan3A_13 = arith.constant 32 : i32
    %scan3A_14 = arith.addi %scan3A_12, %scan3A_13 : i32
    %scan3A_15 = arith.constant 1 : i32
    scf.for %scan3A_67 = %scan3A_12 to %scan3A_14 step %scan3A_15  : i32 {
      %mul3A_68 = arith.constant 1 : i32
      %mul3A_69 = arith.muli %scan3A_67, %mul3A_68 : i32
      %add3A_70 = arith.constant 0 : i32
      %add3A_71 = arith.addi %add3A_70, %mul3A_69 : i32
      %get3A = arith.index_cast %add3A_71 : i32 to index
      %get3A_72 = arith.constant 0 : index
      %get3A_73 = tpu.vector_load %arg10[%get3A, %get3A_72] {strides = array<i32>} : memref<32x80xi32, #tpu.memory_space<vmem>>, vector<16xi32>,
      %get3A_74 = arith.index_cast %add3A_71 : i32 to index
      %get3A_75 = arith.constant 0 : index
      %get3A_76 = tpu.vector_load %arg11[%get3A_74, %get3A_75] {strides = array<i32>} : memref<32x80xi32, #tpu.memory_space<vmem>>, vector<16xi32>,
      %gather3A = tpu.vector_load_idx %arg14[%get3A_73] : memref<10240xf32, #tpu.memory_space<vmem>>[vector<16xi32>], vector<16xf32>,
      %gather3A_77 = tpu.vector_load_idx %arg13[%get3A_76] : memref<10240xf32, #tpu.memory_space<vmem>>[vector<16xi32>], vector<16xf32>,
      %mul3A_78 = arith.mulf %gather3A, %gather3A_77 : vector<16xf32>
      %swap3A = arith.index_cast %add3A_71 : i32 to index
      %swap3A_79 = arith.constant 0 : index
      %swap3A_80 = tpu.vector_load %arg18[%swap3A, %swap3A_79] {strides = array<i32>} : memref<32x80xf32, #tpu.memory_space<vmem>>, vector<16xf32>,
      tpu.vector_store %arg18[%swap3A, %swap3A_79], %mul3A_78 {strides = array<i32>} : memref<32x80xf32, #tpu.memory_space<vmem>>, vector<16xf32>,
      %gather3A_81 = tpu.vector_load_idx %arg12[%get3A_76] : memref<10240xi32, #tpu.memory_space<vmem>>[vector<16xi32>], vector<16xi32>,
      %add3A_82 = arith.addi %gather3A_81, %get3A_73 : vector<16xi32>
      %swap3A_83 = arith.index_cast %add3A_71 : i32 to index
      %swap3A_84 = arith.constant 0 : index
      %swap3A_85 = tpu.vector_load %arg17[%swap3A_83, %swap3A_84] {strides = array<i32>} : memref<32x80xi32, #tpu.memory_space<vmem>>, vector<16xi32>,
      tpu.vector_store %arg17[%swap3A_83, %swap3A_84], %add3A_82 {strides = array<i32>} : memref<32x80xi32, #tpu.memory_space<vmem>>, vector<16xi32>,
      %get3A_86 = arith.index_cast %add3A_71 : i32 to index
      %get3A_87 = arith.constant 16 : index
      %get3A_88 = tpu.vector_load %arg10[%get3A_86, %get3A_87] {strides = array<i32>} : memref<32x80xi32, #tpu.memory_space<vmem>>, vector<16xi32>,
      %get3A_89 = arith.index_cast %add3A_71 : i32 to index
      %get3A_90 = arith.constant 16 : index
      %get3A_91 = tpu.vector_load %arg11[%get3A_89, %get3A_90] {strides = array<i32>} : memref<32x80xi32, #tpu.memory_space<vmem>>, vector<16xi32>,
      %gather3A_92 = tpu.vector_load_idx %arg14[%get3A_88] : memref<10240xf32, #tpu.memory_space<vmem>>[vector<16xi32>], vector<16xf32>,
      %gather3A_93 = tpu.vector_load_idx %arg13[%get3A_91] : memref<10240xf32, #tpu.memory_space<vmem>>[vector<16xi32>], vector<16xf32>,
      %mul3A_94 = arith.mulf %gather3A_92, %gather3A_93 : vector<16xf32>
      %swap3A_95 = arith.index_cast %add3A_71 : i32 to index
      %swap3A_96 = arith.constant 16 : index
      %swap3A_97 = tpu.vector_load %arg18[%swap3A_95, %swap3A_96] {strides = array<i32>} : memref<32x80xf32, #tpu.memory_space<vmem>>, vector<16xf32>,
      tpu.vector_store %arg18[%swap3A_95, %swap3A_96], %mul3A_94 {strides = array<i32>} : memref<32x80xf32, #tpu.memory_space<vmem>>, vector<16xf32>,
      %gather3A_98 = tpu.vector_load_idx %arg12[%get3A_91] : memref<10240xi32, #tpu.memory_space<vmem>>[vector<16xi32>], vector<16xi32>,
      %add3A_99 = arith.addi %gather3A_98, %get3A_88 : vector<16xi32>
      %swap3A_100 = arith.index_cast %add3A_71 : i32 to index
      %swap3A_101 = arith.constant 16 : index
      %swap3A_102 = tpu.vector_load %arg17[%swap3A_100, %swap3A_101] {strides = array<i32>} : memref<32x80xi32, #tpu.memory_space<vmem>>, vector<16xi32>,
      tpu.vector_store %arg17[%swap3A_100, %swap3A_101], %add3A_99 {strides = array<i32>} : memref<32x80xi32, #tpu.memory_space<vmem>>, vector<16xi32>,
      %get3A_103 = arith.index_cast %add3A_71 : i32 to index
      %get3A_104 = arith.constant 32 : index
      %get3A_105 = tpu.vector_load %arg10[%get3A_103, %get3A_104] {strides = array<i32>} : memref<32x80xi32, #tpu.memory_space<vmem>>, vector<16xi32>,
      %get3A_106 = arith.index_cast %add3A_71 : i32 to index
      %get3A_107 = arith.constant 32 : index
      %get3A_108 = tpu.vector_load %arg11[%get3A_106, %get3A_107] {strides = array<i32>} : memref<32x80xi32, #tpu.memory_space<vmem>>, vector<16xi32>,
      %gather3A_109 = tpu.vector_load_idx %arg14[%get3A_105] : memref<10240xf32, #tpu.memory_space<vmem>>[vector<16xi32>], vector<16xf32>,
      %gather3A_110 = tpu.vector_load_idx %arg13[%get3A_108] : memref<10240xf32, #tpu.memory_space<vmem>>[vector<16xi32>], vector<16xf32>,
      %mul3A_111 = arith.mulf %gather3A_109, %gather3A_110 : vector<16xf32>
      %swap3A_112 = arith.index_cast %add3A_71 : i32 to index
      %swap3A_113 = arith.constant 32 : index
      %swap3A_114 = tpu.vector_load %arg18[%swap3A_112, %swap3A_113] {strides = array<i32>} : memref<32x80xf32, #tpu.memory_space<vmem>>, vector<16xf32>,
      tpu.vector_store %arg18[%swap3A_112, %swap3A_113], %mul3A_111 {strides = array<i32>} : memref<32x80xf32, #tpu.memory_space<vmem>>, vector<16xf32>,
      %gather3A_115 = tpu.vector_load_idx %arg12[%get3A_108] : memref<10240xi32, #tpu.memory_space<vmem>>[vector<16xi32>], vector<16xi32>,
      %add3A_116 = arith.addi %gather3A_115, %get3A_105 : vector<16xi32>
      %swap3A_117 = arith.index_cast %add3A_71 : i32 to index
      %swap3A_118 = arith.constant 32 : index
      %swap3A_119 = tpu.vector_load %arg17[%swap3A_117, %swap3A_118] {strides = array<i32>} : memref<32x80xi32, #tpu.memory_space<vmem>>, vector<16xi32>,
      tpu.vector_store %arg17[%swap3A_117, %swap3A_118], %add3A_116 {strides = array<i32>} : memref<32x80xi32, #tpu.memory_space<vmem>>, vector<16xi32>,
      %get3A_120 = arith.index_cast %add3A_71 : i32 to index
      %get3A_121 = arith.constant 48 : index
      %get3A_122 = tpu.vector_load %arg10[%get3A_120, %get3A_121] {strides = array<i32>} : memref<32x80xi32, #tpu.memory_space<vmem>>, vector<16xi32>,
      %get3A_123 = arith.index_cast %add3A_71 : i32 to index
      %get3A_124 = arith.constant 48 : index
      %get3A_125 = tpu.vector_load %arg11[%get3A_123, %get3A_124] {strides = array<i32>} : memref<32x80xi32, #tpu.memory_space<vmem>>, vector<16xi32>,
      %gather3A_126 = tpu.vector_load_idx %arg14[%get3A_122] : memref<10240xf32, #tpu.memory_space<vmem>>[vector<16xi32>], vector<16xf32>,
      %gather3A_127 = tpu.vector_load_idx %arg13[%get3A_125] : memref<10240xf32, #tpu.memory_space<vmem>>[vector<16xi32>], vector<16xf32>,
      %mul3A_128 = arith.mulf %gather3A_126, %gather3A_127 : vector<16xf32>
      %swap3A_129 = arith.index_cast %add3A_71 : i32 to index
      %swap3A_130 = arith.constant 48 : index
      %swap3A_131 = tpu.vector_load %arg18[%swap3A_129, %swap3A_130] {strides = array<i32>} : memref<32x80xf32, #tpu.memory_space<vmem>>, vector<16xf32>,
      tpu.vector_store %arg18[%swap3A_129, %swap3A_130], %mul3A_128 {strides = array<i32>} : memref<32x80xf32, #tpu.memory_space<vmem>>, vector<16xf32>,
      %gather3A_132 = tpu.vector_load_idx %arg12[%get3A_125] : memref<10240xi32, #tpu.memory_space<vmem>>[vector<16xi32>], vector<16xi32>,
      %add3A_133 = arith.addi %gather3A_132, %get3A_122 : vector<16xi32>
      %swap3A_134 = arith.index_cast %add3A_71 : i32 to index
      %swap3A_135 = arith.constant 48 : index
      %swap3A_136 = tpu.vector_load %arg17[%swap3A_134, %swap3A_135] {strides = array<i32>} : memref<32x80xi32, #tpu.memory_space<vmem>>, vector<16xi32>,
      tpu.vector_store %arg17[%swap3A_134, %swap3A_135], %add3A_133 {strides = array<i32>} : memref<32x80xi32, #tpu.memory_space<vmem>>, vector<16xi32>,
      %get3A_137 = arith.index_cast %add3A_71 : i32 to index
      %get3A_138 = arith.constant 64 : index
      %get3A_139 = tpu.vector_load %arg10[%get3A_137, %get3A_138] {strides = array<i32>} : memref<32x80xi32, #tpu.memory_space<vmem>>, vector<16xi32>,
      %get3A_140 = arith.index_cast %add3A_71 : i32 to index
      %get3A_141 = arith.constant 64 : index
      %get3A_142 = tpu.vector_load %arg11[%get3A_140, %get3A_141] {strides = array<i32>} : memref<32x80xi32, #tpu.memory_space<vmem>>, vector<16xi32>,
      %gather3A_143 = tpu.vector_load_idx %arg14[%get3A_139] : memref<10240xf32, #tpu.memory_space<vmem>>[vector<16xi32>], vector<16xf32>,
      %gather3A_144 = tpu.vector_load_idx %arg13[%get3A_142] : memref<10240xf32, #tpu.memory_space<vmem>>[vector<16xi32>], vector<16xf32>,
      %mul3A_145 = arith.mulf %gather3A_143, %gather3A_144 : vector<16xf32>
      %swap3A_146 = arith.index_cast %add3A_71 : i32 to index
      %swap3A_147 = arith.constant 64 : index
      %swap3A_148 = tpu.vector_load %arg18[%swap3A_146, %swap3A_147] {strides = array<i32>} : memref<32x80xf32, #tpu.memory_space<vmem>>, vector<16xf32>,
      tpu.vector_store %arg18[%swap3A_146, %swap3A_147], %mul3A_145 {strides = array<i32>} : memref<32x80xf32, #tpu.memory_space<vmem>>, vector<16xf32>,
      %gather3A_149 = tpu.vector_load_idx %arg12[%get3A_142] : memref<10240xi32, #tpu.memory_space<vmem>>[vector<16xi32>], vector<16xi32>,
      %add3A_150 = arith.addi %gather3A_149, %get3A_139 : vector<16xi32>
      %swap3A_151 = arith.index_cast %add3A_71 : i32 to index
      %swap3A_152 = arith.constant 64 : index
      %swap3A_153 = tpu.vector_load %arg17[%swap3A_151, %swap3A_152] {strides = array<i32>} : memref<32x80xi32, #tpu.memory_space<vmem>>, vector<16xi32>,
      tpu.vector_store %arg17[%swap3A_151, %swap3A_152], %add3A_150 {strides = array<i32>} : memref<32x80xi32, #tpu.memory_space<vmem>>, vector<16xi32>,
    }
    %scan3A_16 = arith.constant 32 : i32
    %scan3A_17 = arith.constant 0 : i32
    %scan3A_18 = arith.constant 32 : i32
    %scan3A_19 = arith.addi %scan3A_17, %scan3A_18 : i32
    %scan3A_20 = arith.constant 1 : i32
    scf.for %scan3A_67 = %scan3A_17 to %scan3A_19 step %scan3A_20  : i32 {
      %mul3A_68 = arith.constant 1 : i32
      %mul3A_69 = arith.muli %scan3A_67, %mul3A_68 : i32
      %add3A_70 = arith.constant 0 : i32
      %add3A_71 = arith.addi %add3A_70, %mul3A_69 : i32
      %dma_start3A = arith.constant 0 : i32
      %dma_start3A_72 = tpu.memref_slice %arg18[%add3A_71, %dma_start3A] : memref<32x80xf32, #tpu.memory_space<vmem>> -> memref<1x80xf32, #tpu.memory_space<vmem>>
      %dma_start3A_73 = tpu.memref_squeeze %dma_start3A_72 : memref<1x80xf32, #tpu.memory_space<vmem>> -> memref<80xf32, #tpu.memory_space<vmem>>
      %dma_start3A_74 = arith.constant 0 : i32
      %dma_start3A_75 = tpu.memref_slice %arg17[%add3A_71, %dma_start3A_74] : memref<32x80xi32, #tpu.memory_space<vmem>> -> memref<1x80xi32, #tpu.memory_space<vmem>>
      %dma_start3A_76 = tpu.memref_squeeze %dma_start3A_75 : memref<1x80xi32, #tpu.memory_space<vmem>> -> memref<80xi32, #tpu.memory_space<vmem>>
      %dma_start3A_77 = arith.constant 0 : i32
      %dma_start3A_78 = tpu.memref_slice %arg9[%dma_start3A_77] : memref<1034240xf32, #tpu.memory_space<vmem_shared>> -> memref<1034240xf32, #tpu.memory_space<vmem_shared>>
      tpu.enqueue_indirect_dma source(%dma_start3A_73 : memref<80xf32, #tpu.memory_space<vmem>>) target(%dma_start3A_78 : memref<1034240xf32, #tpu.memory_space<vmem_shared>>) offsets(%dma_start3A_76 : memref<80xi32, #tpu.memory_space<vmem>>) semaphore(%arg20 : memref<!tpu.dma_semaphore, #tpu.memory_space<semaphore_mem>>) {add = true}
    }
    %scan3A_21 = arith.constant 32 : i32
    %scan3A_22 = arith.constant 0 : i32
    %scan3A_23 = arith.constant 32 : i32
    %scan3A_24 = arith.addi %scan3A_22, %scan3A_23 : i32
    %scan3A_25 = arith.constant 1 : i32
    scf.for %scan3A_67 = %scan3A_22 to %scan3A_24 step %scan3A_25  : i32 {
      %mul3A_68 = arith.constant 1 : i32
      %mul3A_69 = arith.muli %scan3A_67, %mul3A_68 : i32
      %add3A_70 = arith.constant 0 : i32
      %add3A_71 = arith.addi %add3A_70, %mul3A_69 : i32
      %dma_wait3A = arith.constant 0 : i32
      %dma_wait3A_72 = tpu.memref_slice %arg16[%add3A_71, %dma_wait3A] : memref<32x80xf32, #tpu.memory_space<vmem>> -> memref<1x80xf32, #tpu.memory_space<vmem>>
      %dma_wait3A_73 = tpu.memref_squeeze %dma_wait3A_72 : memref<1x80xf32, #tpu.memory_space<vmem>> -> memref<80xf32, #tpu.memory_space<vmem>>
      %dma_wait3A_74 = arith.constant 0 : i32
      %dma_wait3A_75 = tpu.memref_slice %arg15[%add3A_71, %dma_wait3A_74] : memref<32x80xi32, #tpu.memory_space<vmem>> -> memref<1x80xi32, #tpu.memory_space<vmem>>
      %dma_wait3A_76 = tpu.memref_squeeze %dma_wait3A_75 : memref<1x80xi32, #tpu.memory_space<vmem>> -> memref<80xi32, #tpu.memory_space<vmem>>
      %dma_wait3A_77 = arith.constant 0 : i32
      %dma_wait3A_78 = tpu.memref_slice %arg9[%dma_wait3A_77] : memref<1034240xf32, #tpu.memory_space<vmem_shared>> -> memref<1034240xf32, #tpu.memory_space<vmem_shared>>
      tpu.wait_indirect_dma semaphore(%arg19 : memref<!tpu.dma_semaphore, #tpu.memory_space<semaphore_mem>>) src(%dma_wait3A_73 : memref<80xf32, #tpu.memory_space<vmem>>) dst(%dma_wait3A_78 : memref<1034240xf32, #tpu.memory_space<vmem_shared>>)
    }
    %scan3A_26 = arith.constant 32 : i32
    "tpu.region"() ({
      %run_scoped3A = tpu.sem_alloc : memref<!tpu.dma_semaphore, #tpu.memory_space<semaphore_mem>>
      %dma_start3A = arith.constant 64 : i32
      %dma_start3A_67 = arith.constant 0 : i32
      %dma_start3A_68 = tpu.memref_slice %arg2[%add3A, %dma_start3A, %dma_start3A_67] : memref<32x128x80xi32, #tpu.memory_space<hbm>> -> memref<1x32x80xi32, #tpu.memory_space<hbm>>
      %dma_start3A_69 = tpu.memref_squeeze %dma_start3A_68 : memref<1x32x80xi32, #tpu.memory_space<hbm>> -> memref<32x80xi32, #tpu.memory_space<hbm>>
      %dma_start3A_70 = arith.constant 64 : i32
      %dma_start3A_71 = arith.constant 0 : i32
      %dma_start3A_72 = tpu.memref_slice %arg2[%add3A, %dma_start3A_70, %dma_start3A_71] : memref<32x128x80xi32, #tpu.memory_space<hbm>> -> memref<1x32x80xi32, #tpu.memory_space<hbm>>
      %dma_start3A_73 = tpu.memref_squeeze %dma_start3A_72 : memref<1x32x80xi32, #tpu.memory_space<hbm>> -> memref<32x80xi32, #tpu.memory_space<hbm>>
      tpu.enqueue_dma source(%dma_start3A_73 : memref<32x80xi32, #tpu.memory_space<hbm>>) target(%arg10 : memref<32x80xi32, #tpu.memory_space<vmem>>) target_semaphore(%run_scoped3A : memref<!tpu.dma_semaphore, #tpu.memory_space<semaphore_mem>>)
      %dma_wait3A = arith.constant 64 : i32
      %dma_wait3A_74 = arith.constant 0 : i32
      %dma_wait3A_75 = tpu.memref_slice %arg2[%add3A, %dma_wait3A, %dma_wait3A_74] : memref<32x128x80xi32, #tpu.memory_space<hbm>> -> memref<1x32x80xi32, #tpu.memory_space<hbm>>
      %dma_wait3A_76 = tpu.memref_squeeze %dma_wait3A_75 : memref<1x32x80xi32, #tpu.memory_space<hbm>> -> memref<32x80xi32, #tpu.memory_space<hbm>>
      %dma_wait3A_77 = arith.constant 64 : i32
      %dma_wait3A_78 = arith.constant 0 : i32
      %dma_wait3A_79 = tpu.memref_slice %arg2[%add3A, %dma_wait3A_77, %dma_wait3A_78] : memref<32x128x80xi32, #tpu.memory_space<hbm>> -> memref<1x32x80xi32, #tpu.memory_space<hbm>>
      %dma_wait3A_80 = tpu.memref_squeeze %dma_wait3A_79 : memref<1x32x80xi32, #tpu.memory_space<hbm>> -> memref<32x80xi32, #tpu.memory_space<hbm>>
      tpu.wait_dma2 semaphore(%run_scoped3A : memref<!tpu.dma_semaphore, #tpu.memory_space<semaphore_mem>>) src(%dma_wait3A_80 : memref<32x80xi32, #tpu.memory_space<hbm>>) dst(%arg10 : memref<32x80xi32, #tpu.memory_space<vmem>>)
      tpu.yield
    }) : () -> ()
    "tpu.region"() ({
      %run_scoped3A = tpu.sem_alloc : memref<!tpu.dma_semaphore, #tpu.memory_space<semaphore_mem>>
      %dma_start3A = arith.constant 64 : i32
      %dma_start3A_67 = arith.constant 0 : i32
      %dma_start3A_68 = tpu.memref_slice %arg3[%add3A, %dma_start3A, %dma_start3A_67] : memref<32x128x80xi32, #tpu.memory_space<hbm>> -> memref<1x32x80xi32, #tpu.memory_space<hbm>>
      %dma_start3A_69 = tpu.memref_squeeze %dma_start3A_68 : memref<1x32x80xi32, #tpu.memory_space<hbm>> -> memref<32x80xi32, #tpu.memory_space<hbm>>
      %dma_start3A_70 = arith.constant 64 : i32
      %dma_start3A_71 = arith.constant 0 : i32
      %dma_start3A_72 = tpu.memref_slice %arg3[%add3A, %dma_start3A_70, %dma_start3A_71] : memref<32x128x80xi32, #tpu.memory_space<hbm>> -> memref<1x32x80xi32, #tpu.memory_space<hbm>>
      %dma_start3A_73 = tpu.memref_squeeze %dma_start3A_72 : memref<1x32x80xi32, #tpu.memory_space<hbm>> -> memref<32x80xi32, #tpu.memory_space<hbm>>
      tpu.enqueue_dma source(%dma_start3A_73 : memref<32x80xi32, #tpu.memory_space<hbm>>) target(%arg11 : memref<32x80xi32, #tpu.memory_space<vmem>>) target_semaphore(%run_scoped3A : memref<!tpu.dma_semaphore, #tpu.memory_space<semaphore_mem>>)
      %dma_wait3A = arith.constant 64 : i32
      %dma_wait3A_74 = arith.constant 0 : i32
      %dma_wait3A_75 = tpu.memref_slice %arg3[%add3A, %dma_wait3A, %dma_wait3A_74] : memref<32x128x80xi32, #tpu.memory_space<hbm>> -> memref<1x32x80xi32, #tpu.memory_space<hbm>>
      %dma_wait3A_76 = tpu.memref_squeeze %dma_wait3A_75 : memref<1x32x80xi32, #tpu.memory_space<hbm>> -> memref<32x80xi32, #tpu.memory_space<hbm>>
      %dma_wait3A_77 = arith.constant 64 : i32
      %dma_wait3A_78 = arith.constant 0 : i32
      %dma_wait3A_79 = tpu.memref_slice %arg3[%add3A, %dma_wait3A_77, %dma_wait3A_78] : memref<32x128x80xi32, #tpu.memory_space<hbm>> -> memref<1x32x80xi32, #tpu.memory_space<hbm>>
      %dma_wait3A_80 = tpu.memref_squeeze %dma_wait3A_79 : memref<1x32x80xi32, #tpu.memory_space<hbm>> -> memref<32x80xi32, #tpu.memory_space<hbm>>
      tpu.wait_dma2 semaphore(%run_scoped3A : memref<!tpu.dma_semaphore, #tpu.memory_space<semaphore_mem>>) src(%dma_wait3A_80 : memref<32x80xi32, #tpu.memory_space<hbm>>) dst(%arg11 : memref<32x80xi32, #tpu.memory_space<vmem>>)
      tpu.yield
    }) : () -> ()
    %scan3A_27 = arith.constant 0 : i32
    %scan3A_28 = arith.constant 32 : i32
    %scan3A_29 = arith.addi %scan3A_27, %scan3A_28 : i32
    %scan3A_30 = arith.constant 1 : i32
    scf.for %scan3A_67 = %scan3A_27 to %scan3A_29 step %scan3A_30  : i32 {
      %mul3A_68 = arith.constant 1 : i32
      %mul3A_69 = arith.muli %scan3A_67, %mul3A_68 : i32
      %add3A_70 = arith.constant 0 : i32
      %add3A_71 = arith.addi %add3A_70, %mul3A_69 : i32
      %get3A = arith.index_cast %add3A_71 : i32 to index
      %get3A_72 = arith.constant 0 : index
      %get3A_73 = tpu.vector_load %arg10[%get3A, %get3A_72] {strides = array<i32>} : memref<32x80xi32, #tpu.memory_space<vmem>>, vector<16xi32>,
      %get3A_74 = arith.index_cast %add3A_71 : i32 to index
      %get3A_75 = arith.constant 0 : index
      %get3A_76 = tpu.vector_load %arg11[%get3A_74, %get3A_75] {strides = array<i32>} : memref<32x80xi32, #tpu.memory_space<vmem>>, vector<16xi32>,
      %gather3A = tpu.vector_load_idx %arg14[%get3A_73] : memref<10240xf32, #tpu.memory_space<vmem>>[vector<16xi32>], vector<16xf32>,
      %gather3A_77 = tpu.vector_load_idx %arg13[%get3A_76] : memref<10240xf32, #tpu.memory_space<vmem>>[vector<16xi32>], vector<16xf32>,
      %mul3A_78 = arith.mulf %gather3A, %gather3A_77 : vector<16xf32>
      %swap3A = arith.index_cast %add3A_71 : i32 to index
      %swap3A_79 = arith.constant 0 : index
      %swap3A_80 = tpu.vector_load %arg16[%swap3A, %swap3A_79] {strides = array<i32>} : memref<32x80xf32, #tpu.memory_space<vmem>>, vector<16xf32>,
      tpu.vector_store %arg16[%swap3A, %swap3A_79], %mul3A_78 {strides = array<i32>} : memref<32x80xf32, #tpu.memory_space<vmem>>, vector<16xf32>,
      %gather3A_81 = tpu.vector_load_idx %arg12[%get3A_76] : memref<10240xi32, #tpu.memory_space<vmem>>[vector<16xi32>], vector<16xi32>,
      %add3A_82 = arith.addi %gather3A_81, %get3A_73 : vector<16xi32>
      %swap3A_83 = arith.index_cast %add3A_71 : i32 to index
      %swap3A_84 = arith.constant 0 : index
      %swap3A_85 = tpu.vector_load %arg15[%swap3A_83, %swap3A_84] {strides = array<i32>} : memref<32x80xi32, #tpu.memory_space<vmem>>, vector<16xi32>,
      tpu.vector_store %arg15[%swap3A_83, %swap3A_84], %add3A_82 {strides = array<i32>} : memref<32x80xi32, #tpu.memory_space<vmem>>, vector<16xi32>,
      %get3A_86 = arith.index_cast %add3A_71 : i32 to index
      %get3A_87 = arith.constant 16 : index
      %get3A_88 = tpu.vector_load %arg10[%get3A_86, %get3A_87] {strides = array<i32>} : memref<32x80xi32, #tpu.memory_space<vmem>>, vector<16xi32>,
      %get3A_89 = arith.index_cast %add3A_71 : i32 to index
      %get3A_90 = arith.constant 16 : index
      %get3A_91 = tpu.vector_load %arg11[%get3A_89, %get3A_90] {strides = array<i32>} : memref<32x80xi32, #tpu.memory_space<vmem>>, vector<16xi32>,
      %gather3A_92 = tpu.vector_load_idx %arg14[%get3A_88] : memref<10240xf32, #tpu.memory_space<vmem>>[vector<16xi32>], vector<16xf32>,
      %gather3A_93 = tpu.vector_load_idx %arg13[%get3A_91] : memref<10240xf32, #tpu.memory_space<vmem>>[vector<16xi32>], vector<16xf32>,
      %mul3A_94 = arith.mulf %gather3A_92, %gather3A_93 : vector<16xf32>
      %swap3A_95 = arith.index_cast %add3A_71 : i32 to index
      %swap3A_96 = arith.constant 16 : index
      %swap3A_97 = tpu.vector_load %arg16[%swap3A_95, %swap3A_96] {strides = array<i32>} : memref<32x80xf32, #tpu.memory_space<vmem>>, vector<16xf32>,
      tpu.vector_store %arg16[%swap3A_95, %swap3A_96], %mul3A_94 {strides = array<i32>} : memref<32x80xf32, #tpu.memory_space<vmem>>, vector<16xf32>,
      %gather3A_98 = tpu.vector_load_idx %arg12[%get3A_91] : memref<10240xi32, #tpu.memory_space<vmem>>[vector<16xi32>], vector<16xi32>,
      %add3A_99 = arith.addi %gather3A_98, %get3A_88 : vector<16xi32>
      %swap3A_100 = arith.index_cast %add3A_71 : i32 to index
      %swap3A_101 = arith.constant 16 : index
      %swap3A_102 = tpu.vector_load %arg15[%swap3A_100, %swap3A_101] {strides = array<i32>} : memref<32x80xi32, #tpu.memory_space<vmem>>, vector<16xi32>,
      tpu.vector_store %arg15[%swap3A_100, %swap3A_101], %add3A_99 {strides = array<i32>} : memref<32x80xi32, #tpu.memory_space<vmem>>, vector<16xi32>,
      %get3A_103 = arith.index_cast %add3A_71 : i32 to index
      %get3A_104 = arith.constant 32 : index
      %get3A_105 = tpu.vector_load %arg10[%get3A_103, %get3A_104] {strides = array<i32>} : memref<32x80xi32, #tpu.memory_space<vmem>>, vector<16xi32>,
      %get3A_106 = arith.index_cast %add3A_71 : i32 to index
      %get3A_107 = arith.constant 32 : index
      %get3A_108 = tpu.vector_load %arg11[%get3A_106, %get3A_107] {strides = array<i32>} : memref<32x80xi32, #tpu.memory_space<vmem>>, vector<16xi32>,
      %gather3A_109 = tpu.vector_load_idx %arg14[%get3A_105] : memref<10240xf32, #tpu.memory_space<vmem>>[vector<16xi32>], vector<16xf32>,
      %gather3A_110 = tpu.vector_load_idx %arg13[%get3A_108] : memref<10240xf32, #tpu.memory_space<vmem>>[vector<16xi32>], vector<16xf32>,
      %mul3A_111 = arith.mulf %gather3A_109, %gather3A_110 : vector<16xf32>
      %swap3A_112 = arith.index_cast %add3A_71 : i32 to index
      %swap3A_113 = arith.constant 32 : index
      %swap3A_114 = tpu.vector_load %arg16[%swap3A_112, %swap3A_113] {strides = array<i32>} : memref<32x80xf32, #tpu.memory_space<vmem>>, vector<16xf32>,
      tpu.vector_store %arg16[%swap3A_112, %swap3A_113], %mul3A_111 {strides = array<i32>} : memref<32x80xf32, #tpu.memory_space<vmem>>, vector<16xf32>,
      %gather3A_115 = tpu.vector_load_idx %arg12[%get3A_108] : memref<10240xi32, #tpu.memory_space<vmem>>[vector<16xi32>], vector<16xi32>,
      %add3A_116 = arith.addi %gather3A_115, %get3A_105 : vector<16xi32>
      %swap3A_117 = arith.index_cast %add3A_71 : i32 to index
      %swap3A_118 = arith.constant 32 : index
      %swap3A_119 = tpu.vector_load %arg15[%swap3A_117, %swap3A_118] {strides = array<i32>} : memref<32x80xi32, #tpu.memory_space<vmem>>, vector<16xi32>,
      tpu.vector_store %arg15[%swap3A_117, %swap3A_118], %add3A_116 {strides = array<i32>} : memref<32x80xi32, #tpu.memory_space<vmem>>, vector<16xi32>,
      %get3A_120 = arith.index_cast %add3A_71 : i32 to index
      %get3A_121 = arith.constant 48 : index
      %get3A_122 = tpu.vector_load %arg10[%get3A_120, %get3A_121] {strides = array<i32>} : memref<32x80xi32, #tpu.memory_space<vmem>>, vector<16xi32>,
      %get3A_123 = arith.index_cast %add3A_71 : i32 to index
      %get3A_124 = arith.constant 48 : index
      %get3A_125 = tpu.vector_load %arg11[%get3A_123, %get3A_124] {strides = array<i32>} : memref<32x80xi32, #tpu.memory_space<vmem>>, vector<16xi32>,
      %gather3A_126 = tpu.vector_load_idx %arg14[%get3A_122] : memref<10240xf32, #tpu.memory_space<vmem>>[vector<16xi32>], vector<16xf32>,
      %gather3A_127 = tpu.vector_load_idx %arg13[%get3A_125] : memref<10240xf32, #tpu.memory_space<vmem>>[vector<16xi32>], vector<16xf32>,
      %mul3A_128 = arith.mulf %gather3A_126, %gather3A_127 : vector<16xf32>
      %swap3A_129 = arith.index_cast %add3A_71 : i32 to index
      %swap3A_130 = arith.constant 48 : index
      %swap3A_131 = tpu.vector_load %arg16[%swap3A_129, %swap3A_130] {strides = array<i32>} : memref<32x80xf32, #tpu.memory_space<vmem>>, vector<16xf32>,
      tpu.vector_store %arg16[%swap3A_129, %swap3A_130], %mul3A_128 {strides = array<i32>} : memref<32x80xf32, #tpu.memory_space<vmem>>, vector<16xf32>,
      %gather3A_132 = tpu.vector_load_idx %arg12[%get3A_125] : memref<10240xi32, #tpu.memory_space<vmem>>[vector<16xi32>], vector<16xi32>,
      %add3A_133 = arith.addi %gather3A_132, %get3A_122 : vector<16xi32>
      %swap3A_134 = arith.index_cast %add3A_71 : i32 to index
      %swap3A_135 = arith.constant 48 : index
      %swap3A_136 = tpu.vector_load %arg15[%swap3A_134, %swap3A_135] {strides = array<i32>} : memref<32x80xi32, #tpu.memory_space<vmem>>, vector<16xi32>,
      tpu.vector_store %arg15[%swap3A_134, %swap3A_135], %add3A_133 {strides = array<i32>} : memref<32x80xi32, #tpu.memory_space<vmem>>, vector<16xi32>,
      %get3A_137 = arith.index_cast %add3A_71 : i32 to index
      %get3A_138 = arith.constant 64 : index
      %get3A_139 = tpu.vector_load %arg10[%get3A_137, %get3A_138] {strides = array<i32>} : memref<32x80xi32, #tpu.memory_space<vmem>>, vector<16xi32>,
      %get3A_140 = arith.index_cast %add3A_71 : i32 to index
      %get3A_141 = arith.constant 64 : index
      %get3A_142 = tpu.vector_load %arg11[%get3A_140, %get3A_141] {strides = array<i32>} : memref<32x80xi32, #tpu.memory_space<vmem>>, vector<16xi32>,
      %gather3A_143 = tpu.vector_load_idx %arg14[%get3A_139] : memref<10240xf32, #tpu.memory_space<vmem>>[vector<16xi32>], vector<16xf32>,
      %gather3A_144 = tpu.vector_load_idx %arg13[%get3A_142] : memref<10240xf32, #tpu.memory_space<vmem>>[vector<16xi32>], vector<16xf32>,
      %mul3A_145 = arith.mulf %gather3A_143, %gather3A_144 : vector<16xf32>
      %swap3A_146 = arith.index_cast %add3A_71 : i32 to index
      %swap3A_147 = arith.constant 64 : index
      %swap3A_148 = tpu.vector_load %arg16[%swap3A_146, %swap3A_147] {strides = array<i32>} : memref<32x80xf32, #tpu.memory_space<vmem>>, vector<16xf32>,
      tpu.vector_store %arg16[%swap3A_146, %swap3A_147], %mul3A_145 {strides = array<i32>} : memref<32x80xf32, #tpu.memory_space<vmem>>, vector<16xf32>,
      %gather3A_149 = tpu.vector_load_idx %arg12[%get3A_142] : memref<10240xi32, #tpu.memory_space<vmem>>[vector<16xi32>], vector<16xi32>,
      %add3A_150 = arith.addi %gather3A_149, %get3A_139 : vector<16xi32>
      %swap3A_151 = arith.index_cast %add3A_71 : i32 to index
      %swap3A_152 = arith.constant 64 : index
      %swap3A_153 = tpu.vector_load %arg15[%swap3A_151, %swap3A_152] {strides = array<i32>} : memref<32x80xi32, #tpu.memory_space<vmem>>, vector<16xi32>,
      tpu.vector_store %arg15[%swap3A_151, %swap3A_152], %add3A_150 {strides = array<i32>} : memref<32x80xi32, #tpu.memory_space<vmem>>, vector<16xi32>,
    }
    %scan3A_31 = arith.constant 32 : i32
    %scan3A_32 = arith.constant 0 : i32
    %scan3A_33 = arith.constant 32 : i32
    %scan3A_34 = arith.addi %scan3A_32, %scan3A_33 : i32
    %scan3A_35 = arith.constant 1 : i32
    scf.for %scan3A_67 = %scan3A_32 to %scan3A_34 step %scan3A_35  : i32 {
      %mul3A_68 = arith.constant 1 : i32
      %mul3A_69 = arith.muli %scan3A_67, %mul3A_68 : i32
      %add3A_70 = arith.constant 0 : i32
      %add3A_71 = arith.addi %add3A_70, %mul3A_69 : i32
      %dma_start3A = arith.constant 0 : i32
      %dma_start3A_72 = tpu.memref_slice %arg16[%add3A_71, %dma_start3A] : memref<32x80xf32, #tpu.memory_space<vmem>> -> memref<1x80xf32, #tpu.memory_space<vmem>>
      %dma_start3A_73 = tpu.memref_squeeze %dma_start3A_72 : memref<1x80xf32, #tpu.memory_space<vmem>> -> memref<80xf32, #tpu.memory_space<vmem>>
      %dma_start3A_74 = arith.constant 0 : i32
      %dma_start3A_75 = tpu.memref_slice %arg15[%add3A_71, %dma_start3A_74] : memref<32x80xi32, #tpu.memory_space<vmem>> -> memref<1x80xi32, #tpu.memory_space<vmem>>
      %dma_start3A_76 = tpu.memref_squeeze %dma_start3A_75 : memref<1x80xi32, #tpu.memory_space<vmem>> -> memref<80xi32, #tpu.memory_space<vmem>>
      %dma_start3A_77 = arith.constant 0 : i32
      %dma_start3A_78 = tpu.memref_slice %arg9[%dma_start3A_77] : memref<1034240xf32, #tpu.memory_space<vmem_shared>> -> memref<1034240xf32, #tpu.memory_space<vmem_shared>>
      tpu.enqueue_indirect_dma source(%dma_start3A_73 : memref<80xf32, #tpu.memory_space<vmem>>) target(%dma_start3A_78 : memref<1034240xf32, #tpu.memory_space<vmem_shared>>) offsets(%dma_start3A_76 : memref<80xi32, #tpu.memory_space<vmem>>) semaphore(%arg19 : memref<!tpu.dma_semaphore, #tpu.memory_space<semaphore_mem>>) {add = true}
    }
    %scan3A_36 = arith.constant 32 : i32
    %scan3A_37 = arith.constant 0 : i32
    %scan3A_38 = arith.constant 32 : i32
    %scan3A_39 = arith.addi %scan3A_37, %scan3A_38 : i32
    %scan3A_40 = arith.constant 1 : i32
    scf.for %scan3A_67 = %scan3A_37 to %scan3A_39 step %scan3A_40  : i32 {
      %mul3A_68 = arith.constant 1 : i32
      %mul3A_69 = arith.muli %scan3A_67, %mul3A_68 : i32
      %add3A_70 = arith.constant 0 : i32
      %add3A_71 = arith.addi %add3A_70, %mul3A_69 : i32
      %dma_wait3A = arith.constant 0 : i32
      %dma_wait3A_72 = tpu.memref_slice %arg18[%add3A_71, %dma_wait3A] : memref<32x80xf32, #tpu.memory_space<vmem>> -> memref<1x80xf32, #tpu.memory_space<vmem>>
      %dma_wait3A_73 = tpu.memref_squeeze %dma_wait3A_72 : memref<1x80xf32, #tpu.memory_space<vmem>> -> memref<80xf32, #tpu.memory_space<vmem>>
      %dma_wait3A_74 = arith.constant 0 : i32
      %dma_wait3A_75 = tpu.memref_slice %arg17[%add3A_71, %dma_wait3A_74] : memref<32x80xi32, #tpu.memory_space<vmem>> -> memref<1x80xi32, #tpu.memory_space<vmem>>
      %dma_wait3A_76 = tpu.memref_squeeze %dma_wait3A_75 : memref<1x80xi32, #tpu.memory_space<vmem>> -> memref<80xi32, #tpu.memory_space<vmem>>
      %dma_wait3A_77 = arith.constant 0 : i32
      %dma_wait3A_78 = tpu.memref_slice %arg9[%dma_wait3A_77] : memref<1034240xf32, #tpu.memory_space<vmem_shared>> -> memref<1034240xf32, #tpu.memory_space<vmem_shared>>
      tpu.wait_indirect_dma semaphore(%arg20 : memref<!tpu.dma_semaphore, #tpu.memory_space<semaphore_mem>>) src(%dma_wait3A_73 : memref<80xf32, #tpu.memory_space<vmem>>) dst(%dma_wait3A_78 : memref<1034240xf32, #tpu.memory_space<vmem_shared>>)
    }
    %scan3A_41 = arith.constant 32 : i32
    "tpu.region"() ({
      %run_scoped3A = tpu.sem_alloc : memref<!tpu.dma_semaphore, #tpu.memory_space<semaphore_mem>>
      %dma_start3A = arith.constant 96 : i32
      %dma_start3A_67 = arith.constant 0 : i32
      %dma_start3A_68 = tpu.memref_slice %arg2[%add3A, %dma_start3A, %dma_start3A_67] : memref<32x128x80xi32, #tpu.memory_space<hbm>> -> memref<1x32x80xi32, #tpu.memory_space<hbm>>
      %dma_start3A_69 = tpu.memref_squeeze %dma_start3A_68 : memref<1x32x80xi32, #tpu.memory_space<hbm>> -> memref<32x80xi32, #tpu.memory_space<hbm>>
      %dma_start3A_70 = arith.constant 96 : i32
      %dma_start3A_71 = arith.constant 0 : i32
      %dma_start3A_72 = tpu.memref_slice %arg2[%add3A, %dma_start3A_70, %dma_start3A_71] : memref<32x128x80xi32, #tpu.memory_space<hbm>> -> memref<1x32x80xi32, #tpu.memory_space<hbm>>
      %dma_start3A_73 = tpu.memref_squeeze %dma_start3A_72 : memref<1x32x80xi32, #tpu.memory_space<hbm>> -> memref<32x80xi32, #tpu.memory_space<hbm>>
      tpu.enqueue_dma source(%dma_start3A_73 : memref<32x80xi32, #tpu.memory_space<hbm>>) target(%arg10 : memref<32x80xi32, #tpu.memory_space<vmem>>) target_semaphore(%run_scoped3A : memref<!tpu.dma_semaphore, #tpu.memory_space<semaphore_mem>>)
      %dma_wait3A = arith.constant 96 : i32
      %dma_wait3A_74 = arith.constant 0 : i32
      %dma_wait3A_75 = tpu.memref_slice %arg2[%add3A, %dma_wait3A, %dma_wait3A_74] : memref<32x128x80xi32, #tpu.memory_space<hbm>> -> memref<1x32x80xi32, #tpu.memory_space<hbm>>
      %dma_wait3A_76 = tpu.memref_squeeze %dma_wait3A_75 : memref<1x32x80xi32, #tpu.memory_space<hbm>> -> memref<32x80xi32, #tpu.memory_space<hbm>>
      %dma_wait3A_77 = arith.constant 96 : i32
      %dma_wait3A_78 = arith.constant 0 : i32
      %dma_wait3A_79 = tpu.memref_slice %arg2[%add3A, %dma_wait3A_77, %dma_wait3A_78] : memref<32x128x80xi32, #tpu.memory_space<hbm>> -> memref<1x32x80xi32, #tpu.memory_space<hbm>>
      %dma_wait3A_80 = tpu.memref_squeeze %dma_wait3A_79 : memref<1x32x80xi32, #tpu.memory_space<hbm>> -> memref<32x80xi32, #tpu.memory_space<hbm>>
      tpu.wait_dma2 semaphore(%run_scoped3A : memref<!tpu.dma_semaphore, #tpu.memory_space<semaphore_mem>>) src(%dma_wait3A_80 : memref<32x80xi32, #tpu.memory_space<hbm>>) dst(%arg10 : memref<32x80xi32, #tpu.memory_space<vmem>>)
      tpu.yield
    }) : () -> ()
    "tpu.region"() ({
      %run_scoped3A = tpu.sem_alloc : memref<!tpu.dma_semaphore, #tpu.memory_space<semaphore_mem>>
      %dma_start3A = arith.constant 96 : i32
      %dma_start3A_67 = arith.constant 0 : i32
      %dma_start3A_68 = tpu.memref_slice %arg3[%add3A, %dma_start3A, %dma_start3A_67] : memref<32x128x80xi32, #tpu.memory_space<hbm>> -> memref<1x32x80xi32, #tpu.memory_space<hbm>>
      %dma_start3A_69 = tpu.memref_squeeze %dma_start3A_68 : memref<1x32x80xi32, #tpu.memory_space<hbm>> -> memref<32x80xi32, #tpu.memory_space<hbm>>
      %dma_start3A_70 = arith.constant 96 : i32
      %dma_start3A_71 = arith.constant 0 : i32
      %dma_start3A_72 = tpu.memref_slice %arg3[%add3A, %dma_start3A_70, %dma_start3A_71] : memref<32x128x80xi32, #tpu.memory_space<hbm>> -> memref<1x32x80xi32, #tpu.memory_space<hbm>>
      %dma_start3A_73 = tpu.memref_squeeze %dma_start3A_72 : memref<1x32x80xi32, #tpu.memory_space<hbm>> -> memref<32x80xi32, #tpu.memory_space<hbm>>
      tpu.enqueue_dma source(%dma_start3A_73 : memref<32x80xi32, #tpu.memory_space<hbm>>) target(%arg11 : memref<32x80xi32, #tpu.memory_space<vmem>>) target_semaphore(%run_scoped3A : memref<!tpu.dma_semaphore, #tpu.memory_space<semaphore_mem>>)
      %dma_wait3A = arith.constant 96 : i32
      %dma_wait3A_74 = arith.constant 0 : i32
      %dma_wait3A_75 = tpu.memref_slice %arg3[%add3A, %dma_wait3A, %dma_wait3A_74] : memref<32x128x80xi32, #tpu.memory_space<hbm>> -> memref<1x32x80xi32, #tpu.memory_space<hbm>>
      %dma_wait3A_76 = tpu.memref_squeeze %dma_wait3A_75 : memref<1x32x80xi32, #tpu.memory_space<hbm>> -> memref<32x80xi32, #tpu.memory_space<hbm>>
      %dma_wait3A_77 = arith.constant 96 : i32
      %dma_wait3A_78 = arith.constant 0 : i32
      %dma_wait3A_79 = tpu.memref_slice %arg3[%add3A, %dma_wait3A_77, %dma_wait3A_78] : memref<32x128x80xi32, #tpu.memory_space<hbm>> -> memref<1x32x80xi32, #tpu.memory_space<hbm>>
      %dma_wait3A_80 = tpu.memref_squeeze %dma_wait3A_79 : memref<1x32x80xi32, #tpu.memory_space<hbm>> -> memref<32x80xi32, #tpu.memory_space<hbm>>
      tpu.wait_dma2 semaphore(%run_scoped3A : memref<!tpu.dma_semaphore, #tpu.memory_space<semaphore_mem>>) src(%dma_wait3A_80 : memref<32x80xi32, #tpu.memory_space<hbm>>) dst(%arg11 : memref<32x80xi32, #tpu.memory_space<vmem>>)
      tpu.yield
    }) : () -> ()
    %scan3A_42 = arith.constant 0 : i32
    %scan3A_43 = arith.constant 32 : i32
    %scan3A_44 = arith.addi %scan3A_42, %scan3A_43 : i32
    %scan3A_45 = arith.constant 1 : i32
    scf.for %scan3A_67 = %scan3A_42 to %scan3A_44 step %scan3A_45  : i32 {
      %mul3A_68 = arith.constant 1 : i32
      %mul3A_69 = arith.muli %scan3A_67, %mul3A_68 : i32
      %add3A_70 = arith.constant 0 : i32
      %add3A_71 = arith.addi %add3A_70, %mul3A_69 : i32
      %get3A = arith.index_cast %add3A_71 : i32 to index
      %get3A_72 = arith.constant 0 : index
      %get3A_73 = tpu.vector_load %arg10[%get3A, %get3A_72] {strides = array<i32>} : memref<32x80xi32, #tpu.memory_space<vmem>>, vector<16xi32>,
      %get3A_74 = arith.index_cast %add3A_71 : i32 to index
      %get3A_75 = arith.constant 0 : index
      %get3A_76 = tpu.vector_load %arg11[%get3A_74, %get3A_75] {strides = array<i32>} : memref<32x80xi32, #tpu.memory_space<vmem>>, vector<16xi32>,
      %gather3A = tpu.vector_load_idx %arg14[%get3A_73] : memref<10240xf32, #tpu.memory_space<vmem>>[vector<16xi32>], vector<16xf32>,
      %gather3A_77 = tpu.vector_load_idx %arg13[%get3A_76] : memref<10240xf32, #tpu.memory_space<vmem>>[vector<16xi32>], vector<16xf32>,
      %mul3A_78 = arith.mulf %gather3A, %gather3A_77 : vector<16xf32>
      %swap3A = arith.index_cast %add3A_71 : i32 to index
      %swap3A_79 = arith.constant 0 : index
      %swap3A_80 = tpu.vector_load %arg18[%swap3A, %swap3A_79] {strides = array<i32>} : memref<32x80xf32, #tpu.memory_space<vmem>>, vector<16xf32>,
      tpu.vector_store %arg18[%swap3A, %swap3A_79], %mul3A_78 {strides = array<i32>} : memref<32x80xf32, #tpu.memory_space<vmem>>, vector<16xf32>,
      %gather3A_81 = tpu.vector_load_idx %arg12[%get3A_76] : memref<10240xi32, #tpu.memory_space<vmem>>[vector<16xi32>], vector<16xi32>,
      %add3A_82 = arith.addi %gather3A_81, %get3A_73 : vector<16xi32>
      %swap3A_83 = arith.index_cast %add3A_71 : i32 to index
      %swap3A_84 = arith.constant 0 : index
      %swap3A_85 = tpu.vector_load %arg17[%swap3A_83, %swap3A_84] {strides = array<i32>} : memref<32x80xi32, #tpu.memory_space<vmem>>, vector<16xi32>,
      tpu.vector_store %arg17[%swap3A_83, %swap3A_84], %add3A_82 {strides = array<i32>} : memref<32x80xi32, #tpu.memory_space<vmem>>, vector<16xi32>,
      %get3A_86 = arith.index_cast %add3A_71 : i32 to index
      %get3A_87 = arith.constant 16 : index
      %get3A_88 = tpu.vector_load %arg10[%get3A_86, %get3A_87] {strides = array<i32>} : memref<32x80xi32, #tpu.memory_space<vmem>>, vector<16xi32>,
      %get3A_89 = arith.index_cast %add3A_71 : i32 to index
      %get3A_90 = arith.constant 16 : index
      %get3A_91 = tpu.vector_load %arg11[%get3A_89, %get3A_90] {strides = array<i32>} : memref<32x80xi32, #tpu.memory_space<vmem>>, vector<16xi32>,
      %gather3A_92 = tpu.vector_load_idx %arg14[%get3A_88] : memref<10240xf32, #tpu.memory_space<vmem>>[vector<16xi32>], vector<16xf32>,
      %gather3A_93 = tpu.vector_load_idx %arg13[%get3A_91] : memref<10240xf32, #tpu.memory_space<vmem>>[vector<16xi32>], vector<16xf32>,
      %mul3A_94 = arith.mulf %gather3A_92, %gather3A_93 : vector<16xf32>
      %swap3A_95 = arith.index_cast %add3A_71 : i32 to index
      %swap3A_96 = arith.constant 16 : index
      %swap3A_97 = tpu.vector_load %arg18[%swap3A_95, %swap3A_96] {strides = array<i32>} : memref<32x80xf32, #tpu.memory_space<vmem>>, vector<16xf32>,
      tpu.vector_store %arg18[%swap3A_95, %swap3A_96], %mul3A_94 {strides = array<i32>} : memref<32x80xf32, #tpu.memory_space<vmem>>, vector<16xf32>,
      %gather3A_98 = tpu.vector_load_idx %arg12[%get3A_91] : memref<10240xi32, #tpu.memory_space<vmem>>[vector<16xi32>], vector<16xi32>,
      %add3A_99 = arith.addi %gather3A_98, %get3A_88 : vector<16xi32>
      %swap3A_100 = arith.index_cast %add3A_71 : i32 to index
      %swap3A_101 = arith.constant 16 : index
      %swap3A_102 = tpu.vector_load %arg17[%swap3A_100, %swap3A_101] {strides = array<i32>} : memref<32x80xi32, #tpu.memory_space<vmem>>, vector<16xi32>,
      tpu.vector_store %arg17[%swap3A_100, %swap3A_101], %add3A_99 {strides = array<i32>} : memref<32x80xi32, #tpu.memory_space<vmem>>, vector<16xi32>,
      %get3A_103 = arith.index_cast %add3A_71 : i32 to index
      %get3A_104 = arith.constant 32 : index
      %get3A_105 = tpu.vector_load %arg10[%get3A_103, %get3A_104] {strides = array<i32>} : memref<32x80xi32, #tpu.memory_space<vmem>>, vector<16xi32>,
      %get3A_106 = arith.index_cast %add3A_71 : i32 to index
      %get3A_107 = arith.constant 32 : index
      %get3A_108 = tpu.vector_load %arg11[%get3A_106, %get3A_107] {strides = array<i32>} : memref<32x80xi32, #tpu.memory_space<vmem>>, vector<16xi32>,
      %gather3A_109 = tpu.vector_load_idx %arg14[%get3A_105] : memref<10240xf32, #tpu.memory_space<vmem>>[vector<16xi32>], vector<16xf32>,
      %gather3A_110 = tpu.vector_load_idx %arg13[%get3A_108] : memref<10240xf32, #tpu.memory_space<vmem>>[vector<16xi32>], vector<16xf32>,
      %mul3A_111 = arith.mulf %gather3A_109, %gather3A_110 : vector<16xf32>
      %swap3A_112 = arith.index_cast %add3A_71 : i32 to index
      %swap3A_113 = arith.constant 32 : index
      %swap3A_114 = tpu.vector_load %arg18[%swap3A_112, %swap3A_113] {strides = array<i32>} : memref<32x80xf32, #tpu.memory_space<vmem>>, vector<16xf32>,
      tpu.vector_store %arg18[%swap3A_112, %swap3A_113], %mul3A_111 {strides = array<i32>} : memref<32x80xf32, #tpu.memory_space<vmem>>, vector<16xf32>,
      %gather3A_115 = tpu.vector_load_idx %arg12[%get3A_108] : memref<10240xi32, #tpu.memory_space<vmem>>[vector<16xi32>], vector<16xi32>,
      %add3A_116 = arith.addi %gather3A_115, %get3A_105 : vector<16xi32>
      %swap3A_117 = arith.index_cast %add3A_71 : i32 to index
      %swap3A_118 = arith.constant 32 : index
      %swap3A_119 = tpu.vector_load %arg17[%swap3A_117, %swap3A_118] {strides = array<i32>} : memref<32x80xi32, #tpu.memory_space<vmem>>, vector<16xi32>,
      tpu.vector_store %arg17[%swap3A_117, %swap3A_118], %add3A_116 {strides = array<i32>} : memref<32x80xi32, #tpu.memory_space<vmem>>, vector<16xi32>,
      %get3A_120 = arith.index_cast %add3A_71 : i32 to index
      %get3A_121 = arith.constant 48 : index
      %get3A_122 = tpu.vector_load %arg10[%get3A_120, %get3A_121] {strides = array<i32>} : memref<32x80xi32, #tpu.memory_space<vmem>>, vector<16xi32>,
      %get3A_123 = arith.index_cast %add3A_71 : i32 to index
      %get3A_124 = arith.constant 48 : index
      %get3A_125 = tpu.vector_load %arg11[%get3A_123, %get3A_124] {strides = array<i32>} : memref<32x80xi32, #tpu.memory_space<vmem>>, vector<16xi32>,
      %gather3A_126 = tpu.vector_load_idx %arg14[%get3A_122] : memref<10240xf32, #tpu.memory_space<vmem>>[vector<16xi32>], vector<16xf32>,
      %gather3A_127 = tpu.vector_load_idx %arg13[%get3A_125] : memref<10240xf32, #tpu.memory_space<vmem>>[vector<16xi32>], vector<16xf32>,
      %mul3A_128 = arith.mulf %gather3A_126, %gather3A_127 : vector<16xf32>
      %swap3A_129 = arith.index_cast %add3A_71 : i32 to index
      %swap3A_130 = arith.constant 48 : index
      %swap3A_131 = tpu.vector_load %arg18[%swap3A_129, %swap3A_130] {strides = array<i32>} : memref<32x80xf32, #tpu.memory_space<vmem>>, vector<16xf32>,
      tpu.vector_store %arg18[%swap3A_129, %swap3A_130], %mul3A_128 {strides = array<i32>} : memref<32x80xf32, #tpu.memory_space<vmem>>, vector<16xf32>,
      %gather3A_132 = tpu.vector_load_idx %arg12[%get3A_125] : memref<10240xi32, #tpu.memory_space<vmem>>[vector<16xi32>], vector<16xi32>,
      %add3A_133 = arith.addi %gather3A_132, %get3A_122 : vector<16xi32>
      %swap3A_134 = arith.index_cast %add3A_71 : i32 to index
      %swap3A_135 = arith.constant 48 : index
      %swap3A_136 = tpu.vector_load %arg17[%swap3A_134, %swap3A_135] {strides = array<i32>} : memref<32x80xi32, #tpu.memory_space<vmem>>, vector<16xi32>,
      tpu.vector_store %arg17[%swap3A_134, %swap3A_135], %add3A_133 {strides = array<i32>} : memref<32x80xi32, #tpu.memory_space<vmem>>, vector<16xi32>,
      %get3A_137 = arith.index_cast %add3A_71 : i32 to index
      %get3A_138 = arith.constant 64 : index
      %get3A_139 = tpu.vector_load %arg10[%get3A_137, %get3A_138] {strides = array<i32>} : memref<32x80xi32, #tpu.memory_space<vmem>>, vector<16xi32>,
      %get3A_140 = arith.index_cast %add3A_71 : i32 to index
      %get3A_141 = arith.constant 64 : index
      %get3A_142 = tpu.vector_load %arg11[%get3A_140, %get3A_141] {strides = array<i32>} : memref<32x80xi32, #tpu.memory_space<vmem>>, vector<16xi32>,
      %gather3A_143 = tpu.vector_load_idx %arg14[%get3A_139] : memref<10240xf32, #tpu.memory_space<vmem>>[vector<16xi32>], vector<16xf32>,
      %gather3A_144 = tpu.vector_load_idx %arg13[%get3A_142] : memref<10240xf32, #tpu.memory_space<vmem>>[vector<16xi32>], vector<16xf32>,
      %mul3A_145 = arith.mulf %gather3A_143, %gather3A_144 : vector<16xf32>
      %swap3A_146 = arith.index_cast %add3A_71 : i32 to index
      %swap3A_147 = arith.constant 64 : index
      %swap3A_148 = tpu.vector_load %arg18[%swap3A_146, %swap3A_147] {strides = array<i32>} : memref<32x80xf32, #tpu.memory_space<vmem>>, vector<16xf32>,
      tpu.vector_store %arg18[%swap3A_146, %swap3A_147], %mul3A_145 {strides = array<i32>} : memref<32x80xf32, #tpu.memory_space<vmem>>, vector<16xf32>,
      %gather3A_149 = tpu.vector_load_idx %arg12[%get3A_142] : memref<10240xi32, #tpu.memory_space<vmem>>[vector<16xi32>], vector<16xi32>,
      %add3A_150 = arith.addi %gather3A_149, %get3A_139 : vector<16xi32>
      %swap3A_151 = arith.index_cast %add3A_71 : i32 to index
      %swap3A_152 = arith.constant 64 : index
      %swap3A_153 = tpu.vector_load %arg17[%swap3A_151, %swap3A_152] {strides = array<i32>} : memref<32x80xi32, #tpu.memory_space<vmem>>, vector<16xi32>,
      tpu.vector_store %arg17[%swap3A_151, %swap3A_152], %add3A_150 {strides = array<i32>} : memref<32x80xi32, #tpu.memory_space<vmem>>, vector<16xi32>,
    }
    %scan3A_46 = arith.constant 32 : i32
    %scan3A_47 = arith.constant 0 : i32
    %scan3A_48 = arith.constant 32 : i32
    %scan3A_49 = arith.addi %scan3A_47, %scan3A_48 : i32
    %scan3A_50 = arith.constant 1 : i32
    scf.for %scan3A_67 = %scan3A_47 to %scan3A_49 step %scan3A_50  : i32 {
      %mul3A_68 = arith.constant 1 : i32
      %mul3A_69 = arith.muli %scan3A_67, %mul3A_68 : i32
      %add3A_70 = arith.constant 0 : i32
      %add3A_71 = arith.addi %add3A_70, %mul3A_69 : i32
      %dma_start3A = arith.constant 0 : i32
      %dma_start3A_72 = tpu.memref_slice %arg18[%add3A_71, %dma_start3A] : memref<32x80xf32, #tpu.memory_space<vmem>> -> memref<1x80xf32, #tpu.memory_space<vmem>>
      %dma_start3A_73 = tpu.memref_squeeze %dma_start3A_72 : memref<1x80xf32, #tpu.memory_space<vmem>> -> memref<80xf32, #tpu.memory_space<vmem>>
      %dma_start3A_74 = arith.constant 0 : i32
      %dma_start3A_75 = tpu.memref_slice %arg17[%add3A_71, %dma_start3A_74] : memref<32x80xi32, #tpu.memory_space<vmem>> -> memref<1x80xi32, #tpu.memory_space<vmem>>
      %dma_start3A_76 = tpu.memref_squeeze %dma_start3A_75 : memref<1x80xi32, #tpu.memory_space<vmem>> -> memref<80xi32, #tpu.memory_space<vmem>>
      %dma_start3A_77 = arith.constant 0 : i32
      %dma_start3A_78 = tpu.memref_slice %arg9[%dma_start3A_77] : memref<1034240xf32, #tpu.memory_space<vmem_shared>> -> memref<1034240xf32, #tpu.memory_space<vmem_shared>>
      tpu.enqueue_indirect_dma source(%dma_start3A_73 : memref<80xf32, #tpu.memory_space<vmem>>) target(%dma_start3A_78 : memref<1034240xf32, #tpu.memory_space<vmem_shared>>) offsets(%dma_start3A_76 : memref<80xi32, #tpu.memory_space<vmem>>) semaphore(%arg20 : memref<!tpu.dma_semaphore, #tpu.memory_space<semaphore_mem>>) {add = true}
    }
    %scan3A_51 = arith.constant 32 : i32
    %scan3A_52 = arith.constant 0 : i32
    %scan3A_53 = arith.constant 32 : i32
    %scan3A_54 = arith.addi %scan3A_52, %scan3A_53 : i32
    %scan3A_55 = arith.constant 1 : i32
    scf.for %scan3A_67 = %scan3A_52 to %scan3A_54 step %scan3A_55  : i32 {
      %mul3A_68 = arith.constant 1 : i32
      %mul3A_69 = arith.muli %scan3A_67, %mul3A_68 : i32
      %add3A_70 = arith.constant 0 : i32
      %add3A_71 = arith.addi %add3A_70, %mul3A_69 : i32
      %dma_wait3A = arith.constant 0 : i32
      %dma_wait3A_72 = tpu.memref_slice %arg16[%add3A_71, %dma_wait3A] : memref<32x80xf32, #tpu.memory_space<vmem>> -> memref<1x80xf32, #tpu.memory_space<vmem>>
      %dma_wait3A_73 = tpu.memref_squeeze %dma_wait3A_72 : memref<1x80xf32, #tpu.memory_space<vmem>> -> memref<80xf32, #tpu.memory_space<vmem>>
      %dma_wait3A_74 = arith.constant 0 : i32
      %dma_wait3A_75 = tpu.memref_slice %arg15[%add3A_71, %dma_wait3A_74] : memref<32x80xi32, #tpu.memory_space<vmem>> -> memref<1x80xi32, #tpu.memory_space<vmem>>
      %dma_wait3A_76 = tpu.memref_squeeze %dma_wait3A_75 : memref<1x80xi32, #tpu.memory_space<vmem>> -> memref<80xi32, #tpu.memory_space<vmem>>
      %dma_wait3A_77 = arith.constant 0 : i32
      %dma_wait3A_78 = tpu.memref_slice %arg9[%dma_wait3A_77] : memref<1034240xf32, #tpu.memory_space<vmem_shared>> -> memref<1034240xf32, #tpu.memory_space<vmem_shared>>
      tpu.wait_indirect_dma semaphore(%arg19 : memref<!tpu.dma_semaphore, #tpu.memory_space<semaphore_mem>>) src(%dma_wait3A_73 : memref<80xf32, #tpu.memory_space<vmem>>) dst(%dma_wait3A_78 : memref<1034240xf32, #tpu.memory_space<vmem_shared>>)
    }
    %scan3A_56 = arith.constant 32 : i32
    %scan3A_57 = arith.constant 0 : i32
    %scan3A_58 = arith.constant 32 : i32
    %scan3A_59 = arith.addi %scan3A_57, %scan3A_58 : i32
    %scan3A_60 = arith.constant 1 : i32
    scf.for %scan3A_67 = %scan3A_57 to %scan3A_59 step %scan3A_60  : i32 {
      %mul3A_68 = arith.constant 1 : i32
      %mul3A_69 = arith.muli %scan3A_67, %mul3A_68 : i32
      %add3A_70 = arith.constant 0 : i32
      %add3A_71 = arith.addi %add3A_70, %mul3A_69 : i32
      %dma_wait3A = arith.constant 0 : i32
      %dma_wait3A_72 = tpu.memref_slice %arg18[%add3A_71, %dma_wait3A] : memref<32x80xf32, #tpu.memory_space<vmem>> -> memref<1x80xf32, #tpu.memory_space<vmem>>
      %dma_wait3A_73 = tpu.memref_squeeze %dma_wait3A_72 : memref<1x80xf32, #tpu.memory_space<vmem>> -> memref<80xf32, #tpu.memory_space<vmem>>
      %dma_wait3A_74 = arith.constant 0 : i32
      %dma_wait3A_75 = tpu.memref_slice %arg17[%add3A_71, %dma_wait3A_74] : memref<32x80xi32, #tpu.memory_space<vmem>> -> memref<1x80xi32, #tpu.memory_space<vmem>>
      %dma_wait3A_76 = tpu.memref_squeeze %dma_wait3A_75 : memref<1x80xi32, #tpu.memory_space<vmem>> -> memref<80xi32, #tpu.memory_space<vmem>>
      %dma_wait3A_77 = arith.constant 0 : i32
      %dma_wait3A_78 = tpu.memref_slice %arg9[%dma_wait3A_77] : memref<1034240xf32, #tpu.memory_space<vmem_shared>> -> memref<1034240xf32, #tpu.memory_space<vmem_shared>>
      tpu.wait_indirect_dma semaphore(%arg20 : memref<!tpu.dma_semaphore, #tpu.memory_space<semaphore_mem>>) src(%dma_wait3A_73 : memref<80xf32, #tpu.memory_space<vmem>>) dst(%dma_wait3A_78 : memref<1034240xf32, #tpu.memory_space<vmem_shared>>)
    }
    %scan3A_61 = arith.constant 32 : i32
    %barrier3A_62 = arith.constant 0 : index
    tpu.barrier barrier_id(%barrier3A_62)
    %mul3A_63 = arith.constant 64640 : i32
    %mul3A_64 = arith.muli %arg1, %mul3A_63 : i32
    %mul3A_65 = arith.constant 64640 : i32
    %mul3A_66 = arith.muli %arg1, %mul3A_65 : i32
    "tpu.region"() ({
      %run_scoped3A = tpu.sem_alloc : memref<!tpu.dma_semaphore, #tpu.memory_space<semaphore_mem>>
      %dma_start3A = tpu.memref_slice %arg8[%arg0, %mul3A_66] : memref<2x1034240xf32, #tpu.memory_space<hbm>> -> memref<1x64640xf32, #tpu.memory_space<hbm>>
      %dma_start3A_67 = tpu.memref_squeeze %dma_start3A : memref<1x64640xf32, #tpu.memory_space<hbm>> -> memref<64640xf32, #tpu.memory_space<hbm>>
      %dma_start3A_68 = tpu.memref_slice %arg9[%mul3A_64] : memref<1034240xf32, #tpu.memory_space<vmem_shared>> -> memref<64640xf32, #tpu.memory_space<vmem_shared>>
      tpu.enqueue_dma source(%dma_start3A_68 : memref<64640xf32, #tpu.memory_space<vmem_shared>>) target(%dma_start3A_67 : memref<64640xf32, #tpu.memory_space<hbm>>) target_semaphore(%run_scoped3A : memref<!tpu.dma_semaphore, #tpu.memory_space<semaphore_mem>>)
      %dma_wait3A = tpu.memref_slice %arg8[%arg0, %mul3A_66] : memref<2x1034240xf32, #tpu.memory_space<hbm>> -> memref<1x64640xf32, #tpu.memory_space<hbm>>
      %dma_wait3A_69 = tpu.memref_squeeze %dma_wait3A : memref<1x64640xf32, #tpu.memory_space<hbm>> -> memref<64640xf32, #tpu.memory_space<hbm>>
      %dma_wait3A_70 = tpu.memref_slice %arg9[%mul3A_64] : memref<1034240xf32, #tpu.memory_space<vmem_shared>> -> memref<64640xf32, #tpu.memory_space<vmem_shared>>
      tpu.wait_dma2 semaphore(%run_scoped3A : memref<!tpu.dma_semaphore, #tpu.memory_space<semaphore_mem>>) src(%dma_wait3A_70 : memref<64640xf32, #tpu.memory_space<vmem_shared>>) dst(%dma_wait3A_69 : memref<64640xf32, #tpu.memory_space<hbm>>)
      tpu.yield
    }) : () -> ()
    return
  }
}

module attributes {stable_mosaic.version = 14 : i64} {
  func.func @tc_prep(%arg0: i32, %arg1: memref<1280x128xf32, #tpu.memory_space<vmem>>, %arg2: memref<128x128xf32, #tpu.memory_space<vmem>>, %arg3: memref<2x1x1x1280xf32, #tpu.memory_space<vmem>>, %arg4: memref<2x256xf32, #tpu.memory_space<vmem>>, %arg5: memref<1x1x1280xi32, #tpu.memory_space<vmem>>, %arg6: memref<1280x128xf32, #tpu.memory_space<vmem>>, %arg7: memref<1x1x1280xf32, #tpu.memory_space<vmem>>, %arg8: memref<1x1x1280xf32, #tpu.memory_space<vmem>>, %arg9: memref<1x1x1280xi32, #tpu.memory_space<vmem>>, %arg10: memref<1x1x1280xf32, #tpu.memory_space<vmem>>) attributes {dimension_semantics = [#tpu.dimension_semantics<arbitrary>], iteration_bounds = array<i64: 8>, scalar_prefetch = 0 : i64, scratch_operands = 0 : i64, tpu.core_type = #tpu.core_type<tc>, window_params = [{transform_indices = @transform_0, window_bounds = array<i64: 1280, 128>}, {pipeline_mode = #tpu.pipeline_mode<synchronous>, transform_indices = @transform_1, window_bounds = array<i64: 128, 128>}, {transform_indices = @transform_2, window_bounds = array<i64: 2, 1, 1, 1280>}, {pipeline_mode = #tpu.pipeline_mode<synchronous>, transform_indices = @transform_3, window_bounds = array<i64: 2, 256>}, {transform_indices = @transform_4, window_bounds = array<i64: 1, 1, 1280>}, {transform_indices = @transform_5, window_bounds = array<i64: 1280, 128>}, {transform_indices = @transform_6, window_bounds = array<i64: 1, 1, 1280>}, {transform_indices = @transform_7, window_bounds = array<i64: 1, 1, 1280>}, {transform_indices = @transform_8, window_bounds = array<i64: 1, 1, 1280>}, {transform_indices = @transform_9, window_bounds = array<i64: 1, 1, 1280>}]} {
    %get3A = arith.constant 0 : index
    %get3A_0 = arith.constant 0 : index
    %get3A_1 = arith.constant 0 : index
    %get3A_2 = arith.constant 0 : index
    %get3A_3 = vector.load %arg3[%get3A, %get3A_0, %get3A_1, %get3A_2] : memref<2x1x1x1280xf32, #tpu.memory_space<vmem>>, vector<1x1x1x1280xf32>
    %get3A_4 = vector.shape_cast %get3A_3 : vector<1x1x1x1280xf32> to vector<1280xf32>
    %get3A_5 = arith.constant 1 : index
    %get3A_6 = arith.constant 0 : index
    %get3A_7 = arith.constant 0 : index
    %get3A_8 = arith.constant 0 : index
    %get3A_9 = vector.load %arg3[%get3A_5, %get3A_6, %get3A_7, %get3A_8] : memref<2x1x1x1280xf32, #tpu.memory_space<vmem>>, vector<1x1x1x1280xf32>
    %get3A_10 = vector.shape_cast %get3A_9 : vector<1x1x1x1280xf32> to vector<1280xf32>
    %add3A = arith.addf %get3A_4, %get3A_10 : vector<1280xf32>
    %add3A_11 = arith.constant 1.000000e+00 : f32
    %add3A_12 = vector.broadcast %add3A_11 : f32 to vector<1280xf32>
    %add3A_13 = arith.addf %add3A, %add3A_12 : vector<1280xf32>
    %rsqrt3A = math.rsqrt %add3A_13 : vector<1280xf32>
    %get3A_14 = arith.constant 0 : index
    %get3A_15 = arith.constant 0 : index
    %get3A_16 = vector.load %arg1[%get3A_14, %get3A_15] : memref<1280x128xf32, #tpu.memory_space<vmem>>, vector<1280x128xf32>
    %get3A_17 = arith.constant 0 : index
    %get3A_18 = arith.constant 0 : index
    %get3A_19 = vector.load %arg2[%get3A_17, %get3A_18] : memref<128x128xf32, #tpu.memory_space<vmem>>, vector<128x128xf32>
    %dot_general3A = arith.constant dense<0.000000e+00> : vector<1280x128xf32>
    %dot_general3A_20 = tpu.matmul %get3A_16, %get3A_19, %dot_general3A {dimension_numbers = #tpu.dot_dimension_numbers<[1], [0], [0], [1], [0, 0, 1, 1], [], []>, transpose_lhs_hint = false} : vector<1280x128xf32>, vector<128x128xf32>, vector<1280x128xf32> -> vector<1280x128xf32>
    %broadcast_in_dim3A = vector.shape_cast %rsqrt3A : vector<1280xf32> to vector<1280x1xf32>
    %mul3A = vector.broadcast %broadcast_in_dim3A : vector<1280x1xf32> to vector<1280x128xf32>
    %mul3A_21 = arith.mulf %mul3A, %dot_general3A_20 : vector<1280x128xf32>
    %swap3A = arith.constant 0 : index
    %swap3A_22 = arith.constant 0 : index
    %swap3A_23 = vector.load %arg6[%swap3A, %swap3A_22] : memref<1280x128xf32, #tpu.memory_space<vmem>>, vector<1280x128xf32>
    tpu.vector_store %arg6[%swap3A, %swap3A_22], %mul3A_21 {strides = array<i32>} : memref<1280x128xf32, #tpu.memory_space<vmem>>, vector<1280x128xf32>,
    %swap3A_24 = arith.constant 0 : index
    %swap3A_25 = arith.constant 0 : index
    %swap3A_26 = arith.constant 0 : index
    %swap3A_27 = vector.load %arg7[%swap3A_24, %swap3A_25, %swap3A_26] : memref<1x1x1280xf32, #tpu.memory_space<vmem>>, vector<1x1x1280xf32>
    %swap3A_28 = vector.shape_cast %swap3A_27 : vector<1x1x1280xf32> to vector<1280xf32>
    %swap3A_29 = vector.shape_cast %rsqrt3A : vector<1280xf32> to vector<1x1x1280xf32>
    tpu.vector_store %arg7[%swap3A_24, %swap3A_25, %swap3A_26], %swap3A_29 {strides = array<i32>} : memref<1x1x1280xf32, #tpu.memory_space<vmem>>, vector<1x1x1280xf32>,
    %get3A_30 = arith.constant 0 : index
    %get3A_31 = arith.constant 0 : index
    %get3A_32 = vector.load %arg4[%get3A_30, %get3A_31] : memref<2x256xf32, #tpu.memory_space<vmem>>, vector<1x256xf32>
    %get3A_33 = vector.shape_cast %get3A_32 : vector<1x256xf32> to vector<256xf32>
    %get3A_34 = arith.constant 1 : index
    %get3A_35 = arith.constant 0 : index
    %get3A_36 = vector.load %arg4[%get3A_34, %get3A_35] : memref<2x256xf32, #tpu.memory_space<vmem>>, vector<1x256xf32>
    %get3A_37 = vector.shape_cast %get3A_36 : vector<1x256xf32> to vector<256xf32>
    %add3A_38 = arith.addf %get3A_33, %get3A_37 : vector<256xf32>
    %max3A = arith.constant 1.000000e+00 : f32
    %max3A_39 = vector.broadcast %max3A : f32 to vector<256xf32>
    %max3A_40 = arith.maximumf %add3A_38, %max3A_39 : vector<256xf32>
    %div3A = arith.constant 1.000000e+00 : f32
    %div3A_41 = vector.broadcast %div3A : f32 to vector<256xf32>
    %div3A_42 = arith.divf %div3A_41, %max3A_40 : vector<256xf32>
    %get3A_43 = arith.constant 0 : index
    %get3A_44 = arith.constant 0 : index
    %get3A_45 = arith.constant 0 : index
    %get3A_46 = vector.load %arg5[%get3A_43, %get3A_44, %get3A_45] : memref<1x1x1280xi32, #tpu.memory_space<vmem>>, vector<1x1x1280xi32>
    %get3A_47 = vector.shape_cast %get3A_46 : vector<1x1x1280xi32> to vector<1280xi32>
    %broadcast_in_dim3A_48 = vector.shape_cast %get3A_47 : vector<1280xi32> to vector<1280x1xi32>
    %iota3A = tpu.iota {dimensions = array<i32: 1>} : vector<1280x256xi32>
    %eq3A = vector.broadcast %broadcast_in_dim3A_48 : vector<1280x1xi32> to vector<1280x256xi32>
    %eq3A_49 = arith.cmpi eq, %eq3A, %iota3A : vector<1280x256xi32>
    %convert_element_type3A = arith.extui %eq3A_49 : vector<1280x256xi1> to vector<1280x256xi32>
    %convert_element_type3A_50 = arith.sitofp %convert_element_type3A : vector<1280x256xi32> to vector<1280x256xf32>
    %broadcast_in_dim3A_51 = vector.shape_cast %div3A_42 : vector<256xf32> to vector<256x1xf32>
    %dot_general3A_52 = arith.constant dense<0.000000e+00> : vector<1280x1xf32>
    %dot_general3A_53 = tpu.matmul %convert_element_type3A_50, %broadcast_in_dim3A_51, %dot_general3A_52 {dimension_numbers = #tpu.dot_dimension_numbers<[1], [0], [0], [1], [0, 0, 1, 1], [], []>, transpose_lhs_hint = false} : vector<1280x256xf32>, vector<256x1xf32>, vector<1280x1xf32> -> vector<1280x1xf32>
    %squeeze3A = vector.shape_cast %dot_general3A_53 : vector<1280x1xf32> to vector<1280xf32>
    %mul3A_54 = arith.mulf %rsqrt3A, %squeeze3A : vector<1280xf32>
    %swap3A_55 = arith.constant 0 : index
    %swap3A_56 = arith.constant 0 : index
    %swap3A_57 = arith.constant 0 : index
    %swap3A_58 = vector.load %arg10[%swap3A_55, %swap3A_56, %swap3A_57] : memref<1x1x1280xf32, #tpu.memory_space<vmem>>, vector<1x1x1280xf32>
    %swap3A_59 = vector.shape_cast %swap3A_58 : vector<1x1x1280xf32> to vector<1280xf32>
    %swap3A_60 = vector.shape_cast %mul3A_54 : vector<1280xf32> to vector<1x1x1280xf32>
    tpu.vector_store %arg10[%swap3A_55, %swap3A_56, %swap3A_57], %swap3A_60 {strides = array<i32>} : memref<1x1x1280xf32, #tpu.memory_space<vmem>>, vector<1x1x1280xf32>,
    %mul3A_61 = arith.mulf %rsqrt3A, %mul3A_54 : vector<1280xf32>
    %swap3A_62 = arith.constant 0 : index
    %swap3A_63 = arith.constant 0 : index
    %swap3A_64 = arith.constant 0 : index
    %swap3A_65 = vector.load %arg8[%swap3A_62, %swap3A_63, %swap3A_64] : memref<1x1x1280xf32, #tpu.memory_space<vmem>>, vector<1x1x1280xf32>
    %swap3A_66 = vector.shape_cast %swap3A_65 : vector<1x1x1280xf32> to vector<1280xf32>
    %swap3A_67 = vector.shape_cast %mul3A_61 : vector<1280xf32> to vector<1x1x1280xf32>
    tpu.vector_store %arg8[%swap3A_62, %swap3A_63, %swap3A_64], %swap3A_67 {strides = array<i32>} : memref<1x1x1280xf32, #tpu.memory_space<vmem>>, vector<1x1x1280xf32>,
    %get3A_68 = arith.constant 0 : index
    %get3A_69 = arith.constant 0 : index
    %get3A_70 = arith.constant 0 : index
    %get3A_71 = vector.load %arg5[%get3A_68, %get3A_69, %get3A_70] : memref<1x1x1280xi32, #tpu.memory_space<vmem>>, vector<1x1x1280xi32>
    %get3A_72 = vector.shape_cast %get3A_71 : vector<1x1x1280xi32> to vector<1280xi32>
    %mul3A_73 = arith.constant 10240 : i32
    %mul3A_74 = vector.broadcast %mul3A_73 : i32 to vector<1280xi32>
    %mul3A_75 = arith.muli %get3A_72, %mul3A_74 : vector<1280xi32>
    %swap3A_76 = arith.constant 0 : index
    %swap3A_77 = arith.constant 0 : index
    %swap3A_78 = arith.constant 0 : index
    %swap3A_79 = vector.load %arg9[%swap3A_76, %swap3A_77, %swap3A_78] : memref<1x1x1280xi32, #tpu.memory_space<vmem>>, vector<1x1x1280xi32>
    %swap3A_80 = vector.shape_cast %swap3A_79 : vector<1x1x1280xi32> to vector<1280xi32>
    %swap3A_81 = vector.shape_cast %mul3A_75 : vector<1280xi32> to vector<1x1x1280xi32>
    tpu.vector_store %arg9[%swap3A_76, %swap3A_77, %swap3A_78], %swap3A_81 {strides = array<i32>} : memref<1x1x1280xi32, #tpu.memory_space<vmem>>, vector<1x1x1280xi32>,
    return
  }
  func.func @transform_0(%arg0: i32) -> (i32, i32) {
    %c0_i32 = arith.constant 0 : i32
    %c0_i32_0 = arith.constant 0 : i32
    return %arg0, %c0_i32 : i32, i32
  }
  func.func @transform_1(%arg0: i32) -> (i32, i32) {
    %c0_i32 = arith.constant 0 : i32
    %c0_i32_0 = arith.constant 0 : i32
    %c0_i32_1 = arith.constant 0 : i32
    return %c0_i32, %c0_i32_0 : i32, i32
  }
  func.func @transform_2(%arg0: i32) -> (i32, i32, i32, i32) {
    %c0_i32 = arith.constant 0 : i32
    %c0_i32_0 = arith.constant 0 : i32
    %c0_i32_1 = arith.constant 0 : i32
    %c0_i32_2 = arith.constant 0 : i32
    return %c0_i32, %arg0, %c0_i32_0, %c0_i32_1 : i32, i32, i32, i32
  }
  func.func @transform_3(%arg0: i32) -> (i32, i32) {
    %c0_i32 = arith.constant 0 : i32
    %c0_i32_0 = arith.constant 0 : i32
    %c0_i32_1 = arith.constant 0 : i32
    return %c0_i32, %c0_i32_0 : i32, i32
  }
  func.func @transform_4(%arg0: i32) -> (i32, i32, i32) {
    %c0_i32 = arith.constant 0 : i32
    %c0_i32_0 = arith.constant 0 : i32
    %c0_i32_1 = arith.constant 0 : i32
    return %arg0, %c0_i32, %c0_i32_0 : i32, i32, i32
  }
  func.func @transform_5(%arg0: i32) -> (i32, i32) {
    %c0_i32 = arith.constant 0 : i32
    %c0_i32_0 = arith.constant 0 : i32
    return %arg0, %c0_i32 : i32, i32
  }
  func.func @transform_6(%arg0: i32) -> (i32, i32, i32) {
    %c0_i32 = arith.constant 0 : i32
    %c0_i32_0 = arith.constant 0 : i32
    %c0_i32_1 = arith.constant 0 : i32
    return %arg0, %c0_i32, %c0_i32_0 : i32, i32, i32
  }
  func.func @transform_7(%arg0: i32) -> (i32, i32, i32) {
    %c0_i32 = arith.constant 0 : i32
    %c0_i32_0 = arith.constant 0 : i32
    %c0_i32_1 = arith.constant 0 : i32
    return %arg0, %c0_i32, %c0_i32_0 : i32, i32, i32
  }
  func.func @transform_8(%arg0: i32) -> (i32, i32, i32) {
    %c0_i32 = arith.constant 0 : i32
    %c0_i32_0 = arith.constant 0 : i32
    %c0_i32_1 = arith.constant 0 : i32
    return %arg0, %c0_i32, %c0_i32_0 : i32, i32, i32
  }
  func.func @transform_9(%arg0: i32) -> (i32, i32, i32) {
    %c0_i32 = arith.constant 0 : i32
    %c0_i32_0 = arith.constant 0 : i32
    %c0_i32_1 = arith.constant 0 : i32
    return %arg0, %c0_i32, %c0_i32_0 : i32, i32, i32
  }
}

module attributes {stable_mosaic.version = 14 : i64} {
  func.func @tc_pool(%arg0: i32, %arg1: memref<2x1280x128xf32, #tpu.memory_space<vmem>>, %arg2: memref<1280x128xf32, #tpu.memory_space<vmem>>, %arg3: memref<1x1x1280xf32, #tpu.memory_space<vmem>>, %arg4: memref<1x1x1280xf32, #tpu.memory_space<vmem>>, %arg5: memref<1x1x1280xi32, #tpu.memory_space<vmem>>, %arg6: memref<2x100x1280xf32, #tpu.memory_space<vmem>>, %arg7: memref<2x256xf32, #tpu.memory_space<vmem>>, %arg8: memref<1x128xf32, #tpu.memory_space<vmem>>, %arg9: memref<128x128xf32, #tpu.memory_space<vmem>>, %arg10: memref<1x128xf32, #tpu.memory_space<vmem>>, %arg11: memref<100x128xf32, #tpu.memory_space<vmem>>, %arg12: memref<100x128xf32, #tpu.memory_space<vmem>>) attributes {dimension_semantics = [#tpu.dimension_semantics<arbitrary>], iteration_bounds = array<i64: 8>, scalar_prefetch = 0 : i64, scratch_operands = 1 : i64, tpu.core_type = #tpu.core_type<tc>, window_params = [{transform_indices = @transform_0, window_bounds = array<i64: 2, 1280, 128>}, {transform_indices = @transform_1, window_bounds = array<i64: 1280, 128>}, {transform_indices = @transform_2, window_bounds = array<i64: 1, 1, 1280>}, {transform_indices = @transform_3, window_bounds = array<i64: 1, 1, 1280>}, {transform_indices = @transform_4, window_bounds = array<i64: 1, 1, 1280>}, {transform_indices = @transform_5, window_bounds = array<i64: 2, 100, 1280>}, {pipeline_mode = #tpu.pipeline_mode<synchronous>, transform_indices = @transform_6, window_bounds = array<i64: 2, 256>}, {pipeline_mode = #tpu.pipeline_mode<synchronous>, transform_indices = @transform_7, window_bounds = array<i64: 1, 128>}, {pipeline_mode = #tpu.pipeline_mode<synchronous>, transform_indices = @transform_8, window_bounds = array<i64: 128, 128>}, {pipeline_mode = #tpu.pipeline_mode<synchronous>, transform_indices = @transform_9, window_bounds = array<i64: 1, 128>}, {pipeline_mode = #tpu.pipeline_mode<synchronous>, transform_indices = @transform_10, window_bounds = array<i64: 100, 128>}]} {
    %get3A = arith.constant 0 : index
    %get3A_0 = arith.constant 0 : index
    %get3A_1 = arith.constant 0 : index
    %get3A_2 = vector.load %arg1[%get3A, %get3A_0, %get3A_1] : memref<2x1280x128xf32, #tpu.memory_space<vmem>>, vector<1x1280x128xf32>
    %get3A_3 = vector.shape_cast %get3A_2 : vector<1x1280x128xf32> to vector<1280x128xf32>
    %get3A_4 = arith.constant 1 : index
    %get3A_5 = arith.constant 0 : index
    %get3A_6 = arith.constant 0 : index
    %get3A_7 = vector.load %arg1[%get3A_4, %get3A_5, %get3A_6] : memref<2x1280x128xf32, #tpu.memory_space<vmem>>, vector<1x1280x128xf32>
    %get3A_8 = vector.shape_cast %get3A_7 : vector<1x1280x128xf32> to vector<1280x128xf32>
    %add3A = arith.addf %get3A_3, %get3A_8 : vector<1280x128xf32>
    %get3A_9 = arith.constant 0 : index
    %get3A_10 = arith.constant 0 : index
    %get3A_11 = vector.load %arg2[%get3A_9, %get3A_10] : memref<1280x128xf32, #tpu.memory_space<vmem>>, vector<1280x128xf32>
    %add3A_12 = arith.addf %add3A, %get3A_11 : vector<1280x128xf32>
    %get3A_13 = arith.constant 0 : index
    %get3A_14 = arith.constant 0 : index
    %get3A_15 = arith.constant 0 : index
    %get3A_16 = vector.load %arg3[%get3A_13, %get3A_14, %get3A_15] : memref<1x1x1280xf32, #tpu.memory_space<vmem>>, vector<1x1x1280xf32>
    %get3A_17 = vector.shape_cast %get3A_16 : vector<1x1x1280xf32> to vector<1280xf32>
    %broadcast_in_dim3A = vector.shape_cast %get3A_17 : vector<1280xf32> to vector<1280x1xf32>
    %mul3A = vector.broadcast %broadcast_in_dim3A : vector<1280x1xf32> to vector<1280x128xf32>
    %mul3A_18 = arith.mulf %mul3A, %add3A_12 : vector<1280x128xf32>
    %get3A_19 = arith.constant 0 : index
    %get3A_20 = arith.constant 0 : index
    %get3A_21 = vector.load %arg8[%get3A_19, %get3A_20] : memref<1x128xf32, #tpu.memory_space<vmem>>, vector<1x128xf32>
    %get3A_22 = vector.shape_cast %get3A_21 : vector<1x128xf32> to vector<128xf32>
    %broadcast_in_dim3A_23 = vector.shape_cast %get3A_22 : vector<128xf32> to vector<1x128xf32>
    %add3A_24 = vector.broadcast %broadcast_in_dim3A_23 : vector<1x128xf32> to vector<1280x128xf32>
    %add3A_25 = arith.addf %mul3A_18, %add3A_24 : vector<1280x128xf32>
    %max3A = arith.constant 0.000000e+00 : f32
    %max3A_26 = vector.broadcast %max3A : f32 to vector<1280x128xf32>
    %max3A_27 = arith.maximumf %add3A_25, %max3A_26 : vector<1280x128xf32>
    %iota3A = tpu.iota {dimensions = array<i32: 0>} : vector<100x1280xi32>
    %get3A_28 = arith.constant 0 : index
    %get3A_29 = arith.constant 0 : index
    %get3A_30 = arith.constant 0 : index
    %get3A_31 = vector.load %arg6[%get3A_28, %get3A_29, %get3A_30] : memref<2x100x1280xf32, #tpu.memory_space<vmem>>, vector<1x100x1280xf32>
    %get3A_32 = vector.shape_cast %get3A_31 : vector<1x100x1280xf32> to vector<100x1280xf32>
    %get3A_33 = arith.constant 1 : index
    %get3A_34 = arith.constant 0 : index
    %get3A_35 = arith.constant 0 : index
    %get3A_36 = vector.load %arg6[%get3A_33, %get3A_34, %get3A_35] : memref<2x100x1280xf32, #tpu.memory_space<vmem>>, vector<1x100x1280xf32>
    %get3A_37 = vector.shape_cast %get3A_36 : vector<1x100x1280xf32> to vector<100x1280xf32>
    %add3A_38 = arith.addf %get3A_32, %get3A_37 : vector<100x1280xf32>
    %get3A_39 = arith.constant 0 : index
    %get3A_40 = arith.constant 0 : index
    %get3A_41 = arith.constant 0 : index
    %get3A_42 = vector.load %arg5[%get3A_39, %get3A_40, %get3A_41] : memref<1x1x1280xi32, #tpu.memory_space<vmem>>, vector<1x1x1280xi32>
    %get3A_43 = vector.shape_cast %get3A_42 : vector<1x1x1280xi32> to vector<1280xi32>
    %broadcast_in_dim3A_44 = vector.shape_cast %get3A_43 : vector<1280xi32> to vector<1x1280xi32>
    %eq3A = vector.broadcast %broadcast_in_dim3A_44 : vector<1x1280xi32> to vector<100x1280xi32>
    %eq3A_45 = arith.cmpi eq, %eq3A, %iota3A : vector<100x1280xi32>
    %get3A_46 = arith.constant 0 : index
    %get3A_47 = arith.constant 0 : index
    %get3A_48 = arith.constant 0 : index
    %get3A_49 = vector.load %arg4[%get3A_46, %get3A_47, %get3A_48] : memref<1x1x1280xf32, #tpu.memory_space<vmem>>, vector<1x1x1280xf32>
    %get3A_50 = vector.shape_cast %get3A_49 : vector<1x1x1280xf32> to vector<1280xf32>
    %broadcast_in_dim3A_51 = vector.shape_cast %get3A_50 : vector<1280xf32> to vector<1x1280xf32>
    %jit3A = arith.constant 0.000000e+00 : f32
    %broadcast_in_dim3A_52 = vector.shape_cast %broadcast_in_dim3A_51 : vector<1x1280xf32> to vector<1x1280xf32>
    %broadcast_in_dim3A_53 = vector.broadcast %broadcast_in_dim3A_52 : vector<1x1280xf32> to vector<100x1280xf32>
    %broadcast_in_dim3A_54 = vector.broadcast %jit3A : f32 to vector<100x1280xf32>
    %select_n3A = arith.select %eq3A_45, %broadcast_in_dim3A_53, %broadcast_in_dim3A_54 : vector<100x1280xi1>, vector<100x1280xf32>
    %add3A_55 = arith.addf %add3A_38, %select_n3A : vector<100x1280xf32>
    %dot_general3A = arith.constant dense<0.000000e+00> : vector<100x128xf32>
    %dot_general3A_56 = tpu.matmul %add3A_55, %max3A_27, %dot_general3A {dimension_numbers = #tpu.dot_dimension_numbers<[1], [0], [0], [1], [0, 0, 1, 1], [], []>, transpose_lhs_hint = false} : vector<100x1280xf32>, vector<1280x128xf32>, vector<100x128xf32> -> vector<100x128xf32>
    %eq3A_57 = arith.constant 0 : i32
    %eq3A_58 = arith.cmpi eq, %arg0, %eq3A_57 : i32
    %convert_element_type3A = arith.extui %eq3A_58 : i1 to i32
    %cond3A = arith.constant 0 : i32
    %cond3A_59 = arith.cmpi ne, %convert_element_type3A, %cond3A : i32
    scf.if %cond3A_59 {
      %broadcast_in_dim3A_71 = arith.constant 0.000000e+00 : f32
      %broadcast_in_dim3A_72 = vector.broadcast %broadcast_in_dim3A_71 : f32 to vector<100x128xf32>
      %swap3A_73 = arith.constant 0 : index
      %swap3A_74 = arith.constant 0 : index
      %swap3A_75 = vector.load %arg12[%swap3A_73, %swap3A_74] : memref<100x128xf32, #tpu.memory_space<vmem>>, vector<100x128xf32>
      tpu.vector_store %arg12[%swap3A_73, %swap3A_74], %broadcast_in_dim3A_72 {strides = array<i32>} : memref<100x128xf32, #tpu.memory_space<vmem>>, vector<100x128xf32>,
    } else {
    }
    %get3A_60 = arith.constant 0 : index
    %get3A_61 = arith.constant 0 : index
    %get3A_62 = vector.load %arg12[%get3A_60, %get3A_61] : memref<100x128xf32, #tpu.memory_space<vmem>>, vector<100x128xf32>
    %add3A_63 = arith.addf %get3A_62, %dot_general3A_56 : vector<100x128xf32>
    %swap3A = arith.constant 0 : index
    %swap3A_64 = arith.constant 0 : index
    %swap3A_65 = vector.load %arg12[%swap3A, %swap3A_64] : memref<100x128xf32, #tpu.memory_space<vmem>>, vector<100x128xf32>
    tpu.vector_store %arg12[%swap3A, %swap3A_64], %add3A_63 {strides = array<i32>} : memref<100x128xf32, #tpu.memory_space<vmem>>, vector<100x128xf32>,
    %eq3A_66 = arith.constant 7 : i32
    %eq3A_67 = arith.cmpi eq, %arg0, %eq3A_66 : i32
    %convert_element_type3A_68 = arith.extui %eq3A_67 : i1 to i32
    %cond3A_69 = arith.constant 0 : i32
    %cond3A_70 = arith.cmpi ne, %convert_element_type3A_68, %cond3A_69 : i32
    scf.if %cond3A_70 {
      %get3A_71 = arith.constant 0 : index
      %get3A_72 = arith.constant 0 : index
      %get3A_73 = vector.load %arg7[%get3A_71, %get3A_72] : memref<2x256xf32, #tpu.memory_space<vmem>>, vector<1x100xf32>
      %get3A_74 = vector.shape_cast %get3A_73 : vector<1x100xf32> to vector<100xf32>
      %get3A_75 = arith.constant 1 : index
      %get3A_76 = arith.constant 0 : index
      %get3A_77 = vector.load %arg7[%get3A_75, %get3A_76] : memref<2x256xf32, #tpu.memory_space<vmem>>, vector<1x100xf32>
      %get3A_78 = vector.shape_cast %get3A_77 : vector<1x100xf32> to vector<100xf32>
      %add3A_79 = arith.addf %get3A_74, %get3A_78 : vector<100xf32>
      %gt3A = arith.constant 0.000000e+00 : f32
      %gt3A_80 = vector.broadcast %gt3A : f32 to vector<100xf32>
      %gt3A_81 = arith.cmpf ogt, %add3A_79, %gt3A_80 : vector<100xf32>
      %convert_element_type3A_82 = arith.extui %gt3A_81 : vector<100xi1> to vector<100xi32>
      %convert_element_type3A_83 = arith.sitofp %convert_element_type3A_82 : vector<100xi32> to vector<100xf32>
      %broadcast_in_dim3A_84 = vector.shape_cast %convert_element_type3A_83 : vector<100xf32> to vector<100x1xf32>
      %get3A_85 = arith.constant 0 : index
      %get3A_86 = arith.constant 0 : index
      %get3A_87 = vector.load %arg12[%get3A_85, %get3A_86] : memref<100x128xf32, #tpu.memory_space<vmem>>, vector<100x128xf32>
      %get3A_88 = arith.constant 0 : index
      %get3A_89 = arith.constant 0 : index
      %get3A_90 = vector.load %arg9[%get3A_88, %get3A_89] : memref<128x128xf32, #tpu.memory_space<vmem>>, vector<128x128xf32>
      %dot_general3A_91 = arith.constant dense<0.000000e+00> : vector<100x128xf32>
      %dot_general3A_92 = tpu.matmul %get3A_87, %get3A_90, %dot_general3A_91 {dimension_numbers = #tpu.dot_dimension_numbers<[1], [0], [0], [1], [0, 0, 1, 1], [], []>, transpose_lhs_hint = false} : vector<100x128xf32>, vector<128x128xf32>, vector<100x128xf32> -> vector<100x128xf32>
      %get3A_93 = arith.constant 0 : index
      %get3A_94 = arith.constant 0 : index
      %get3A_95 = vector.load %arg10[%get3A_93, %get3A_94] : memref<1x128xf32, #tpu.memory_space<vmem>>, vector<1x128xf32>
      %get3A_96 = vector.shape_cast %get3A_95 : vector<1x128xf32> to vector<128xf32>
      %broadcast_in_dim3A_97 = vector.shape_cast %get3A_96 : vector<128xf32> to vector<1x128xf32>
      %mul3A_98 = vector.broadcast %broadcast_in_dim3A_84 : vector<100x1xf32> to vector<100x128xf32>
      %mul3A_99 = vector.broadcast %broadcast_in_dim3A_97 : vector<1x128xf32> to vector<100x128xf32>
      %mul3A_100 = arith.mulf %mul3A_98, %mul3A_99 : vector<100x128xf32>
      %add3A_101 = arith.addf %dot_general3A_92, %mul3A_100 : vector<100x128xf32>
      %swap3A_102 = arith.constant 0 : index
      %swap3A_103 = arith.constant 0 : index
      %swap3A_104 = vector.load %arg11[%swap3A_102, %swap3A_103] : memref<100x128xf32, #tpu.memory_space<vmem>>, vector<100x128xf32>
      tpu.vector_store %arg11[%swap3A_102, %swap3A_103], %add3A_101 {strides = array<i32>} : memref<100x128xf32, #tpu.memory_space<vmem>>, vector<100x128xf32>,
    } else {
    }
    return
  }
  func.func @transform_0(%arg0: i32) -> (i32, i32, i32) {
    %c0_i32 = arith.constant 0 : i32
    %c0_i32_0 = arith.constant 0 : i32
    %c0_i32_1 = arith.constant 0 : i32
    return %c0_i32, %arg0, %c0_i32_0 : i32, i32, i32
  }
  func.func @transform_1(%arg0: i32) -> (i32, i32) {
    %c0_i32 = arith.constant 0 : i32
    %c0_i32_0 = arith.constant 0 : i32
    return %arg0, %c0_i32 : i32, i32
  }
  func.func @transform_2(%arg0: i32) -> (i32, i32, i32) {
    %c0_i32 = arith.constant 0 : i32
    %c0_i32_0 = arith.constant 0 : i32
    %c0_i32_1 = arith.constant 0 : i32
    return %arg0, %c0_i32, %c0_i32_0 : i32, i32, i32
  }
  func.func @transform_3(%arg0: i32) -> (i32, i32, i32) {
    %c0_i32 = arith.constant 0 : i32
    %c0_i32_0 = arith.constant 0 : i32
    %c0_i32_1 = arith.constant 0 : i32
    return %arg0, %c0_i32, %c0_i32_0 : i32, i32, i32
  }
  func.func @transform_4(%arg0: i32) -> (i32, i32, i32) {
    %c0_i32 = arith.constant 0 : i32
    %c0_i32_0 = arith.constant 0 : i32
    %c0_i32_1 = arith.constant 0 : i32
    return %arg0, %c0_i32, %c0_i32_0 : i32, i32, i32
  }
  func.func @transform_5(%arg0: i32) -> (i32, i32, i32) {
    %c0_i32 = arith.constant 0 : i32
    %c0_i32_0 = arith.constant 0 : i32
    %c0_i32_1 = arith.constant 0 : i32
    return %c0_i32, %c0_i32_0, %arg0 : i32, i32, i32
  }
  func.func @transform_6(%arg0: i32) -> (i32, i32) {
    %c0_i32 = arith.constant 0 : i32
    %c0_i32_0 = arith.constant 0 : i32
    %c0_i32_1 = arith.constant 0 : i32
    return %c0_i32, %c0_i32_0 : i32, i32
  }
  func.func @transform_7(%arg0: i32) -> (i32, i32) {
    %c0_i32 = arith.constant 0 : i32
    %c0_i32_0 = arith.constant 0 : i32
    %c0_i32_1 = arith.constant 0 : i32
    return %c0_i32, %c0_i32_0 : i32, i32
  }
  func.func @transform_8(%arg0: i32) -> (i32, i32) {
    %c0_i32 = arith.constant 0 : i32
    %c0_i32_0 = arith.constant 0 : i32
    %c0_i32_1 = arith.constant 0 : i32
    return %c0_i32, %c0_i32_0 : i32, i32
  }
  func.func @transform_9(%arg0: i32) -> (i32, i32) {
    %c0_i32 = arith.constant 0 : i32
    %c0_i32_0 = arith.constant 0 : i32
    %c0_i32_1 = arith.constant 0 : i32
    return %c0_i32, %c0_i32_0 : i32, i32
  }
  func.func @transform_10(%arg0: i32) -> (i32, i32) {
    %c0_i32 = arith.constant 0 : i32
    %c0_i32_0 = arith.constant 0 : i32
    %c0_i32_1 = arith.constant 0 : i32
    return %c0_i32, %c0_i32_0 : i32, i32
  }
}

</mosaic_0001>

<sc_bundles>
// kernel: sc_edge_agg.3.cloned.1.call-start
scs
__scs_entry_jumppad:
0x0: {  	(pc) =	sbr.rel $0x88, $3  }
0x1: {  	(tag) =	ssettag $0x0;
	lr =	simm.s32 $0x1  }
0x2: {  	[smem:$0x3F9A] =	sst lr;
	_ =	strace $0xD0000000  }
0x3: {  	_ = 	snop  }
0x4: {  	_ = 	snop  }
0x5: {  	_ = 	snop  }
0x6: {  	_ = 	snop  }
0x7: {  	_ = 	snop  }
__scs_overlays_trampoline_lowered:
0x8: {  	[smem:$0x3FA9] =	sst s0  }
0x9: {  	[smem:$0x3FAA] =	sst s1  }
0xa: {  	[smem:$0x3FAB] =	sst s2  }
0xb: {  	[smem:$0x3FAC] =	sst s3  }
0xc: {  	[smem:$0x3FAD] =	sst s4  }
0xd: {  	[smem:$0x3FAE] =	sst s5  }
0xe: {  	[smem:$0x3FAF] =	sst s6  }
0xf: {  	[smem:$0x3FB0] =	sst s7  }
0x10: {  	[smem:$0x3FB1] =	sst s8  }
0x11: {  	[smem:$0x3FB2] =	sst s9;
	s0 =	simm.s32 @!p0 $0x0  }
0x12: {  	s1 =	sld [smem:$0x3F98];
	s0 =	simm.s32 @p0 $0x1  }
0x13: {  	[smem:$0x3FB3] =	sst s0;
	s0 =	simm.s32 @!p1 $0x0  }
0x14: {  	s2 =	sld [smem:$0x3F97];
	s0 =	simm.s32 @p1 $0x1  }
0x15: {  	[smem:$0x3FB4] =	sst s0;
	s0 =	simm.s32 @!p2 $0x0  }
0x16: {  	s3 =	sld [smem:$0x3FDB];
	s0 =	simm.s32 @p2 $0x1  }
0x17: {  	s4 =	simm.s32 $0x1BF5;
	[smem:$0x3FB6] =	sst s0  }
0x18: {  	s0 =	sld [smem:$0x3F99];
	_ =	swait.ge [sflag:s4], $0x0  }
0x19: {  	s7 =	sld [smem:$0x3F9A]  }
0x1a: {  	s8 =	sadd.s32 $0xFFFFE003, lr  }
0x1b: {  	s9 =	sadd.s32 $0xFFFFFEF7, lr;
	s5 =	simm.s32 $0xFFFFFFFF;
	p2 =	slt.u32 s8, $0xFFFFF086  }
0x1c: {  	p1 =	slt.u32 s9, $0xF7A;
	s5 =	simm.s32 @!p2 $0x0  }
0x1d: {  	s5 =	simm.s32 @p1 $0x1;
	p0 =	seq.s32 s7, s2  }
0x1e: {  	s7 =	smul.u32 @!p0 $0xF7A, s2;
	p2 =	seq.s32 @!p0 s5, $0x0  }
0x1f: {  	s9 =	smul.u32 $0xF7A, s1;
	s8 =	simm.s32 @!p0 $0x1BF5;
	p2 =	por !p2, p0  }
0x20: {  	[sflag:s8] =	ssyncset.s32 @!p0 $0xFFFFF086;
	s6 =	sadd.s32 @!p0 s3, s7;
	s7 =	simm.s32 @!p0 $0x108  }
0x21: {  	s3 =	sadd.s32 s3, s9;
	s6 =	sadd.s32 @!p0 $0x88, s6;
	s7 =	simm.s32 @p2 $0x1082  }
0x22: {  	[simem:s7], [sflag:s8] =	dma.local @!p0 [hbm:s6], $0xF7A  }
0x23: {  	s9 =	sor.u32 $0xD0000000, s2;
	s6 =	simm.s32 $0x108;
	_ =	swait.ge @!p0 [sflag:s8], $0x0  }
0x24: {  	s3 =	sadd.s32 $0x88, s3;
	s6 =	simm.s32 @!p1 $0x1082;
	[sflag:s4] =	ssyncset.s32 $0xFFFFF086  }
0x25: {  	[simem:s6], [sflag:s4] =	dma.local [hbm:s3], $0xF7A  }
0x26: {  	[smem:$0x3F9A] =	sst s1;
	(tag) =	ssettag s2;
	_ =	strace s9  }
0x27: {  	s1 =	sld [smem:$0x3FAA]  }
0x28: {  	s2 =	sld [smem:$0x3FAB]  }
0x29: {  	s4 =	sld [smem:$0x3FAD]  }
0x2a: {  	p0 =	seq.s32 s5, $0x0;
	s5 =	sld [smem:$0x3FAE]  }
0x2b: {  	s6 =	sld [smem:$0x3FAF]  }
0x2c: {  	s7 =	sld [smem:$0x3FB0]  }
0x2d: {  	s3 =	simm.s32 $0x108;
	s8 =	sld [smem:$0x3FB1]  }
0x2e: {  	s3 =	simm.s32 @!p0 $0x1082;
	s9 =	sld [smem:$0x3FB2]  }
0x2f: {  	lr =	sadd.s32 s0, s3;
	s0 =	sld [smem:$0x3FA9]  }
0x30: {  	s3 =	sld [smem:$0x3FAC]  }
0x31: {  	[smem:$0x3FB5] =	sst s10  }
0x32: {  	s10 =	sld [smem:$0x3FB3];
	_ =	sdelay $0x3  }
0x33: {  	p0 =	seq.s32 s10, $0x1;
	s10 =	sld [smem:$0x3FB5];
	_ =	sdelay $0x3  }
0x34: {  	[smem:$0x3FB5] =	sst s10  }
0x35: {  	s10 =	sld [smem:$0x3FB4];
	_ =	sdelay $0x3  }
0x36: {  	p1 =	seq.s32 s10, $0x1;
	s10 =	sld [smem:$0x3FB5];
	_ =	sdelay $0x3  }
0x37: {  	[smem:$0x3FB5] =	sst s10  }
0x38: {  	s10 =	sld [smem:$0x3FB6]  }
0x39: {  	_ = 	snop;
	(pc) =	sbr.ind lr, $3  }
0x3a: {  	_ = 	snop  }
0x3b: {  	_ = 	snop  }
0x3c: {  	p2 =	seq.s32 s10, $0x1;
	s10 =	sld [smem:$0x3FB5]  }
0x3d: {  	_ =	shalt  }
0x3e: {  	_ =	shalt  }
0x3f: {  	_ =	shalt  }
0x40: {  	_ =	shalt  }
0x41: {  	_ =	shalt  }
0x42: {  	_ =	shalt  }
0x43: {  	_ =	shalt  }
0x44: {  	_ =	shalt  }
0x45: {  	_ =	shalt  }
0x46: {  	_ =	shalt  }
0x47: {  	_ =	shalt  }
0x48: {  	_ =	shalt  }
0x49: {  	_ =	shalt  }
0x4a: {  	_ =	shalt  }
0x4b: {  	_ =	shalt  }
0x4c: {  	_ =	shalt  }
0x4d: {  	_ =	shalt  }
0x4e: {  	_ =	shalt  }
0x4f: {  	_ =	shalt  }
0x50: {  	_ =	shalt  }
0x51: {  	_ =	shalt  }
0x52: {  	_ =	shalt  }
0x53: {  	_ =	shalt  }
0x54: {  	_ =	shalt  }
0x55: {  	_ =	shalt  }
0x56: {  	_ =	shalt  }
0x57: {  	_ =	shalt  }
0x58: {  	_ =	shalt  }
0x59: {  	_ =	shalt  }
0x5a: {  	_ =	shalt  }
0x5b: {  	_ =	shalt  }
0x5c: {  	_ =	shalt  }
0x5d: {  	_ =	shalt  }
0x5e: {  	_ =	shalt  }
0x5f: {  	_ =	shalt  }
0x60: {  	_ =	shalt  }
0x61: {  	_ =	shalt  }
0x62: {  	_ =	shalt  }
0x63: {  	_ =	shalt  }
0x64: {  	_ =	shalt  }
0x65: {  	_ =	shalt  }
0x66: {  	_ =	shalt  }
0x67: {  	_ =	shalt  }
0x68: {  	_ =	shalt  }
0x69: {  	_ =	shalt  }
0x6a: {  	_ =	shalt  }
0x6b: {  	_ =	shalt  }
0x6c: {  	_ =	shalt  }
0x6d: {  	_ =	shalt  }
0x6e: {  	_ =	shalt  }
0x6f: {  	_ =	shalt  }
0x70: {  	_ =	shalt  }
0x71: {  	_ =	shalt  }
0x72: {  	_ =	shalt  }
0x73: {  	_ =	shalt  }
0x74: {  	_ =	shalt  }
0x75: {  	_ =	shalt  }
0x76: {  	_ =	shalt  }
0x77: {  	_ =	shalt  }
0x78: {  	_ =	shalt  }
0x79: {  	_ =	shalt  }
0x7a: {  	_ =	shalt  }
0x7b: {  	_ =	shalt  }
0x7c: {  	_ =	shalt  }
0x7d: {  	_ =	shalt  }
0x7e: {  	_ =	shalt  }
0x7f: {  	_ =	shalt  }
0x80: {  	_ =	shalt  }
0x81: {  	_ =	shalt  }
0x82: {  	_ =	shalt  }
0x83: {  	_ =	shalt  }
0x84: {  	_ =	shalt  }
0x85: {  	_ =	shalt  }
0x86: {  	_ =	shalt  }
0x87: {  	_ =	shalt  }
.Lfunc_end0:
.L_simem_size_0:
called_computation.1_lowered:
.L_overlay_start_0:
0x88: {  	s2 =	sld [smem:$0x3FD9]  }
0x89: {  	s3 =	sld [smem:$0x3FFE];
	_ =	sdelay $0x1  }
0x8a: {  	s1 =	srdreg.scid  }
0x8b: {  	s0 =	sand.u32 $0x1, s1  }
0x8c: {  	s17 =	sshll.u32 s0, $0xA;
	s2 =	sadd.s32 s3, s2  }
0x8d: {  	s2 =	sadd.s32 s2, s17  }
0x8e: {  	[smem:$0x3FC1] =	sst s2  }
0x8f: {  	_ = 	snop  }
0x90: {  	(tm) =	ssettm $0x1  }
0x91: {  	s18 =	sld [smem:$0x3FFB];
	_ =	sdelay $0x3  }
0x92: {  	_ =	strace s18  }
0x93: {  	s2 =	sld [smem:$0x3FFC];
	_ =	sdelay $0x3  }
0x94: {  	_ =	strace s2  }
0x95: {  	s2 =	sld [smem:$0x3FFD];
	_ =	sdelay $0x3  }
0x96: {  	_ =	strace s2  }
0x97: {  	_ =	strace $0x8FFFFFFF  }
0x98: {  	s19 =	sld [smem:$0x3FDB];
	_ =	sdelay $0x1  }
0x99: {  	s20 =	simm.s32 $_scs_section_size  }
0x9a: {  	s4 =	simm.s32 $_size__tile_overlayer_lowered;
	s5 =	simm.s32 $_tile_overlayer_lowered  }
0x9b: {  	s6 =	simm.s32 $0x1BFF;
	s21 =	sshll.u32 s5, $0x1;
	s3 =	sadd.s32 s20, s19  }
0x9c: {  	s22 =	simm.s32 $0x0;
	s4 =	sshll.u32 s4, $0x1;
	s5 =	sadd.s32 s21, s3  }
0x9d: {  	[timem:s22], [sflag:s6] =	dma.local [hbm:s5], s4  }
0x9e: {  	_ =	swait.ge [sflag:s6], s4  }
0x9f: {  	s4 =	ssub.s32 $0x0, s4;
	[sflag:s6] =	ssyncset.done $0x0  }
0xa0: {  	[sflag:s6] =	ssyncadd.s32 s4;
	_ =	sdelay $0x1  }
0xa1: {  	s23 =	simm.s32 $0x1B8B  }
0xa2: {  	_ =	swait.ge [sflag:s23], $0x1  }
0xa3: {  	[sflag:s23] =	ssyncset.done $0x0  }
0xa4: {  	[sflag:s23] =	ssyncadd.s32 $0xFFFFFFFF  }
0xa5: {  	s4 =	sld [smem:$0x0]  }
0xa6: {  	s5 =	sand.u32 $0xFFFFFFFE, s1  }
0xa7: {  	p0 =	sne.s32 s1, s5  }
0xa8: {  	s5 =	sshll.u32 @p0 s5, $0xE  }
0xa9: {  	s5 =	sadd.s32 @p0 $0x11B8D, s5;
	s6 =	sshll.u32 @p0 s4, $0x11  }
0xaa: {  	s5 =	sor.u32 @p0 s6, s5  }
0xab: {  	[sflag:s5] =	ssyncadd.remote.s32 @p0 $0x1;
	_ =	sdelay $0x1  }
0xac: {  	s5 =	simm.s32 @p0 $0x1B8D  }
0xad: {  	_ =	swait.eq @p0 [sflag:s5], $0x1  }
0xae: {  	[sflag:s5] =	ssyncadd.s32 @p0 $0xFFFFFFFF  }
0xaf: {  	s6 =	sshll.u32 @!p0 s1, $0xE  }
0xb0: {  	s6 =	sor.u32 @!p0 $0x4000, s6;
	s5 =	simm.s32 @!p0 $0x1B8D  }
0xb1: {  	s4 =	sshll.u32 @!p0 s4, $0x11;
	s6 =	sadd.s32 @!p0 $0x11B8D, s6;
	_ =	swait.eq @!p0 [sflag:s5], $0x1  }
0xb2: {  	s4 =	sor.u32 @!p0 s4, s6;
	[sflag:s5] =	ssyncadd.s32 @!p0 $0xFFFFFFFF  }
0xb3: {  	s25 =	simm.s32 $0x1B8E;
	s24 =	sld [smem:$0x3FFE];
	[sflag:s4] =	ssyncadd.remote.s32 @!p0 $0x1  }
0xb4: {  	s26 =	simm.s32 $execute0_lowered;
	[smem:$0x3FD2] =	sst s25  }
0xb5: {  	s5 =	sshll.u32 s26, $0x1;
	_ =	strace $0x8000004C;
	[dreg:$0x1] =	wrdreg $0xFFFFFFFF  }
0xb6: {  	s28 =	simm.s32 $_size_execute0_lowered;
	s3 =	sadd.s32 s3, s5;
	[dreg:$0x0] =	wrdreg $0x0  }
0xb7: {  	s5 =	sshll.u32 s28, $0x1;
	[dreg:$0x2] =	wrdreg s3  }
0xb8: {  	[dreg:$0x3] =	wrdreg s5  }
0xb9: {  	[dreg:$0x4] =	wrdreg $0xC0  }
0xba: {  	_ =	task [dreg:s22], $0x5FFFF  }
0xbb: {  	[dreg:$0x1] =	wrdreg $0xFFFFFFFF  }
0xbc: {  	[dreg:$0x0] =	wrdreg $0x60  }
0xbd: {  	[dreg:$0x2] =	wrdreg s24  }
0xbe: {  	[dreg:$0x3] =	wrdreg $0x0  }
0xbf: {  	[dreg:$0x4] =	wrdreg $0x9  }
0xc0: {  	_ =	task.clear_ibuf [dreg:s22], $0x5FFFF;
	_ =	strace $0x9000004C  }
0xc1: {  	s29 =	simm.s32 $0x9;
	_ =	strace $0x8000004E  }
0xc2: {  	_ =	swait.ge [sflag:s29], $0x1  }
0xc3: {  	[sflag:s29] =	ssyncadd.s32 $0xFFFFFFFF  }
0xc4: {  	_ =	strace $0x9000004E  }
0xc5: {  	_ =	sfence  }
0xc6: {  	s30 =	sld [smem:$0x0];
	_ =	sdelay $0x2  }
0xc7: {  	s31 =	sshll.u32 s1, $0xD;
	s1 =	sshrl.u32 s1, $0x2  }
0xc8: {  	s4 =	sand.u32 $0x4000, s31;
	s1 =	sadd.s32 s1, s30  }
0xc9: {  	s0 =	sor.u32 s4, s0;
	s1 =	sshll.u32 s1, $0x11  }
0xca: {  	s0 =	sor.u32 s1, s0  }
0xcb: {  	s0 =	sadd.s32 $0x8F2B, s0  }
0xcc: {  	[sflag:s0] =	ssyncadd.remote.s32 $0x1  }
0xcd: {  	_ =	sfence.sel $0xFFFF  }
0xce: {  	[dreg:$0x0] =	wrdreg $0xFFFFFFFF;
	(pc) =	sbr.abs _section_cstart, $3  }
0xcf: {  	[dreg:$0x1] =	wrdreg $0xFFFFFFFF  }
0xd0: {  	_ =	task.clear_ibuf [dreg:s22], $0x2FFFF;
	_ =	strace $0x9FFFFFFF  }
0xd1: {  	(tm) =	ssettm $0x7FFFFFFF  }
tec
execute0_lowered:
.L_overlay_start_1:
0x0: {  	(tag) =	ssettag $0x1  }
0x1: {  	s0 =	rddreg [dreg:$0x0]  }
0x2: {  	s1 =	rddreg [dreg:$0x1]  }
0x3: {  	s2 =	srdreg.scid;
	s3 =	simm.s32 $0x0;
	s13 =	stileid.u32  }
0x4: {  	s28 =	simm.s32 $0x3;
	s29 =	simm.s32 $0x14000;
	s30 =	simm.s32 $0x16000  }
0x5: {  	s31 =	simm.s32 $0x50;
	s2 =	sand.u32 $0x1, s2;
	s5 =	sadd.s32 $0x24A00, s0  }
0x6: {  	s7 =	smul.u32 $0x14000, s13;
	s8 =	sadd.s32 $0x14A00, s0;
	s9 =	sadd.s32 $0x9BC00, s0  }
0x7: {  	s12 =	sshll.u32 s13, $0xB;
	[smem:$0x7FF] =	sst s3;
	s4 =	ssub.s32 $0x2, s2  }
0x8: {  	s11 =	sshll.u32 s2, $0xF;
	s2 =	smul.u32 $0x140000, s2;
	s6 =	sshrl.u32 s4, $0x1  }
0x9: {  	s10 =	sadd.s32 $0x5000, s7;
	s20 =	sadd.s32 $0x7800, s7;
	s21 =	sadd.s32 $0xA000, s7  }
0xa: {  	s22 =	sadd.s32 $0xC800, s7;
	s23 =	sadd.s32 $0xF000, s7;
	s11 =	sor.u32 s12, s11  }
0xb: {  	s24 =	sadd.s32 $0x11800, s7;
	s4 =	ssub.s32 s4, s6;
	s6 =	sor.u32 $0x2800, s7  }
0xc: {  	s12 =	sor.u32 $0x400, s11;
	s14 =	sadd.s32 s5, s11;
	s11 =	sadd.s32 s8, s11  }
0xd: {  	s19 =	sadd.s32 s7, s2;
	s26 =	sadd.s32 s2, s10;
	s15 =	sadd.s32 s2, s21  }
0xe: {  	s16 =	sadd.s32 s2, s22;
	s21 =	sadd.s32 s21, s1;
	[dreg:$0x3] =	wrdreg s14  }
0xf: {  	s22 =	sadd.s32 s22, s1;
	[dreg:$0x4] =	wrdreg s11;
	s5 =	sadd.s32 s5, s12  }
0x10: {  	s18 =	sadd.s32 s8, s12;
	s25 =	sadd.s32 s2, s6;
	s12 =	sshrl.u32 s26, $0x3  }
0x11: {  	s14 =	sadd.s32 s2, s20;
	s20 =	sadd.s32 s20, s1;
	[dreg:$0x5] =	wrdreg s5  }
0x12: {  	s8 =	simm.s32 $0x0;
	[dreg:$0x6] =	wrdreg s18;
	s5 =	sshrl.u32 s19, $0x3  }
0x13: {  	s7 =	sshrl.u32 s25, $0x3;
	s18 =	sshrl.u32 s16, $0x3;
	s19 =	sadd.s32 s2, s23  }
0x14: {  	s2 =	sadd.s32 s2, s24;
	s25 =	smul.u32 $0x50000, s13;
	s16 =	sadd.s32 $0x34A00, s0  }
0x15: {  	s23 =	sadd.s32 s23, s1;
	s24 =	sadd.s32 s24, s1;
	s5 =	sadd.s32 s9, s5  }
0x16: {  	s0 =	simm.s32 $0x1A800;
	s11 =	sadd.s32 s9, s7;
	[dreg:$0x7] =	wrdreg s5  }
0x17: {  	s7 =	sshrl.u32 s15, $0x3;
	s2 =	sshrl.u32 s2, $0x3;
	[dreg:$0x8] =	wrdreg s11  }
0x18: {  	s5 =	sadd.s32 s9, s12;
	s17 =	sadd.s32 s9, s7;
	s15 =	sadd.s32 s9, s2  }
0x19: {  	s26 =	sshrl.u32 s25, $0x2;
	s25 =	smax.u32 s4, $0x1;
	s2 =	simm.s32 $0x1  }
0x1a: {  	s4 =	simm.s32 $0x2;
	[dreg:$0x9] =	wrdreg s5;
	s5 =	sshrl.u32 s14, $0x3  }
0x1b: {  	s7 =	simm.s32 $0x17F80;
	[dreg:$0xb] =	wrdreg s17;
	s5 =	sadd.s32 s9, s5  }
0x1c: {  	s17 =	sadd.s32 s26, s1;
	s26 =	simm.s32 $0x18000;
	[dreg:$0xa] =	wrdreg s5  }
0x1d: {  	s5 =	sadd.s32 s9, s18;
	s18 =	sadd.s32 s6, s1;
	s6 =	simm.s32 $0x17F00  }
0x1e: {  	[dreg:$0xc] =	wrdreg s5;
	s5 =	sshrl.u32 s19, $0x3;
	s19 =	sadd.s32 s10, s1  }
0x1f: {  	v0 =	vimm.f32 $0.0e+00;
	s14 =	sadd.s32 s9, s5;
	_ =	strace $0x8000004D;
	s5 =	simm.s32 $0x15F80  }
.LBB2_1:
0x20: {  	s9 =	simm.s32 $0x0;
	s10 =	simm.s32 $0x200  }
.LBB2_2:
0x21: {  	p0 =	sne.s32 s10, $0x9E00;
	[tilespmem:s9+$0x18070] =	vst v0  }
0x22: {  	[tilespmem:s9+$0x18000] =	vst v0  }
0x23: {  	[tilespmem:s9+$0x18010] =	vst v0  }
.Ltmp0:
0x24: {  	[tilespmem:s9+$0x18020] =	vst v0;
	(pc) =	sbr.rel @p0 .LBB2_2-.Ltmp0, $4  }
0x25: {  	[tilespmem:s9+$0x18030] =	vst v0  }
0x26: {  	[tilespmem:s9+$0x18040] =	vst v0  }
0x27: {  	[tilespmem:s9+$0x18050] =	vst v0  }
0x28: {  	[tilespmem:s9+$0x18060] =	vst v0;
	s9 =	sshra.s32 s10, $0x2;
	s10 =	sadd.s32 $0x200, s10  }
0x29: {  	[tilespmem:s9+$0x18070] =	vst v0  }
0x2a: {  	[tilespmem:s9+$0x18000] =	vst v0  }
0x2b: {  	[tilespmem:s9+$0x18010] =	vst v0  }
0x2c: {  	[tilespmem:s9+$0x18020] =	vst v0  }
0x2d: {  	[tilespmem:s9+$0x18030] =	vst v0  }
0x2e: {  	[tilespmem:s9+$0x18040] =	vst v0  }
0x2f: {  	[tilespmem:s9+$0x18050] =	vst v0  }
0x30: {  	[tilespmem:s9+$0x18060] =	vst v0  }
0x31: {  	[spmem:s17] =	stream.linear.scatter [tilespmem:s26], [sflag:$0x3], $0x2800, $0x38;
	[tilespmem:$0x1D000] =	vst v63  }
0x32: {  	_ =	swait.ge [sflag:s28], $0x2800  }
0x33: {  	[sflag:s28] =	ssyncset.done $0x0  }
0x34: {  	[sflag:s28] =	ssyncadd.s32 $0xFFFFD800  }
0x35: {  	[spmem:s18] =	stream.linear.scatter [tilespmem:s26], [sflag:$0x3], $0x2800, $0x38;
	[tilespmem:$0x1D000] =	vst v63  }
0x36: {  	_ =	swait.ge [sflag:s28], $0x2800  }
0x37: {  	[sflag:s28] =	ssyncset.done $0x0  }
0x38: {  	[sflag:s28] =	ssyncadd.s32 $0xFFFFD800  }
0x39: {  	[spmem:s19] =	stream.linear.scatter [tilespmem:s26], [sflag:$0x3], $0x2800, $0x38;
	[tilespmem:$0x1D000] =	vst v63  }
0x3a: {  	_ =	swait.ge [sflag:s28], $0x2800  }
0x3b: {  	[sflag:s28] =	ssyncset.done $0x0  }
0x3c: {  	[sflag:s28] =	ssyncadd.s32 $0xFFFFD800  }
0x3d: {  	[spmem:s20] =	stream.linear.scatter [tilespmem:s26], [sflag:$0x3], $0x2800, $0x38;
	[tilespmem:$0x1D000] =	vst v63  }
0x3e: {  	_ =	swait.ge [sflag:s28], $0x2800  }
0x3f: {  	[sflag:s28] =	ssyncset.done $0x0  }
0x40: {  	[sflag:s28] =	ssyncadd.s32 $0xFFFFD800  }
0x41: {  	[spmem:s21] =	stream.linear.scatter [tilespmem:s26], [sflag:$0x3], $0x2800, $0x38;
	[tilespmem:$0x1D000] =	vst v63  }
0x42: {  	_ =	swait.ge [sflag:s28], $0x2800  }
0x43: {  	[sflag:s28] =	ssyncset.done $0x0  }
0x44: {  	[sflag:s28] =	ssyncadd.s32 $0xFFFFD800  }
0x45: {  	[spmem:s22] =	stream.linear.scatter [tilespmem:s26], [sflag:$0x3], $0x2800, $0x38;
	[tilespmem:$0x1D000] =	vst v63  }
0x46: {  	_ =	swait.ge [sflag:s28], $0x2800  }
0x47: {  	[sflag:s28] =	ssyncset.done $0x0  }
0x48: {  	[sflag:s28] =	ssyncadd.s32 $0xFFFFD800  }
0x49: {  	[spmem:s23] =	stream.linear.scatter [tilespmem:s26], [sflag:$0x3], $0x2800, $0x38;
	[tilespmem:$0x1D000] =	vst v63  }
0x4a: {  	_ =	swait.ge [sflag:s28], $0x2800  }
0x4b: {  	[sflag:s28] =	ssyncset.done $0x0  }
0x4c: {  	[sflag:s28] =	ssyncadd.s32 $0xFFFFD800  }
0x4d: {  	[spmem:s24] =	stream.linear.scatter [tilespmem:s26], [sflag:$0x3], $0x2800, $0x38;
	[tilespmem:$0x1D000] =	vst v63  }
0x4e: {  	_ =	swait.ge [sflag:s28], $0x2800  }
0x4f: {  	[sflag:s28] =	ssyncset.done $0x0  }
0x50: {  	s12 =	simm.s32 $0x0;
	s10 =	rddreg [dreg:$0x3];
	[sflag:s28] =	ssyncadd.s32 $0xFFFFD800  }
0x51: {  	[tilespmem:s29], [sflag:$0x3] =	stream.linear.gather [hbm4b:s10+s12], $0x2000, $0x38;
	[tilespmem:$0x1D000] =	vst v63  }
0x52: {  	_ =	swait.ge [sflag:s28], $0x2000  }
0x53: {  	[sflag:s28] =	ssyncset.done $0x0  }
0x54: {  	s13 =	rddreg [dreg:$0x4];
	[sflag:s28] =	ssyncadd.s32 $0xFFFFE000  }
0x55: {  	[tilespmem:s30], [sflag:$0x3] =	stream.linear.gather [hbm4b:s13+s12], $0x2000, $0x38;
	[tilespmem:$0x1D000] =	vst v63  }
0x56: {  	_ =	swait.ge [sflag:s28], $0x2000  }
0x57: {  	[sflag:s28] =	ssyncset.done $0x0  }
0x58: {  	[sflag:s28] =	ssyncadd.s32 $0xFFFFE000  }
0x59: {  	[bflag:$0x0] =	sbarrier.arrive $0xFFFF  }
0x5a: {  	[tilespmem:s26], [sflag:$0x1] =	stream.indirect.gather [hbm4b:s16+s31], $0x80, s29, s31, $0xb8;
	[tilespmem:$0x1D000] =	vst v63  }
0x5b: {  	s10 =	simm.s32 $0x14080  }
0x5c: {  	[tilespmem:s0], [sflag:$0x2] =	stream.indirect.gather [hbm4b:s16+s31], $0x80, s10, s31, $0xb8;
	[tilespmem:$0x1D000] =	vst v63  }
0x5d: {  	_ =	swait.ge [sflag:s2], $0x2800  }
0x5e: {  	[sflag:s2] =	ssyncset.done $0x0  }
0x5f: {  	s11 =	simm.s32 $0x16000;
	[sflag:s2] =	ssyncadd.s32 $0xFFFFD800  }
0x60: {  	[spmem:s1] =	stream.indirect.scatter.add.f32 [tilespmem:s26], [sflag:$0x3], $0x80, s11, s31, $0xb8;
	[tilespmem:$0x1D000] =	vst v63  }
0x61: {  	_ =	swait.ge [sflag:s28], $0x2800  }
0x62: {  	[sflag:s28] =	ssyncset.done $0x0  }
0x63: {  	s12 =	simm.s32 $0x14100;
	[sflag:s28] =	ssyncadd.s32 $0xFFFFD800  }
0x64: {  	[tilespmem:s26], [sflag:$0x1] =	stream.indirect.gather [hbm4b:s16+s31], $0x80, s12, s31, $0xb8;
	[tilespmem:$0x1D000] =	vst v63  }
0x65: {  	_ =	swait.ge [sflag:s4], $0x2800  }
0x66: {  	[sflag:s4] =	ssyncset.done $0x0  }
0x67: {  	s13 =	simm.s32 $0x16080;
	[sflag:s4] =	ssyncadd.s32 $0xFFFFD800  }
0x68: {  	[spmem:s1] =	stream.indirect.scatter.add.f32 [tilespmem:s0], [sflag:$0x3], $0x80, s13, s31, $0xb8;
	[tilespmem:$0x1D000] =	vst v63  }
0x69: {  	_ =	swait.ge [sflag:s28], $0x2800  }
0x6a: {  	s9 =	simm.s32 $0x100;
	s10 =	simm.s32 $0x800;
	[sflag:s28] =	ssyncset.done $0x0  }
.LBB2_4:
0x6b: {  	s11 =	sadd.s32 $0x14080, s9  }
0x6c: {  	[sflag:s28] =	ssyncadd.s32 $0xFFFFD800;
	s12 =	smov.u32 s10;
	s13 =	sadd.s32 $0x400, s10  }
0x6d: {  	[tilespmem:s0], [sflag:$0x2] =	stream.indirect.gather [hbm4b:s16+s31], $0x80, s11, s31, $0xb8;
	[tilespmem:$0x1D000] =	vst v63  }
0x6e: {  	p0 =	sne.s32 s10, $0x7800;
	_ =	swait.ge [sflag:s2], $0x2800  }
0x6f: {  	[sflag:s2] =	ssyncset.done $0x0  }
0x70: {  	s10 =	sadd.s32 $0x16000, s9;
	[sflag:s2] =	ssyncadd.s32 $0xFFFFD800  }
0x71: {  	[spmem:s1] =	stream.indirect.scatter.add.f32 [tilespmem:s26], [sflag:$0x3], $0x80, s10, s31, $0xb8;
	[tilespmem:$0x1D000] =	vst v63  }
0x72: {  	_ =	swait.ge [sflag:s28], $0x2800  }
0x73: {  	[sflag:s28] =	ssyncset.done $0x0  }
0x74: {  	s10 =	sadd.s32 $0x14100, s9;
	[sflag:s28] =	ssyncadd.s32 $0xFFFFD800  }
0x75: {  	[tilespmem:s26], [sflag:$0x1] =	stream.indirect.gather [hbm4b:s16+s31], $0x80, s10, s31, $0xb8;
	[tilespmem:$0x1D000] =	vst v63  }
0x76: {  	_ =	swait.ge [sflag:s4], $0x2800  }
.Ltmp1:
0x77: {  	[sflag:s4] =	ssyncset.done $0x0;
	(pc) =	sbr.rel @p0 .LBB2_4-.Ltmp1, $4  }
0x78: {  	s9 =	sadd.s32 $0x16080, s9;
	[sflag:s4] =	ssyncadd.s32 $0xFFFFD800  }
0x79: {  	[spmem:s1] =	stream.indirect.scatter.add.f32 [tilespmem:s0], [sflag:$0x3], $0x80, s9, s31, $0xb8;
	[tilespmem:$0x1D000] =	vst v63  }
0x7a: {  	_ =	swait.ge [sflag:s28], $0x2800  }
0x7b: {  	s10 =	smov.u32 s13;
	s9 =	sshra.s32 s12, $0x2;
	[sflag:s28] =	ssyncset.done $0x0  }
0x7c: {  	s10 =	sadd.s32 $0x14080, s9;
	[sflag:s28] =	ssyncadd.s32 $0xFFFFD800  }
0x7d: {  	[tilespmem:s0], [sflag:$0x2] =	stream.indirect.gather [hbm4b:s16+s31], $0x80, s10, s31, $0xb8;
	[tilespmem:$0x1D000] =	vst v63  }
0x7e: {  	_ =	swait.ge [sflag:s2], $0x2800  }
0x7f: {  	[sflag:s2] =	ssyncset.done $0x0  }
0x80: {  	s12 =	sadd.s32 $0x16000, s9;
	[sflag:s2] =	ssyncadd.s32 $0xFFFFD800  }
0x81: {  	[spmem:s1] =	stream.indirect.scatter.add.f32 [tilespmem:s26], [sflag:$0x3], $0x80, s12, s31, $0xb8;
	[tilespmem:$0x1D000] =	vst v63  }
0x82: {  	_ =	swait.ge [sflag:s28], $0x2800  }
0x83: {  	[sflag:s28] =	ssyncset.done $0x0  }
0x84: {  	s13 =	sadd.s32 $0x14100, s9;
	[sflag:s28] =	ssyncadd.s32 $0xFFFFD800  }
0x85: {  	[tilespmem:s26], [sflag:$0x1] =	stream.indirect.gather [hbm4b:s16+s31], $0x80, s13, s31, $0xb8;
	[tilespmem:$0x1D000] =	vst v63  }
0x86: {  	_ =	swait.ge [sflag:s4], $0x2800  }
0x87: {  	[sflag:s4] =	ssyncset.done $0x0  }
0x88: {  	s10 =	sadd.s32 $0x16080, s9;
	[sflag:s4] =	ssyncadd.s32 $0xFFFFD800  }
0x89: {  	[spmem:s1] =	stream.indirect.scatter.add.f32 [tilespmem:s0], [sflag:$0x3], $0x80, s10, s31, $0xb8;
	[tilespmem:$0x1D000] =	vst v63  }
0x8a: {  	_ =	swait.ge [sflag:s28], $0x2800  }
0x8b: {  	[sflag:s28] =	ssyncset.done $0x0  }
0x8c: {  	[sflag:s28] =	ssyncadd.s32 $0xFFFFD800  }
0x8d: {  	[tilespmem:s0], [sflag:$0x2] =	stream.indirect.gather [hbm4b:s16+s31], $0x80, s5, s31, $0xb8;
	[tilespmem:$0x1D000] =	vst v63  }
0x8e: {  	_ =	swait.ge [sflag:s2], $0x2800  }
0x8f: {  	[sflag:s2] =	ssyncset.done $0x0  }
0x90: {  	[sflag:s2] =	ssyncadd.s32 $0xFFFFD800  }
0x91: {  	[spmem:s1] =	stream.indirect.scatter.add.f32 [tilespmem:s26], [sflag:$0x3], $0x80, s6, s31, $0xb8;
	[tilespmem:$0x1D000] =	vst v63  }
0x92: {  	_ =	swait.ge [sflag:s28], $0x2800  }
0x93: {  	[sflag:s28] =	ssyncset.done $0x0  }
0x94: {  	[sflag:s28] =	ssyncadd.s32 $0xFFFFD800  }
0x95: {  	_ =	swait.ge [sflag:s4], $0x2800  }
0x96: {  	[sflag:s4] =	ssyncset.done $0x0  }
0x97: {  	[sflag:s4] =	ssyncadd.s32 $0xFFFFD800  }
0x98: {  	[spmem:s1] =	stream.indirect.scatter.add.f32 [tilespmem:s0], [sflag:$0x3], $0x80, s7, s31, $0xb8;
	[tilespmem:$0x1D000] =	vst v63  }
0x99: {  	_ =	swait.ge [sflag:s28], $0x2800  }
0x9a: {  	[sflag:s28] =	ssyncset.done $0x0  }
0x9b: {  	s11 =	simm.s32 $0x0;
	s12 =	rddreg [dreg:$0x5];
	[sflag:s28] =	ssyncadd.s32 $0xFFFFD800  }
0x9c: {  	[tilespmem:s29], [sflag:$0x3] =	stream.linear.gather [hbm4b:s12+s11], $0x2000, $0x38;
	[tilespmem:$0x1D000] =	vst v63  }
0x9d: {  	_ =	swait.ge [sflag:s28], $0x2000  }
0x9e: {  	[sflag:s28] =	ssyncset.done $0x0  }
0x9f: {  	s13 =	rddreg [dreg:$0x6];
	[sflag:s28] =	ssyncadd.s32 $0xFFFFE000  }
0xa0: {  	[tilespmem:s30], [sflag:$0x3] =	stream.linear.gather [hbm4b:s13+s11], $0x2000, $0x38;
	[tilespmem:$0x1D000] =	vst v63  }
0xa1: {  	_ =	swait.ge [sflag:s28], $0x2000  }
0xa2: {  	[sflag:s28] =	ssyncset.done $0x0  }
0xa3: {  	[sflag:s28] =	ssyncadd.s32 $0xFFFFE000  }
0xa4: {  	[tilespmem:s26], [sflag:$0x1] =	stream.indirect.gather [hbm4b:s16+s31], $0x80, s29, s31, $0xb8;
	[tilespmem:$0x1D000] =	vst v63  }
0xa5: {  	s10 =	simm.s32 $0x14080  }
0xa6: {  	[tilespmem:s0], [sflag:$0x2] =	stream.indirect.gather [hbm4b:s16+s31], $0x80, s10, s31, $0xb8;
	[tilespmem:$0x1D000] =	vst v63  }
0xa7: {  	_ =	swait.ge [sflag:s2], $0x2800  }
0xa8: {  	[sflag:s2] =	ssyncset.done $0x0  }
0xa9: {  	s11 =	simm.s32 $0x16000;
	[sflag:s2] =	ssyncadd.s32 $0xFFFFD800  }
0xaa: {  	[spmem:s1] =	stream.indirect.scatter.add.f32 [tilespmem:s26], [sflag:$0x3], $0x80, s11, s31, $0xb8;
	[tilespmem:$0x1D000] =	vst v63  }
0xab: {  	_ =	swait.ge [sflag:s28], $0x2800  }
0xac: {  	[sflag:s28] =	ssyncset.done $0x0  }
0xad: {  	s12 =	simm.s32 $0x14100;
	[sflag:s28] =	ssyncadd.s32 $0xFFFFD800  }
0xae: {  	[tilespmem:s26], [sflag:$0x1] =	stream.indirect.gather [hbm4b:s16+s31], $0x80, s12, s31, $0xb8;
	[tilespmem:$0x1D000] =	vst v63  }
0xaf: {  	_ =	swait.ge [sflag:s4], $0x2800  }
0xb0: {  	[sflag:s4] =	ssyncset.done $0x0  }
0xb1: {  	s13 =	simm.s32 $0x16080;
	[sflag:s4] =	ssyncadd.s32 $0xFFFFD800  }
0xb2: {  	[spmem:s1] =	stream.indirect.scatter.add.f32 [tilespmem:s0], [sflag:$0x3], $0x80, s13, s31, $0xb8;
	[tilespmem:$0x1D000] =	vst v63  }
0xb3: {  	_ =	swait.ge [sflag:s28], $0x2800  }
0xb4: {  	s9 =	simm.s32 $0x100;
	s10 =	simm.s32 $0x800;
	[sflag:s28] =	ssyncset.done $0x0  }
.LBB2_6:
0xb5: {  	s11 =	sadd.s32 $0x14080, s9  }
0xb6: {  	[sflag:s28] =	ssyncadd.s32 $0xFFFFD800;
	s12 =	smov.u32 s10;
	s13 =	sadd.s32 $0x400, s10  }
0xb7: {  	[tilespmem:s0], [sflag:$0x2] =	stream.indirect.gather [hbm4b:s16+s31], $0x80, s11, s31, $0xb8;
	[tilespmem:$0x1D000] =	vst v63  }
0xb8: {  	p0 =	sne.s32 s10, $0x7800;
	_ =	swait.ge [sflag:s2], $0x2800  }
0xb9: {  	[sflag:s2] =	ssyncset.done $0x0  }
0xba: {  	s10 =	sadd.s32 $0x16000, s9;
	[sflag:s2] =	ssyncadd.s32 $0xFFFFD800  }
0xbb: {  	[spmem:s1] =	stream.indirect.scatter.add.f32 [tilespmem:s26], [sflag:$0x3], $0x80, s10, s31, $0xb8;
	[tilespmem:$0x1D000] =	vst v63  }
0xbc: {  	_ =	swait.ge [sflag:s28], $0x2800  }
0xbd: {  	[sflag:s28] =	ssyncset.done $0x0  }
0xbe: {  	s10 =	sadd.s32 $0x14100, s9;
	[sflag:s28] =	ssyncadd.s32 $0xFFFFD800  }
0xbf: {  	[tilespmem:s26], [sflag:$0x1] =	stream.indirect.gather [hbm4b:s16+s31], $0x80, s10, s31, $0xb8;
	[tilespmem:$0x1D000] =	vst v63  }
0xc0: {  	_ =	swait.ge [sflag:s4], $0x2800  }
.Ltmp2:
0xc1: {  	[sflag:s4] =	ssyncset.done $0x0;
	(pc) =	sbr.rel @p0 .LBB2_6-.Ltmp2, $4  }
0xc2: {  	s9 =	sadd.s32 $0x16080, s9;
	[sflag:s4] =	ssyncadd.s32 $0xFFFFD800  }
0xc3: {  	[spmem:s1] =	stream.indirect.scatter.add.f32 [tilespmem:s0], [sflag:$0x3], $0x80, s9, s31, $0xb8;
	[tilespmem:$0x1D000] =	vst v63  }
0xc4: {  	_ =	swait.ge [sflag:s28], $0x2800  }
0xc5: {  	s10 =	smov.u32 s13;
	s9 =	sshra.s32 s12, $0x2;
	[sflag:s28] =	ssyncset.done $0x0  }
0xc6: {  	s10 =	sadd.s32 $0x14080, s9;
	[sflag:s28] =	ssyncadd.s32 $0xFFFFD800  }
0xc7: {  	[tilespmem:s0], [sflag:$0x2] =	stream.indirect.gather [hbm4b:s16+s31], $0x80, s10, s31, $0xb8;
	[tilespmem:$0x1D000] =	vst v63  }
0xc8: {  	_ =	swait.ge [sflag:s2], $0x2800  }
0xc9: {  	[sflag:s2] =	ssyncset.done $0x0  }
0xca: {  	s12 =	sadd.s32 $0x16000, s9;
	[sflag:s2] =	ssyncadd.s32 $0xFFFFD800  }
0xcb: {  	[spmem:s1] =	stream.indirect.scatter.add.f32 [tilespmem:s26], [sflag:$0x3], $0x80, s12, s31, $0xb8;
	[tilespmem:$0x1D000] =	vst v63  }
0xcc: {  	_ =	swait.ge [sflag:s28], $0x2800  }
0xcd: {  	[sflag:s28] =	ssyncset.done $0x0  }
0xce: {  	s13 =	sadd.s32 $0x14100, s9;
	[sflag:s28] =	ssyncadd.s32 $0xFFFFD800  }
0xcf: {  	[tilespmem:s26], [sflag:$0x1] =	stream.indirect.gather [hbm4b:s16+s31], $0x80, s13, s31, $0xb8;
	[tilespmem:$0x1D000] =	vst v63  }
0xd0: {  	_ =	swait.ge [sflag:s4], $0x2800  }
0xd1: {  	[sflag:s4] =	ssyncset.done $0x0  }
0xd2: {  	s11 =	sadd.s32 $0x16080, s9;
	[sflag:s4] =	ssyncadd.s32 $0xFFFFD800  }
0xd3: {  	[spmem:s1] =	stream.indirect.scatter.add.f32 [tilespmem:s0], [sflag:$0x3], $0x80, s11, s31, $0xb8;
	[tilespmem:$0x1D000] =	vst v63  }
0xd4: {  	_ =	swait.ge [sflag:s28], $0x2800  }
0xd5: {  	[sflag:s28] =	ssyncset.done $0x0  }
0xd6: {  	[sflag:s28] =	ssyncadd.s32 $0xFFFFD800  }
0xd7: {  	[tilespmem:s0], [sflag:$0x2] =	stream.indirect.gather [hbm4b:s16+s31], $0x80, s5, s31, $0xb8;
	[tilespmem:$0x1D000] =	vst v63  }
0xd8: {  	_ =	swait.ge [sflag:s2], $0x2800  }
0xd9: {  	[sflag:s2] =	ssyncset.done $0x0  }
0xda: {  	[sflag:s2] =	ssyncadd.s32 $0xFFFFD800  }
0xdb: {  	[spmem:s1] =	stream.indirect.scatter.add.f32 [tilespmem:s26], [sflag:$0x3], $0x80, s6, s31, $0xb8;
	[tilespmem:$0x1D000] =	vst v63  }
0xdc: {  	_ =	swait.ge [sflag:s28], $0x2800  }
0xdd: {  	[sflag:s28] =	ssyncset.done $0x0  }
0xde: {  	[sflag:s28] =	ssyncadd.s32 $0xFFFFD800  }
0xdf: {  	_ =	swait.ge [sflag:s4], $0x2800  }
0xe0: {  	[sflag:s4] =	ssyncset.done $0x0  }
0xe1: {  	[sflag:s4] =	ssyncadd.s32 $0xFFFFD800  }
0xe2: {  	[spmem:s1] =	stream.indirect.scatter.add.f32 [tilespmem:s0], [sflag:$0x3], $0x80, s7, s31, $0xb8;
	[tilespmem:$0x1D000] =	vst v63  }
0xe3: {  	_ =	swait.ge [sflag:s28], $0x2800  }
0xe4: {  	[sflag:s28] =	ssyncset.done $0x0  }
0xe5: {  	[sflag:s28] =	ssyncadd.s32 $0xFFFFD800  }
0xe6: {  	[bflag:$0x0] =	sbarrier.arrive $0xFFFF  }
0xe7: {  	[tilespmem:s26], [sflag:$0x3] =	stream.linear.gather [spmem:s17], $0x2800, $0x38;
	[tilespmem:$0x1D000] =	vst v63  }
0xe8: {  	_ =	swait.ge [sflag:s28], $0x2800  }
0xe9: {  	[sflag:s28] =	ssyncset.done $0x0  }
0xea: {  	s12 =	rddreg [dreg:$0x7];
	[sflag:s28] =	ssyncadd.s32 $0xFFFFD800  }
0xeb: {  	[hbm4b:s12+s3] =	stream.linear.scatter [tilespmem:s26], [sflag:$0x3], $0x2800, $0x38;
	[tilespmem:$0x1D000] =	vst v63  }
0xec: {  	_ =	swait.ge [sflag:s28], $0x2800  }
0xed: {  	[sflag:s28] =	ssyncset.done $0x0  }
0xee: {  	[sflag:s28] =	ssyncadd.s32 $0xFFFFD800  }
0xef: {  	[tilespmem:s26], [sflag:$0x3] =	stream.linear.gather [spmem:s18], $0x2800, $0x38;
	[tilespmem:$0x1D000] =	vst v63  }
0xf0: {  	_ =	swait.ge [sflag:s28], $0x2800  }
0xf1: {  	[sflag:s28] =	ssyncset.done $0x0  }
0xf2: {  	s13 =	rddreg [dreg:$0x8];
	[sflag:s28] =	ssyncadd.s32 $0xFFFFD800  }
0xf3: {  	[hbm4b:s13+s3] =	stream.linear.scatter [tilespmem:s26], [sflag:$0x3], $0x2800, $0x38;
	[tilespmem:$0x1D000] =	vst v63  }
0xf4: {  	_ =	swait.ge [sflag:s28], $0x2800  }
0xf5: {  	[sflag:s28] =	ssyncset.done $0x0  }
0xf6: {  	[sflag:s28] =	ssyncadd.s32 $0xFFFFD800  }
0xf7: {  	[tilespmem:s26], [sflag:$0x3] =	stream.linear.gather [spmem:s19], $0x2800, $0x38;
	[tilespmem:$0x1D000] =	vst v63  }
0xf8: {  	_ =	swait.ge [sflag:s28], $0x2800  }
0xf9: {  	[sflag:s28] =	ssyncset.done $0x0  }
0xfa: {  	s10 =	rddreg [dreg:$0x9];
	[sflag:s28] =	ssyncadd.s32 $0xFFFFD800  }
0xfb: {  	[hbm4b:s10+s3] =	stream.linear.scatter [tilespmem:s26], [sflag:$0x3], $0x2800, $0x38;
	[tilespmem:$0x1D000] =	vst v63  }
0xfc: {  	_ =	swait.ge [sflag:s28], $0x2800  }
0xfd: {  	[sflag:s28] =	ssyncset.done $0x0  }
0xfe: {  	[sflag:s28] =	ssyncadd.s32 $0xFFFFD800  }
0xff: {  	[tilespmem:s26], [sflag:$0x3] =	stream.linear.gather [spmem:s20], $0x2800, $0x38;
	[tilespmem:$0x1D000] =	vst v63  }
0x100: {  	_ =	swait.ge [sflag:s28], $0x2800  }
0x101: {  	[sflag:s28] =	ssyncset.done $0x0  }
0x102: {  	s11 =	rddreg [dreg:$0xa];
	[sflag:s28] =	ssyncadd.s32 $0xFFFFD800  }
0x103: {  	[hbm4b:s11+s3] =	stream.linear.scatter [tilespmem:s26], [sflag:$0x3], $0x2800, $0x38;
	[tilespmem:$0x1D000] =	vst v63  }
0x104: {  	_ =	swait.ge [sflag:s28], $0x2800  }
0x105: {  	[sflag:s28] =	ssyncset.done $0x0  }
0x106: {  	[sflag:s28] =	ssyncadd.s32 $0xFFFFD800  }
0x107: {  	[tilespmem:s26], [sflag:$0x3] =	stream.linear.gather [spmem:s21], $0x2800, $0x38;
	[tilespmem:$0x1D000] =	vst v63  }
0x108: {  	_ =	swait.ge [sflag:s28], $0x2800  }
0x109: {  	[sflag:s28] =	ssyncset.done $0x0  }
0x10a: {  	s12 =	rddreg [dreg:$0xb];
	[sflag:s28] =	ssyncadd.s32 $0xFFFFD800  }
0x10b: {  	[hbm4b:s12+s3] =	stream.linear.scatter [tilespmem:s26], [sflag:$0x3], $0x2800, $0x38;
	[tilespmem:$0x1D000] =	vst v63  }
0x10c: {  	_ =	swait.ge [sflag:s28], $0x2800  }
0x10d: {  	[sflag:s28] =	ssyncset.done $0x0  }
0x10e: {  	[sflag:s28] =	ssyncadd.s32 $0xFFFFD800  }
0x10f: {  	[tilespmem:s26], [sflag:$0x3] =	stream.linear.gather [spmem:s22], $0x2800, $0x38;
	[tilespmem:$0x1D000] =	vst v63  }
0x110: {  	_ =	swait.ge [sflag:s28], $0x2800  }
0x111: {  	[sflag:s28] =	ssyncset.done $0x0  }
0x112: {  	s13 =	rddreg [dreg:$0xc];
	[sflag:s28] =	ssyncadd.s32 $0xFFFFD800  }
0x113: {  	[hbm4b:s13+s3] =	stream.linear.scatter [tilespmem:s26], [sflag:$0x3], $0x2800, $0x38;
	[tilespmem:$0x1D000] =	vst v63  }
0x114: {  	_ =	swait.ge [sflag:s28], $0x2800  }
0x115: {  	[sflag:s28] =	ssyncset.done $0x0  }
0x116: {  	[sflag:s28] =	ssyncadd.s32 $0xFFFFD800  }
0x117: {  	[tilespmem:s26], [sflag:$0x3] =	stream.linear.gather [spmem:s23], $0x2800, $0x38;
	[tilespmem:$0x1D000] =	vst v63  }
0x118: {  	_ =	swait.ge [sflag:s28], $0x2800  }
0x119: {  	[sflag:s28] =	ssyncset.done $0x0  }
0x11a: {  	[sflag:s28] =	ssyncadd.s32 $0xFFFFD800  }
0x11b: {  	[hbm4b:s14+s3] =	stream.linear.scatter [tilespmem:s26], [sflag:$0x3], $0x2800, $0x38;
	[tilespmem:$0x1D000] =	vst v63  }
0x11c: {  	_ =	swait.ge [sflag:s28], $0x2800  }
0x11d: {  	[sflag:s28] =	ssyncset.done $0x0  }
0x11e: {  	[sflag:s28] =	ssyncadd.s32 $0xFFFFD800  }
0x11f: {  	[tilespmem:s26], [sflag:$0x3] =	stream.linear.gather [spmem:s24], $0x2800, $0x38;
	[tilespmem:$0x1D000] =	vst v63  }
0x120: {  	s8 =	sadd.s32 $0x1, s8;
	_ =	swait.ge [sflag:s28], $0x2800  }
0x121: {  	p0 =	sne.s32 s8, s25;
	[sflag:s28] =	ssyncset.done $0x0  }
.Ltmp3:
0x122: {  	[sflag:s28] =	ssyncadd.s32 $0xFFFFD800;
	(pc) =	sbr.rel @p0 .LBB2_1-.Ltmp3, $4  }
0x123: {  	[hbm4b:s15+s3] =	stream.linear.scatter [tilespmem:s26], [sflag:$0x3], $0x2800, $0x38;
	[tilespmem:$0x1D000] =	vst v63  }
0x124: {  	_ =	swait.ge [sflag:s28], $0x2800  }
0x125: {  	[sflag:s28] =	ssyncset.done $0x0  }
0x126: {  	[sflag:s28] =	ssyncadd.s32 $0xFFFFD800  }
0x127: {  	_ =	sfence.sel $0x180000  }
0x128: {  	[bflag:$0x0] =	sbarrier.arrive $0xFFFF  }
0x129: {  	_ =	strace $0x9000004D  }
0x12a: {  	s0 =	stileid.u32;
	[bflag:$0x2] =	sbarrier.arrive $0xFFFF  }
0x12b: {  	p0 =	sne.s32 s0, $0x0;
	s0 =	rddreg [dreg:$0x2]  }
0x12c: {  	s0 =	sadd.s32 @!p0 $0x100000, s0  }
0x12d: {  	[sflag:s0] =	ssyncadd.tile.s32 @!p0 $0x1;
	_ =	shalt  }
.Lfunc_end2:
_tile_overlayer_lowered:
.L_overlay_start_2:
0x12e: {  	(tag) =	ssettag $0x2  }
0x12f: {  	s0 =	rddreg [dreg:$0x0];
	s2 =	stileid.u32  }
0x130: {  	s1 =	rddreg [dreg:$0x1];
	p0 =	sne.s32 s2, $0x0  }
0x131: {  	s3 =	rddreg [dreg:$0x2];
	[bflag:$0x3] =	sbarrier.arrive $0xFFFF;
	s2 =	simm.s32 @!p0 $0x1C03  }
0x132: {  	[timem:s3], [sflag:s2] =	dma.local @!p0 [hbm:s0], s1  }
0x133: {  	s0 =	simm.s32 @!p0 $0x3  }
0x134: {  	_ =	swait.ge @!p0 [sflag:s0], s1  }
0x135: {  	s1 =	ssub.s32 @!p0 $0x0, s1;
	[sflag:s0] =	ssyncset.done @!p0 $0x0  }
0x136: {  	[sflag:s0] =	ssyncadd.s32 @!p0 s1  }
0x137: {  	[bflag:$0x3] =	sbarrier.arrive $0xFFFF  }
0x138: {  	_ =	shalt  }

// kernel: sc_hist.3.cloned.1.call-start
scs
__scs_entry_jumppad:
0x0: {  	(pc) =	sbr.rel $0x88, $3  }
0x1: {  	(tag) =	ssettag $0x0;
	lr =	simm.s32 $0x1  }
0x2: {  	[smem:$0x3F9A] =	sst lr;
	_ =	strace $0xD0000000  }
0x3: {  	_ = 	snop  }
0x4: {  	_ = 	snop  }
0x5: {  	_ = 	snop  }
0x6: {  	_ = 	snop  }
0x7: {  	_ = 	snop  }
__scs_overlays_trampoline_lowered:
0x8: {  	[smem:$0x3FA9] =	sst s0  }
0x9: {  	[smem:$0x3FAA] =	sst s1  }
0xa: {  	[smem:$0x3FAB] =	sst s2  }
0xb: {  	[smem:$0x3FAC] =	sst s3  }
0xc: {  	[smem:$0x3FAD] =	sst s4  }
0xd: {  	[smem:$0x3FAE] =	sst s5  }
0xe: {  	[smem:$0x3FAF] =	sst s6  }
0xf: {  	[smem:$0x3FB0] =	sst s7  }
0x10: {  	[smem:$0x3FB1] =	sst s8  }
0x11: {  	[smem:$0x3FB2] =	sst s9;
	s0 =	simm.s32 @!p0 $0x0  }
0x12: {  	s1 =	sld [smem:$0x3F98];
	s0 =	simm.s32 @p0 $0x1  }
0x13: {  	[smem:$0x3FB3] =	sst s0;
	s0 =	simm.s32 @!p1 $0x0  }
0x14: {  	s2 =	sld [smem:$0x3F97];
	s0 =	simm.s32 @p1 $0x1  }
0x15: {  	[smem:$0x3FB4] =	sst s0;
	s0 =	simm.s32 @!p2 $0x0  }
0x16: {  	s3 =	sld [smem:$0x3FDB];
	s0 =	simm.s32 @p2 $0x1  }
0x17: {  	s4 =	simm.s32 $0x1BF5;
	[smem:$0x3FB6] =	sst s0  }
0x18: {  	s0 =	sld [smem:$0x3F99];
	_ =	swait.ge [sflag:s4], $0x0  }
0x19: {  	s7 =	sld [smem:$0x3F9A]  }
0x1a: {  	s8 =	sadd.s32 $0xFFFFE003, lr  }
0x1b: {  	s9 =	sadd.s32 $0xFFFFFEF7, lr;
	s5 =	simm.s32 $0xFFFFFFFF;
	p2 =	slt.u32 s8, $0xFFFFF086  }
0x1c: {  	p1 =	slt.u32 s9, $0xF7A;
	s5 =	simm.s32 @!p2 $0x0  }
0x1d: {  	s5 =	simm.s32 @p1 $0x1;
	p0 =	seq.s32 s7, s2  }
0x1e: {  	s7 =	smul.u32 @!p0 $0xF7A, s2;
	p2 =	seq.s32 @!p0 s5, $0x0  }
0x1f: {  	s9 =	smul.u32 $0xF7A, s1;
	s8 =	simm.s32 @!p0 $0x1BF5;
	p2 =	por !p2, p0  }
0x20: {  	[sflag:s8] =	ssyncset.s32 @!p0 $0xFFFFF086;
	s6 =	sadd.s32 @!p0 s3, s7;
	s7 =	simm.s32 @!p0 $0x108  }
0x21: {  	s3 =	sadd.s32 s3, s9;
	s6 =	sadd.s32 @!p0 $0x88, s6;
	s7 =	simm.s32 @p2 $0x1082  }
0x22: {  	[simem:s7], [sflag:s8] =	dma.local @!p0 [hbm:s6], $0xF7A  }
0x23: {  	s9 =	sor.u32 $0xD0000000, s2;
	s6 =	simm.s32 $0x108;
	_ =	swait.ge @!p0 [sflag:s8], $0x0  }
0x24: {  	s3 =	sadd.s32 $0x88, s3;
	s6 =	simm.s32 @!p1 $0x1082;
	[sflag:s4] =	ssyncset.s32 $0xFFFFF086  }
0x25: {  	[simem:s6], [sflag:s4] =	dma.local [hbm:s3], $0xF7A  }
0x26: {  	[smem:$0x3F9A] =	sst s1;
	(tag) =	ssettag s2;
	_ =	strace s9  }
0x27: {  	s1 =	sld [smem:$0x3FAA]  }
0x28: {  	s2 =	sld [smem:$0x3FAB]  }
0x29: {  	s4 =	sld [smem:$0x3FAD]  }
0x2a: {  	p0 =	seq.s32 s5, $0x0;
	s5 =	sld [smem:$0x3FAE]  }
0x2b: {  	s6 =	sld [smem:$0x3FAF]  }
0x2c: {  	s7 =	sld [smem:$0x3FB0]  }
0x2d: {  	s3 =	simm.s32 $0x108;
	s8 =	sld [smem:$0x3FB1]  }
0x2e: {  	s3 =	simm.s32 @!p0 $0x1082;
	s9 =	sld [smem:$0x3FB2]  }
0x2f: {  	lr =	sadd.s32 s0, s3;
	s0 =	sld [smem:$0x3FA9]  }
0x30: {  	s3 =	sld [smem:$0x3FAC]  }
0x31: {  	[smem:$0x3FB5] =	sst s10  }
0x32: {  	s10 =	sld [smem:$0x3FB3];
	_ =	sdelay $0x3  }
0x33: {  	p0 =	seq.s32 s10, $0x1;
	s10 =	sld [smem:$0x3FB5];
	_ =	sdelay $0x3  }
0x34: {  	[smem:$0x3FB5] =	sst s10  }
0x35: {  	s10 =	sld [smem:$0x3FB4];
	_ =	sdelay $0x3  }
0x36: {  	p1 =	seq.s32 s10, $0x1;
	s10 =	sld [smem:$0x3FB5];
	_ =	sdelay $0x3  }
0x37: {  	[smem:$0x3FB5] =	sst s10  }
0x38: {  	s10 =	sld [smem:$0x3FB6]  }
0x39: {  	_ = 	snop;
	(pc) =	sbr.ind lr, $3  }
0x3a: {  	_ = 	snop  }
0x3b: {  	_ = 	snop  }
0x3c: {  	p2 =	seq.s32 s10, $0x1;
	s10 =	sld [smem:$0x3FB5]  }
0x3d: {  	_ =	shalt  }
0x3e: {  	_ =	shalt  }
0x3f: {  	_ =	shalt  }
0x40: {  	_ =	shalt  }
0x41: {  	_ =	shalt  }
0x42: {  	_ =	shalt  }
0x43: {  	_ =	shalt  }
0x44: {  	_ =	shalt  }
0x45: {  	_ =	shalt  }
0x46: {  	_ =	shalt  }
0x47: {  	_ =	shalt  }
0x48: {  	_ =	shalt  }
0x49: {  	_ =	shalt  }
0x4a: {  	_ =	shalt  }
0x4b: {  	_ =	shalt  }
0x4c: {  	_ =	shalt  }
0x4d: {  	_ =	shalt  }
0x4e: {  	_ =	shalt  }
0x4f: {  	_ =	shalt  }
0x50: {  	_ =	shalt  }
0x51: {  	_ =	shalt  }
0x52: {  	_ =	shalt  }
0x53: {  	_ =	shalt  }
0x54: {  	_ =	shalt  }
0x55: {  	_ =	shalt  }
0x56: {  	_ =	shalt  }
0x57: {  	_ =	shalt  }
0x58: {  	_ =	shalt  }
0x59: {  	_ =	shalt  }
0x5a: {  	_ =	shalt  }
0x5b: {  	_ =	shalt  }
0x5c: {  	_ =	shalt  }
0x5d: {  	_ =	shalt  }
0x5e: {  	_ =	shalt  }
0x5f: {  	_ =	shalt  }
0x60: {  	_ =	shalt  }
0x61: {  	_ =	shalt  }
0x62: {  	_ =	shalt  }
0x63: {  	_ =	shalt  }
0x64: {  	_ =	shalt  }
0x65: {  	_ =	shalt  }
0x66: {  	_ =	shalt  }
0x67: {  	_ =	shalt  }
0x68: {  	_ =	shalt  }
0x69: {  	_ =	shalt  }
0x6a: {  	_ =	shalt  }
0x6b: {  	_ =	shalt  }
0x6c: {  	_ =	shalt  }
0x6d: {  	_ =	shalt  }
0x6e: {  	_ =	shalt  }
0x6f: {  	_ =	shalt  }
0x70: {  	_ =	shalt  }
0x71: {  	_ =	shalt  }
0x72: {  	_ =	shalt  }
0x73: {  	_ =	shalt  }
0x74: {  	_ =	shalt  }
0x75: {  	_ =	shalt  }
0x76: {  	_ =	shalt  }
0x77: {  	_ =	shalt  }
0x78: {  	_ =	shalt  }
0x79: {  	_ =	shalt  }
0x7a: {  	_ =	shalt  }
0x7b: {  	_ =	shalt  }
0x7c: {  	_ =	shalt  }
0x7d: {  	_ =	shalt  }
0x7e: {  	_ =	shalt  }
0x7f: {  	_ =	shalt  }
0x80: {  	_ =	shalt  }
0x81: {  	_ =	shalt  }
0x82: {  	_ =	shalt  }
0x83: {  	_ =	shalt  }
0x84: {  	_ =	shalt  }
0x85: {  	_ =	shalt  }
0x86: {  	_ =	shalt  }
0x87: {  	_ =	shalt  }
.Lfunc_end0:
.L_simem_size_0:
called_computation_lowered:
.L_overlay_start_0:
0x88: {  	s2 =	sld [smem:$0x3FD9]  }
0x89: {  	s3 =	sld [smem:$0x3FFE];
	_ =	sdelay $0x1  }
0x8a: {  	s1 =	srdreg.scid  }
0x8b: {  	s0 =	sand.u32 $0x1, s1  }
0x8c: {  	s17 =	sshll.u32 s0, $0xA;
	s2 =	sadd.s32 s3, s2  }
0x8d: {  	s2 =	sadd.s32 s2, s17  }
0x8e: {  	[smem:$0x3FC1] =	sst s2  }
0x8f: {  	_ = 	snop  }
0x90: {  	s2 =	sld [smem:$0x3FD0];
	(tm) =	ssettm $0x1  }
0x91: {  	s18 =	sld [smem:$0x3FFB];
	_ =	sdelay $0x3  }
0x92: {  	_ =	strace s18  }
0x93: {  	s3 =	sld [smem:$0x3FFC];
	_ =	sdelay $0x3  }
0x94: {  	_ =	strace s3  }
0x95: {  	s3 =	sld [smem:$0x3FFD];
	_ =	sdelay $0x3  }
0x96: {  	_ =	strace s3  }
0x97: {  	_ =	strace $0x8FFFFFFF  }
0x98: {  	s19 =	sld [smem:$0x3FDB];
	_ =	sdelay $0x1  }
0x99: {  	s4 =	simm.s32 $_scs_section_size  }
0x9a: {  	s5 =	simm.s32 $_size__tile_overlayer_lowered;
	s6 =	simm.s32 $_tile_overlayer_lowered  }
0x9b: {  	s22 =	simm.s32 $0x1BFF;
	s21 =	sshll.u32 s6, $0x1;
	s3 =	sadd.s32 s4, s19  }
0x9c: {  	s7 =	simm.s32 $0x0;
	s20 =	sshll.u32 s5, $0x1;
	s5 =	sadd.s32 s21, s3  }
0x9d: {  	[timem:s7], [sflag:s22] =	dma.local [hbm:s5], s20  }
0x9e: {  	_ =	swait.ge [sflag:s22], s20  }
0x9f: {  	s4 =	ssub.s32 $0x0, s20;
	[sflag:s22] =	ssyncset.done $0x0  }
0xa0: {  	[sflag:s22] =	ssyncadd.s32 s4;
	_ =	sdelay $0x1  }
0xa1: {  	s23 =	simm.s32 $0x1B8B  }
0xa2: {  	_ =	swait.ge [sflag:s23], $0x1  }
0xa3: {  	[sflag:s23] =	ssyncset.done $0x0  }
0xa4: {  	s25 =	simm.s32 $0x1B8E;
	s24 =	sld [smem:$0x3FFE];
	[sflag:s23] =	ssyncadd.s32 $0xFFFFFFFF  }
0xa5: {  	s26 =	simm.s32 $execute0_lowered;
	[smem:$0x3FD2] =	sst s25  }
0xa6: {  	s5 =	sshll.u32 s26, $0x1;
	_ =	strace $0x80000046;
	[dreg:$0x1] =	wrdreg $0xFFFFFFFF  }
0xa7: {  	s28 =	simm.s32 $_size_execute0_lowered;
	s3 =	sadd.s32 s3, s5;
	[dreg:$0x0] =	wrdreg $0x0  }
0xa8: {  	s5 =	sshll.u32 s28, $0x1;
	[dreg:$0x2] =	wrdreg s3  }
0xa9: {  	[dreg:$0x3] =	wrdreg s5  }
0xaa: {  	[dreg:$0x4] =	wrdreg $0xC0  }
0xab: {  	_ =	task [dreg:s7], $0x5FFFF  }
0xac: {  	[dreg:$0x1] =	wrdreg $0xFFFFFFFF  }
0xad: {  	[dreg:$0x0] =	wrdreg $0x60  }
0xae: {  	[dreg:$0x2] =	wrdreg s24  }
0xaf: {  	[dreg:$0x3] =	wrdreg s2  }
0xb0: {  	[dreg:$0x4] =	wrdreg $0x0  }
0xb1: {  	[dreg:$0x5] =	wrdreg $0x2800  }
0xb2: {  	[dreg:$0x6] =	wrdreg $0x9  }
0xb3: {  	_ =	task.clear_ibuf [dreg:s7], $0x7FFFF;
	_ =	strace $0x90000046  }
0xb4: {  	s29 =	simm.s32 $0x9;
	_ =	strace $0x80000048  }
0xb5: {  	_ =	swait.ge [sflag:s29], $0x1  }
0xb6: {  	[sflag:s29] =	ssyncadd.s32 $0xFFFFFFFF  }
0xb7: {  	_ =	strace $0x90000048  }
0xb8: {  	_ =	sfence  }
0xb9: {  	s30 =	sld [smem:$0x0];
	_ =	sdelay $0x2  }
0xba: {  	s31 =	sshll.u32 s1, $0xD;
	s1 =	sshrl.u32 s1, $0x2  }
0xbb: {  	s3 =	sand.u32 $0x4000, s31;
	s1 =	sadd.s32 s1, s30  }
0xbc: {  	s0 =	sor.u32 s3, s0;
	s1 =	sshll.u32 s1, $0x11  }
0xbd: {  	s0 =	sor.u32 s1, s0  }
0xbe: {  	s0 =	sadd.s32 $0x8F2B, s0  }
0xbf: {  	[sflag:s0] =	ssyncadd.remote.s32 $0x1  }
0xc0: {  	_ =	sfence.sel $0xFFFF  }
0xc1: {  	[dreg:$0x0] =	wrdreg $0xFFFFFFFF;
	(pc) =	sbr.abs _section_cstart, $3  }
0xc2: {  	[dreg:$0x1] =	wrdreg $0xFFFFFFFF  }
0xc3: {  	_ =	task.clear_ibuf [dreg:s7], $0x2FFFF;
	_ =	strace $0x9FFFFFFF  }
0xc4: {  	(tm) =	ssettm $0x7FFFFFFF  }
0xc5: {  	_ =	shalt  }
tec
execute0_lowered:
.L_overlay_start_1:
0x0: {  	(tag) =	ssettag $0x1  }
0x1: {  	s6 =	rddreg [dreg:$0x0]  }
0x2: {  	s1 =	rddreg [dreg:$0x1]  }
0x3: {  	s2 =	rddreg [dreg:$0x2]  }
0x4: {  	s3 =	rddreg [dreg:$0x3];
	s4 =	srdreg.scid  }
0x5: {  	s0 =	rddreg [dreg:$0x4];
	s12 =	stileid.u32  }
0x6: {  	s16 =	simm.s32 $0x4290;
	s17 =	simm.s32 $0x50;
	s18 =	simm.s32 $0x4490  }
0x7: {  	s19 =	simm.s32 $0x4310;
	s20 =	simm.s32 $0x4390;
	s21 =	simm.s32 $0x4410  }
0x8: {  	s22 =	simm.s32 $0x1;
	s23 =	simm.s32 $0x20;
	s24 =	simm.s32 $0x10  }
0x9: {  	s25 =	simm.s32 $0x0;
	s7 =	sand.u32 $0x1, s4;
	s9 =	smul.u32 $0x500, s12  }
0xa: {  	s4 =	simm.s32 $0x0;
	s13 =	smul.u32 $0xA00, s12;
	s31 =	sshll.u32 s12, $0x6  }
0xb: {  	p0 =	sne.s32 s12, $0x0;
	s8 =	sshll.u32 s7, $0x4;
	[smem:$0x7FF] =	sst s4  }
0xc: {  	s11 =	sshll.u32 s7, $0x7;
	s7 =	ssub.s32 $0x2, s7;
	s5 =	sor.u32 s12, s8  }
0xd: {  	_ =	strace $0x80000047;
	s9 =	sor.u32 s11, s9;
	s14 =	sadd.s32 s8, s6  }
0xe: {  	s28 =	sshrl.u32 s7, $0x1;
	s29 =	sshrl.u32 s13, $0x2;
	s13 =	simm.s32 $0x2  }
0xf: {  	s10 =	sshll.u32 s5, $0xB;
	s5 =	sshll.u32 s5, $0x6;
	s9 =	sshrl.u32 s9, $0x3  }
0x10: {  	s30 =	ssub.s32 s7, s28;
	s15 =	sadd.s32 s29, s2;
	s10 =	sadd.s32 s10, s6  }
0x11: {  	s26 =	sadd.s32 s5, s6;
	s5 =	sadd.s32 $0x13C00, s6;
	s9 =	sadd.s32 s9, s6  }
0x12: {  	s6 =	sor.u32 $0x1C02, s31;
	s11 =	smax.u32 s30, $0x1;
	s12 =	sshrl.u32 s15, $0x3  }
0x13: {  	s15 =	simm.s32 $0x290;
	s7 =	sadd.s32 $0x3C00, s10;
	s8 =	sadd.s32 $0x3400, s26  }
0x14: {  	v0 =	vimm.f32 $1.000000000e+00;
	s9 =	sadd.s32 $0x13E00, s9;
	s10 =	sadd.s32 $0x14800, s14;
	s14 =	sshrl.u32 @!p0 s3, $0x3  }
.LBB2_1:
0x15: {  	[spmem:s12], [sflag:s6] =	dma.local [hbm:s1], $0x50  }
0x16: {  	_ =	swait.ge [sflag:s13], $0x50  }
0x17: {  	[sflag:s13] =	ssyncset.done $0x0  }
0x18: {  	s26 =	simm.s32 @!p0 $0x2;
	[sflag:s13] =	ssyncadd.s32 $0xFFFFFFB0  }
0x19: {  	[spmem:s14], [sflag:s6] =	dma.local @!p0 [hbm:s5], $0x20  }
0x1a: {  	_ =	swait.ge @!p0 [sflag:s26], $0x20  }
0x1b: {  	[sflag:s26] =	ssyncset.done @!p0 $0x0  }
0x1c: {  	[sflag:s26] =	ssyncadd.s32 @!p0 $0xFFFFFFE0  }
0x1d: {  	[tilespmem:s15], [sflag:$0x2] =	stream.linear.gather [hbm4b:s7+s4], $0x3E80, $0x38;
	[tilespmem:$0x4510] =	vst v63  }
0x1e: {  	_ =	swait.ge [sflag:s13], $0x3E80  }
0x1f: {  	[sflag:s13] =	ssyncset.done $0x0  }
0x20: {  	[sflag:s13] =	ssyncadd.s32 $0xFFFFC180  }
0x21: {  	[tilespmem:s16], [sflag:$0x2] =	stream.linear.gather [hbm4b:s8+s4], $0x200, $0x38;
	[tilespmem:$0x4510] =	vst v63  }
0x22: {  	_ =	swait.ge [sflag:s13], $0x200  }
0x23: {  	[sflag:s13] =	ssyncset.done $0x0  }
0x24: {  	[sflag:s13] =	ssyncadd.s32 $0xFFFFFE00  }
0x25: {  	[tilespmem:$0x4490] =	vst v0  }
0x26: {  	[tilespmem:$0x44A0] =	vst v0  }
0x27: {  	[tilespmem:$0x44B0] =	vst v0  }
0x28: {  	[tilespmem:$0x44C0] =	vst v0  }
0x29: {  	[tilespmem:$0x44D0] =	vst v0  }
0x2a: {  	s28 =	simm.s32 $0x290;
	s26 =	simm.s32 $0x200;
	[bflag:$0x0] =	sbarrier.arrive $0xFFFF  }
.LBB2_2:
0x2b: {  	[spmem:s2] =	stream.indirect.scatter.add.f32 [tilespmem:s18], [sflag:$0x1], $0x1, s28, s17, $0xb8;
	[tilespmem:$0x4510] =	vst v63  }
0x2c: {  	s28 =	smov.u32 s26;
	p1 =	sne.s32 s26, $0xF800  }
.Ltmp0:
0x2d: {  	s26 =	sadd.s32 $0x200, s26;
	(pc) =	sbr.rel @p1 .LBB2_2-.Ltmp0, $3  }
0x2e: {  	_ =	sdelay $0x1  }
0x2f: {  	s28 =	sshra.s32 s28, $0x2  }
0x30: {  	s28 =	sadd.s32 $0x290, s28  }
0x31: {  	[spmem:s2] =	stream.indirect.scatter.add.f32 [tilespmem:s18], [sflag:$0x1], $0x1, s28, s17, $0xb8;
	[tilespmem:$0x4510] =	vst v63  }
0x32: {  	_ = 	snop  }
0x33: {  	[spmem:s3] =	stream.indirect.scatter.add.f32 [tilespmem:s18], [sflag:$0x1], $0x1, s16, s17, $0xb8;
	[tilespmem:$0x4510] =	vst v63  }
0x34: {  	_ = 	snop  }
0x35: {  	[spmem:s3] =	stream.indirect.scatter.add.f32 [tilespmem:s18], [sflag:$0x1], $0x1, s19, s17, $0xb8;
	[tilespmem:$0x4510] =	vst v63  }
0x36: {  	_ = 	snop  }
0x37: {  	[spmem:s3] =	stream.indirect.scatter.add.f32 [tilespmem:s18], [sflag:$0x1], $0x1, s20, s17, $0xb8;
	[tilespmem:$0x4510] =	vst v63  }
0x38: {  	_ = 	snop  }
0x39: {  	[spmem:s3] =	stream.indirect.scatter.add.f32 [tilespmem:s18], [sflag:$0x1], $0x1, s21, s17, $0xb8;
	[tilespmem:$0x4510] =	vst v63  }
0x3a: {  	_ =	swait.ge [sflag:s22], $0x50  }
0x3b: {  	s26 =	simm.s32 $0x7C;
	[sflag:s22] =	ssyncset.done $0x0  }
.LBB2_4:
0x3c: {  	p1 =	sne.s32 s26, $0x1;
	s26 =	sadd.s32 $0xFFFFFFFF, s26;
	[sflag:s22] =	ssyncadd.s32 $0xFFFFFFB0  }
.Ltmp1:
0x3d: {  	(pc) =	sbr.rel @p1 .LBB2_4-.Ltmp1, $3  }
0x3e: {  	_ =	sdelay $0x1  }
0x3f: {  	_ =	swait.ge [sflag:s22], $0x50  }
0x40: {  	[sflag:s22] =	ssyncset.done $0x0  }
0x41: {  	[sflag:s22] =	ssyncadd.s32 $0xFFFFFFB0  }
0x42: {  	_ =	swait.ge [sflag:s22], $0x50  }
0x43: {  	[sflag:s22] =	ssyncset.done $0x0  }
0x44: {  	[sflag:s22] =	ssyncadd.s32 $0xFFFFFFB0  }
0x45: {  	_ =	swait.ge [sflag:s22], $0x50  }
0x46: {  	[sflag:s22] =	ssyncset.done $0x0  }
0x47: {  	[sflag:s22] =	ssyncadd.s32 $0xFFFFFFB0  }
0x48: {  	_ =	swait.ge [sflag:s22], $0x50  }
0x49: {  	[sflag:s22] =	ssyncset.done $0x0  }
0x4a: {  	[sflag:s22] =	ssyncadd.s32 $0xFFFFFFB0  }
0x4b: {  	_ =	swait.ge [sflag:s22], $0x50  }
0x4c: {  	[sflag:s22] =	ssyncset.done $0x0  }
0x4d: {  	[sflag:s22] =	ssyncadd.s32 $0xFFFFFFB0  }
0x4e: {  	[bflag:$0x0] =	sbarrier.arrive $0xFFFF  }
0x4f: {  	[hbm:s9@s23], [sflag:s6] =	dma.strided [spmem:s12@s24], $0x50, s22, $0x10   }
0x50: {  	s26 =	simm.s32 @!p0 $0x1;
	_ =	swait.ge [sflag:s13], $0x50  }
0x51: {  	s28 =	simm.s32 @!p0 $0x20;
	s25 =	sadd.s32 $0x1, s25;
	[sflag:s13] =	ssyncset.done $0x0  }
0x52: {  	s29 =	simm.s32 @!p0 $0x10;
	p1 =	sne.s32 s25, s11;
	[sflag:s13] =	ssyncadd.s32 $0xFFFFFFB0  }
0x53: {  	[hbm:s10@s28], [sflag:s6] =	dma.strided @!p0 [spmem:s14@s29], $0x20, s26, $0x10   }
.Ltmp2:
0x54: {  	_ = 	snop;
	(pc) =	sbr.rel @p1 .LBB2_1-.Ltmp2, $4  }
0x55: {  	s26 =	simm.s32 @!p0 $0x2  }
0x56: {  	_ =	swait.ge @!p0 [sflag:s26], $0x20  }
0x57: {  	[sflag:s26] =	ssyncset.done @!p0 $0x0  }
0x58: {  	[sflag:s26] =	ssyncadd.s32 @!p0 $0xFFFFFFE0  }
0x59: {  	_ =	sfence.sel $0x180000  }
0x5a: {  	[bflag:$0x0] =	sbarrier.arrive $0xFFFF  }
0x5b: {  	_ =	strace $0x90000047  }
0x5c: {  	s0 =	sadd.s32 @!p0 $0x100000, s0;
	[bflag:$0x2] =	sbarrier.arrive $0xFFFF  }
0x5d: {  	[sflag:s0] =	ssyncadd.tile.s32 @!p0 $0x1;
	_ =	shalt  }
.Lfunc_end2:
_tile_overlayer_lowered:
.L_overlay_start_2:
0x5e: {  	(tag) =	ssettag $0x2  }
0x5f: {  	s0 =	rddreg [dreg:$0x0];
	s2 =	stileid.u32  }
0x60: {  	s1 =	rddreg [dreg:$0x1];
	p0 =	sne.s32 s2, $0x0  }
0x61: {  	s3 =	rddreg [dreg:$0x2];
	[bflag:$0x3] =	sbarrier.arrive $0xFFFF;
	s2 =	simm.s32 @!p0 $0x1C02  }
0x62: {  	[timem:s3], [sflag:s2] =	dma.local @!p0 [hbm:s0], s1  }
0x63: {  	s0 =	simm.s32 @!p0 $0x2  }
0x64: {  	_ =	swait.ge @!p0 [sflag:s0], s1  }
0x65: {  	s1 =	ssub.s32 @!p0 $0x0, s1;
	[sflag:s0] =	ssyncset.done @!p0 $0x0  }
0x66: {  	[sflag:s0] =	ssyncadd.s32 @!p0 s1  }
0x67: {  	[bflag:$0x3] =	sbarrier.arrive $0xFFFF  }
0x68: {  	_ =	shalt  }

// kernel: sc_sp.3.cloned.1.call-start
scs
__scs_entry_jumppad:
0x0: {  	(pc) =	sbr.rel $0x88, $3  }
0x1: {  	(tag) =	ssettag $0x0;
	lr =	simm.s32 $0x1  }
0x2: {  	[smem:$0x3F9A] =	sst lr;
	_ =	strace $0xD0000000  }
0x3: {  	_ = 	snop  }
0x4: {  	_ = 	snop  }
0x5: {  	_ = 	snop  }
0x6: {  	_ = 	snop  }
0x7: {  	_ = 	snop  }
__scs_overlays_trampoline_lowered:
0x8: {  	[smem:$0x3FA9] =	sst s0  }
0x9: {  	[smem:$0x3FAA] =	sst s1  }
0xa: {  	[smem:$0x3FAB] =	sst s2  }
0xb: {  	[smem:$0x3FAC] =	sst s3  }
0xc: {  	[smem:$0x3FAD] =	sst s4  }
0xd: {  	[smem:$0x3FAE] =	sst s5  }
0xe: {  	[smem:$0x3FAF] =	sst s6  }
0xf: {  	[smem:$0x3FB0] =	sst s7  }
0x10: {  	[smem:$0x3FB1] =	sst s8  }
0x11: {  	[smem:$0x3FB2] =	sst s9;
	s0 =	simm.s32 @!p0 $0x0  }
0x12: {  	s1 =	sld [smem:$0x3F98];
	s0 =	simm.s32 @p0 $0x1  }
0x13: {  	[smem:$0x3FB3] =	sst s0;
	s0 =	simm.s32 @!p1 $0x0  }
0x14: {  	s2 =	sld [smem:$0x3F97];
	s0 =	simm.s32 @p1 $0x1  }
0x15: {  	[smem:$0x3FB4] =	sst s0;
	s0 =	simm.s32 @!p2 $0x0  }
0x16: {  	s3 =	sld [smem:$0x3FDB];
	s0 =	simm.s32 @p2 $0x1  }
0x17: {  	s4 =	simm.s32 $0x1BF5;
	[smem:$0x3FB6] =	sst s0  }
0x18: {  	s0 =	sld [smem:$0x3F99];
	_ =	swait.ge [sflag:s4], $0x0  }
0x19: {  	s7 =	sld [smem:$0x3F9A]  }
0x1a: {  	s8 =	sadd.s32 $0xFFFFE003, lr  }
0x1b: {  	s9 =	sadd.s32 $0xFFFFFEF7, lr;
	s5 =	simm.s32 $0xFFFFFFFF;
	p2 =	slt.u32 s8, $0xFFFFF086  }
0x1c: {  	p1 =	slt.u32 s9, $0xF7A;
	s5 =	simm.s32 @!p2 $0x0  }
0x1d: {  	s5 =	simm.s32 @p1 $0x1;
	p0 =	seq.s32 s7, s2  }
0x1e: {  	s7 =	smul.u32 @!p0 $0xF7A, s2;
	p2 =	seq.s32 @!p0 s5, $0x0  }
0x1f: {  	s9 =	smul.u32 $0xF7A, s1;
	s8 =	simm.s32 @!p0 $0x1BF5;
	p2 =	por !p2, p0  }
0x20: {  	[sflag:s8] =	ssyncset.s32 @!p0 $0xFFFFF086;
	s6 =	sadd.s32 @!p0 s3, s7;
	s7 =	simm.s32 @!p0 $0x108  }
0x21: {  	s3 =	sadd.s32 s3, s9;
	s6 =	sadd.s32 @!p0 $0x88, s6;
	s7 =	simm.s32 @p2 $0x1082  }
0x22: {  	[simem:s7], [sflag:s8] =	dma.local @!p0 [hbm:s6], $0xF7A  }
0x23: {  	s9 =	sor.u32 $0xD0000000, s2;
	s6 =	simm.s32 $0x108;
	_ =	swait.ge @!p0 [sflag:s8], $0x0  }
0x24: {  	s3 =	sadd.s32 $0x88, s3;
	s6 =	simm.s32 @!p1 $0x1082;
	[sflag:s4] =	ssyncset.s32 $0xFFFFF086  }
0x25: {  	[simem:s6], [sflag:s4] =	dma.local [hbm:s3], $0xF7A  }
0x26: {  	[smem:$0x3F9A] =	sst s1;
	(tag) =	ssettag s2;
	_ =	strace s9  }
0x27: {  	s1 =	sld [smem:$0x3FAA]  }
0x28: {  	s2 =	sld [smem:$0x3FAB]  }
0x29: {  	s4 =	sld [smem:$0x3FAD]  }
0x2a: {  	p0 =	seq.s32 s5, $0x0;
	s5 =	sld [smem:$0x3FAE]  }
0x2b: {  	s6 =	sld [smem:$0x3FAF]  }
0x2c: {  	s7 =	sld [smem:$0x3FB0]  }
0x2d: {  	s3 =	simm.s32 $0x108;
	s8 =	sld [smem:$0x3FB1]  }
0x2e: {  	s3 =	simm.s32 @!p0 $0x1082;
	s9 =	sld [smem:$0x3FB2]  }
0x2f: {  	lr =	sadd.s32 s0, s3;
	s0 =	sld [smem:$0x3FA9]  }
0x30: {  	s3 =	sld [smem:$0x3FAC]  }
0x31: {  	[smem:$0x3FB5] =	sst s10  }
0x32: {  	s10 =	sld [smem:$0x3FB3];
	_ =	sdelay $0x3  }
0x33: {  	p0 =	seq.s32 s10, $0x1;
	s10 =	sld [smem:$0x3FB5];
	_ =	sdelay $0x3  }
0x34: {  	[smem:$0x3FB5] =	sst s10  }
0x35: {  	s10 =	sld [smem:$0x3FB4];
	_ =	sdelay $0x3  }
0x36: {  	p1 =	seq.s32 s10, $0x1;
	s10 =	sld [smem:$0x3FB5];
	_ =	sdelay $0x3  }
0x37: {  	[smem:$0x3FB5] =	sst s10  }
0x38: {  	s10 =	sld [smem:$0x3FB6]  }
0x39: {  	_ = 	snop;
	(pc) =	sbr.ind lr, $3  }
0x3a: {  	_ = 	snop  }
0x3b: {  	_ = 	snop  }
0x3c: {  	p2 =	seq.s32 s10, $0x1;
	s10 =	sld [smem:$0x3FB5]  }
0x3d: {  	_ =	shalt  }
0x3e: {  	_ =	shalt  }
0x3f: {  	_ =	shalt  }
0x40: {  	_ =	shalt  }
0x41: {  	_ =	shalt  }
0x42: {  	_ =	shalt  }
0x43: {  	_ =	shalt  }
0x44: {  	_ =	shalt  }
0x45: {  	_ =	shalt  }
0x46: {  	_ =	shalt  }
0x47: {  	_ =	shalt  }
0x48: {  	_ =	shalt  }
0x49: {  	_ =	shalt  }
0x4a: {  	_ =	shalt  }
0x4b: {  	_ =	shalt  }
0x4c: {  	_ =	shalt  }
0x4d: {  	_ =	shalt  }
0x4e: {  	_ =	shalt  }
0x4f: {  	_ =	shalt  }
0x50: {  	_ =	shalt  }
0x51: {  	_ =	shalt  }
0x52: {  	_ =	shalt  }
0x53: {  	_ =	shalt  }
0x54: {  	_ =	shalt  }
0x55: {  	_ =	shalt  }
0x56: {  	_ =	shalt  }
0x57: {  	_ =	shalt  }
0x58: {  	_ =	shalt  }
0x59: {  	_ =	shalt  }
0x5a: {  	_ =	shalt  }
0x5b: {  	_ =	shalt  }
0x5c: {  	_ =	shalt  }
0x5d: {  	_ =	shalt  }
0x5e: {  	_ =	shalt  }
0x5f: {  	_ =	shalt  }
0x60: {  	_ =	shalt  }
0x61: {  	_ =	shalt  }
0x62: {  	_ =	shalt  }
0x63: {  	_ =	shalt  }
0x64: {  	_ =	shalt  }
0x65: {  	_ =	shalt  }
0x66: {  	_ =	shalt  }
0x67: {  	_ =	shalt  }
0x68: {  	_ =	shalt  }
0x69: {  	_ =	shalt  }
0x6a: {  	_ =	shalt  }
0x6b: {  	_ =	shalt  }
0x6c: {  	_ =	shalt  }
0x6d: {  	_ =	shalt  }
0x6e: {  	_ =	shalt  }
0x6f: {  	_ =	shalt  }
0x70: {  	_ =	shalt  }
0x71: {  	_ =	shalt  }
0x72: {  	_ =	shalt  }
0x73: {  	_ =	shalt  }
0x74: {  	_ =	shalt  }
0x75: {  	_ =	shalt  }
0x76: {  	_ =	shalt  }
0x77: {  	_ =	shalt  }
0x78: {  	_ =	shalt  }
0x79: {  	_ =	shalt  }
0x7a: {  	_ =	shalt  }
0x7b: {  	_ =	shalt  }
0x7c: {  	_ =	shalt  }
0x7d: {  	_ =	shalt  }
0x7e: {  	_ =	shalt  }
0x7f: {  	_ =	shalt  }
0x80: {  	_ =	shalt  }
0x81: {  	_ =	shalt  }
0x82: {  	_ =	shalt  }
0x83: {  	_ =	shalt  }
0x84: {  	_ =	shalt  }
0x85: {  	_ =	shalt  }
0x86: {  	_ =	shalt  }
0x87: {  	_ =	shalt  }
.Lfunc_end0:
.L_simem_size_0:
called_computation.2_lowered:
.L_overlay_start_0:
0x88: {  	s2 =	sld [smem:$0x3FD9]  }
0x89: {  	s3 =	sld [smem:$0x3FFE];
	_ =	sdelay $0x1  }
0x8a: {  	s1 =	srdreg.scid  }
0x8b: {  	s0 =	sand.u32 $0x1, s1  }
0x8c: {  	s17 =	sshll.u32 s0, $0xA;
	s2 =	sadd.s32 s3, s2  }
0x8d: {  	s2 =	sadd.s32 s2, s17  }
0x8e: {  	[smem:$0x3FC1] =	sst s2  }
0x8f: {  	_ = 	snop  }
0x90: {  	s2 =	sld [smem:$0x3FD0];
	(tm) =	ssettm $0x1  }
0x91: {  	s18 =	sld [smem:$0x3FFB];
	_ =	sdelay $0x3  }
0x92: {  	_ =	strace s18  }
0x93: {  	s3 =	sld [smem:$0x3FFC];
	_ =	sdelay $0x3  }
0x94: {  	_ =	strace s3  }
0x95: {  	s3 =	sld [smem:$0x3FFD];
	_ =	sdelay $0x3  }
0x96: {  	_ =	strace s3  }
0x97: {  	_ =	strace $0x8FFFFFFF  }
0x98: {  	s19 =	sld [smem:$0x3FDB];
	_ =	sdelay $0x1  }
0x99: {  	s4 =	simm.s32 $_scs_section_size  }
0x9a: {  	s5 =	simm.s32 $_size__tile_overlayer_lowered;
	s6 =	simm.s32 $_tile_overlayer_lowered  }
0x9b: {  	s22 =	simm.s32 $0x1BFF;
	s21 =	sshll.u32 s6, $0x1;
	s3 =	sadd.s32 s4, s19  }
0x9c: {  	s7 =	simm.s32 $0x0;
	s20 =	sshll.u32 s5, $0x1;
	s5 =	sadd.s32 s21, s3  }
0x9d: {  	[timem:s7], [sflag:s22] =	dma.local [hbm:s5], s20  }
0x9e: {  	_ =	swait.ge [sflag:s22], s20  }
0x9f: {  	s4 =	ssub.s32 $0x0, s20;
	[sflag:s22] =	ssyncset.done $0x0  }
0xa0: {  	[sflag:s22] =	ssyncadd.s32 s4;
	_ =	sdelay $0x1  }
0xa1: {  	s23 =	simm.s32 $0x1B8B  }
0xa2: {  	_ =	swait.ge [sflag:s23], $0x1  }
0xa3: {  	[sflag:s23] =	ssyncset.done $0x0  }
0xa4: {  	s25 =	simm.s32 $0x1B8E;
	s24 =	sld [smem:$0x3FFE];
	[sflag:s23] =	ssyncadd.s32 $0xFFFFFFFF  }
0xa5: {  	s26 =	simm.s32 $execute0_lowered;
	[smem:$0x3FD2] =	sst s25  }
0xa6: {  	s5 =	sshll.u32 s26, $0x1;
	_ =	strace $0x80000049;
	[dreg:$0x1] =	wrdreg $0xFFFFFFFF  }
0xa7: {  	s28 =	simm.s32 $_size_execute0_lowered;
	s3 =	sadd.s32 s3, s5;
	[dreg:$0x0] =	wrdreg $0x0  }
0xa8: {  	s5 =	sshll.u32 s28, $0x1;
	[dreg:$0x2] =	wrdreg s3  }
0xa9: {  	[dreg:$0x3] =	wrdreg s5  }
0xaa: {  	[dreg:$0x4] =	wrdreg $0xC0  }
0xab: {  	_ =	task [dreg:s7], $0x5FFFF  }
0xac: {  	[dreg:$0x1] =	wrdreg $0xFFFFFFFF  }
0xad: {  	[dreg:$0x0] =	wrdreg $0x60  }
0xae: {  	[dreg:$0x2] =	wrdreg s24  }
0xaf: {  	[dreg:$0x3] =	wrdreg s2  }
0xb0: {  	[dreg:$0x4] =	wrdreg $0x0  }
0xb1: {  	[dreg:$0x5] =	wrdreg $0xA  }
0xb2: {  	_ =	task.clear_ibuf [dreg:s7], $0x6FFFF;
	_ =	strace $0x90000049  }
0xb3: {  	s29 =	simm.s32 $0xA;
	_ =	strace $0x8000004B  }
0xb4: {  	_ =	swait.ge [sflag:s29], $0x1  }
0xb5: {  	[sflag:s29] =	ssyncadd.s32 $0xFFFFFFFF  }
0xb6: {  	_ =	strace $0x9000004B  }
0xb7: {  	_ =	sfence  }
0xb8: {  	s30 =	sld [smem:$0x0];
	_ =	sdelay $0x2  }
0xb9: {  	s31 =	sshll.u32 s1, $0xD;
	s1 =	sshrl.u32 s1, $0x2  }
0xba: {  	s3 =	sand.u32 $0x4000, s31;
	s1 =	sadd.s32 s1, s30  }
0xbb: {  	s0 =	sor.u32 s3, s0;
	s1 =	sshll.u32 s1, $0x11  }
0xbc: {  	s0 =	sor.u32 s1, s0  }
0xbd: {  	s0 =	sadd.s32 $0x8F2B, s0  }
0xbe: {  	[sflag:s0] =	ssyncadd.remote.s32 $0x1  }
0xbf: {  	_ =	sfence.sel $0xFFFF  }
0xc0: {  	[dreg:$0x0] =	wrdreg $0xFFFFFFFF;
	(pc) =	sbr.abs _section_cstart, $3  }
0xc1: {  	[dreg:$0x1] =	wrdreg $0xFFFFFFFF  }
0xc2: {  	_ =	task.clear_ibuf [dreg:s7], $0x2FFFF;
	_ =	strace $0x9FFFFFFF  }
0xc3: {  	(tm) =	ssettm $0x7FFFFFFF  }
tec
execute0_lowered:
.L_overlay_start_1:
0x0: {  	(tag) =	ssettag $0x1  }
0x1: {  	s0 =	rddreg [dreg:$0x0]  }
0x2: {  	s2 =	rddreg [dreg:$0x2];
	s4 =	simm.s32 $0x0  }
0x3: {  	s1 =	srdreg.scid;
	s11 =	stileid.u32;
	s20 =	simm.s32 $0x3  }
0x4: {  	s21 =	simm.s32 $0x11C80;
	s22 =	simm.s32 $0x14480;
	s23 =	simm.s32 $0x16C80  }
0x5: {  	s24 =	simm.s32 $0xFC80;
	s28 =	simm.s32 $0x1;
	s29 =	simm.s32 $0x2  }
0x6: {  	[smem:$0x7FF] =	sst s4;
	s3 =	sadd.s32 $0x24A00, s0;
	s1 =	sand.u32 $0x1, s1  }
0x7: {  	s5 =	smul.u32 $0x1F900, s11;
	s16 =	sadd.s32 $0x14A00, s0;
	s6 =	sadd.s32 $0x3400, s0  }
0x8: {  	s10 =	smul.u32 $0x3F200, s11;
	s30 =	sshll.u32 s11, $0xB;
	s31 =	sshll.u32 s11, $0x6  }
0x9: {  	_ =	strace $0x8000004A;
	[dreg:$0x4] =	wrdreg s6;
	s7 =	sshll.u32 s1, $0x7  }
0xa: {  	s6 =	sadd.s32 $0x3A00, s0;
	s8 =	ssub.s32 $0x2, s1;
	s1 =	sshll.u32 s1, $0xF  }
0xb: {  	s5 =	sor.u32 s7, s5;
	s9 =	sshrl.u32 s8, $0x1;
	s7 =	sadd.s32 $0x4000, s0  }
0xc: {  	s26 =	sshrl.u32 s10, $0x2;
	s1 =	sor.u32 s30, s1;
	s5 =	sshrl.u32 s5, $0x3  }
0xd: {  	s25 =	ssub.s32 s8, s9;
	s19 =	sadd.s32 s26, s2;
	s8 =	sor.u32 $0x1C03, s31  }
0xe: {  	s9 =	sadd.s32 s3, s1;
	s12 =	sor.u32 $0x200, s1;
	s10 =	sadd.s32 s16, s1  }
0xf: {  	s14 =	sor.u32 $0x400, s1;
	s1 =	sor.u32 $0x600, s1;
	s26 =	simm.s32 $0x50  }
0x10: {  	s0 =	sadd.s32 s5, s0;
	s11 =	sadd.s32 s3, s12;
	s12 =	sadd.s32 s16, s12  }
0x11: {  	s13 =	sadd.s32 s3, s14;
	s14 =	sadd.s32 s16, s14;
	s15 =	sadd.s32 s3, s1  }
0x12: {  	s16 =	sadd.s32 s16, s1;
	s18 =	smax.u32 s25, $0x1;
	s19 =	sshrl.u32 s19, $0x3  }
0x13: {  	s25 =	simm.s32 $0x10C80;
	s17 =	sadd.s32 $0x5CA00, s0;
	s0 =	simm.s32 $0x0  }
.LBB2_1:
0x14: {  	[spmem:s19], [sflag:s8] =	dma.local [hbm:s7], $0x1F90  }
0x15: {  	_ =	swait.ge [sflag:s20], $0x1F90  }
0x16: {  	[sflag:s20] =	ssyncset.done $0x0  }
0x17: {  	s1 =	rddreg [dreg:$0x4];
	[sflag:s20] =	ssyncadd.s32 $0xFFFFE070  }
0x18: {  	[tilespmem:s21], [sflag:$0x3] =	stream.linear.gather [hbm4b:s1+s4], $0x2800, $0x38;
	[tilespmem:$0x1D480] =	vst v63  }
0x19: {  	_ =	swait.ge [sflag:s20], $0x2800  }
0x1a: {  	[sflag:s20] =	ssyncset.done $0x0  }
0x1b: {  	[sflag:s20] =	ssyncadd.s32 $0xFFFFD800  }
0x1c: {  	[tilespmem:s22], [sflag:$0x3] =	stream.linear.gather [hbm4b:s6+s4], $0x2800, $0x38;
	[tilespmem:$0x1D480] =	vst v63  }
0x1d: {  	_ =	swait.ge [sflag:s20], $0x2800  }
0x1e: {  	[sflag:s20] =	ssyncset.done $0x0  }
0x1f: {  	[sflag:s20] =	ssyncadd.s32 $0xFFFFD800  }
0x20: {  	s31 =	rddreg [dreg:$0x1]  }
0x21: {  	[tilespmem:s23], [sflag:$0x3] =	stream.linear.gather [hbm4b:s31+s4], $0x2800, $0x38;
	[tilespmem:$0x1D480] =	vst v63  }
0x22: {  	_ =	swait.ge [sflag:s20], $0x2800  }
0x23: {  	[sflag:s20] =	ssyncset.done $0x0  }
0x24: {  	[sflag:s20] =	ssyncadd.s32 $0xFFFFD800  }
0x25: {  	[bflag:$0x0] =	sbarrier.arrive $0xFFFF  }
0x26: {  	[tilespmem:s24], [sflag:$0x3] =	stream.linear.gather [hbm4b:s9+s4], $0x1000, $0x38;
	[tilespmem:$0x1D480] =	vst v63  }
0x27: {  	_ =	swait.ge [sflag:s20], $0x1000  }
0x28: {  	[sflag:s20] =	ssyncset.done $0x0  }
0x29: {  	[sflag:s20] =	ssyncadd.s32 $0xFFFFF000  }
0x2a: {  	[tilespmem:s25], [sflag:$0x3] =	stream.linear.gather [hbm4b:s10+s4], $0x1000, $0x38;
	[tilespmem:$0x1D480] =	vst v63  }
0x2b: {  	_ =	swait.ge [sflag:s20], $0x1000  }
0x2c: {  	[sflag:s20] =	ssyncset.done $0x0  }
0x2d: {  	s1 =	simm.s32 $0x0;
	[sflag:s20] =	ssyncadd.s32 $0xFFFFF000  }
0x2e: {  	v0 =	vld [tilespmem:s1+$0xFC80]  }
0x2f: {  	v1 =	vld [tilespmem:s1+$0x10C80];
	_ =	sdelay $0x6  }
0x30: {  	v2 =	vld.idx.msk [tilespmem:v0+s23+$0x0], $0xffff  }
0x31: {  	v3 =	vld.idx.msk [tilespmem:v1+s22+$0x0], $0xffff;
	_ =	sdelay $0x4  }
0x32: {  	v2 =	vmul.f32 v3, v2  }
0x33: {  	v3 =	vld [tilespmem:s1+$0x10C90]  }
0x34: {  	[tilespmem:s1+$0x1A480] =	vst v2;
	v2 =	vld [tilespmem:s1+$0xFC90]  }
0x35: {  	v1 =	vld.idx.msk [tilespmem:v1+s21+$0x0], $0xffff;
	_ =	sdelay $0x4  }
0x36: {  	v0 =	vadd.s32 v0, v1  }
0x37: {  	[tilespmem:s1+$0x19480] =	vst v0  }
0x38: {  	v0 =	vld.idx.msk [tilespmem:v2+s23+$0x0], $0xffff  }
0x39: {  	v1 =	vld.idx.msk [tilespmem:v3+s22+$0x0], $0xffff;
	_ =	sdelay $0x4  }
0x3a: {  	v0 =	vmul.f32 v1, v0;
	_ =	sdelay $0x1  }
0x3b: {  	[tilespmem:s1+$0x1A490] =	vst v0;
	v0 =	vld [tilespmem:s1+$0xFCA0]  }
0x3c: {  	v1 =	vld.idx.msk [tilespmem:v3+s21+$0x0], $0xffff  }
0x3d: {  	v3 =	vld [tilespmem:s1+$0x10CA0];
	_ =	sdelay $0x4  }
0x3e: {  	v1 =	vadd.s32 v2, v1  }
0x3f: {  	[tilespmem:s1+$0x19490] =	vst v1  }
0x40: {  	v1 =	vld.idx.msk [tilespmem:v0+s23+$0x0], $0xffff  }
0x41: {  	v2 =	vld.idx.msk [tilespmem:v3+s22+$0x0], $0xffff;
	_ =	sdelay $0x4  }
0x42: {  	v1 =	vmul.f32 v2, v1;
	_ =	sdelay $0x1  }
0x43: {  	[tilespmem:s1+$0x1A4A0] =	vst v1;
	v1 =	vld [tilespmem:s1+$0xFCB0]  }
0x44: {  	v2 =	vld.idx.msk [tilespmem:v3+s21+$0x0], $0xffff  }
0x45: {  	v3 =	vld [tilespmem:s1+$0x10CB0];
	_ =	sdelay $0x4  }
0x46: {  	v0 =	vadd.s32 v0, v2  }
0x47: {  	[tilespmem:s1+$0x194A0] =	vst v0  }
0x48: {  	v0 =	vld.idx.msk [tilespmem:v1+s23+$0x0], $0xffff  }
0x49: {  	v2 =	vld.idx.msk [tilespmem:v3+s22+$0x0], $0xffff;
	_ =	sdelay $0x4  }
0x4a: {  	v0 =	vmul.f32 v2, v0;
	_ =	sdelay $0x1  }
0x4b: {  	[tilespmem:s1+$0x1A4B0] =	vst v0;
	v0 =	vld [tilespmem:s1+$0xFCC0]  }
0x4c: {  	v2 =	vld.idx.msk [tilespmem:v3+s21+$0x0], $0xffff  }
0x4d: {  	v3 =	vld [tilespmem:s1+$0x10CC0];
	_ =	sdelay $0x4  }
0x4e: {  	v1 =	vadd.s32 v1, v2  }
0x4f: {  	[tilespmem:s1+$0x194B0] =	vst v1  }
0x50: {  	v1 =	vld.idx.msk [tilespmem:v0+s23+$0x0], $0xffff  }
0x51: {  	v2 =	vld.idx.msk [tilespmem:v3+s22+$0x0], $0xffff;
	_ =	sdelay $0x4  }
0x52: {  	s5 =	simm.s32 $0x80;
	v4 =	vmul.f32 v2, v1  }
0x53: {  	v2 =	vld [tilespmem:s5+$0x10C80]  }
0x54: {  	s3 =	simm.s32 $0x400;
	v1 =	vld [tilespmem:s5+$0xFC80];
	[tilespmem:s1+$0x1A4C0] =	vst v4  }
.LBB2_2:
0x55: {  	p0 =	sne.s32 s3, $0x3E00;
	v3 =	vld.idx.msk [tilespmem:v3+s21+$0x0], $0xffff;
	s30 =	smov.u32 s3;
	s3 =	sadd.s32 $0x200, s3  }
0x56: {  	_ =	sdelay $0x4  }
0x57: {  	v0 =	vadd.s32 v0, v3  }
0x58: {  	[tilespmem:s1+$0x194C0] =	vst v0;
	s1 =	smov.u32 s5  }
0x59: {  	v0 =	vld.idx.msk [tilespmem:v1+s23+$0x0], $0xffff  }
0x5a: {  	v3 =	vld.idx.msk [tilespmem:v2+s22+$0x0], $0xffff;
	_ =	sdelay $0x5  }
0x5b: {  	v0 =	vmul.f32 v3, v0;
	_ =	sdelay $0x1  }
0x5c: {  	[tilespmem:s1+$0x1A480] =	vst v0;
	v0 =	vld [tilespmem:s1+$0xFC90]  }
0x5d: {  	v2 =	vld.idx.msk [tilespmem:v2+s21+$0x0], $0xffff  }
0x5e: {  	v3 =	vld [tilespmem:s1+$0x10C90];
	_ =	sdelay $0x4  }
0x5f: {  	v1 =	vadd.s32 v1, v2  }
0x60: {  	[tilespmem:s1+$0x19480] =	vst v1  }
0x61: {  	v1 =	vld.idx.msk [tilespmem:v0+s23+$0x0], $0xffff  }
0x62: {  	v2 =	vld.idx.msk [tilespmem:v3+s22+$0x0], $0xffff;
	_ =	sdelay $0x5  }
0x63: {  	v1 =	vmul.f32 v2, v1;
	_ =	sdelay $0x1  }
0x64: {  	[tilespmem:s1+$0x1A490] =	vst v1;
	v1 =	vld [tilespmem:s1+$0xFCA0]  }
0x65: {  	v2 =	vld.idx.msk [tilespmem:v3+s21+$0x0], $0xffff  }
0x66: {  	v3 =	vld [tilespmem:s1+$0x10CA0];
	_ =	sdelay $0x4  }
0x67: {  	v0 =	vadd.s32 v0, v2  }
0x68: {  	[tilespmem:s1+$0x19490] =	vst v0  }
0x69: {  	v0 =	vld.idx.msk [tilespmem:v1+s23+$0x0], $0xffff  }
0x6a: {  	v2 =	vld.idx.msk [tilespmem:v3+s22+$0x0], $0xffff;
	_ =	sdelay $0x5  }
0x6b: {  	v0 =	vmul.f32 v2, v0;
	_ =	sdelay $0x1  }
0x6c: {  	[tilespmem:s1+$0x1A4A0] =	vst v0;
	v2 =	vld [tilespmem:s1+$0xFCB0]  }
0x6d: {  	v0 =	vld.idx.msk [tilespmem:v3+s21+$0x0], $0xffff  }
0x6e: {  	v3 =	vld [tilespmem:s1+$0x10CB0];
	_ =	sdelay $0x4  }
0x6f: {  	v0 =	vadd.s32 v1, v0  }
0x70: {  	[tilespmem:s1+$0x194A0] =	vst v0  }
0x71: {  	v0 =	vld.idx.msk [tilespmem:v2+s23+$0x0], $0xffff  }
0x72: {  	v1 =	vld.idx.msk [tilespmem:v3+s22+$0x0], $0xffff;
	_ =	sdelay $0x5  }
0x73: {  	v0 =	vmul.f32 v1, v0;
	_ =	sdelay $0x1  }
0x74: {  	[tilespmem:s1+$0x1A4B0] =	vst v0;
	v0 =	vld [tilespmem:s1+$0xFCC0]  }
0x75: {  	v1 =	vld.idx.msk [tilespmem:v3+s21+$0x0], $0xffff  }
0x76: {  	v3 =	vld [tilespmem:s1+$0x10CC0];
	_ =	sdelay $0x4  }
0x77: {  	v1 =	vadd.s32 v2, v1  }
0x78: {  	[tilespmem:s1+$0x194B0] =	vst v1  }
0x79: {  	v1 =	vld.idx.msk [tilespmem:v0+s23+$0x0], $0xffff  }
0x7a: {  	v2 =	vld.idx.msk [tilespmem:v3+s22+$0x0], $0xffff;
	_ =	sdelay $0x3  }
.Ltmp0:
0x7b: {  	(pc) =	sbr.rel @p0 .LBB2_2-.Ltmp0, $4  }
0x7c: {  	_ = 	snop  }
0x7d: {  	s5 =	sshra.s32 s30, $0x2;
	v4 =	vmul.f32 v2, v1  }
0x7e: {  	v2 =	vld [tilespmem:s5+$0x10C80]  }
0x7f: {  	v1 =	vld [tilespmem:s5+$0xFC80];
	[tilespmem:s1+$0x1A4C0] =	vst v4  }
0x80: {  	_ =	sdelay $0x3  }
0x81: {  	v3 =	vld.idx.msk [tilespmem:v3+s21+$0x0], $0xffff;
	_ =	sdelay $0x4  }
0x82: {  	v0 =	vadd.s32 v0, v3  }
0x83: {  	[tilespmem:s1+$0x194C0] =	vst v0  }
0x84: {  	v0 =	vld.idx.msk [tilespmem:v1+s23+$0x0], $0xffff  }
0x85: {  	v46 =	vld.idx.msk [tilespmem:v2+s22+$0x0], $0xffff;
	_ =	sdelay $0x4  }
0x86: {  	v0 =	vmul.f32 v46, v0  }
0x87: {  	v47 =	vld [tilespmem:s5+$0xFC90]  }
0x88: {  	v49 =	vld [tilespmem:s5+$0x10C90];
	[tilespmem:s5+$0x1A480] =	vst v0  }
0x89: {  	v48 =	vld.idx.msk [tilespmem:v2+s21+$0x0], $0xffff;
	_ =	sdelay $0x4  }
0x8a: {  	v50 =	vadd.s32 v1, v48  }
0x8b: {  	[tilespmem:s5+$0x19480] =	vst v50  }
0x8c: {  	v1 =	vld.idx.msk [tilespmem:v47+s23+$0x0], $0xffff  }
0x8d: {  	v51 =	vld.idx.msk [tilespmem:v49+s22+$0x0], $0xffff;
	_ =	sdelay $0x4  }
0x8e: {  	v1 =	vmul.f32 v51, v1  }
0x8f: {  	v52 =	vld [tilespmem:s5+$0xFCA0]  }
0x90: {  	v54 =	vld [tilespmem:s5+$0x10CA0];
	[tilespmem:s5+$0x1A490] =	vst v1  }
0x91: {  	v53 =	vld.idx.msk [tilespmem:v49+s21+$0x0], $0xffff;
	_ =	sdelay $0x4  }
0x92: {  	v0 =	vadd.s32 v47, v53  }
0x93: {  	[tilespmem:s5+$0x19490] =	vst v0  }
0x94: {  	v0 =	vld.idx.msk [tilespmem:v52+s23+$0x0], $0xffff  }
0x95: {  	v55 =	vld.idx.msk [tilespmem:v54+s22+$0x0], $0xffff;
	_ =	sdelay $0x4  }
0x96: {  	v0 =	vmul.f32 v55, v0  }
0x97: {  	v56 =	vld [tilespmem:s5+$0xFCB0]  }
0x98: {  	v58 =	vld [tilespmem:s5+$0x10CB0];
	[tilespmem:s5+$0x1A4A0] =	vst v0  }
0x99: {  	v57 =	vld.idx.msk [tilespmem:v54+s21+$0x0], $0xffff;
	_ =	sdelay $0x4  }
0x9a: {  	v1 =	vadd.s32 v52, v57  }
0x9b: {  	[tilespmem:s5+$0x194A0] =	vst v1  }
0x9c: {  	v1 =	vld.idx.msk [tilespmem:v56+s23+$0x0], $0xffff  }
0x9d: {  	v59 =	vld.idx.msk [tilespmem:v58+s22+$0x0], $0xffff;
	_ =	sdelay $0x4  }
0x9e: {  	v1 =	vmul.f32 v59, v1  }
0x9f: {  	v60 =	vld [tilespmem:s5+$0xFCC0]  }
0xa0: {  	v62 =	vld [tilespmem:s5+$0x10CC0];
	[tilespmem:s5+$0x1A4B0] =	vst v1  }
0xa1: {  	v61 =	vld.idx.msk [tilespmem:v58+s21+$0x0], $0xffff;
	_ =	sdelay $0x4  }
0xa2: {  	v0 =	vadd.s32 v56, v61  }
0xa3: {  	[tilespmem:s5+$0x194B0] =	vst v0  }
0xa4: {  	v0 =	vld.idx.msk [tilespmem:v60+s23+$0x0], $0xffff  }
0xa5: {  	v63 =	vld.idx.msk [tilespmem:v62+s22+$0x0], $0xffff;
	_ =	sdelay $0x4  }
0xa6: {  	v0 =	vmul.f32 v63, v0;
	_ =	sdelay $0x1  }
0xa7: {  	[tilespmem:s5+$0x1A4C0] =	vst v0  }
0xa8: {  	v0 =	vld.idx.msk [tilespmem:v62+s21+$0x0], $0xffff;
	_ =	sdelay $0x4  }
0xa9: {  	v0 =	vadd.s32 v60, v0  }
0xaa: {  	s3 =	simm.s32 $0x1A480;
	s1 =	simm.s32 $0x200;
	[tilespmem:s5+$0x194C0] =	vst v0;
	s5 =	simm.s32 $0x19480  }
.LBB2_4:
0xab: {  	[spmem:s2] =	stream.indirect.scatter.add.f32 [tilespmem:s3], [sflag:$0x1], $0x1, s5, s26, $0xb8;
	[tilespmem:$0x1D480] =	vst v63  }
0xac: {  	s3 =	smov.u32 s1;
	p0 =	sne.s32 s1, $0x3E00  }
.Ltmp1:
0xad: {  	s1 =	sadd.s32 $0x200, s1;
	(pc) =	sbr.rel @p0 .LBB2_4-.Ltmp1, $3  }
0xae: {  	_ =	sdelay $0x1  }
0xaf: {  	s5 =	sshra.s32 s3, $0x2  }
0xb0: {  	s3 =	sadd.s32 $0x1A480, s5;
	s5 =	sadd.s32 $0x19480, s5  }
0xb1: {  	[spmem:s2] =	stream.indirect.scatter.add.f32 [tilespmem:s3], [sflag:$0x1], $0x1, s5, s26, $0xb8;
	[tilespmem:$0x1D480] =	vst v63  }
0xb2: {  	s1 =	simm.s32 $0x0  }
0xb3: {  	[tilespmem:s24], [sflag:$0x3] =	stream.linear.gather [hbm4b:s11+s1], $0x1000, $0x38;
	[tilespmem:$0x1D480] =	vst v63  }
0xb4: {  	_ =	swait.ge [sflag:s20], $0x1000  }
0xb5: {  	[sflag:s20] =	ssyncset.done $0x0  }
0xb6: {  	[sflag:s20] =	ssyncadd.s32 $0xFFFFF000  }
0xb7: {  	[tilespmem:s25], [sflag:$0x3] =	stream.linear.gather [hbm4b:s12+s1], $0x1000, $0x38;
	[tilespmem:$0x1D480] =	vst v63  }
0xb8: {  	_ =	swait.ge [sflag:s20], $0x1000  }
0xb9: {  	[sflag:s20] =	ssyncset.done $0x0  }
0xba: {  	s1 =	simm.s32 $0x0;
	[sflag:s20] =	ssyncadd.s32 $0xFFFFF000  }
0xbb: {  	v0 =	vld [tilespmem:s1+$0xFC80]  }
0xbc: {  	v1 =	vld [tilespmem:s1+$0x10C80];
	_ =	sdelay $0x6  }
0xbd: {  	v2 =	vld.idx.msk [tilespmem:v0+s23+$0x0], $0xffff  }
0xbe: {  	v3 =	vld.idx.msk [tilespmem:v1+s22+$0x0], $0xffff;
	_ =	sdelay $0x4  }
0xbf: {  	v2 =	vmul.f32 v3, v2  }
0xc0: {  	v3 =	vld [tilespmem:s1+$0x10C90]  }
0xc1: {  	[tilespmem:s1+$0x1C480] =	vst v2;
	v2 =	vld [tilespmem:s1+$0xFC90]  }
0xc2: {  	v1 =	vld.idx.msk [tilespmem:v1+s21+$0x0], $0xffff;
	_ =	sdelay $0x4  }
0xc3: {  	v0 =	vadd.s32 v0, v1  }
0xc4: {  	[tilespmem:s1+$0x1B480] =	vst v0  }
0xc5: {  	v0 =	vld.idx.msk [tilespmem:v2+s23+$0x0], $0xffff  }
0xc6: {  	v1 =	vld.idx.msk [tilespmem:v3+s22+$0x0], $0xffff;
	_ =	sdelay $0x4  }
0xc7: {  	v0 =	vmul.f32 v1, v0;
	_ =	sdelay $0x1  }
0xc8: {  	[tilespmem:s1+$0x1C490] =	vst v0;
	v0 =	vld [tilespmem:s1+$0xFCA0]  }
0xc9: {  	v1 =	vld.idx.msk [tilespmem:v3+s21+$0x0], $0xffff  }
0xca: {  	v3 =	vld [tilespmem:s1+$0x10CA0];
	_ =	sdelay $0x4  }
0xcb: {  	v1 =	vadd.s32 v2, v1  }
0xcc: {  	[tilespmem:s1+$0x1B490] =	vst v1  }
0xcd: {  	v1 =	vld.idx.msk [tilespmem:v0+s23+$0x0], $0xffff  }
0xce: {  	v2 =	vld.idx.msk [tilespmem:v3+s22+$0x0], $0xffff;
	_ =	sdelay $0x4  }
0xcf: {  	v1 =	vmul.f32 v2, v1;
	_ =	sdelay $0x1  }
0xd0: {  	[tilespmem:s1+$0x1C4A0] =	vst v1;
	v1 =	vld [tilespmem:s1+$0xFCB0]  }
0xd1: {  	v2 =	vld.idx.msk [tilespmem:v3+s21+$0x0], $0xffff  }
0xd2: {  	v3 =	vld [tilespmem:s1+$0x10CB0];
	_ =	sdelay $0x4  }
0xd3: {  	v0 =	vadd.s32 v0, v2  }
0xd4: {  	[tilespmem:s1+$0x1B4A0] =	vst v0  }
0xd5: {  	v0 =	vld.idx.msk [tilespmem:v1+s23+$0x0], $0xffff  }
0xd6: {  	v2 =	vld.idx.msk [tilespmem:v3+s22+$0x0], $0xffff;
	_ =	sdelay $0x4  }
0xd7: {  	v0 =	vmul.f32 v2, v0;
	_ =	sdelay $0x1  }
0xd8: {  	[tilespmem:s1+$0x1C4B0] =	vst v0;
	v0 =	vld [tilespmem:s1+$0xFCC0]  }
0xd9: {  	v2 =	vld.idx.msk [tilespmem:v3+s21+$0x0], $0xffff  }
0xda: {  	v3 =	vld [tilespmem:s1+$0x10CC0];
	_ =	sdelay $0x4  }
0xdb: {  	v1 =	vadd.s32 v1, v2  }
0xdc: {  	[tilespmem:s1+$0x1B4B0] =	vst v1  }
0xdd: {  	v1 =	vld.idx.msk [tilespmem:v0+s23+$0x0], $0xffff  }
0xde: {  	v2 =	vld.idx.msk [tilespmem:v3+s22+$0x0], $0xffff;
	_ =	sdelay $0x4  }
0xdf: {  	s5 =	simm.s32 $0x80;
	v4 =	vmul.f32 v2, v1  }
0xe0: {  	v2 =	vld [tilespmem:s5+$0x10C80]  }
0xe1: {  	s3 =	simm.s32 $0x200;
	s30 =	simm.s32 $0x400;
	v1 =	vld [tilespmem:s5+$0xFC80];
	[tilespmem:s1+$0x1C4C0] =	vst v4  }
.LBB2_6:
0xe2: {  	p0 =	sne.s32 s30, $0x3E00;
	v3 =	vld.idx.msk [tilespmem:v3+s21+$0x0], $0xffff;
	s31 =	smov.u32 s30;
	s30 =	sadd.s32 $0x200, s30  }
0xe3: {  	_ =	sdelay $0x4  }
0xe4: {  	v0 =	vadd.s32 v0, v3  }
0xe5: {  	[tilespmem:s1+$0x1B4C0] =	vst v0;
	s1 =	smov.u32 s5  }
0xe6: {  	v0 =	vld.idx.msk [tilespmem:v1+s23+$0x0], $0xffff  }
0xe7: {  	v3 =	vld.idx.msk [tilespmem:v2+s22+$0x0], $0xffff;
	_ =	sdelay $0x5  }
0xe8: {  	v0 =	vmul.f32 v3, v0;
	_ =	sdelay $0x1  }
0xe9: {  	[tilespmem:s1+$0x1C480] =	vst v0;
	v0 =	vld [tilespmem:s1+$0xFC90]  }
0xea: {  	v2 =	vld.idx.msk [tilespmem:v2+s21+$0x0], $0xffff  }
0xeb: {  	v3 =	vld [tilespmem:s1+$0x10C90];
	_ =	sdelay $0x4  }
0xec: {  	v1 =	vadd.s32 v1, v2  }
0xed: {  	[tilespmem:s1+$0x1B480] =	vst v1  }
0xee: {  	v1 =	vld.idx.msk [tilespmem:v0+s23+$0x0], $0xffff  }
0xef: {  	v2 =	vld.idx.msk [tilespmem:v3+s22+$0x0], $0xffff;
	_ =	sdelay $0x5  }
0xf0: {  	v1 =	vmul.f32 v2, v1;
	_ =	sdelay $0x1  }
0xf1: {  	[tilespmem:s1+$0x1C490] =	vst v1;
	v1 =	vld [tilespmem:s1+$0xFCA0]  }
0xf2: {  	v2 =	vld.idx.msk [tilespmem:v3+s21+$0x0], $0xffff  }
0xf3: {  	v3 =	vld [tilespmem:s1+$0x10CA0];
	_ =	sdelay $0x4  }
0xf4: {  	v0 =	vadd.s32 v0, v2  }
0xf5: {  	[tilespmem:s1+$0x1B490] =	vst v0  }
0xf6: {  	v0 =	vld.idx.msk [tilespmem:v1+s23+$0x0], $0xffff  }
0xf7: {  	v2 =	vld.idx.msk [tilespmem:v3+s22+$0x0], $0xffff;
	_ =	sdelay $0x5  }
0xf8: {  	v0 =	vmul.f32 v2, v0;
	_ =	sdelay $0x1  }
0xf9: {  	[tilespmem:s1+$0x1C4A0] =	vst v0;
	v2 =	vld [tilespmem:s1+$0xFCB0]  }
0xfa: {  	v0 =	vld.idx.msk [tilespmem:v3+s21+$0x0], $0xffff  }
0xfb: {  	v3 =	vld [tilespmem:s1+$0x10CB0];
	_ =	sdelay $0x4  }
0xfc: {  	v0 =	vadd.s32 v1, v0  }
0xfd: {  	[tilespmem:s1+$0x1B4A0] =	vst v0  }
0xfe: {  	v0 =	vld.idx.msk [tilespmem:v2+s23+$0x0], $0xffff  }
0xff: {  	v1 =	vld.idx.msk [tilespmem:v3+s22+$0x0], $0xffff;
	_ =	sdelay $0x5  }
0x100: {  	v0 =	vmul.f32 v1, v0;
	_ =	sdelay $0x1  }
0x101: {  	[tilespmem:s1+$0x1C4B0] =	vst v0;
	v0 =	vld [tilespmem:s1+$0xFCC0]  }
0x102: {  	v1 =	vld.idx.msk [tilespmem:v3+s21+$0x0], $0xffff  }
0x103: {  	v3 =	vld [tilespmem:s1+$0x10CC0];
	_ =	sdelay $0x4  }
0x104: {  	v1 =	vadd.s32 v2, v1  }
0x105: {  	[tilespmem:s1+$0x1B4B0] =	vst v1  }
0x106: {  	v1 =	vld.idx.msk [tilespmem:v0+s23+$0x0], $0xffff  }
0x107: {  	v2 =	vld.idx.msk [tilespmem:v3+s22+$0x0], $0xffff;
	_ =	sdelay $0x3  }
.Ltmp2:
0x108: {  	(pc) =	sbr.rel @p0 .LBB2_6-.Ltmp2, $4  }
0x109: {  	_ = 	snop  }
0x10a: {  	s5 =	sshra.s32 s31, $0x2;
	v4 =	vmul.f32 v2, v1  }
0x10b: {  	v2 =	vld [tilespmem:s5+$0x10C80]  }
0x10c: {  	v1 =	vld [tilespmem:s5+$0xFC80];
	[tilespmem:s1+$0x1C4C0] =	vst v4  }
0x10d: {  	_ =	sdelay $0x3  }
0x10e: {  	v3 =	vld.idx.msk [tilespmem:v3+s21+$0x0], $0xffff;
	_ =	sdelay $0x4  }
0x10f: {  	v0 =	vadd.s32 v0, v3  }
0x110: {  	[tilespmem:s1+$0x1B4C0] =	vst v0  }
0x111: {  	v0 =	vld.idx.msk [tilespmem:v1+s23+$0x0], $0xffff  }
0x112: {  	v46 =	vld.idx.msk [tilespmem:v2+s22+$0x0], $0xffff;
	_ =	sdelay $0x4  }
0x113: {  	v0 =	vmul.f32 v46, v0  }
0x114: {  	v47 =	vld [tilespmem:s5+$0xFC90]  }
0x115: {  	v49 =	vld [tilespmem:s5+$0x10C90];
	[tilespmem:s5+$0x1C480] =	vst v0  }
0x116: {  	v48 =	vld.idx.msk [tilespmem:v2+s21+$0x0], $0xffff;
	_ =	sdelay $0x4  }
0x117: {  	v50 =	vadd.s32 v1, v48  }
0x118: {  	[tilespmem:s5+$0x1B480] =	vst v50  }
0x119: {  	v1 =	vld.idx.msk [tilespmem:v47+s23+$0x0], $0xffff  }
0x11a: {  	v51 =	vld.idx.msk [tilespmem:v49+s22+$0x0], $0xffff;
	_ =	sdelay $0x4  }
0x11b: {  	v1 =	vmul.f32 v51, v1  }
0x11c: {  	v52 =	vld [tilespmem:s5+$0xFCA0]  }
0x11d: {  	v54 =	vld [tilespmem:s5+$0x10CA0];
	[tilespmem:s5+$0x1C490] =	vst v1  }
0x11e: {  	v53 =	vld.idx.msk [tilespmem:v49+s21+$0x0], $0xffff;
	_ =	sdelay $0x4  }
0x11f: {  	v0 =	vadd.s32 v47, v53  }
0x120: {  	[tilespmem:s5+$0x1B490] =	vst v0  }
0x121: {  	v0 =	vld.idx.msk [tilespmem:v52+s23+$0x0], $0xffff  }
0x122: {  	v55 =	vld.idx.msk [tilespmem:v54+s22+$0x0], $0xffff;
	_ =	sdelay $0x4  }
0x123: {  	v0 =	vmul.f32 v55, v0  }
0x124: {  	v56 =	vld [tilespmem:s5+$0xFCB0]  }
0x125: {  	v58 =	vld [tilespmem:s5+$0x10CB0];
	[tilespmem:s5+$0x1C4A0] =	vst v0  }
0x126: {  	v57 =	vld.idx.msk [tilespmem:v54+s21+$0x0], $0xffff;
	_ =	sdelay $0x4  }
0x127: {  	v1 =	vadd.s32 v52, v57  }
0x128: {  	[tilespmem:s5+$0x1B4A0] =	vst v1  }
0x129: {  	v1 =	vld.idx.msk [tilespmem:v56+s23+$0x0], $0xffff  }
0x12a: {  	v59 =	vld.idx.msk [tilespmem:v58+s22+$0x0], $0xffff;
	_ =	sdelay $0x4  }
0x12b: {  	v1 =	vmul.f32 v59, v1  }
0x12c: {  	v60 =	vld [tilespmem:s5+$0xFCC0]  }
0x12d: {  	v62 =	vld [tilespmem:s5+$0x10CC0];
	[tilespmem:s5+$0x1C4B0] =	vst v1  }
0x12e: {  	v61 =	vld.idx.msk [tilespmem:v58+s21+$0x0], $0xffff;
	_ =	sdelay $0x4  }
0x12f: {  	v0 =	vadd.s32 v56, v61  }
0x130: {  	[tilespmem:s5+$0x1B4B0] =	vst v0  }
0x131: {  	v0 =	vld.idx.msk [tilespmem:v60+s23+$0x0], $0xffff  }
0x132: {  	v63 =	vld.idx.msk [tilespmem:v62+s22+$0x0], $0xffff;
	_ =	sdelay $0x4  }
0x133: {  	v0 =	vmul.f32 v63, v0;
	_ =	sdelay $0x1  }
0x134: {  	[tilespmem:s5+$0x1C4C0] =	vst v0  }
0x135: {  	v0 =	vld.idx.msk [tilespmem:v62+s21+$0x0], $0xffff;
	_ =	sdelay $0x4  }
0x136: {  	v0 =	vadd.s32 v60, v0  }
0x137: {  	s1 =	simm.s32 $0x1C480;
	[tilespmem:s5+$0x1B4C0] =	vst v0;
	s5 =	simm.s32 $0x1B480  }
.LBB2_8:
0x138: {  	[spmem:s2] =	stream.indirect.scatter.add.f32 [tilespmem:s1], [sflag:$0x2], $0x1, s5, s26, $0xb8;
	[tilespmem:$0x1D480] =	vst v63  }
0x139: {  	s1 =	smov.u32 s3;
	p0 =	sne.s32 s3, $0x3E00  }
.Ltmp3:
0x13a: {  	s3 =	sadd.s32 $0x200, s3;
	(pc) =	sbr.rel @p0 .LBB2_8-.Ltmp3, $3  }
0x13b: {  	_ =	sdelay $0x1  }
0x13c: {  	s5 =	sshra.s32 s1, $0x2  }
0x13d: {  	s1 =	sadd.s32 $0x1C480, s5;
	s5 =	sadd.s32 $0x1B480, s5  }
0x13e: {  	[spmem:s2] =	stream.indirect.scatter.add.f32 [tilespmem:s1], [sflag:$0x2], $0x1, s5, s26, $0xb8;
	[tilespmem:$0x1D480] =	vst v63  }
0x13f: {  	_ =	swait.ge [sflag:s28], $0x50  }
0x140: {  	[sflag:s28] =	ssyncset.done $0x0  }
0x141: {  	[sflag:s28] =	ssyncadd.s32 $0xFFFFFFB0  }
0x142: {  	_ =	swait.ge [sflag:s28], $0x50  }
0x143: {  	[sflag:s28] =	ssyncset.done $0x0  }
0x144: {  	[sflag:s28] =	ssyncadd.s32 $0xFFFFFFB0  }
0x145: {  	_ =	swait.ge [sflag:s28], $0x50  }
0x146: {  	[sflag:s28] =	ssyncset.done $0x0  }
0x147: {  	[sflag:s28] =	ssyncadd.s32 $0xFFFFFFB0  }
0x148: {  	_ =	swait.ge [sflag:s28], $0x50  }
0x149: {  	[sflag:s28] =	ssyncset.done $0x0  }
0x14a: {  	[sflag:s28] =	ssyncadd.s32 $0xFFFFFFB0  }
0x14b: {  	_ =	swait.ge [sflag:s28], $0x50  }
0x14c: {  	[sflag:s28] =	ssyncset.done $0x0  }
0x14d: {  	[sflag:s28] =	ssyncadd.s32 $0xFFFFFFB0  }
0x14e: {  	_ =	swait.ge [sflag:s28], $0x50  }
0x14f: {  	[sflag:s28] =	ssyncset.done $0x0  }
0x150: {  	[sflag:s28] =	ssyncadd.s32 $0xFFFFFFB0  }
0x151: {  	_ =	swait.ge [sflag:s28], $0x50  }
0x152: {  	[sflag:s28] =	ssyncset.done $0x0  }
0x153: {  	[sflag:s28] =	ssyncadd.s32 $0xFFFFFFB0  }
0x154: {  	_ =	swait.ge [sflag:s28], $0x50  }
0x155: {  	[sflag:s28] =	ssyncset.done $0x0  }
0x156: {  	[sflag:s28] =	ssyncadd.s32 $0xFFFFFFB0  }
0x157: {  	_ =	swait.ge [sflag:s28], $0x50  }
0x158: {  	[sflag:s28] =	ssyncset.done $0x0  }
0x159: {  	[sflag:s28] =	ssyncadd.s32 $0xFFFFFFB0  }
0x15a: {  	_ =	swait.ge [sflag:s28], $0x50  }
0x15b: {  	[sflag:s28] =	ssyncset.done $0x0  }
0x15c: {  	[sflag:s28] =	ssyncadd.s32 $0xFFFFFFB0  }
0x15d: {  	_ =	swait.ge [sflag:s28], $0x50  }
0x15e: {  	[sflag:s28] =	ssyncset.done $0x0  }
0x15f: {  	[sflag:s28] =	ssyncadd.s32 $0xFFFFFFB0  }
0x160: {  	_ =	swait.ge [sflag:s28], $0x50  }
0x161: {  	[sflag:s28] =	ssyncset.done $0x0  }
0x162: {  	[sflag:s28] =	ssyncadd.s32 $0xFFFFFFB0  }
0x163: {  	_ =	swait.ge [sflag:s28], $0x50  }
0x164: {  	[sflag:s28] =	ssyncset.done $0x0  }
0x165: {  	[sflag:s28] =	ssyncadd.s32 $0xFFFFFFB0  }
0x166: {  	_ =	swait.ge [sflag:s28], $0x50  }
0x167: {  	[sflag:s28] =	ssyncset.done $0x0  }
0x168: {  	[sflag:s28] =	ssyncadd.s32 $0xFFFFFFB0  }
0x169: {  	_ =	swait.ge [sflag:s28], $0x50  }
0x16a: {  	[sflag:s28] =	ssyncset.done $0x0  }
0x16b: {  	[sflag:s28] =	ssyncadd.s32 $0xFFFFFFB0  }
0x16c: {  	_ =	swait.ge [sflag:s28], $0x50  }
0x16d: {  	[sflag:s28] =	ssyncset.done $0x0  }
0x16e: {  	[sflag:s28] =	ssyncadd.s32 $0xFFFFFFB0  }
0x16f: {  	_ =	swait.ge [sflag:s28], $0x50  }
0x170: {  	[sflag:s28] =	ssyncset.done $0x0  }
0x171: {  	[sflag:s28] =	ssyncadd.s32 $0xFFFFFFB0  }
0x172: {  	_ =	swait.ge [sflag:s28], $0x50  }
0x173: {  	[sflag:s28] =	ssyncset.done $0x0  }
0x174: {  	[sflag:s28] =	ssyncadd.s32 $0xFFFFFFB0  }
0x175: {  	_ =	swait.ge [sflag:s28], $0x50  }
0x176: {  	[sflag:s28] =	ssyncset.done $0x0  }
0x177: {  	[sflag:s28] =	ssyncadd.s32 $0xFFFFFFB0  }
0x178: {  	_ =	swait.ge [sflag:s28], $0x50  }
0x179: {  	[sflag:s28] =	ssyncset.done $0x0  }
0x17a: {  	[sflag:s28] =	ssyncadd.s32 $0xFFFFFFB0  }
0x17b: {  	_ =	swait.ge [sflag:s28], $0x50  }
0x17c: {  	[sflag:s28] =	ssyncset.done $0x0  }
0x17d: {  	[sflag:s28] =	ssyncadd.s32 $0xFFFFFFB0  }
0x17e: {  	_ =	swait.ge [sflag:s28], $0x50  }
0x17f: {  	[sflag:s28] =	ssyncset.done $0x0  }
0x180: {  	[sflag:s28] =	ssyncadd.s32 $0xFFFFFFB0  }
0x181: {  	_ =	swait.ge [sflag:s28], $0x50  }
0x182: {  	[sflag:s28] =	ssyncset.done $0x0  }
0x183: {  	[sflag:s28] =	ssyncadd.s32 $0xFFFFFFB0  }
0x184: {  	_ =	swait.ge [sflag:s28], $0x50  }
0x185: {  	[sflag:s28] =	ssyncset.done $0x0  }
0x186: {  	[sflag:s28] =	ssyncadd.s32 $0xFFFFFFB0  }
0x187: {  	_ =	swait.ge [sflag:s28], $0x50  }
0x188: {  	[sflag:s28] =	ssyncset.done $0x0  }
0x189: {  	[sflag:s28] =	ssyncadd.s32 $0xFFFFFFB0  }
0x18a: {  	_ =	swait.ge [sflag:s28], $0x50  }
0x18b: {  	[sflag:s28] =	ssyncset.done $0x0  }
0x18c: {  	[sflag:s28] =	ssyncadd.s32 $0xFFFFFFB0  }
0x18d: {  	_ =	swait.ge [sflag:s28], $0x50  }
0x18e: {  	[sflag:s28] =	ssyncset.done $0x0  }
0x18f: {  	[sflag:s28] =	ssyncadd.s32 $0xFFFFFFB0  }
0x190: {  	_ =	swait.ge [sflag:s28], $0x50  }
0x191: {  	[sflag:s28] =	ssyncset.done $0x0  }
0x192: {  	[sflag:s28] =	ssyncadd.s32 $0xFFFFFFB0  }
0x193: {  	_ =	swait.ge [sflag:s28], $0x50  }
0x194: {  	[sflag:s28] =	ssyncset.done $0x0  }
0x195: {  	[sflag:s28] =	ssyncadd.s32 $0xFFFFFFB0  }
0x196: {  	_ =	swait.ge [sflag:s28], $0x50  }
0x197: {  	[sflag:s28] =	ssyncset.done $0x0  }
0x198: {  	[sflag:s28] =	ssyncadd.s32 $0xFFFFFFB0  }
0x199: {  	_ =	swait.ge [sflag:s28], $0x50  }
0x19a: {  	[sflag:s28] =	ssyncset.done $0x0  }
0x19b: {  	[sflag:s28] =	ssyncadd.s32 $0xFFFFFFB0  }
0x19c: {  	_ =	swait.ge [sflag:s28], $0x50  }
0x19d: {  	[sflag:s28] =	ssyncset.done $0x0  }
0x19e: {  	s31 =	simm.s32 $0x0;
	[sflag:s28] =	ssyncadd.s32 $0xFFFFFFB0  }
0x19f: {  	[tilespmem:s24], [sflag:$0x3] =	stream.linear.gather [hbm4b:s13+s31], $0x1000, $0x38;
	[tilespmem:$0x1D480] =	vst v63  }
0x1a0: {  	_ =	swait.ge [sflag:s20], $0x1000  }
0x1a1: {  	[sflag:s20] =	ssyncset.done $0x0  }
0x1a2: {  	[sflag:s20] =	ssyncadd.s32 $0xFFFFF000  }
0x1a3: {  	[tilespmem:s25], [sflag:$0x3] =	stream.linear.gather [hbm4b:s14+s31], $0x1000, $0x38;
	[tilespmem:$0x1D480] =	vst v63  }
0x1a4: {  	_ =	swait.ge [sflag:s20], $0x1000  }
0x1a5: {  	[sflag:s20] =	ssyncset.done $0x0  }
0x1a6: {  	s1 =	simm.s32 $0x0;
	[sflag:s20] =	ssyncadd.s32 $0xFFFFF000  }
0x1a7: {  	v0 =	vld [tilespmem:s1+$0xFC80]  }
0x1a8: {  	v1 =	vld [tilespmem:s1+$0x10C80];
	_ =	sdelay $0x6  }
0x1a9: {  	v2 =	vld.idx.msk [tilespmem:v0+s23+$0x0], $0xffff  }
0x1aa: {  	v3 =	vld.idx.msk [tilespmem:v1+s22+$0x0], $0xffff;
	_ =	sdelay $0x4  }
0x1ab: {  	v2 =	vmul.f32 v3, v2  }
0x1ac: {  	v3 =	vld [tilespmem:s1+$0x10C90]  }
0x1ad: {  	[tilespmem:s1+$0x1A480] =	vst v2;
	v2 =	vld [tilespmem:s1+$0xFC90]  }
0x1ae: {  	v1 =	vld.idx.msk [tilespmem:v1+s21+$0x0], $0xffff;
	_ =	sdelay $0x4  }
0x1af: {  	v0 =	vadd.s32 v0, v1  }
0x1b0: {  	[tilespmem:s1+$0x19480] =	vst v0  }
0x1b1: {  	v0 =	vld.idx.msk [tilespmem:v2+s23+$0x0], $0xffff  }
0x1b2: {  	v1 =	vld.idx.msk [tilespmem:v3+s22+$0x0], $0xffff;
	_ =	sdelay $0x4  }
0x1b3: {  	v0 =	vmul.f32 v1, v0;
	_ =	sdelay $0x1  }
0x1b4: {  	[tilespmem:s1+$0x1A490] =	vst v0;
	v0 =	vld [tilespmem:s1+$0xFCA0]  }
0x1b5: {  	v1 =	vld.idx.msk [tilespmem:v3+s21+$0x0], $0xffff  }
0x1b6: {  	v3 =	vld [tilespmem:s1+$0x10CA0];
	_ =	sdelay $0x4  }
0x1b7: {  	v1 =	vadd.s32 v2, v1  }
0x1b8: {  	[tilespmem:s1+$0x19490] =	vst v1  }
0x1b9: {  	v1 =	vld.idx.msk [tilespmem:v0+s23+$0x0], $0xffff  }
0x1ba: {  	v2 =	vld.idx.msk [tilespmem:v3+s22+$0x0], $0xffff;
	_ =	sdelay $0x4  }
0x1bb: {  	v1 =	vmul.f32 v2, v1;
	_ =	sdelay $0x1  }
0x1bc: {  	[tilespmem:s1+$0x1A4A0] =	vst v1;
	v1 =	vld [tilespmem:s1+$0xFCB0]  }
0x1bd: {  	v2 =	vld.idx.msk [tilespmem:v3+s21+$0x0], $0xffff  }
0x1be: {  	v3 =	vld [tilespmem:s1+$0x10CB0];
	_ =	sdelay $0x4  }
0x1bf: {  	v0 =	vadd.s32 v0, v2  }
0x1c0: {  	[tilespmem:s1+$0x194A0] =	vst v0  }
0x1c1: {  	v0 =	vld.idx.msk [tilespmem:v1+s23+$0x0], $0xffff  }
0x1c2: {  	v2 =	vld.idx.msk [tilespmem:v3+s22+$0x0], $0xffff;
	_ =	sdelay $0x4  }
0x1c3: {  	v0 =	vmul.f32 v2, v0;
	_ =	sdelay $0x1  }
0x1c4: {  	[tilespmem:s1+$0x1A4B0] =	vst v0;
	v0 =	vld [tilespmem:s1+$0xFCC0]  }
0x1c5: {  	v2 =	vld.idx.msk [tilespmem:v3+s21+$0x0], $0xffff  }
0x1c6: {  	v3 =	vld [tilespmem:s1+$0x10CC0];
	_ =	sdelay $0x4  }
0x1c7: {  	v1 =	vadd.s32 v1, v2  }
0x1c8: {  	[tilespmem:s1+$0x194B0] =	vst v1  }
0x1c9: {  	v1 =	vld.idx.msk [tilespmem:v0+s23+$0x0], $0xffff  }
0x1ca: {  	v2 =	vld.idx.msk [tilespmem:v3+s22+$0x0], $0xffff;
	_ =	sdelay $0x4  }
0x1cb: {  	s5 =	simm.s32 $0x80;
	v4 =	vmul.f32 v2, v1  }
0x1cc: {  	v2 =	vld [tilespmem:s5+$0x10C80]  }
0x1cd: {  	s3 =	simm.s32 $0x200;
	s30 =	simm.s32 $0x400;
	v1 =	vld [tilespmem:s5+$0xFC80];
	[tilespmem:s1+$0x1A4C0] =	vst v4  }
.LBB2_10:
0x1ce: {  	p0 =	sne.s32 s30, $0x3E00;
	v3 =	vld.idx.msk [tilespmem:v3+s21+$0x0], $0xffff;
	s31 =	smov.u32 s30;
	s30 =	sadd.s32 $0x200, s30  }
0x1cf: {  	_ =	sdelay $0x4  }
0x1d0: {  	v0 =	vadd.s32 v0, v3  }
0x1d1: {  	[tilespmem:s1+$0x194C0] =	vst v0;
	s1 =	smov.u32 s5  }
0x1d2: {  	v0 =	vld.idx.msk [tilespmem:v1+s23+$0x0], $0xffff  }
0x1d3: {  	v3 =	vld.idx.msk [tilespmem:v2+s22+$0x0], $0xffff;
	_ =	sdelay $0x5  }
0x1d4: {  	v0 =	vmul.f32 v3, v0;
	_ =	sdelay $0x1  }
0x1d5: {  	[tilespmem:s1+$0x1A480] =	vst v0;
	v0 =	vld [tilespmem:s1+$0xFC90]  }
0x1d6: {  	v2 =	vld.idx.msk [tilespmem:v2+s21+$0x0], $0xffff  }
0x1d7: {  	v3 =	vld [tilespmem:s1+$0x10C90];
	_ =	sdelay $0x4  }
0x1d8: {  	v1 =	vadd.s32 v1, v2  }
0x1d9: {  	[tilespmem:s1+$0x19480] =	vst v1  }
0x1da: {  	v1 =	vld.idx.msk [tilespmem:v0+s23+$0x0], $0xffff  }
0x1db: {  	v2 =	vld.idx.msk [tilespmem:v3+s22+$0x0], $0xffff;
	_ =	sdelay $0x5  }
0x1dc: {  	v1 =	vmul.f32 v2, v1;
	_ =	sdelay $0x1  }
0x1dd: {  	[tilespmem:s1+$0x1A490] =	vst v1;
	v1 =	vld [tilespmem:s1+$0xFCA0]  }
0x1de: {  	v2 =	vld.idx.msk [tilespmem:v3+s21+$0x0], $0xffff  }
0x1df: {  	v3 =	vld [tilespmem:s1+$0x10CA0];
	_ =	sdelay $0x4  }
0x1e0: {  	v0 =	vadd.s32 v0, v2  }
0x1e1: {  	[tilespmem:s1+$0x19490] =	vst v0  }
0x1e2: {  	v0 =	vld.idx.msk [tilespmem:v1+s23+$0x0], $0xffff  }
0x1e3: {  	v2 =	vld.idx.msk [tilespmem:v3+s22+$0x0], $0xffff;
	_ =	sdelay $0x5  }
0x1e4: {  	v0 =	vmul.f32 v2, v0;
	_ =	sdelay $0x1  }
0x1e5: {  	[tilespmem:s1+$0x1A4A0] =	vst v0;
	v2 =	vld [tilespmem:s1+$0xFCB0]  }
0x1e6: {  	v0 =	vld.idx.msk [tilespmem:v3+s21+$0x0], $0xffff  }
0x1e7: {  	v3 =	vld [tilespmem:s1+$0x10CB0];
	_ =	sdelay $0x4  }
0x1e8: {  	v0 =	vadd.s32 v1, v0  }
0x1e9: {  	[tilespmem:s1+$0x194A0] =	vst v0  }
0x1ea: {  	v0 =	vld.idx.msk [tilespmem:v2+s23+$0x0], $0xffff  }
0x1eb: {  	v1 =	vld.idx.msk [tilespmem:v3+s22+$0x0], $0xffff;
	_ =	sdelay $0x5  }
0x1ec: {  	v0 =	vmul.f32 v1, v0;
	_ =	sdelay $0x1  }
0x1ed: {  	[tilespmem:s1+$0x1A4B0] =	vst v0;
	v0 =	vld [tilespmem:s1+$0xFCC0]  }
0x1ee: {  	v1 =	vld.idx.msk [tilespmem:v3+s21+$0x0], $0xffff  }
0x1ef: {  	v3 =	vld [tilespmem:s1+$0x10CC0];
	_ =	sdelay $0x4  }
0x1f0: {  	v1 =	vadd.s32 v2, v1  }
0x1f1: {  	[tilespmem:s1+$0x194B0] =	vst v1  }
0x1f2: {  	v1 =	vld.idx.msk [tilespmem:v0+s23+$0x0], $0xffff  }
0x1f3: {  	v2 =	vld.idx.msk [tilespmem:v3+s22+$0x0], $0xffff;
	_ =	sdelay $0x3  }
.Ltmp4:
0x1f4: {  	(pc) =	sbr.rel @p0 .LBB2_10-.Ltmp4, $4  }
0x1f5: {  	_ = 	snop  }
0x1f6: {  	s5 =	sshra.s32 s31, $0x2;
	v4 =	vmul.f32 v2, v1  }
0x1f7: {  	v2 =	vld [tilespmem:s5+$0x10C80]  }
0x1f8: {  	v1 =	vld [tilespmem:s5+$0xFC80];
	[tilespmem:s1+$0x1A4C0] =	vst v4  }
0x1f9: {  	_ =	sdelay $0x3  }
0x1fa: {  	v3 =	vld.idx.msk [tilespmem:v3+s21+$0x0], $0xffff;
	_ =	sdelay $0x4  }
0x1fb: {  	v0 =	vadd.s32 v0, v3  }
0x1fc: {  	[tilespmem:s1+$0x194C0] =	vst v0  }
0x1fd: {  	v0 =	vld.idx.msk [tilespmem:v1+s23+$0x0], $0xffff  }
0x1fe: {  	v46 =	vld.idx.msk [tilespmem:v2+s22+$0x0], $0xffff;
	_ =	sdelay $0x4  }
0x1ff: {  	v0 =	vmul.f32 v46, v0  }
0x200: {  	v47 =	vld [tilespmem:s5+$0xFC90]  }
0x201: {  	v49 =	vld [tilespmem:s5+$0x10C90];
	[tilespmem:s5+$0x1A480] =	vst v0  }
0x202: {  	v48 =	vld.idx.msk [tilespmem:v2+s21+$0x0], $0xffff;
	_ =	sdelay $0x4  }
0x203: {  	v50 =	vadd.s32 v1, v48  }
0x204: {  	[tilespmem:s5+$0x19480] =	vst v50  }
0x205: {  	v1 =	vld.idx.msk [tilespmem:v47+s23+$0x0], $0xffff  }
0x206: {  	v51 =	vld.idx.msk [tilespmem:v49+s22+$0x0], $0xffff;
	_ =	sdelay $0x4  }
0x207: {  	v1 =	vmul.f32 v51, v1  }
0x208: {  	v52 =	vld [tilespmem:s5+$0xFCA0]  }
0x209: {  	v54 =	vld [tilespmem:s5+$0x10CA0];
	[tilespmem:s5+$0x1A490] =	vst v1  }
0x20a: {  	v53 =	vld.idx.msk [tilespmem:v49+s21+$0x0], $0xffff;
	_ =	sdelay $0x4  }
0x20b: {  	v0 =	vadd.s32 v47, v53  }
0x20c: {  	[tilespmem:s5+$0x19490] =	vst v0  }
0x20d: {  	v0 =	vld.idx.msk [tilespmem:v52+s23+$0x0], $0xffff  }
0x20e: {  	v55 =	vld.idx.msk [tilespmem:v54+s22+$0x0], $0xffff;
	_ =	sdelay $0x4  }
0x20f: {  	v0 =	vmul.f32 v55, v0  }
0x210: {  	v56 =	vld [tilespmem:s5+$0xFCB0]  }
0x211: {  	v58 =	vld [tilespmem:s5+$0x10CB0];
	[tilespmem:s5+$0x1A4A0] =	vst v0  }
0x212: {  	v57 =	vld.idx.msk [tilespmem:v54+s21+$0x0], $0xffff;
	_ =	sdelay $0x4  }
0x213: {  	v1 =	vadd.s32 v52, v57  }
0x214: {  	[tilespmem:s5+$0x194A0] =	vst v1  }
0x215: {  	v1 =	vld.idx.msk [tilespmem:v56+s23+$0x0], $0xffff  }
0x216: {  	v59 =	vld.idx.msk [tilespmem:v58+s22+$0x0], $0xffff;
	_ =	sdelay $0x4  }
0x217: {  	v1 =	vmul.f32 v59, v1  }
0x218: {  	v60 =	vld [tilespmem:s5+$0xFCC0]  }
0x219: {  	v62 =	vld [tilespmem:s5+$0x10CC0];
	[tilespmem:s5+$0x1A4B0] =	vst v1  }
0x21a: {  	v61 =	vld.idx.msk [tilespmem:v58+s21+$0x0], $0xffff;
	_ =	sdelay $0x4  }
0x21b: {  	v0 =	vadd.s32 v56, v61  }
0x21c: {  	[tilespmem:s5+$0x194B0] =	vst v0  }
0x21d: {  	v0 =	vld.idx.msk [tilespmem:v60+s23+$0x0], $0xffff  }
0x21e: {  	v63 =	vld.idx.msk [tilespmem:v62+s22+$0x0], $0xffff;
	_ =	sdelay $0x4  }
0x21f: {  	v0 =	vmul.f32 v63, v0;
	_ =	sdelay $0x1  }
0x220: {  	[tilespmem:s5+$0x1A4C0] =	vst v0  }
0x221: {  	v0 =	vld.idx.msk [tilespmem:v62+s21+$0x0], $0xffff;
	_ =	sdelay $0x4  }
0x222: {  	v0 =	vadd.s32 v60, v0  }
0x223: {  	s1 =	simm.s32 $0x1A480;
	[tilespmem:s5+$0x194C0] =	vst v0;
	s5 =	simm.s32 $0x19480  }
.LBB2_12:
0x224: {  	[spmem:s2] =	stream.indirect.scatter.add.f32 [tilespmem:s1], [sflag:$0x1], $0x1, s5, s26, $0xb8;
	[tilespmem:$0x1D480] =	vst v63  }
0x225: {  	s1 =	smov.u32 s3;
	p0 =	sne.s32 s3, $0x3E00  }
.Ltmp5:
0x226: {  	s3 =	sadd.s32 $0x200, s3;
	(pc) =	sbr.rel @p0 .LBB2_12-.Ltmp5, $3  }
0x227: {  	_ =	sdelay $0x1  }
0x228: {  	s5 =	sshra.s32 s1, $0x2  }
0x229: {  	s1 =	sadd.s32 $0x1A480, s5;
	s5 =	sadd.s32 $0x19480, s5  }
0x22a: {  	[spmem:s2] =	stream.indirect.scatter.add.f32 [tilespmem:s1], [sflag:$0x1], $0x1, s5, s26, $0xb8;
	[tilespmem:$0x1D480] =	vst v63  }
0x22b: {  	_ =	swait.ge [sflag:s29], $0x50  }
0x22c: {  	[sflag:s29] =	ssyncset.done $0x0  }
0x22d: {  	[sflag:s29] =	ssyncadd.s32 $0xFFFFFFB0  }
0x22e: {  	_ =	swait.ge [sflag:s29], $0x50  }
0x22f: {  	[sflag:s29] =	ssyncset.done $0x0  }
0x230: {  	[sflag:s29] =	ssyncadd.s32 $0xFFFFFFB0  }
0x231: {  	_ =	swait.ge [sflag:s29], $0x50  }
0x232: {  	[sflag:s29] =	ssyncset.done $0x0  }
0x233: {  	[sflag:s29] =	ssyncadd.s32 $0xFFFFFFB0  }
0x234: {  	_ =	swait.ge [sflag:s29], $0x50  }
0x235: {  	[sflag:s29] =	ssyncset.done $0x0  }
0x236: {  	[sflag:s29] =	ssyncadd.s32 $0xFFFFFFB0  }
0x237: {  	_ =	swait.ge [sflag:s29], $0x50  }
0x238: {  	[sflag:s29] =	ssyncset.done $0x0  }
0x239: {  	[sflag:s29] =	ssyncadd.s32 $0xFFFFFFB0  }
0x23a: {  	_ =	swait.ge [sflag:s29], $0x50  }
0x23b: {  	[sflag:s29] =	ssyncset.done $0x0  }
0x23c: {  	[sflag:s29] =	ssyncadd.s32 $0xFFFFFFB0  }
0x23d: {  	_ =	swait.ge [sflag:s29], $0x50  }
0x23e: {  	[sflag:s29] =	ssyncset.done $0x0  }
0x23f: {  	[sflag:s29] =	ssyncadd.s32 $0xFFFFFFB0  }
0x240: {  	_ =	swait.ge [sflag:s29], $0x50  }
0x241: {  	[sflag:s29] =	ssyncset.done $0x0  }
0x242: {  	[sflag:s29] =	ssyncadd.s32 $0xFFFFFFB0  }
0x243: {  	_ =	swait.ge [sflag:s29], $0x50  }
0x244: {  	[sflag:s29] =	ssyncset.done $0x0  }
0x245: {  	[sflag:s29] =	ssyncadd.s32 $0xFFFFFFB0  }
0x246: {  	_ =	swait.ge [sflag:s29], $0x50  }
0x247: {  	[sflag:s29] =	ssyncset.done $0x0  }
0x248: {  	[sflag:s29] =	ssyncadd.s32 $0xFFFFFFB0  }
0x249: {  	_ =	swait.ge [sflag:s29], $0x50  }
0x24a: {  	[sflag:s29] =	ssyncset.done $0x0  }
0x24b: {  	[sflag:s29] =	ssyncadd.s32 $0xFFFFFFB0  }
0x24c: {  	_ =	swait.ge [sflag:s29], $0x50  }
0x24d: {  	[sflag:s29] =	ssyncset.done $0x0  }
0x24e: {  	[sflag:s29] =	ssyncadd.s32 $0xFFFFFFB0  }
0x24f: {  	_ =	swait.ge [sflag:s29], $0x50  }
0x250: {  	[sflag:s29] =	ssyncset.done $0x0  }
0x251: {  	[sflag:s29] =	ssyncadd.s32 $0xFFFFFFB0  }
0x252: {  	_ =	swait.ge [sflag:s29], $0x50  }
0x253: {  	[sflag:s29] =	ssyncset.done $0x0  }
0x254: {  	[sflag:s29] =	ssyncadd.s32 $0xFFFFFFB0  }
0x255: {  	_ =	swait.ge [sflag:s29], $0x50  }
0x256: {  	[sflag:s29] =	ssyncset.done $0x0  }
0x257: {  	[sflag:s29] =	ssyncadd.s32 $0xFFFFFFB0  }
0x258: {  	_ =	swait.ge [sflag:s29], $0x50  }
0x259: {  	[sflag:s29] =	ssyncset.done $0x0  }
0x25a: {  	[sflag:s29] =	ssyncadd.s32 $0xFFFFFFB0  }
0x25b: {  	_ =	swait.ge [sflag:s29], $0x50  }
0x25c: {  	[sflag:s29] =	ssyncset.done $0x0  }
0x25d: {  	[sflag:s29] =	ssyncadd.s32 $0xFFFFFFB0  }
0x25e: {  	_ =	swait.ge [sflag:s29], $0x50  }
0x25f: {  	[sflag:s29] =	ssyncset.done $0x0  }
0x260: {  	[sflag:s29] =	ssyncadd.s32 $0xFFFFFFB0  }
0x261: {  	_ =	swait.ge [sflag:s29], $0x50  }
0x262: {  	[sflag:s29] =	ssyncset.done $0x0  }
0x263: {  	[sflag:s29] =	ssyncadd.s32 $0xFFFFFFB0  }
0x264: {  	_ =	swait.ge [sflag:s29], $0x50  }
0x265: {  	[sflag:s29] =	ssyncset.done $0x0  }
0x266: {  	[sflag:s29] =	ssyncadd.s32 $0xFFFFFFB0  }
0x267: {  	_ =	swait.ge [sflag:s29], $0x50  }
0x268: {  	[sflag:s29] =	ssyncset.done $0x0  }
0x269: {  	[sflag:s29] =	ssyncadd.s32 $0xFFFFFFB0  }
0x26a: {  	_ =	swait.ge [sflag:s29], $0x50  }
0x26b: {  	[sflag:s29] =	ssyncset.done $0x0  }
0x26c: {  	[sflag:s29] =	ssyncadd.s32 $0xFFFFFFB0  }
0x26d: {  	_ =	swait.ge [sflag:s29], $0x50  }
0x26e: {  	[sflag:s29] =	ssyncset.done $0x0  }
0x26f: {  	[sflag:s29] =	ssyncadd.s32 $0xFFFFFFB0  }
0x270: {  	_ =	swait.ge [sflag:s29], $0x50  }
0x271: {  	[sflag:s29] =	ssyncset.done $0x0  }
0x272: {  	[sflag:s29] =	ssyncadd.s32 $0xFFFFFFB0  }
0x273: {  	_ =	swait.ge [sflag:s29], $0x50  }
0x274: {  	[sflag:s29] =	ssyncset.done $0x0  }
0x275: {  	[sflag:s29] =	ssyncadd.s32 $0xFFFFFFB0  }
0x276: {  	_ =	swait.ge [sflag:s29], $0x50  }
0x277: {  	[sflag:s29] =	ssyncset.done $0x0  }
0x278: {  	[sflag:s29] =	ssyncadd.s32 $0xFFFFFFB0  }
0x279: {  	_ =	swait.ge [sflag:s29], $0x50  }
0x27a: {  	[sflag:s29] =	ssyncset.done $0x0  }
0x27b: {  	[sflag:s29] =	ssyncadd.s32 $0xFFFFFFB0  }
0x27c: {  	_ =	swait.ge [sflag:s29], $0x50  }
0x27d: {  	[sflag:s29] =	ssyncset.done $0x0  }
0x27e: {  	[sflag:s29] =	ssyncadd.s32 $0xFFFFFFB0  }
0x27f: {  	_ =	swait.ge [sflag:s29], $0x50  }
0x280: {  	[sflag:s29] =	ssyncset.done $0x0  }
0x281: {  	[sflag:s29] =	ssyncadd.s32 $0xFFFFFFB0  }
0x282: {  	_ =	swait.ge [sflag:s29], $0x50  }
0x283: {  	[sflag:s29] =	ssyncset.done $0x0  }
0x284: {  	[sflag:s29] =	ssyncadd.s32 $0xFFFFFFB0  }
0x285: {  	_ =	swait.ge [sflag:s29], $0x50  }
0x286: {  	[sflag:s29] =	ssyncset.done $0x0  }
0x287: {  	[sflag:s29] =	ssyncadd.s32 $0xFFFFFFB0  }
0x288: {  	_ =	swait.ge [sflag:s29], $0x50  }
0x289: {  	[sflag:s29] =	ssyncset.done $0x0  }
0x28a: {  	s31 =	simm.s32 $0x0;
	[sflag:s29] =	ssyncadd.s32 $0xFFFFFFB0  }
0x28b: {  	[tilespmem:s24], [sflag:$0x3] =	stream.linear.gather [hbm4b:s15+s31], $0x1000, $0x38;
	[tilespmem:$0x1D480] =	vst v63  }
0x28c: {  	_ =	swait.ge [sflag:s20], $0x1000  }
0x28d: {  	[sflag:s20] =	ssyncset.done $0x0  }
0x28e: {  	[sflag:s20] =	ssyncadd.s32 $0xFFFFF000  }
0x28f: {  	[tilespmem:s25], [sflag:$0x3] =	stream.linear.gather [hbm4b:s16+s31], $0x1000, $0x38;
	[tilespmem:$0x1D480] =	vst v63  }
0x290: {  	_ =	swait.ge [sflag:s20], $0x1000  }
0x291: {  	[sflag:s20] =	ssyncset.done $0x0  }
0x292: {  	s1 =	simm.s32 $0x0;
	[sflag:s20] =	ssyncadd.s32 $0xFFFFF000  }
0x293: {  	v0 =	vld [tilespmem:s1+$0xFC80]  }
0x294: {  	v1 =	vld [tilespmem:s1+$0x10C80];
	_ =	sdelay $0x6  }
0x295: {  	v2 =	vld.idx.msk [tilespmem:v0+s23+$0x0], $0xffff  }
0x296: {  	v3 =	vld.idx.msk [tilespmem:v1+s22+$0x0], $0xffff;
	_ =	sdelay $0x4  }
0x297: {  	v2 =	vmul.f32 v3, v2  }
0x298: {  	v3 =	vld [tilespmem:s1+$0x10C90]  }
0x299: {  	[tilespmem:s1+$0x1C480] =	vst v2;
	v2 =	vld [tilespmem:s1+$0xFC90]  }
0x29a: {  	v1 =	vld.idx.msk [tilespmem:v1+s21+$0x0], $0xffff;
	_ =	sdelay $0x4  }
0x29b: {  	v0 =	vadd.s32 v0, v1  }
0x29c: {  	[tilespmem:s1+$0x1B480] =	vst v0  }
0x29d: {  	v0 =	vld.idx.msk [tilespmem:v2+s23+$0x0], $0xffff  }
0x29e: {  	v1 =	vld.idx.msk [tilespmem:v3+s22+$0x0], $0xffff;
	_ =	sdelay $0x4  }
0x29f: {  	v0 =	vmul.f32 v1, v0;
	_ =	sdelay $0x1  }
0x2a0: {  	[tilespmem:s1+$0x1C490] =	vst v0;
	v0 =	vld [tilespmem:s1+$0xFCA0]  }
0x2a1: {  	v1 =	vld.idx.msk [tilespmem:v3+s21+$0x0], $0xffff  }
0x2a2: {  	v3 =	vld [tilespmem:s1+$0x10CA0];
	_ =	sdelay $0x4  }
0x2a3: {  	v1 =	vadd.s32 v2, v1  }
0x2a4: {  	[tilespmem:s1+$0x1B490] =	vst v1  }
0x2a5: {  	v1 =	vld.idx.msk [tilespmem:v0+s23+$0x0], $0xffff  }
0x2a6: {  	v2 =	vld.idx.msk [tilespmem:v3+s22+$0x0], $0xffff;
	_ =	sdelay $0x4  }
0x2a7: {  	v1 =	vmul.f32 v2, v1;
	_ =	sdelay $0x1  }
0x2a8: {  	[tilespmem:s1+$0x1C4A0] =	vst v1;
	v1 =	vld [tilespmem:s1+$0xFCB0]  }
0x2a9: {  	v2 =	vld.idx.msk [tilespmem:v3+s21+$0x0], $0xffff  }
0x2aa: {  	v3 =	vld [tilespmem:s1+$0x10CB0];
	_ =	sdelay $0x4  }
0x2ab: {  	v0 =	vadd.s32 v0, v2  }
0x2ac: {  	[tilespmem:s1+$0x1B4A0] =	vst v0  }
0x2ad: {  	v0 =	vld.idx.msk [tilespmem:v1+s23+$0x0], $0xffff  }
0x2ae: {  	v2 =	vld.idx.msk [tilespmem:v3+s22+$0x0], $0xffff;
	_ =	sdelay $0x4  }
0x2af: {  	v0 =	vmul.f32 v2, v0;
	_ =	sdelay $0x1  }
0x2b0: {  	[tilespmem:s1+$0x1C4B0] =	vst v0;
	v0 =	vld [tilespmem:s1+$0xFCC0]  }
0x2b1: {  	v2 =	vld.idx.msk [tilespmem:v3+s21+$0x0], $0xffff  }
0x2b2: {  	v3 =	vld [tilespmem:s1+$0x10CC0];
	_ =	sdelay $0x4  }
0x2b3: {  	v1 =	vadd.s32 v1, v2  }
0x2b4: {  	[tilespmem:s1+$0x1B4B0] =	vst v1  }
0x2b5: {  	v1 =	vld.idx.msk [tilespmem:v0+s23+$0x0], $0xffff  }
0x2b6: {  	v2 =	vld.idx.msk [tilespmem:v3+s22+$0x0], $0xffff;
	_ =	sdelay $0x4  }
0x2b7: {  	s5 =	simm.s32 $0x80;
	v4 =	vmul.f32 v2, v1  }
0x2b8: {  	v2 =	vld [tilespmem:s5+$0x10C80]  }
0x2b9: {  	s3 =	simm.s32 $0x200;
	s30 =	simm.s32 $0x400;
	v1 =	vld [tilespmem:s5+$0xFC80];
	[tilespmem:s1+$0x1C4C0] =	vst v4  }
.LBB2_14:
0x2ba: {  	p0 =	sne.s32 s30, $0x3E00;
	v3 =	vld.idx.msk [tilespmem:v3+s21+$0x0], $0xffff;
	s31 =	smov.u32 s30;
	s30 =	sadd.s32 $0x200, s30  }
0x2bb: {  	_ =	sdelay $0x4  }
0x2bc: {  	v0 =	vadd.s32 v0, v3  }
0x2bd: {  	[tilespmem:s1+$0x1B4C0] =	vst v0;
	s1 =	smov.u32 s5  }
0x2be: {  	v0 =	vld.idx.msk [tilespmem:v1+s23+$0x0], $0xffff  }
0x2bf: {  	v3 =	vld.idx.msk [tilespmem:v2+s22+$0x0], $0xffff;
	_ =	sdelay $0x5  }
0x2c0: {  	v0 =	vmul.f32 v3, v0;
	_ =	sdelay $0x1  }
0x2c1: {  	[tilespmem:s1+$0x1C480] =	vst v0;
	v0 =	vld [tilespmem:s1+$0xFC90]  }
0x2c2: {  	v2 =	vld.idx.msk [tilespmem:v2+s21+$0x0], $0xffff  }
0x2c3: {  	v3 =	vld [tilespmem:s1+$0x10C90];
	_ =	sdelay $0x4  }
0x2c4: {  	v1 =	vadd.s32 v1, v2  }
0x2c5: {  	[tilespmem:s1+$0x1B480] =	vst v1  }
0x2c6: {  	v1 =	vld.idx.msk [tilespmem:v0+s23+$0x0], $0xffff  }
0x2c7: {  	v2 =	vld.idx.msk [tilespmem:v3+s22+$0x0], $0xffff;
	_ =	sdelay $0x5  }
0x2c8: {  	v1 =	vmul.f32 v2, v1;
	_ =	sdelay $0x1  }
0x2c9: {  	[tilespmem:s1+$0x1C490] =	vst v1;
	v1 =	vld [tilespmem:s1+$0xFCA0]  }
0x2ca: {  	v2 =	vld.idx.msk [tilespmem:v3+s21+$0x0], $0xffff  }
0x2cb: {  	v3 =	vld [tilespmem:s1+$0x10CA0];
	_ =	sdelay $0x4  }
0x2cc: {  	v0 =	vadd.s32 v0, v2  }
0x2cd: {  	[tilespmem:s1+$0x1B490] =	vst v0  }
0x2ce: {  	v0 =	vld.idx.msk [tilespmem:v1+s23+$0x0], $0xffff  }
0x2cf: {  	v2 =	vld.idx.msk [tilespmem:v3+s22+$0x0], $0xffff;
	_ =	sdelay $0x5  }
0x2d0: {  	v0 =	vmul.f32 v2, v0;
	_ =	sdelay $0x1  }
0x2d1: {  	[tilespmem:s1+$0x1C4A0] =	vst v0;
	v2 =	vld [tilespmem:s1+$0xFCB0]  }
0x2d2: {  	v0 =	vld.idx.msk [tilespmem:v3+s21+$0x0], $0xffff  }
0x2d3: {  	v3 =	vld [tilespmem:s1+$0x10CB0];
	_ =	sdelay $0x4  }
0x2d4: {  	v0 =	vadd.s32 v1, v0  }
0x2d5: {  	[tilespmem:s1+$0x1B4A0] =	vst v0  }
0x2d6: {  	v0 =	vld.idx.msk [tilespmem:v2+s23+$0x0], $0xffff  }
0x2d7: {  	v1 =	vld.idx.msk [tilespmem:v3+s22+$0x0], $0xffff;
	_ =	sdelay $0x5  }
0x2d8: {  	v0 =	vmul.f32 v1, v0;
	_ =	sdelay $0x1  }
0x2d9: {  	[tilespmem:s1+$0x1C4B0] =	vst v0;
	v0 =	vld [tilespmem:s1+$0xFCC0]  }
0x2da: {  	v1 =	vld.idx.msk [tilespmem:v3+s21+$0x0], $0xffff  }
0x2db: {  	v3 =	vld [tilespmem:s1+$0x10CC0];
	_ =	sdelay $0x4  }
0x2dc: {  	v1 =	vadd.s32 v2, v1  }
0x2dd: {  	[tilespmem:s1+$0x1B4B0] =	vst v1  }
0x2de: {  	v1 =	vld.idx.msk [tilespmem:v0+s23+$0x0], $0xffff  }
0x2df: {  	v2 =	vld.idx.msk [tilespmem:v3+s22+$0x0], $0xffff;
	_ =	sdelay $0x3  }
.Ltmp6:
0x2e0: {  	(pc) =	sbr.rel @p0 .LBB2_14-.Ltmp6, $4  }
0x2e1: {  	_ = 	snop  }
0x2e2: {  	s5 =	sshra.s32 s31, $0x2;
	v4 =	vmul.f32 v2, v1  }
0x2e3: {  	v2 =	vld [tilespmem:s5+$0x10C80]  }
0x2e4: {  	v1 =	vld [tilespmem:s5+$0xFC80];
	[tilespmem:s1+$0x1C4C0] =	vst v4  }
0x2e5: {  	_ =	sdelay $0x3  }
0x2e6: {  	v3 =	vld.idx.msk [tilespmem:v3+s21+$0x0], $0xffff;
	_ =	sdelay $0x4  }
0x2e7: {  	v0 =	vadd.s32 v0, v3  }
0x2e8: {  	[tilespmem:s1+$0x1B4C0] =	vst v0  }
0x2e9: {  	v0 =	vld.idx.msk [tilespmem:v1+s23+$0x0], $0xffff  }
0x2ea: {  	v46 =	vld.idx.msk [tilespmem:v2+s22+$0x0], $0xffff;
	_ =	sdelay $0x4  }
0x2eb: {  	v0 =	vmul.f32 v46, v0  }
0x2ec: {  	v47 =	vld [tilespmem:s5+$0xFC90]  }
0x2ed: {  	v49 =	vld [tilespmem:s5+$0x10C90];
	[tilespmem:s5+$0x1C480] =	vst v0  }
0x2ee: {  	v48 =	vld.idx.msk [tilespmem:v2+s21+$0x0], $0xffff;
	_ =	sdelay $0x4  }
0x2ef: {  	v50 =	vadd.s32 v1, v48  }
0x2f0: {  	[tilespmem:s5+$0x1B480] =	vst v50  }
0x2f1: {  	v1 =	vld.idx.msk [tilespmem:v47+s23+$0x0], $0xffff  }
0x2f2: {  	v51 =	vld.idx.msk [tilespmem:v49+s22+$0x0], $0xffff;
	_ =	sdelay $0x4  }
0x2f3: {  	v1 =	vmul.f32 v51, v1  }
0x2f4: {  	v52 =	vld [tilespmem:s5+$0xFCA0]  }
0x2f5: {  	v54 =	vld [tilespmem:s5+$0x10CA0];
	[tilespmem:s5+$0x1C490] =	vst v1  }
0x2f6: {  	v53 =	vld.idx.msk [tilespmem:v49+s21+$0x0], $0xffff;
	_ =	sdelay $0x4  }
0x2f7: {  	v0 =	vadd.s32 v47, v53  }
0x2f8: {  	[tilespmem:s5+$0x1B490] =	vst v0  }
0x2f9: {  	v0 =	vld.idx.msk [tilespmem:v52+s23+$0x0], $0xffff  }
0x2fa: {  	v55 =	vld.idx.msk [tilespmem:v54+s22+$0x0], $0xffff;
	_ =	sdelay $0x4  }
0x2fb: {  	v0 =	vmul.f32 v55, v0  }
0x2fc: {  	v56 =	vld [tilespmem:s5+$0xFCB0]  }
0x2fd: {  	v58 =	vld [tilespmem:s5+$0x10CB0];
	[tilespmem:s5+$0x1C4A0] =	vst v0  }
0x2fe: {  	v57 =	vld.idx.msk [tilespmem:v54+s21+$0x0], $0xffff;
	_ =	sdelay $0x4  }
0x2ff: {  	v1 =	vadd.s32 v52, v57  }
0x300: {  	[tilespmem:s5+$0x1B4A0] =	vst v1  }
0x301: {  	v1 =	vld.idx.msk [tilespmem:v56+s23+$0x0], $0xffff  }
0x302: {  	v59 =	vld.idx.msk [tilespmem:v58+s22+$0x0], $0xffff;
	_ =	sdelay $0x4  }
0x303: {  	v1 =	vmul.f32 v59, v1  }
0x304: {  	v60 =	vld [tilespmem:s5+$0xFCC0]  }
0x305: {  	v62 =	vld [tilespmem:s5+$0x10CC0];
	[tilespmem:s5+$0x1C4B0] =	vst v1  }
0x306: {  	v61 =	vld.idx.msk [tilespmem:v58+s21+$0x0], $0xffff;
	_ =	sdelay $0x4  }
0x307: {  	v0 =	vadd.s32 v56, v61  }
0x308: {  	[tilespmem:s5+$0x1B4B0] =	vst v0  }
0x309: {  	v0 =	vld.idx.msk [tilespmem:v60+s23+$0x0], $0xffff  }
0x30a: {  	v63 =	vld.idx.msk [tilespmem:v62+s22+$0x0], $0xffff;
	_ =	sdelay $0x4  }
0x30b: {  	v0 =	vmul.f32 v63, v0;
	_ =	sdelay $0x1  }
0x30c: {  	[tilespmem:s5+$0x1C4C0] =	vst v0  }
0x30d: {  	v0 =	vld.idx.msk [tilespmem:v62+s21+$0x0], $0xffff;
	_ =	sdelay $0x4  }
0x30e: {  	v0 =	vadd.s32 v60, v0  }
0x30f: {  	s1 =	simm.s32 $0x1C480;
	[tilespmem:s5+$0x1B4C0] =	vst v0;
	s5 =	simm.s32 $0x1B480  }
.LBB2_16:
0x310: {  	[spmem:s2] =	stream.indirect.scatter.add.f32 [tilespmem:s1], [sflag:$0x2], $0x1, s5, s26, $0xb8;
	[tilespmem:$0x1D480] =	vst v63  }
0x311: {  	s1 =	smov.u32 s3;
	p0 =	sne.s32 s3, $0x3E00  }
.Ltmp7:
0x312: {  	s3 =	sadd.s32 $0x200, s3;
	(pc) =	sbr.rel @p0 .LBB2_16-.Ltmp7, $3  }
0x313: {  	_ =	sdelay $0x1  }
0x314: {  	s5 =	sshra.s32 s1, $0x2  }
0x315: {  	s1 =	sadd.s32 $0x1C480, s5;
	s5 =	sadd.s32 $0x1B480, s5  }
0x316: {  	[spmem:s2] =	stream.indirect.scatter.add.f32 [tilespmem:s1], [sflag:$0x2], $0x1, s5, s26, $0xb8;
	[tilespmem:$0x1D480] =	vst v63  }
0x317: {  	_ =	swait.ge [sflag:s28], $0x50  }
0x318: {  	[sflag:s28] =	ssyncset.done $0x0  }
0x319: {  	[sflag:s28] =	ssyncadd.s32 $0xFFFFFFB0  }
0x31a: {  	_ =	swait.ge [sflag:s28], $0x50  }
0x31b: {  	[sflag:s28] =	ssyncset.done $0x0  }
0x31c: {  	[sflag:s28] =	ssyncadd.s32 $0xFFFFFFB0  }
0x31d: {  	_ =	swait.ge [sflag:s28], $0x50  }
0x31e: {  	[sflag:s28] =	ssyncset.done $0x0  }
0x31f: {  	[sflag:s28] =	ssyncadd.s32 $0xFFFFFFB0  }
0x320: {  	_ =	swait.ge [sflag:s28], $0x50  }
0x321: {  	[sflag:s28] =	ssyncset.done $0x0  }
0x322: {  	[sflag:s28] =	ssyncadd.s32 $0xFFFFFFB0  }
0x323: {  	_ =	swait.ge [sflag:s28], $0x50  }
0x324: {  	[sflag:s28] =	ssyncset.done $0x0  }
0x325: {  	[sflag:s28] =	ssyncadd.s32 $0xFFFFFFB0  }
0x326: {  	_ =	swait.ge [sflag:s28], $0x50  }
0x327: {  	[sflag:s28] =	ssyncset.done $0x0  }
0x328: {  	[sflag:s28] =	ssyncadd.s32 $0xFFFFFFB0  }
0x329: {  	_ =	swait.ge [sflag:s28], $0x50  }
0x32a: {  	[sflag:s28] =	ssyncset.done $0x0  }
0x32b: {  	[sflag:s28] =	ssyncadd.s32 $0xFFFFFFB0  }
0x32c: {  	_ =	swait.ge [sflag:s28], $0x50  }
0x32d: {  	[sflag:s28] =	ssyncset.done $0x0  }
0x32e: {  	[sflag:s28] =	ssyncadd.s32 $0xFFFFFFB0  }
0x32f: {  	_ =	swait.ge [sflag:s28], $0x50  }
0x330: {  	[sflag:s28] =	ssyncset.done $0x0  }
0x331: {  	[sflag:s28] =	ssyncadd.s32 $0xFFFFFFB0  }
0x332: {  	_ =	swait.ge [sflag:s28], $0x50  }
0x333: {  	[sflag:s28] =	ssyncset.done $0x0  }
0x334: {  	[sflag:s28] =	ssyncadd.s32 $0xFFFFFFB0  }
0x335: {  	_ =	swait.ge [sflag:s28], $0x50  }
0x336: {  	[sflag:s28] =	ssyncset.done $0x0  }
0x337: {  	[sflag:s28] =	ssyncadd.s32 $0xFFFFFFB0  }
0x338: {  	_ =	swait.ge [sflag:s28], $0x50  }
0x339: {  	[sflag:s28] =	ssyncset.done $0x0  }
0x33a: {  	[sflag:s28] =	ssyncadd.s32 $0xFFFFFFB0  }
0x33b: {  	_ =	swait.ge [sflag:s28], $0x50  }
0x33c: {  	[sflag:s28] =	ssyncset.done $0x0  }
0x33d: {  	[sflag:s28] =	ssyncadd.s32 $0xFFFFFFB0  }
0x33e: {  	_ =	swait.ge [sflag:s28], $0x50  }
0x33f: {  	[sflag:s28] =	ssyncset.done $0x0  }
0x340: {  	[sflag:s28] =	ssyncadd.s32 $0xFFFFFFB0  }
0x341: {  	_ =	swait.ge [sflag:s28], $0x50  }
0x342: {  	[sflag:s28] =	ssyncset.done $0x0  }
0x343: {  	[sflag:s28] =	ssyncadd.s32 $0xFFFFFFB0  }
0x344: {  	_ =	swait.ge [sflag:s28], $0x50  }
0x345: {  	[sflag:s28] =	ssyncset.done $0x0  }
0x346: {  	[sflag:s28] =	ssyncadd.s32 $0xFFFFFFB0  }
0x347: {  	_ =	swait.ge [sflag:s28], $0x50  }
0x348: {  	[sflag:s28] =	ssyncset.done $0x0  }
0x349: {  	[sflag:s28] =	ssyncadd.s32 $0xFFFFFFB0  }
0x34a: {  	_ =	swait.ge [sflag:s28], $0x50  }
0x34b: {  	[sflag:s28] =	ssyncset.done $0x0  }
0x34c: {  	[sflag:s28] =	ssyncadd.s32 $0xFFFFFFB0  }
0x34d: {  	_ =	swait.ge [sflag:s28], $0x50  }
0x34e: {  	[sflag:s28] =	ssyncset.done $0x0  }
0x34f: {  	[sflag:s28] =	ssyncadd.s32 $0xFFFFFFB0  }
0x350: {  	_ =	swait.ge [sflag:s28], $0x50  }
0x351: {  	[sflag:s28] =	ssyncset.done $0x0  }
0x352: {  	[sflag:s28] =	ssyncadd.s32 $0xFFFFFFB0  }
0x353: {  	_ =	swait.ge [sflag:s28], $0x50  }
0x354: {  	[sflag:s28] =	ssyncset.done $0x0  }
0x355: {  	[sflag:s28] =	ssyncadd.s32 $0xFFFFFFB0  }
0x356: {  	_ =	swait.ge [sflag:s28], $0x50  }
0x357: {  	[sflag:s28] =	ssyncset.done $0x0  }
0x358: {  	[sflag:s28] =	ssyncadd.s32 $0xFFFFFFB0  }
0x359: {  	_ =	swait.ge [sflag:s28], $0x50  }
0x35a: {  	[sflag:s28] =	ssyncset.done $0x0  }
0x35b: {  	[sflag:s28] =	ssyncadd.s32 $0xFFFFFFB0  }
0x35c: {  	_ =	swait.ge [sflag:s28], $0x50  }
0x35d: {  	[sflag:s28] =	ssyncset.done $0x0  }
0x35e: {  	[sflag:s28] =	ssyncadd.s32 $0xFFFFFFB0  }
0x35f: {  	_ =	swait.ge [sflag:s28], $0x50  }
0x360: {  	[sflag:s28] =	ssyncset.done $0x0  }
0x361: {  	[sflag:s28] =	ssyncadd.s32 $0xFFFFFFB0  }
0x362: {  	_ =	swait.ge [sflag:s28], $0x50  }
0x363: {  	[sflag:s28] =	ssyncset.done $0x0  }
0x364: {  	[sflag:s28] =	ssyncadd.s32 $0xFFFFFFB0  }
0x365: {  	_ =	swait.ge [sflag:s28], $0x50  }
0x366: {  	[sflag:s28] =	ssyncset.done $0x0  }
0x367: {  	[sflag:s28] =	ssyncadd.s32 $0xFFFFFFB0  }
0x368: {  	_ =	swait.ge [sflag:s28], $0x50  }
0x369: {  	[sflag:s28] =	ssyncset.done $0x0  }
0x36a: {  	[sflag:s28] =	ssyncadd.s32 $0xFFFFFFB0  }
0x36b: {  	_ =	swait.ge [sflag:s28], $0x50  }
0x36c: {  	[sflag:s28] =	ssyncset.done $0x0  }
0x36d: {  	[sflag:s28] =	ssyncadd.s32 $0xFFFFFFB0  }
0x36e: {  	_ =	swait.ge [sflag:s28], $0x50  }
0x36f: {  	[sflag:s28] =	ssyncset.done $0x0  }
0x370: {  	[sflag:s28] =	ssyncadd.s32 $0xFFFFFFB0  }
0x371: {  	_ =	swait.ge [sflag:s28], $0x50  }
0x372: {  	[sflag:s28] =	ssyncset.done $0x0  }
0x373: {  	[sflag:s28] =	ssyncadd.s32 $0xFFFFFFB0  }
0x374: {  	_ =	swait.ge [sflag:s28], $0x50  }
0x375: {  	[sflag:s28] =	ssyncset.done $0x0  }
0x376: {  	[sflag:s28] =	ssyncadd.s32 $0xFFFFFFB0  }
0x377: {  	_ =	swait.ge [sflag:s29], $0x50  }
0x378: {  	[sflag:s29] =	ssyncset.done $0x0  }
0x379: {  	[sflag:s29] =	ssyncadd.s32 $0xFFFFFFB0  }
0x37a: {  	_ =	swait.ge [sflag:s29], $0x50  }
0x37b: {  	[sflag:s29] =	ssyncset.done $0x0  }
0x37c: {  	[sflag:s29] =	ssyncadd.s32 $0xFFFFFFB0  }
0x37d: {  	_ =	swait.ge [sflag:s29], $0x50  }
0x37e: {  	[sflag:s29] =	ssyncset.done $0x0  }
0x37f: {  	[sflag:s29] =	ssyncadd.s32 $0xFFFFFFB0  }
0x380: {  	_ =	swait.ge [sflag:s29], $0x50  }
0x381: {  	[sflag:s29] =	ssyncset.done $0x0  }
0x382: {  	[sflag:s29] =	ssyncadd.s32 $0xFFFFFFB0  }
0x383: {  	_ =	swait.ge [sflag:s29], $0x50  }
0x384: {  	[sflag:s29] =	ssyncset.done $0x0  }
0x385: {  	[sflag:s29] =	ssyncadd.s32 $0xFFFFFFB0  }
0x386: {  	_ =	swait.ge [sflag:s29], $0x50  }
0x387: {  	[sflag:s29] =	ssyncset.done $0x0  }
0x388: {  	[sflag:s29] =	ssyncadd.s32 $0xFFFFFFB0  }
0x389: {  	_ =	swait.ge [sflag:s29], $0x50  }
0x38a: {  	[sflag:s29] =	ssyncset.done $0x0  }
0x38b: {  	[sflag:s29] =	ssyncadd.s32 $0xFFFFFFB0  }
0x38c: {  	_ =	swait.ge [sflag:s29], $0x50  }
0x38d: {  	[sflag:s29] =	ssyncset.done $0x0  }
0x38e: {  	[sflag:s29] =	ssyncadd.s32 $0xFFFFFFB0  }
0x38f: {  	_ =	swait.ge [sflag:s29], $0x50  }
0x390: {  	[sflag:s29] =	ssyncset.done $0x0  }
0x391: {  	[sflag:s29] =	ssyncadd.s32 $0xFFFFFFB0  }
0x392: {  	_ =	swait.ge [sflag:s29], $0x50  }
0x393: {  	[sflag:s29] =	ssyncset.done $0x0  }
0x394: {  	[sflag:s29] =	ssyncadd.s32 $0xFFFFFFB0  }
0x395: {  	_ =	swait.ge [sflag:s29], $0x50  }
0x396: {  	[sflag:s29] =	ssyncset.done $0x0  }
0x397: {  	[sflag:s29] =	ssyncadd.s32 $0xFFFFFFB0  }
0x398: {  	_ =	swait.ge [sflag:s29], $0x50  }
0x399: {  	[sflag:s29] =	ssyncset.done $0x0  }
0x39a: {  	[sflag:s29] =	ssyncadd.s32 $0xFFFFFFB0  }
0x39b: {  	_ =	swait.ge [sflag:s29], $0x50  }
0x39c: {  	[sflag:s29] =	ssyncset.done $0x0  }
0x39d: {  	[sflag:s29] =	ssyncadd.s32 $0xFFFFFFB0  }
0x39e: {  	_ =	swait.ge [sflag:s29], $0x50  }
0x39f: {  	[sflag:s29] =	ssyncset.done $0x0  }
0x3a0: {  	[sflag:s29] =	ssyncadd.s32 $0xFFFFFFB0  }
0x3a1: {  	_ =	swait.ge [sflag:s29], $0x50  }
0x3a2: {  	[sflag:s29] =	ssyncset.done $0x0  }
0x3a3: {  	[sflag:s29] =	ssyncadd.s32 $0xFFFFFFB0  }
0x3a4: {  	_ =	swait.ge [sflag:s29], $0x50  }
0x3a5: {  	[sflag:s29] =	ssyncset.done $0x0  }
0x3a6: {  	[sflag:s29] =	ssyncadd.s32 $0xFFFFFFB0  }
0x3a7: {  	_ =	swait.ge [sflag:s29], $0x50  }
0x3a8: {  	[sflag:s29] =	ssyncset.done $0x0  }
0x3a9: {  	[sflag:s29] =	ssyncadd.s32 $0xFFFFFFB0  }
0x3aa: {  	_ =	swait.ge [sflag:s29], $0x50  }
0x3ab: {  	[sflag:s29] =	ssyncset.done $0x0  }
0x3ac: {  	[sflag:s29] =	ssyncadd.s32 $0xFFFFFFB0  }
0x3ad: {  	_ =	swait.ge [sflag:s29], $0x50  }
0x3ae: {  	[sflag:s29] =	ssyncset.done $0x0  }
0x3af: {  	[sflag:s29] =	ssyncadd.s32 $0xFFFFFFB0  }
0x3b0: {  	_ =	swait.ge [sflag:s29], $0x50  }
0x3b1: {  	[sflag:s29] =	ssyncset.done $0x0  }
0x3b2: {  	[sflag:s29] =	ssyncadd.s32 $0xFFFFFFB0  }
0x3b3: {  	_ =	swait.ge [sflag:s29], $0x50  }
0x3b4: {  	[sflag:s29] =	ssyncset.done $0x0  }
0x3b5: {  	[sflag:s29] =	ssyncadd.s32 $0xFFFFFFB0  }
0x3b6: {  	_ =	swait.ge [sflag:s29], $0x50  }
0x3b7: {  	[sflag:s29] =	ssyncset.done $0x0  }
0x3b8: {  	[sflag:s29] =	ssyncadd.s32 $0xFFFFFFB0  }
0x3b9: {  	_ =	swait.ge [sflag:s29], $0x50  }
0x3ba: {  	[sflag:s29] =	ssyncset.done $0x0  }
0x3bb: {  	[sflag:s29] =	ssyncadd.s32 $0xFFFFFFB0  }
0x3bc: {  	_ =	swait.ge [sflag:s29], $0x50  }
0x3bd: {  	[sflag:s29] =	ssyncset.done $0x0  }
0x3be: {  	[sflag:s29] =	ssyncadd.s32 $0xFFFFFFB0  }
0x3bf: {  	_ =	swait.ge [sflag:s29], $0x50  }
0x3c0: {  	[sflag:s29] =	ssyncset.done $0x0  }
0x3c1: {  	[sflag:s29] =	ssyncadd.s32 $0xFFFFFFB0  }
0x3c2: {  	_ =	swait.ge [sflag:s29], $0x50  }
0x3c3: {  	[sflag:s29] =	ssyncset.done $0x0  }
0x3c4: {  	[sflag:s29] =	ssyncadd.s32 $0xFFFFFFB0  }
0x3c5: {  	_ =	swait.ge [sflag:s29], $0x50  }
0x3c6: {  	[sflag:s29] =	ssyncset.done $0x0  }
0x3c7: {  	[sflag:s29] =	ssyncadd.s32 $0xFFFFFFB0  }
0x3c8: {  	_ =	swait.ge [sflag:s29], $0x50  }
0x3c9: {  	[sflag:s29] =	ssyncset.done $0x0  }
0x3ca: {  	[sflag:s29] =	ssyncadd.s32 $0xFFFFFFB0  }
0x3cb: {  	_ =	swait.ge [sflag:s29], $0x50  }
0x3cc: {  	[sflag:s29] =	ssyncset.done $0x0  }
0x3cd: {  	[sflag:s29] =	ssyncadd.s32 $0xFFFFFFB0  }
0x3ce: {  	_ =	swait.ge [sflag:s29], $0x50  }
0x3cf: {  	[sflag:s29] =	ssyncset.done $0x0  }
0x3d0: {  	[sflag:s29] =	ssyncadd.s32 $0xFFFFFFB0  }
0x3d1: {  	_ =	swait.ge [sflag:s29], $0x50  }
0x3d2: {  	[sflag:s29] =	ssyncset.done $0x0  }
0x3d3: {  	[sflag:s29] =	ssyncadd.s32 $0xFFFFFFB0  }
0x3d4: {  	_ =	swait.ge [sflag:s29], $0x50  }
0x3d5: {  	s0 =	sadd.s32 $0x1, s0;
	[sflag:s29] =	ssyncset.done $0x0  }
0x3d6: {  	s31 =	simm.s32 $0x20;
	p0 =	sne.s32 s0, s18;
	[sflag:s29] =	ssyncadd.s32 $0xFFFFFFB0  }
.Ltmp8:
0x3d7: {  	s3 =	simm.s32 $0x10;
	[bflag:$0x0] =	sbarrier.arrive $0xFFFF;
	(pc) =	sbr.rel @p0 .LBB2_1-.Ltmp8, $4  }
0x3d8: {  	[hbm:s17@s31], [sflag:s8] =	dma.strided [spmem:s19@s3], $0x1F90, s28, $0x10   }
0x3d9: {  	_ =	swait.ge [sflag:s20], $0x1F90  }
0x3da: {  	[sflag:s20] =	ssyncset.done $0x0  }
0x3db: {  	[sflag:s20] =	ssyncadd.s32 $0xFFFFE070  }
0x3dc: {  	_ =	sfence.sel $0x180000  }
0x3dd: {  	[bflag:$0x0] =	sbarrier.arrive $0xFFFF  }
0x3de: {  	_ =	strace $0x9000004A  }
0x3df: {  	s0 =	stileid.u32;
	[bflag:$0x2] =	sbarrier.arrive $0xFFFF  }
0x3e0: {  	p0 =	sne.s32 s0, $0x0;
	s0 =	rddreg [dreg:$0x3]  }
0x3e1: {  	s0 =	sadd.s32 @!p0 $0x100000, s0  }
0x3e2: {  	[sflag:s0] =	ssyncadd.tile.s32 @!p0 $0x1;
	_ =	shalt  }
.Lfunc_end2:
_tile_overlayer_lowered:
.L_overlay_start_2:
0x3e3: {  	(tag) =	ssettag $0x2  }
0x3e4: {  	s0 =	rddreg [dreg:$0x0];
	s2 =	stileid.u32  }
0x3e5: {  	s1 =	rddreg [dreg:$0x1];
	p0 =	sne.s32 s2, $0x0  }
0x3e6: {  	s3 =	rddreg [dreg:$0x2];
	[bflag:$0x3] =	sbarrier.arrive $0xFFFF;
	s2 =	simm.s32 @!p0 $0x1C03  }
0x3e7: {  	[timem:s3], [sflag:s2] =	dma.local @!p0 [hbm:s0], s1  }
0x3e8: {  	s0 =	simm.s32 @!p0 $0x3  }
0x3e9: {  	_ =	swait.ge @!p0 [sflag:s0], s1  }
0x3ea: {  	s1 =	ssub.s32 @!p0 $0x0, s1;
	[sflag:s0] =	ssyncset.done @!p0 $0x0  }
0x3eb: {  	[sflag:s0] =	ssyncadd.s32 @!p0 s1  }
0x3ec: {  	[bflag:$0x3] =	sbarrier.arrive $0xFFFF  }
0x3ed: {  	_ =	shalt  }

</sc_bundles>
